<compile_context>
chip_gen: v7x
topology: tpu7x:2x2x1
jax: 0.10.2.dev20260603
libtpu: 0.0.44.dev20260713+nightly
codegen_flags: <defaults>
</compile_context>

<pallas_src>
import jax
import jax.numpy as jnp
from jax import lax
from jax.experimental import pallas as pl
from jax.experimental.pallas import tpu as pltpu
from jax.experimental.pallas import tpu_sc as plsc

NC, NS = 2, 16
NW = NC * NS
K = 40
G = 5


def _row_split(n):
    base = (n // (NS * 8)) * 8
    last = n - (NS - 1) * base
    return base, last


def _deg_body(dstr, zer, obuf_h, degp, didxb, obuf, acc, isem, sem):
    ngrp = dstr.shape[1]
    n = acc.shape[0]
    base, last = _row_split(n)
    cid = lax.axis_index("c")
    sid = lax.axis_index("s")
    wid = cid * NS + sid
    r0 = sid * base
    pltpu.async_copy(dstr.at[wid, 0], didxb.at[0], isem)
    pltpu.sync_copy(obuf_h, obuf)

    @pl.when(sid < NS - 1)
    def _():
        pltpu.sync_copy(zer.at[pl.ds(r0, base)], acc.at[pl.ds(r0, base)])

    @pl.when(sid == NS - 1)
    def _():
        pltpu.sync_copy(zer.at[pl.ds(r0, last)], acc.at[pl.ds(r0, last)])

    plsc.subcore_barrier()

    def pair(pi, c):
        for slot in range(2):
            gi = pi * 2 + slot
            pltpu.make_async_copy(dstr.at[wid, gi], didxb.at[slot], isem).wait()

            @pl.when(gi + 1 < ngrp)
            def _():
                pltpu.async_copy(dstr.at[wid, gi + 1], didxb.at[1 - slot], isem)

            for j in range(G):
                pltpu.sync_copy(obuf, acc.at[didxb.at[slot, j]], add=True)
        return c

    lax.fori_loop(0, ngrp // 2, pair, 0)
    plsc.subcore_barrier()

    @pl.when(sid < NS - 1)
    def _():
        pltpu.sync_copy(acc.at[pl.ds(r0, base)], degp.at[cid, pl.ds(r0, base)])

    @pl.when(sid == NS - 1)
    def _():
        pltpu.sync_copy(acc.at[pl.ds(r0, last)], degp.at[cid, pl.ds(r0, last)])


def _make_deg(n, d):
    mesh = plsc.VectorSubcoreMesh(
        core_axis_name="c", subcore_axis_name="s", num_cores=NC, num_subcores=NS
    )
    return pl.kernel(
        _deg_body,
        out_type=jax.ShapeDtypeStruct((NC, n, d), jnp.float32),
        mesh=mesh,
        scratch_types=[
            pltpu.VMEM((2, G, K), jnp.int32),
            pltpu.VMEM((K, d), jnp.float32),
            pltpu.VMEM_SHARED((n, d), jnp.float32),
            pltpu.SemaphoreType.DMA,
            pltpu.SemaphoreType.DMA,
        ],
    )


def _scatter_body(g_hbm, srcr, dstr, zer, outp, sidxb, didxb, msg, acc, isem, gsem, ssem):
    ngrp = srcr.shape[1]
    n = acc.shape[0]
    base, last = _row_split(n)
    cid = lax.axis_index("c")
    sid = lax.axis_index("s")
    wid = cid * NS + sid
    r0 = sid * base
    pltpu.async_copy(srcr.at[wid, 0], sidxb.at[0], isem)
    pltpu.async_copy(dstr.at[wid, 0], didxb.at[0], isem)

    @pl.when(sid < NS - 1)
    def _():
        pltpu.sync_copy(zer.at[pl.ds(r0, base)], acc.at[pl.ds(r0, base)])

    @pl.when(sid == NS - 1)
    def _():
        pltpu.sync_copy(zer.at[pl.ds(r0, last)], acc.at[pl.ds(r0, last)])

    plsc.subcore_barrier()

    def pair(pi, c):
        for slot in range(2):
            gi = pi * 2 + slot
            pltpu.make_async_copy(srcr.at[wid, gi], sidxb.at[slot], isem).wait()
            pltpu.make_async_copy(dstr.at[wid, gi], didxb.at[slot], isem).wait()

            @pl.when(gi + 1 < ngrp)
            def _():
                pltpu.async_copy(srcr.at[wid, gi + 1], sidxb.at[1 - slot], isem)
                pltpu.async_copy(dstr.at[wid, gi + 1], didxb.at[1 - slot], isem)

            gd = [
                pltpu.async_copy(g_hbm.at[sidxb.at[slot, j]], msg.at[j], gsem)
                for j in range(G)
            ]
            sd = []
            for j in range(G):
                gd[j].wait()
                sd.append(
                    pltpu.async_copy(msg.at[j], acc.at[didxb.at[slot, j]], ssem, add=True)
                )
            for dsc in sd:
                dsc.wait()
        return c

    lax.fori_loop(0, ngrp // 2, pair, 0)
    plsc.subcore_barrier()

    @pl.when(sid < NS - 1)
    def _():
        pltpu.sync_copy(acc.at[pl.ds(r0, base)], outp.at[cid, pl.ds(r0, base)])

    @pl.when(sid == NS - 1)
    def _():
        pltpu.sync_copy(acc.at[pl.ds(r0, last)], outp.at[cid, pl.ds(r0, last)])


def _make_scatter(n, d):
    mesh = plsc.VectorSubcoreMesh(
        core_axis_name="c", subcore_axis_name="s", num_cores=NC, num_subcores=NS
    )
    return pl.kernel(
        _scatter_body,
        out_type=jax.ShapeDtypeStruct((NC, n, d), jnp.float32),
        mesh=mesh,
        scratch_types=[
            pltpu.VMEM((2, G, K), jnp.int32),
            pltpu.VMEM((2, G, K), jnp.int32),
            pltpu.VMEM((G, K, d), jnp.float32),
            pltpu.VMEM_SHARED((n, d), jnp.float32),
            pltpu.SemaphoreType.DMA,
            pltpu.SemaphoreType.DMA,
            pltpu.SemaphoreType.DMA,
        ],
    )


def _m1_body(x_ref, w1t_ref, degp_ref, g1_ref, dinv_ref):
    deg = degp_ref[0, :, 0:1] + degp_ref[1, :, 0:1] + 1.0
    dinv = lax.rsqrt(deg)
    h = jnp.dot(x_ref[...], w1t_ref[...], preferred_element_type=jnp.float32)
    g1_ref[...] = h * dinv
    dinv_ref[...] = jnp.broadcast_to(dinv, dinv_ref.shape)


def _m2_body(s1p_ref, g1_ref, dinv_ref, b1_ref, w2t_ref, x1_ref, g2_ref):
    dinv = dinv_ref[:, 0:1]
    tot = (s1p_ref[0] + s1p_ref[1] + g1_ref[...]) * dinv + b1_ref[...]
    x1 = jnp.maximum(tot, 0.0)
    x1_ref[...] = x1
    g2_ref[...] = jnp.dot(x1, w2t_ref[...], preferred_element_type=jnp.float32) * dinv


def _m3_body(s2p_ref, g2_ref, dinv_ref, b2_ref, x2_ref):
    dinv = dinv_ref[:, 0:1]
    x2_ref[...] = (s2p_ref[0] + s2p_ref[1] + g2_ref[...]) * dinv + b2_ref[...]


def kernel(x, edge_index, W1, b1, W2, b2):
    n, din = x.shape
    dm = W1.shape[0]
    e = edge_index.shape[1]
    assert e % (NW * K * G * 2) == 0 and n % 8 == 0
    nblk = e // (NW * K)
    src4 = edge_index[0].reshape(NW, nblk // G, G, K)
    dst4 = edge_index[1].reshape(NW, nblk // G, G, K)
    w1t = W1.T
    w2t = W2.T
    b1r = b1.reshape(1, dm)
    b2r = b2.reshape(1, dm)
    zerd = jnp.zeros((n, dm), jnp.float32)
    ones = jnp.ones((K, dm), jnp.float32)

    degp = _make_deg(n, dm)(dst4, zerd, ones)

    B = 2000
    grid = (n // B,)
    g1, dinv16 = pl.pallas_call(
        _m1_body,
        grid=grid,
        in_specs=[
            pl.BlockSpec((B, din), lambda i: (i, 0)),
            pl.BlockSpec((din, dm), lambda i: (0, 0)),
            pl.BlockSpec((NC, B, dm), lambda i: (0, i, 0)),
        ],
        out_specs=[
            pl.BlockSpec((B, dm), lambda i: (i, 0)),
            pl.BlockSpec((B, 16), lambda i: (i, 0)),
        ],
        out_shape=[
            jax.ShapeDtypeStruct((n, dm), jnp.float32),
            jax.ShapeDtypeStruct((n, 16), jnp.float32),
        ],
    )(x, w1t, degp)

    scat = _make_scatter(n, dm)
    s1p = scat(g1, src4, dst4, zerd)

    x1, g2 = pl.pallas_call(
        _m2_body,
        grid=grid,
        in_specs=[
            pl.BlockSpec((NC, B, dm), lambda i: (0, i, 0)),
            pl.BlockSpec((B, dm), lambda i: (i, 0)),
            pl.BlockSpec((B, 16), lambda i: (i, 0)),
            pl.BlockSpec((1, dm), lambda i: (0, 0)),
            pl.BlockSpec((dm, dm), lambda i: (0, 0)),
        ],
        out_specs=[
            pl.BlockSpec((B, dm), lambda i: (i, 0)),
            pl.BlockSpec((B, dm), lambda i: (i, 0)),
        ],
        out_shape=[
            jax.ShapeDtypeStruct((n, dm), jnp.float32),
            jax.ShapeDtypeStruct((n, dm), jnp.float32),
        ],
    )(s1p, g1, dinv16, b1r, w2t)

    s2p = scat(g2, src4, dst4, zerd)

    x2 = pl.pallas_call(
        _m3_body,
        grid=grid,
        in_specs=[
            pl.BlockSpec((NC, B, dm), lambda i: (0, i, 0)),
            pl.BlockSpec((B, dm), lambda i: (i, 0)),
            pl.BlockSpec((B, 16), lambda i: (i, 0)),
            pl.BlockSpec((1, dm), lambda i: (0, 0)),
        ],
        out_specs=pl.BlockSpec((B, dm), lambda i: (i, 0)),
        out_shape=jax.ShapeDtypeStruct((n, dm), jnp.float32),
    )(s2p, g2, dinv16, b2r)

    return (x2, x1)

# --- scband reference (transcript-rebuilt; emitter-appended) ---
"""Pipeline reference for scband-simple-gcn-16149077033111 (READ-ONLY COPY).

The authoritative reference and input builder live on the scoring server;
editing this copy changes nothing except your own understanding.
"""

import jax, jax.numpy as jnp
import numpy as np

N = 10000
E = 320000
D_IN = 128
D_MODEL = 128


def setup_inputs(seed: int = 0) -> dict:
    key = jax.random.key(seed)
    k1, k2, k3, k4, k5 = jax.random.split(key, 5)
    x = jax.random.normal(k1, (N, D_IN), dtype=jnp.float32)
    edge_index = jax.random.randint(k2, (2, E), 0, N, dtype=jnp.int32)
    # GCNConv lin weight is [out, in] (PyG Linear, bias folded into conv bias)
    s1 = float(np.sqrt(6.0 / (D_IN + D_MODEL)))
    s2 = float(np.sqrt(6.0 / (D_MODEL + D_MODEL)))
    W1 = jax.random.uniform(k3, (D_MODEL, D_IN), jnp.float32, -s1, s1)
    b1 = jnp.zeros((D_MODEL,), jnp.float32)
    W2 = jax.random.uniform(k4, (D_MODEL, D_MODEL), jnp.float32, -s2, s2)
    b2 = jnp.zeros((D_MODEL,), jnp.float32)
    return {"x": x, "edge_index": edge_index, "W1": W1, "b1": b1, "W2": W2, "b2": b2}


def _gcn_conv(x, src, dst, W, b, num_nodes):
    # x' = W x
    h = x @ W.T
    # symmetric normalization with self-loops already included in src/dst
    deg = jax.ops.segment_sum(jnp.ones(src.shape[0], dtype=x.dtype), dst, num_segments=num_nodes)
    dinv = jnp.where(deg > 0, jax.lax.rsqrt(deg), 0.0)
    norm = dinv[src] * dinv[dst]
    msgs = h[src] * norm[:, None]
    out = jax.ops.segment_sum(msgs, dst, num_segments=num_nodes)
    return out + b


def reference(x, edge_index, W1, b1, W2, b2):
    num_nodes = x.shape[0]
    loop = jnp.arange(num_nodes, dtype=edge_index.dtype)
    src = jnp.concatenate([edge_index[0], loop])
    dst = jnp.concatenate([edge_index[1], loop])
    x1 = jax.nn.relu(_gcn_conv(x, src, dst, W1, b1, num_nodes))
    x2 = _gcn_conv(x1, src, dst, W2, b2, num_nodes)
    return (x2, x1)

if __name__ == "__main__":
    import jax
    _d = setup_inputs()
    print(jax.jit(kernel)(*tuple(_d.values())))

</pallas_src>

<mosaic_0001>
#map = affine_map<(d0, d1) -> (0, 0, 0, 0)>
#map1 = affine_map<(d0, d1) -> (0, 0)>
#map2 = affine_map<(d0, d1) -> (0, 0, 0)>
module attributes {stable_mosaic.version = 14 : i64} {
  func.func @_deg_body(%arg0: i32, %arg1: i32, %arg2: memref<32x50x5x40xi32, #tpu.memory_space<hbm>>, %arg3: memref<10000x128xf32, #tpu.memory_space<hbm>>, %arg4: memref<40x128xf32, #tpu.memory_space<hbm>>, %arg5: memref<2x10000x128xf32, #tpu.memory_space<hbm>>, %arg6: memref<2x5x40xi32, #tpu.memory_space<vmem>>, %arg7: memref<40x128xf32, #tpu.memory_space<vmem>>, %arg8: memref<10000x128xf32, #tpu.memory_space<vmem_shared>>, %arg9: memref<!tpu.dma_semaphore, #tpu.memory_space<semaphore_mem>>, %arg10: memref<!tpu.dma_semaphore, #tpu.memory_space<semaphore_mem>>) attributes {dimension_semantics = [#tpu.dimension_semantics<core_parallel>, #tpu.dimension_semantics<subcore_parallel>], iteration_bounds = array<i64: 2, 16>, scalar_prefetch = 0 : i64, scratch_operands = 5 : i64, tpu.core_type = #tpu.core_type<sc_vector_subcore>, window_params = [{transform_indices = #map}, {transform_indices = #map1}, {transform_indices = #map1}, {transform_indices = #map2}]} {
    %mul3A = arith.constant 16 : i32
    %mul3A_0 = arith.muli %arg0, %mul3A : i32
    %add3A = arith.addi %mul3A_0, %arg1 : i32
    %mul3A_1 = arith.constant 624 : i32
    %mul3A_2 = arith.muli %arg1, %mul3A_1 : i32
    %dma_start3A = arith.constant 0 : i32
    %dma_start3A_3 = arith.constant 0 : i32
    %dma_start3A_4 = arith.constant 0 : i32
    %dma_start3A_5 = arith.constant 0 : i32
    %dma_start3A_6 = tpu.memref_slice %arg6[%dma_start3A_3, %dma_start3A_4, %dma_start3A_5] : memref<2x5x40xi32, #tpu.memory_space<vmem>> -> memref<1x5x40xi32, #tpu.memory_space<vmem>>
    %dma_start3A_7 = tpu.memref_squeeze %dma_start3A_6 : memref<1x5x40xi32, #tpu.memory_space<vmem>> -> memref<5x40xi32, #tpu.memory_space<vmem>>
    %dma_start3A_8 = arith.constant 0 : i32
    %dma_start3A_9 = arith.constant 0 : i32
    %dma_start3A_10 = tpu.memref_slice %arg2[%add3A, %dma_start3A, %dma_start3A_8, %dma_start3A_9] : memref<32x50x5x40xi32, #tpu.memory_space<hbm>> -> memref<1x1x5x40xi32, #tpu.memory_space<hbm>>
    %dma_start3A_11 = tpu.memref_squeeze %dma_start3A_10 : memref<1x1x5x40xi32, #tpu.memory_space<hbm>> -> memref<5x40xi32, #tpu.memory_space<hbm>>
    %dma_start3A_12 = arith.constant 0 : i32
    %dma_start3A_13 = arith.constant 0 : i32
    %dma_start3A_14 = tpu.memref_slice %arg6[%dma_start3A_3, %dma_start3A_12, %dma_start3A_13] : memref<2x5x40xi32, #tpu.memory_space<vmem>> -> memref<1x5x40xi32, #tpu.memory_space<vmem>>
    %dma_start3A_15 = tpu.memref_squeeze %dma_start3A_14 : memref<1x5x40xi32, #tpu.memory_space<vmem>> -> memref<5x40xi32, #tpu.memory_space<vmem>>
    %dma_start3A_16 = arith.constant 0 : i32
    %dma_start3A_17 = arith.constant 0 : i32
    %dma_start3A_18 = tpu.memref_slice %arg2[%add3A, %dma_start3A, %dma_start3A_16, %dma_start3A_17] : memref<32x50x5x40xi32, #tpu.memory_space<hbm>> -> memref<1x1x5x40xi32, #tpu.memory_space<hbm>>
    %dma_start3A_19 = tpu.memref_squeeze %dma_start3A_18 : memref<1x1x5x40xi32, #tpu.memory_space<hbm>> -> memref<5x40xi32, #tpu.memory_space<hbm>>
    tpu.enqueue_dma source(%dma_start3A_19 : memref<5x40xi32, #tpu.memory_space<hbm>>) target(%dma_start3A_15 : memref<5x40xi32, #tpu.memory_space<vmem>>) target_semaphore(%arg9 : memref<!tpu.dma_semaphore, #tpu.memory_space<semaphore_mem>>)
    "tpu.region"() ({
      %run_scoped3A = tpu.sem_alloc : memref<!tpu.dma_semaphore, #tpu.memory_space<semaphore_mem>>
      tpu.enqueue_dma source(%arg4 : memref<40x128xf32, #tpu.memory_space<hbm>>) target(%arg7 : memref<40x128xf32, #tpu.memory_space<vmem>>) target_semaphore(%run_scoped3A : memref<!tpu.dma_semaphore, #tpu.memory_space<semaphore_mem>>)
      tpu.wait_dma2 semaphore(%run_scoped3A : memref<!tpu.dma_semaphore, #tpu.memory_space<semaphore_mem>>) src(%arg4 : memref<40x128xf32, #tpu.memory_space<hbm>>) dst(%arg7 : memref<40x128xf32, #tpu.memory_space<vmem>>)
      tpu.yield
    }) : () -> ()
    %lt3A = arith.constant 15 : i32
    %lt3A_20 = arith.cmpi slt, %arg1, %lt3A : i32
    %convert_element_type3A = arith.extui %lt3A_20 : i1 to i32
    %cond3A = arith.constant 0 : i32
    %cond3A_21 = arith.cmpi ne, %convert_element_type3A, %cond3A : i32
    scf.if %cond3A_21 {
      "tpu.region"() ({
        %run_scoped3A = tpu.sem_alloc : memref<!tpu.dma_semaphore, #tpu.memory_space<semaphore_mem>>
        %dma_start3A_42 = arith.constant 0 : i32
        %dma_start3A_43 = tpu.memref_slice %arg8[%mul3A_2, %dma_start3A_42] : memref<10000x128xf32, #tpu.memory_space<vmem_shared>> -> memref<624x128xf32, #tpu.memory_space<vmem_shared>>
        %dma_start3A_44 = arith.constant 0 : i32
        %dma_start3A_45 = tpu.memref_slice %arg3[%mul3A_2, %dma_start3A_44] : memref<10000x128xf32, #tpu.memory_space<hbm>> -> memref<624x128xf32, #tpu.memory_space<hbm>>
        tpu.enqueue_dma source(%dma_start3A_45 : memref<624x128xf32, #tpu.memory_space<hbm>>) target(%dma_start3A_43 : memref<624x128xf32, #tpu.memory_space<vmem_shared>>) target_semaphore(%run_scoped3A : memref<!tpu.dma_semaphore, #tpu.memory_space<semaphore_mem>>)
        %dma_wait3A = arith.constant 0 : i32
        %dma_wait3A_46 = tpu.memref_slice %arg8[%mul3A_2, %dma_wait3A] : memref<10000x128xf32, #tpu.memory_space<vmem_shared>> -> memref<624x128xf32, #tpu.memory_space<vmem_shared>>
        %dma_wait3A_47 = arith.constant 0 : i32
        %dma_wait3A_48 = tpu.memref_slice %arg3[%mul3A_2, %dma_wait3A_47] : memref<10000x128xf32, #tpu.memory_space<hbm>> -> memref<624x128xf32, #tpu.memory_space<hbm>>
        tpu.wait_dma2 semaphore(%run_scoped3A : memref<!tpu.dma_semaphore, #tpu.memory_space<semaphore_mem>>) src(%dma_wait3A_48 : memref<624x128xf32, #tpu.memory_space<hbm>>) dst(%dma_wait3A_46 : memref<624x128xf32, #tpu.memory_space<vmem_shared>>)
        tpu.yield
      }) : () -> ()
    } else {
    }
    %eq3A = arith.constant 15 : i32
    %eq3A_22 = arith.cmpi eq, %arg1, %eq3A : i32
    %convert_element_type3A_23 = arith.extui %eq3A_22 : i1 to i32
    %cond3A_24 = arith.constant 0 : i32
    %cond3A_25 = arith.cmpi ne, %convert_element_type3A_23, %cond3A_24 : i32
    scf.if %cond3A_25 {
      "tpu.region"() ({
        %run_scoped3A = tpu.sem_alloc : memref<!tpu.dma_semaphore, #tpu.memory_space<semaphore_mem>>
        %dma_start3A_42 = arith.constant 0 : i32
        %dma_start3A_43 = tpu.memref_slice %arg8[%mul3A_2, %dma_start3A_42] : memref<10000x128xf32, #tpu.memory_space<vmem_shared>> -> memref<640x128xf32, #tpu.memory_space<vmem_shared>>
        %dma_start3A_44 = arith.constant 0 : i32
        %dma_start3A_45 = tpu.memref_slice %arg3[%mul3A_2, %dma_start3A_44] : memref<10000x128xf32, #tpu.memory_space<hbm>> -> memref<640x128xf32, #tpu.memory_space<hbm>>
        tpu.enqueue_dma source(%dma_start3A_45 : memref<640x128xf32, #tpu.memory_space<hbm>>) target(%dma_start3A_43 : memref<640x128xf32, #tpu.memory_space<vmem_shared>>) target_semaphore(%run_scoped3A : memref<!tpu.dma_semaphore, #tpu.memory_space<semaphore_mem>>)
        %dma_wait3A = arith.constant 0 : i32
        %dma_wait3A_46 = tpu.memref_slice %arg8[%mul3A_2, %dma_wait3A] : memref<10000x128xf32, #tpu.memory_space<vmem_shared>> -> memref<640x128xf32, #tpu.memory_space<vmem_shared>>
        %dma_wait3A_47 = arith.constant 0 : i32
        %dma_wait3A_48 = tpu.memref_slice %arg3[%mul3A_2, %dma_wait3A_47] : memref<10000x128xf32, #tpu.memory_space<hbm>> -> memref<640x128xf32, #tpu.memory_space<hbm>>
        tpu.wait_dma2 semaphore(%run_scoped3A : memref<!tpu.dma_semaphore, #tpu.memory_space<semaphore_mem>>) src(%dma_wait3A_48 : memref<640x128xf32, #tpu.memory_space<hbm>>) dst(%dma_wait3A_46 : memref<640x128xf32, #tpu.memory_space<vmem_shared>>)
        tpu.yield
      }) : () -> ()
    } else {
    }
    %barrier3A = arith.constant 0 : index
    tpu.barrier barrier_id(%barrier3A)
    %scan3A = arith.constant 0 : i32
    %scan3A_26 = arith.constant 0 : i32
    %scan3A_27 = arith.constant 25 : i32
    %scan3A_28 = arith.addi %scan3A_26, %scan3A_27 : i32
    %scan3A_29 = arith.constant 1 : i32
    scf.for %scan3A_42 = %scan3A_26 to %scan3A_28 step %scan3A_29  : i32 {
      %mul3A_43 = arith.constant 2 : i32
      %mul3A_44 = arith.muli %scan3A_42, %mul3A_43 : i32
      %add3A_45 = arith.constant 0 : i32
      %add3A_46 = arith.addi %mul3A_44, %add3A_45 : i32
      %dma_wait3A = arith.constant 0 : i32
      %dma_wait3A_47 = arith.constant 0 : i32
      %dma_wait3A_48 = arith.constant 0 : i32
      %dma_wait3A_49 = tpu.memref_slice %arg6[%dma_wait3A, %dma_wait3A_47, %dma_wait3A_48] : memref<2x5x40xi32, #tpu.memory_space<vmem>> -> memref<1x5x40xi32, #tpu.memory_space<vmem>>
      %dma_wait3A_50 = tpu.memref_squeeze %dma_wait3A_49 : memref<1x5x40xi32, #tpu.memory_space<vmem>> -> memref<5x40xi32, #tpu.memory_space<vmem>>
      %dma_wait3A_51 = arith.constant 0 : i32
      %dma_wait3A_52 = arith.constant 0 : i32
      %dma_wait3A_53 = tpu.memref_slice %arg2[%add3A, %add3A_46, %dma_wait3A_51, %dma_wait3A_52] : memref<32x50x5x40xi32, #tpu.memory_space<hbm>> -> memref<1x1x5x40xi32, #tpu.memory_space<hbm>>
      %dma_wait3A_54 = tpu.memref_squeeze %dma_wait3A_53 : memref<1x1x5x40xi32, #tpu.memory_space<hbm>> -> memref<5x40xi32, #tpu.memory_space<hbm>>
      %dma_wait3A_55 = arith.constant 0 : i32
      %dma_wait3A_56 = arith.constant 0 : i32
      %dma_wait3A_57 = tpu.memref_slice %arg6[%dma_wait3A, %dma_wait3A_55, %dma_wait3A_56] : memref<2x5x40xi32, #tpu.memory_space<vmem>> -> memref<1x5x40xi32, #tpu.memory_space<vmem>>
      %dma_wait3A_58 = tpu.memref_squeeze %dma_wait3A_57 : memref<1x5x40xi32, #tpu.memory_space<vmem>> -> memref<5x40xi32, #tpu.memory_space<vmem>>
      %dma_wait3A_59 = arith.constant 0 : i32
      %dma_wait3A_60 = arith.constant 0 : i32
      %dma_wait3A_61 = tpu.memref_slice %arg2[%add3A, %add3A_46, %dma_wait3A_59, %dma_wait3A_60] : memref<32x50x5x40xi32, #tpu.memory_space<hbm>> -> memref<1x1x5x40xi32, #tpu.memory_space<hbm>>
      %dma_wait3A_62 = tpu.memref_squeeze %dma_wait3A_61 : memref<1x1x5x40xi32, #tpu.memory_space<hbm>> -> memref<5x40xi32, #tpu.memory_space<hbm>>
      tpu.wait_dma2 semaphore(%arg9 : memref<!tpu.dma_semaphore, #tpu.memory_space<semaphore_mem>>) src(%dma_wait3A_62 : memref<5x40xi32, #tpu.memory_space<hbm>>) dst(%dma_wait3A_58 : memref<5x40xi32, #tpu.memory_space<vmem>>)
      %add3A_63 = arith.constant 1 : i32
      %add3A_64 = arith.addi %add3A_46, %add3A_63 : i32
      %lt3A_65 = arith.constant 50 : i32
      %lt3A_66 = arith.cmpi slt, %add3A_64, %lt3A_65 : i32
      %convert_element_type3A_67 = arith.extui %lt3A_66 : i1 to i32
      %cond3A_68 = arith.constant 0 : i32
      %cond3A_69 = arith.cmpi ne, %convert_element_type3A_67, %cond3A_68 : i32
      scf.if %cond3A_69 {
        %add3A_117 = arith.constant 1 : i32
        %add3A_118 = arith.addi %add3A_46, %add3A_117 : i32
        %dma_start3A_119 = arith.constant 1 : i32
        %dma_start3A_120 = arith.constant 0 : i32
        %dma_start3A_121 = arith.constant 0 : i32
        %dma_start3A_122 = tpu.memref_slice %arg6[%dma_start3A_119, %dma_start3A_120, %dma_start3A_121] : memref<2x5x40xi32, #tpu.memory_space<vmem>> -> memref<1x5x40xi32, #tpu.memory_space<vmem>>
        %dma_start3A_123 = tpu.memref_squeeze %dma_start3A_122 : memref<1x5x40xi32, #tpu.memory_space<vmem>> -> memref<5x40xi32, #tpu.memory_space<vmem>>
        %dma_start3A_124 = arith.constant 0 : i32
        %dma_start3A_125 = arith.constant 0 : i32
        %dma_start3A_126 = tpu.memref_slice %arg2[%add3A, %add3A_118, %dma_start3A_124, %dma_start3A_125] : memref<32x50x5x40xi32, #tpu.memory_space<hbm>> -> memref<1x1x5x40xi32, #tpu.memory_space<hbm>>
        %dma_start3A_127 = tpu.memref_squeeze %dma_start3A_126 : memref<1x1x5x40xi32, #tpu.memory_space<hbm>> -> memref<5x40xi32, #tpu.memory_space<hbm>>
        %dma_start3A_128 = arith.constant 0 : i32
        %dma_start3A_129 = arith.constant 0 : i32
        %dma_start3A_130 = tpu.memref_slice %arg6[%dma_start3A_119, %dma_start3A_128, %dma_start3A_129] : memref<2x5x40xi32, #tpu.memory_space<vmem>> -> memref<1x5x40xi32, #tpu.memory_space<vmem>>
        %dma_start3A_131 = tpu.memref_squeeze %dma_start3A_130 : memref<1x5x40xi32, #tpu.memory_space<vmem>> -> memref<5x40xi32, #tpu.memory_space<vmem>>
        %dma_start3A_132 = arith.constant 0 : i32
        %dma_start3A_133 = arith.constant 0 : i32
        %dma_start3A_134 = tpu.memref_slice %arg2[%add3A, %add3A_118, %dma_start3A_132, %dma_start3A_133] : memref<32x50x5x40xi32, #tpu.memory_space<hbm>> -> memref<1x1x5x40xi32, #tpu.memory_space<hbm>>
        %dma_start3A_135 = tpu.memref_squeeze %dma_start3A_134 : memref<1x1x5x40xi32, #tpu.memory_space<hbm>> -> memref<5x40xi32, #tpu.memory_space<hbm>>
        tpu.enqueue_dma source(%dma_start3A_135 : memref<5x40xi32, #tpu.memory_space<hbm>>) target(%dma_start3A_131 : memref<5x40xi32, #tpu.memory_space<vmem>>) target_semaphore(%arg9 : memref<!tpu.dma_semaphore, #tpu.memory_space<semaphore_mem>>)
      } else {
      }
      %run_scoped3A = arith.constant 0 : i32
      %run_scoped3A_70 = arith.constant 0 : i32
      "tpu.region"() ({
        %run_scoped3A_117 = tpu.sem_alloc : memref<!tpu.dma_semaphore, #tpu.memory_space<semaphore_mem>>
        %dma_start3A_118 = arith.constant 0 : i32
        %dma_start3A_119 = tpu.memref_slice %arg6[%run_scoped3A, %run_scoped3A_70, %dma_start3A_118] : memref<2x5x40xi32, #tpu.memory_space<vmem>> -> memref<1x1x40xi32, #tpu.memory_space<vmem>>
        %dma_start3A_120 = tpu.memref_squeeze %dma_start3A_119 : memref<1x1x40xi32, #tpu.memory_space<vmem>> -> memref<40xi32, #tpu.memory_space<vmem>>
        %dma_start3A_121 = arith.constant 0 : i32
        %dma_start3A_122 = arith.constant 0 : i32
        %dma_start3A_123 = tpu.memref_slice %arg8[%dma_start3A_121, %dma_start3A_122] : memref<10000x128xf32, #tpu.memory_space<vmem_shared>> -> memref<10000x128xf32, #tpu.memory_space<vmem_shared>>
        tpu.enqueue_indirect_dma source(%arg7 : memref<40x128xf32, #tpu.memory_space<vmem>>) target(%dma_start3A_123 : memref<10000x128xf32, #tpu.memory_space<vmem_shared>>) offsets(%dma_start3A_120 : memref<40xi32, #tpu.memory_space<vmem>>) semaphore(%run_scoped3A_117 : memref<!tpu.dma_semaphore, #tpu.memory_space<semaphore_mem>>) {add = true}
        %dma_wait3A_124 = arith.constant 0 : i32
        %dma_wait3A_125 = tpu.memref_slice %arg6[%run_scoped3A, %run_scoped3A_70, %dma_wait3A_124] : memref<2x5x40xi32, #tpu.memory_space<vmem>> -> memref<1x1x40xi32, #tpu.memory_space<vmem>>
        %dma_wait3A_126 = tpu.memref_squeeze %dma_wait3A_125 : memref<1x1x40xi32, #tpu.memory_space<vmem>> -> memref<40xi32, #tpu.memory_space<vmem>>
        %dma_wait3A_127 = arith.constant 0 : i32
        %dma_wait3A_128 = arith.constant 0 : i32
        %dma_wait3A_129 = tpu.memref_slice %arg8[%dma_wait3A_127, %dma_wait3A_128] : memref<10000x128xf32, #tpu.memory_space<vmem_shared>> -> memref<10000x128xf32, #tpu.memory_space<vmem_shared>>
        tpu.wait_indirect_dma semaphore(%run_scoped3A_117 : memref<!tpu.dma_semaphore, #tpu.memory_space<semaphore_mem>>) src(%arg7 : memref<40x128xf32, #tpu.memory_space<vmem>>) dst(%dma_wait3A_129 : memref<10000x128xf32, #tpu.memory_space<vmem_shared>>)
        tpu.yield
      }) : () -> ()
      %run_scoped3A_71 = arith.constant 0 : i32
      %run_scoped3A_72 = arith.constant 1 : i32
      "tpu.region"() ({
        %run_scoped3A_117 = tpu.sem_alloc : memref<!tpu.dma_semaphore, #tpu.memory_space<semaphore_mem>>
        %dma_start3A_118 = arith.constant 0 : i32
        %dma_start3A_119 = tpu.memref_slice %arg6[%run_scoped3A_71, %run_scoped3A_72, %dma_start3A_118] : memref<2x5x40xi32, #tpu.memory_space<vmem>> -> memref<1x1x40xi32, #tpu.memory_space<vmem>>
        %dma_start3A_120 = tpu.memref_squeeze %dma_start3A_119 : memref<1x1x40xi32, #tpu.memory_space<vmem>> -> memref<40xi32, #tpu.memory_space<vmem>>
        %dma_start3A_121 = arith.constant 0 : i32
        %dma_start3A_122 = arith.constant 0 : i32
        %dma_start3A_123 = tpu.memref_slice %arg8[%dma_start3A_121, %dma_start3A_122] : memref<10000x128xf32, #tpu.memory_space<vmem_shared>> -> memref<10000x128xf32, #tpu.memory_space<vmem_shared>>
        tpu.enqueue_indirect_dma source(%arg7 : memref<40x128xf32, #tpu.memory_space<vmem>>) target(%dma_start3A_123 : memref<10000x128xf32, #tpu.memory_space<vmem_shared>>) offsets(%dma_start3A_120 : memref<40xi32, #tpu.memory_space<vmem>>) semaphore(%run_scoped3A_117 : memref<!tpu.dma_semaphore, #tpu.memory_space<semaphore_mem>>) {add = true}
        %dma_wait3A_124 = arith.constant 0 : i32
        %dma_wait3A_125 = tpu.memref_slice %arg6[%run_scoped3A_71, %run_scoped3A_72, %dma_wait3A_124] : memref<2x5x40xi32, #tpu.memory_space<vmem>> -> memref<1x1x40xi32, #tpu.memory_space<vmem>>
        %dma_wait3A_126 = tpu.memref_squeeze %dma_wait3A_125 : memref<1x1x40xi32, #tpu.memory_space<vmem>> -> memref<40xi32, #tpu.memory_space<vmem>>
        %dma_wait3A_127 = arith.constant 0 : i32
        %dma_wait3A_128 = arith.constant 0 : i32
        %dma_wait3A_129 = tpu.memref_slice %arg8[%dma_wait3A_127, %dma_wait3A_128] : memref<10000x128xf32, #tpu.memory_space<vmem_shared>> -> memref<10000x128xf32, #tpu.memory_space<vmem_shared>>
        tpu.wait_indirect_dma semaphore(%run_scoped3A_117 : memref<!tpu.dma_semaphore, #tpu.memory_space<semaphore_mem>>) src(%arg7 : memref<40x128xf32, #tpu.memory_space<vmem>>) dst(%dma_wait3A_129 : memref<10000x128xf32, #tpu.memory_space<vmem_shared>>)
        tpu.yield
      }) : () -> ()
      %run_scoped3A_73 = arith.constant 0 : i32
      %run_scoped3A_74 = arith.constant 2 : i32
      "tpu.region"() ({
        %run_scoped3A_117 = tpu.sem_alloc : memref<!tpu.dma_semaphore, #tpu.memory_space<semaphore_mem>>
        %dma_start3A_118 = arith.constant 0 : i32
        %dma_start3A_119 = tpu.memref_slice %arg6[%run_scoped3A_73, %run_scoped3A_74, %dma_start3A_118] : memref<2x5x40xi32, #tpu.memory_space<vmem>> -> memref<1x1x40xi32, #tpu.memory_space<vmem>>
        %dma_start3A_120 = tpu.memref_squeeze %dma_start3A_119 : memref<1x1x40xi32, #tpu.memory_space<vmem>> -> memref<40xi32, #tpu.memory_space<vmem>>
        %dma_start3A_121 = arith.constant 0 : i32
        %dma_start3A_122 = arith.constant 0 : i32
        %dma_start3A_123 = tpu.memref_slice %arg8[%dma_start3A_121, %dma_start3A_122] : memref<10000x128xf32, #tpu.memory_space<vmem_shared>> -> memref<10000x128xf32, #tpu.memory_space<vmem_shared>>
        tpu.enqueue_indirect_dma source(%arg7 : memref<40x128xf32, #tpu.memory_space<vmem>>) target(%dma_start3A_123 : memref<10000x128xf32, #tpu.memory_space<vmem_shared>>) offsets(%dma_start3A_120 : memref<40xi32, #tpu.memory_space<vmem>>) semaphore(%run_scoped3A_117 : memref<!tpu.dma_semaphore, #tpu.memory_space<semaphore_mem>>) {add = true}
        %dma_wait3A_124 = arith.constant 0 : i32
        %dma_wait3A_125 = tpu.memref_slice %arg6[%run_scoped3A_73, %run_scoped3A_74, %dma_wait3A_124] : memref<2x5x40xi32, #tpu.memory_space<vmem>> -> memref<1x1x40xi32, #tpu.memory_space<vmem>>
        %dma_wait3A_126 = tpu.memref_squeeze %dma_wait3A_125 : memref<1x1x40xi32, #tpu.memory_space<vmem>> -> memref<40xi32, #tpu.memory_space<vmem>>
        %dma_wait3A_127 = arith.constant 0 : i32
        %dma_wait3A_128 = arith.constant 0 : i32
        %dma_wait3A_129 = tpu.memref_slice %arg8[%dma_wait3A_127, %dma_wait3A_128] : memref<10000x128xf32, #tpu.memory_space<vmem_shared>> -> memref<10000x128xf32, #tpu.memory_space<vmem_shared>>
        tpu.wait_indirect_dma semaphore(%run_scoped3A_117 : memref<!tpu.dma_semaphore, #tpu.memory_space<semaphore_mem>>) src(%arg7 : memref<40x128xf32, #tpu.memory_space<vmem>>) dst(%dma_wait3A_129 : memref<10000x128xf32, #tpu.memory_space<vmem_shared>>)
        tpu.yield
      }) : () -> ()
      %run_scoped3A_75 = arith.constant 0 : i32
      %run_scoped3A_76 = arith.constant 3 : i32
      "tpu.region"() ({
        %run_scoped3A_117 = tpu.sem_alloc : memref<!tpu.dma_semaphore, #tpu.memory_space<semaphore_mem>>
        %dma_start3A_118 = arith.constant 0 : i32
        %dma_start3A_119 = tpu.memref_slice %arg6[%run_scoped3A_75, %run_scoped3A_76, %dma_start3A_118] : memref<2x5x40xi32, #tpu.memory_space<vmem>> -> memref<1x1x40xi32, #tpu.memory_space<vmem>>
        %dma_start3A_120 = tpu.memref_squeeze %dma_start3A_119 : memref<1x1x40xi32, #tpu.memory_space<vmem>> -> memref<40xi32, #tpu.memory_space<vmem>>
        %dma_start3A_121 = arith.constant 0 : i32
        %dma_start3A_122 = arith.constant 0 : i32
        %dma_start3A_123 = tpu.memref_slice %arg8[%dma_start3A_121, %dma_start3A_122] : memref<10000x128xf32, #tpu.memory_space<vmem_shared>> -> memref<10000x128xf32, #tpu.memory_space<vmem_shared>>
        tpu.enqueue_indirect_dma source(%arg7 : memref<40x128xf32, #tpu.memory_space<vmem>>) target(%dma_start3A_123 : memref<10000x128xf32, #tpu.memory_space<vmem_shared>>) offsets(%dma_start3A_120 : memref<40xi32, #tpu.memory_space<vmem>>) semaphore(%run_scoped3A_117 : memref<!tpu.dma_semaphore, #tpu.memory_space<semaphore_mem>>) {add = true}
        %dma_wait3A_124 = arith.constant 0 : i32
        %dma_wait3A_125 = tpu.memref_slice %arg6[%run_scoped3A_75, %run_scoped3A_76, %dma_wait3A_124] : memref<2x5x40xi32, #tpu.memory_space<vmem>> -> memref<1x1x40xi32, #tpu.memory_space<vmem>>
        %dma_wait3A_126 = tpu.memref_squeeze %dma_wait3A_125 : memref<1x1x40xi32, #tpu.memory_space<vmem>> -> memref<40xi32, #tpu.memory_space<vmem>>
        %dma_wait3A_127 = arith.constant 0 : i32
        %dma_wait3A_128 = arith.constant 0 : i32
        %dma_wait3A_129 = tpu.memref_slice %arg8[%dma_wait3A_127, %dma_wait3A_128] : memref<10000x128xf32, #tpu.memory_space<vmem_shared>> -> memref<10000x128xf32, #tpu.memory_space<vmem_shared>>
        tpu.wait_indirect_dma semaphore(%run_scoped3A_117 : memref<!tpu.dma_semaphore, #tpu.memory_space<semaphore_mem>>) src(%arg7 : memref<40x128xf32, #tpu.memory_space<vmem>>) dst(%dma_wait3A_129 : memref<10000x128xf32, #tpu.memory_space<vmem_shared>>)
        tpu.yield
      }) : () -> ()
      %run_scoped3A_77 = arith.constant 0 : i32
      %run_scoped3A_78 = arith.constant 4 : i32
      "tpu.region"() ({
        %run_scoped3A_117 = tpu.sem_alloc : memref<!tpu.dma_semaphore, #tpu.memory_space<semaphore_mem>>
        %dma_start3A_118 = arith.constant 0 : i32
        %dma_start3A_119 = tpu.memref_slice %arg6[%run_scoped3A_77, %run_scoped3A_78, %dma_start3A_118] : memref<2x5x40xi32, #tpu.memory_space<vmem>> -> memref<1x1x40xi32, #tpu.memory_space<vmem>>
        %dma_start3A_120 = tpu.memref_squeeze %dma_start3A_119 : memref<1x1x40xi32, #tpu.memory_space<vmem>> -> memref<40xi32, #tpu.memory_space<vmem>>
        %dma_start3A_121 = arith.constant 0 : i32
        %dma_start3A_122 = arith.constant 0 : i32
        %dma_start3A_123 = tpu.memref_slice %arg8[%dma_start3A_121, %dma_start3A_122] : memref<10000x128xf32, #tpu.memory_space<vmem_shared>> -> memref<10000x128xf32, #tpu.memory_space<vmem_shared>>
        tpu.enqueue_indirect_dma source(%arg7 : memref<40x128xf32, #tpu.memory_space<vmem>>) target(%dma_start3A_123 : memref<10000x128xf32, #tpu.memory_space<vmem_shared>>) offsets(%dma_start3A_120 : memref<40xi32, #tpu.memory_space<vmem>>) semaphore(%run_scoped3A_117 : memref<!tpu.dma_semaphore, #tpu.memory_space<semaphore_mem>>) {add = true}
        %dma_wait3A_124 = arith.constant 0 : i32
        %dma_wait3A_125 = tpu.memref_slice %arg6[%run_scoped3A_77, %run_scoped3A_78, %dma_wait3A_124] : memref<2x5x40xi32, #tpu.memory_space<vmem>> -> memref<1x1x40xi32, #tpu.memory_space<vmem>>
        %dma_wait3A_126 = tpu.memref_squeeze %dma_wait3A_125 : memref<1x1x40xi32, #tpu.memory_space<vmem>> -> memref<40xi32, #tpu.memory_space<vmem>>
        %dma_wait3A_127 = arith.constant 0 : i32
        %dma_wait3A_128 = arith.constant 0 : i32
        %dma_wait3A_129 = tpu.memref_slice %arg8[%dma_wait3A_127, %dma_wait3A_128] : memref<10000x128xf32, #tpu.memory_space<vmem_shared>> -> memref<10000x128xf32, #tpu.memory_space<vmem_shared>>
        tpu.wait_indirect_dma semaphore(%run_scoped3A_117 : memref<!tpu.dma_semaphore, #tpu.memory_space<semaphore_mem>>) src(%arg7 : memref<40x128xf32, #tpu.memory_space<vmem>>) dst(%dma_wait3A_129 : memref<10000x128xf32, #tpu.memory_space<vmem_shared>>)
        tpu.yield
      }) : () -> ()
      %mul3A_79 = arith.constant 2 : i32
      %mul3A_80 = arith.muli %scan3A_42, %mul3A_79 : i32
      %add3A_81 = arith.constant 1 : i32
      %add3A_82 = arith.addi %mul3A_80, %add3A_81 : i32
      %dma_wait3A_83 = arith.constant 1 : i32
      %dma_wait3A_84 = arith.constant 0 : i32
      %dma_wait3A_85 = arith.constant 0 : i32
      %dma_wait3A_86 = tpu.memref_slice %arg6[%dma_wait3A_83, %dma_wait3A_84, %dma_wait3A_85] : memref<2x5x40xi32, #tpu.memory_space<vmem>> -> memref<1x5x40xi32, #tpu.memory_space<vmem>>
      %dma_wait3A_87 = tpu.memref_squeeze %dma_wait3A_86 : memref<1x5x40xi32, #tpu.memory_space<vmem>> -> memref<5x40xi32, #tpu.memory_space<vmem>>
      %dma_wait3A_88 = arith.constant 0 : i32
      %dma_wait3A_89 = arith.constant 0 : i32
      %dma_wait3A_90 = tpu.memref_slice %arg2[%add3A, %add3A_82, %dma_wait3A_88, %dma_wait3A_89] : memref<32x50x5x40xi32, #tpu.memory_space<hbm>> -> memref<1x1x5x40xi32, #tpu.memory_space<hbm>>
      %dma_wait3A_91 = tpu.memref_squeeze %dma_wait3A_90 : memref<1x1x5x40xi32, #tpu.memory_space<hbm>> -> memref<5x40xi32, #tpu.memory_space<hbm>>
      %dma_wait3A_92 = arith.constant 0 : i32
      %dma_wait3A_93 = arith.constant 0 : i32
      %dma_wait3A_94 = tpu.memref_slice %arg6[%dma_wait3A_83, %dma_wait3A_92, %dma_wait3A_93] : memref<2x5x40xi32, #tpu.memory_space<vmem>> -> memref<1x5x40xi32, #tpu.memory_space<vmem>>
      %dma_wait3A_95 = tpu.memref_squeeze %dma_wait3A_94 : memref<1x5x40xi32, #tpu.memory_space<vmem>> -> memref<5x40xi32, #tpu.memory_space<vmem>>
      %dma_wait3A_96 = arith.constant 0 : i32
      %dma_wait3A_97 = arith.constant 0 : i32
      %dma_wait3A_98 = tpu.memref_slice %arg2[%add3A, %add3A_82, %dma_wait3A_96, %dma_wait3A_97] : memref<32x50x5x40xi32, #tpu.memory_space<hbm>> -> memref<1x1x5x40xi32, #tpu.memory_space<hbm>>
      %dma_wait3A_99 = tpu.memref_squeeze %dma_wait3A_98 : memref<1x1x5x40xi32, #tpu.memory_space<hbm>> -> memref<5x40xi32, #tpu.memory_space<hbm>>
      tpu.wait_dma2 semaphore(%arg9 : memref<!tpu.dma_semaphore, #tpu.memory_space<semaphore_mem>>) src(%dma_wait3A_99 : memref<5x40xi32, #tpu.memory_space<hbm>>) dst(%dma_wait3A_95 : memref<5x40xi32, #tpu.memory_space<vmem>>)
      %add3A_100 = arith.constant 1 : i32
      %add3A_101 = arith.addi %add3A_82, %add3A_100 : i32
      %lt3A_102 = arith.constant 50 : i32
      %lt3A_103 = arith.cmpi slt, %add3A_101, %lt3A_102 : i32
      %convert_element_type3A_104 = arith.extui %lt3A_103 : i1 to i32
      %cond3A_105 = arith.constant 0 : i32
      %cond3A_106 = arith.cmpi ne, %convert_element_type3A_104, %cond3A_105 : i32
      scf.if %cond3A_106 {
        %add3A_117 = arith.constant 1 : i32
        %add3A_118 = arith.addi %add3A_82, %add3A_117 : i32
        %dma_start3A_119 = arith.constant 0 : i32
        %dma_start3A_120 = arith.constant 0 : i32
        %dma_start3A_121 = arith.constant 0 : i32
        %dma_start3A_122 = tpu.memref_slice %arg6[%dma_start3A_119, %dma_start3A_120, %dma_start3A_121] : memref<2x5x40xi32, #tpu.memory_space<vmem>> -> memref<1x5x40xi32, #tpu.memory_space<vmem>>
        %dma_start3A_123 = tpu.memref_squeeze %dma_start3A_122 : memref<1x5x40xi32, #tpu.memory_space<vmem>> -> memref<5x40xi32, #tpu.memory_space<vmem>>
        %dma_start3A_124 = arith.constant 0 : i32
        %dma_start3A_125 = arith.constant 0 : i32
        %dma_start3A_126 = tpu.memref_slice %arg2[%add3A, %add3A_118, %dma_start3A_124, %dma_start3A_125] : memref<32x50x5x40xi32, #tpu.memory_space<hbm>> -> memref<1x1x5x40xi32, #tpu.memory_space<hbm>>
        %dma_start3A_127 = tpu.memref_squeeze %dma_start3A_126 : memref<1x1x5x40xi32, #tpu.memory_space<hbm>> -> memref<5x40xi32, #tpu.memory_space<hbm>>
        %dma_start3A_128 = arith.constant 0 : i32
        %dma_start3A_129 = arith.constant 0 : i32
        %dma_start3A_130 = tpu.memref_slice %arg6[%dma_start3A_119, %dma_start3A_128, %dma_start3A_129] : memref<2x5x40xi32, #tpu.memory_space<vmem>> -> memref<1x5x40xi32, #tpu.memory_space<vmem>>
        %dma_start3A_131 = tpu.memref_squeeze %dma_start3A_130 : memref<1x5x40xi32, #tpu.memory_space<vmem>> -> memref<5x40xi32, #tpu.memory_space<vmem>>
        %dma_start3A_132 = arith.constant 0 : i32
        %dma_start3A_133 = arith.constant 0 : i32
        %dma_start3A_134 = tpu.memref_slice %arg2[%add3A, %add3A_118, %dma_start3A_132, %dma_start3A_133] : memref<32x50x5x40xi32, #tpu.memory_space<hbm>> -> memref<1x1x5x40xi32, #tpu.memory_space<hbm>>
        %dma_start3A_135 = tpu.memref_squeeze %dma_start3A_134 : memref<1x1x5x40xi32, #tpu.memory_space<hbm>> -> memref<5x40xi32, #tpu.memory_space<hbm>>
        tpu.enqueue_dma source(%dma_start3A_135 : memref<5x40xi32, #tpu.memory_space<hbm>>) target(%dma_start3A_131 : memref<5x40xi32, #tpu.memory_space<vmem>>) target_semaphore(%arg9 : memref<!tpu.dma_semaphore, #tpu.memory_space<semaphore_mem>>)
      } else {
      }
      %run_scoped3A_107 = arith.constant 1 : i32
      %run_scoped3A_108 = arith.constant 0 : i32
      "tpu.region"() ({
        %run_scoped3A_117 = tpu.sem_alloc : memref<!tpu.dma_semaphore, #tpu.memory_space<semaphore_mem>>
        %dma_start3A_118 = arith.constant 0 : i32
        %dma_start3A_119 = tpu.memref_slice %arg6[%run_scoped3A_107, %run_scoped3A_108, %dma_start3A_118] : memref<2x5x40xi32, #tpu.memory_space<vmem>> -> memref<1x1x40xi32, #tpu.memory_space<vmem>>
        %dma_start3A_120 = tpu.memref_squeeze %dma_start3A_119 : memref<1x1x40xi32, #tpu.memory_space<vmem>> -> memref<40xi32, #tpu.memory_space<vmem>>
        %dma_start3A_121 = arith.constant 0 : i32
        %dma_start3A_122 = arith.constant 0 : i32
        %dma_start3A_123 = tpu.memref_slice %arg8[%dma_start3A_121, %dma_start3A_122] : memref<10000x128xf32, #tpu.memory_space<vmem_shared>> -> memref<10000x128xf32, #tpu.memory_space<vmem_shared>>
        tpu.enqueue_indirect_dma source(%arg7 : memref<40x128xf32, #tpu.memory_space<vmem>>) target(%dma_start3A_123 : memref<10000x128xf32, #tpu.memory_space<vmem_shared>>) offsets(%dma_start3A_120 : memref<40xi32, #tpu.memory_space<vmem>>) semaphore(%run_scoped3A_117 : memref<!tpu.dma_semaphore, #tpu.memory_space<semaphore_mem>>) {add = true}
        %dma_wait3A_124 = arith.constant 0 : i32
        %dma_wait3A_125 = tpu.memref_slice %arg6[%run_scoped3A_107, %run_scoped3A_108, %dma_wait3A_124] : memref<2x5x40xi32, #tpu.memory_space<vmem>> -> memref<1x1x40xi32, #tpu.memory_space<vmem>>
        %dma_wait3A_126 = tpu.memref_squeeze %dma_wait3A_125 : memref<1x1x40xi32, #tpu.memory_space<vmem>> -> memref<40xi32, #tpu.memory_space<vmem>>
        %dma_wait3A_127 = arith.constant 0 : i32
        %dma_wait3A_128 = arith.constant 0 : i32
        %dma_wait3A_129 = tpu.memref_slice %arg8[%dma_wait3A_127, %dma_wait3A_128] : memref<10000x128xf32, #tpu.memory_space<vmem_shared>> -> memref<10000x128xf32, #tpu.memory_space<vmem_shared>>
        tpu.wait_indirect_dma semaphore(%run_scoped3A_117 : memref<!tpu.dma_semaphore, #tpu.memory_space<semaphore_mem>>) src(%arg7 : memref<40x128xf32, #tpu.memory_space<vmem>>) dst(%dma_wait3A_129 : memref<10000x128xf32, #tpu.memory_space<vmem_shared>>)
        tpu.yield
      }) : () -> ()
      %run_scoped3A_109 = arith.constant 1 : i32
      %run_scoped3A_110 = arith.constant 1 : i32
      "tpu.region"() ({
        %run_scoped3A_117 = tpu.sem_alloc : memref<!tpu.dma_semaphore, #tpu.memory_space<semaphore_mem>>
        %dma_start3A_118 = arith.constant 0 : i32
        %dma_start3A_119 = tpu.memref_slice %arg6[%run_scoped3A_109, %run_scoped3A_110, %dma_start3A_118] : memref<2x5x40xi32, #tpu.memory_space<vmem>> -> memref<1x1x40xi32, #tpu.memory_space<vmem>>
        %dma_start3A_120 = tpu.memref_squeeze %dma_start3A_119 : memref<1x1x40xi32, #tpu.memory_space<vmem>> -> memref<40xi32, #tpu.memory_space<vmem>>
        %dma_start3A_121 = arith.constant 0 : i32
        %dma_start3A_122 = arith.constant 0 : i32
        %dma_start3A_123 = tpu.memref_slice %arg8[%dma_start3A_121, %dma_start3A_122] : memref<10000x128xf32, #tpu.memory_space<vmem_shared>> -> memref<10000x128xf32, #tpu.memory_space<vmem_shared>>
        tpu.enqueue_indirect_dma source(%arg7 : memref<40x128xf32, #tpu.memory_space<vmem>>) target(%dma_start3A_123 : memref<10000x128xf32, #tpu.memory_space<vmem_shared>>) offsets(%dma_start3A_120 : memref<40xi32, #tpu.memory_space<vmem>>) semaphore(%run_scoped3A_117 : memref<!tpu.dma_semaphore, #tpu.memory_space<semaphore_mem>>) {add = true}
        %dma_wait3A_124 = arith.constant 0 : i32
        %dma_wait3A_125 = tpu.memref_slice %arg6[%run_scoped3A_109, %run_scoped3A_110, %dma_wait3A_124] : memref<2x5x40xi32, #tpu.memory_space<vmem>> -> memref<1x1x40xi32, #tpu.memory_space<vmem>>
        %dma_wait3A_126 = tpu.memref_squeeze %dma_wait3A_125 : memref<1x1x40xi32, #tpu.memory_space<vmem>> -> memref<40xi32, #tpu.memory_space<vmem>>
        %dma_wait3A_127 = arith.constant 0 : i32
        %dma_wait3A_128 = arith.constant 0 : i32
        %dma_wait3A_129 = tpu.memref_slice %arg8[%dma_wait3A_127, %dma_wait3A_128] : memref<10000x128xf32, #tpu.memory_space<vmem_shared>> -> memref<10000x128xf32, #tpu.memory_space<vmem_shared>>
        tpu.wait_indirect_dma semaphore(%run_scoped3A_117 : memref<!tpu.dma_semaphore, #tpu.memory_space<semaphore_mem>>) src(%arg7 : memref<40x128xf32, #tpu.memory_space<vmem>>) dst(%dma_wait3A_129 : memref<10000x128xf32, #tpu.memory_space<vmem_shared>>)
        tpu.yield
      }) : () -> ()
      %run_scoped3A_111 = arith.constant 1 : i32
      %run_scoped3A_112 = arith.constant 2 : i32
      "tpu.region"() ({
        %run_scoped3A_117 = tpu.sem_alloc : memref<!tpu.dma_semaphore, #tpu.memory_space<semaphore_mem>>
        %dma_start3A_118 = arith.constant 0 : i32
        %dma_start3A_119 = tpu.memref_slice %arg6[%run_scoped3A_111, %run_scoped3A_112, %dma_start3A_118] : memref<2x5x40xi32, #tpu.memory_space<vmem>> -> memref<1x1x40xi32, #tpu.memory_space<vmem>>
        %dma_start3A_120 = tpu.memref_squeeze %dma_start3A_119 : memref<1x1x40xi32, #tpu.memory_space<vmem>> -> memref<40xi32, #tpu.memory_space<vmem>>
        %dma_start3A_121 = arith.constant 0 : i32
        %dma_start3A_122 = arith.constant 0 : i32
        %dma_start3A_123 = tpu.memref_slice %arg8[%dma_start3A_121, %dma_start3A_122] : memref<10000x128xf32, #tpu.memory_space<vmem_shared>> -> memref<10000x128xf32, #tpu.memory_space<vmem_shared>>
        tpu.enqueue_indirect_dma source(%arg7 : memref<40x128xf32, #tpu.memory_space<vmem>>) target(%dma_start3A_123 : memref<10000x128xf32, #tpu.memory_space<vmem_shared>>) offsets(%dma_start3A_120 : memref<40xi32, #tpu.memory_space<vmem>>) semaphore(%run_scoped3A_117 : memref<!tpu.dma_semaphore, #tpu.memory_space<semaphore_mem>>) {add = true}
        %dma_wait3A_124 = arith.constant 0 : i32
        %dma_wait3A_125 = tpu.memref_slice %arg6[%run_scoped3A_111, %run_scoped3A_112, %dma_wait3A_124] : memref<2x5x40xi32, #tpu.memory_space<vmem>> -> memref<1x1x40xi32, #tpu.memory_space<vmem>>
        %dma_wait3A_126 = tpu.memref_squeeze %dma_wait3A_125 : memref<1x1x40xi32, #tpu.memory_space<vmem>> -> memref<40xi32, #tpu.memory_space<vmem>>
        %dma_wait3A_127 = arith.constant 0 : i32
        %dma_wait3A_128 = arith.constant 0 : i32
        %dma_wait3A_129 = tpu.memref_slice %arg8[%dma_wait3A_127, %dma_wait3A_128] : memref<10000x128xf32, #tpu.memory_space<vmem_shared>> -> memref<10000x128xf32, #tpu.memory_space<vmem_shared>>
        tpu.wait_indirect_dma semaphore(%run_scoped3A_117 : memref<!tpu.dma_semaphore, #tpu.memory_space<semaphore_mem>>) src(%arg7 : memref<40x128xf32, #tpu.memory_space<vmem>>) dst(%dma_wait3A_129 : memref<10000x128xf32, #tpu.memory_space<vmem_shared>>)
        tpu.yield
      }) : () -> ()
      %run_scoped3A_113 = arith.constant 1 : i32
      %run_scoped3A_114 = arith.constant 3 : i32
      "tpu.region"() ({
        %run_scoped3A_117 = tpu.sem_alloc : memref<!tpu.dma_semaphore, #tpu.memory_space<semaphore_mem>>
        %dma_start3A_118 = arith.constant 0 : i32
        %dma_start3A_119 = tpu.memref_slice %arg6[%run_scoped3A_113, %run_scoped3A_114, %dma_start3A_118] : memref<2x5x40xi32, #tpu.memory_space<vmem>> -> memref<1x1x40xi32, #tpu.memory_space<vmem>>
        %dma_start3A_120 = tpu.memref_squeeze %dma_start3A_119 : memref<1x1x40xi32, #tpu.memory_space<vmem>> -> memref<40xi32, #tpu.memory_space<vmem>>
        %dma_start3A_121 = arith.constant 0 : i32
        %dma_start3A_122 = arith.constant 0 : i32
        %dma_start3A_123 = tpu.memref_slice %arg8[%dma_start3A_121, %dma_start3A_122] : memref<10000x128xf32, #tpu.memory_space<vmem_shared>> -> memref<10000x128xf32, #tpu.memory_space<vmem_shared>>
        tpu.enqueue_indirect_dma source(%arg7 : memref<40x128xf32, #tpu.memory_space<vmem>>) target(%dma_start3A_123 : memref<10000x128xf32, #tpu.memory_space<vmem_shared>>) offsets(%dma_start3A_120 : memref<40xi32, #tpu.memory_space<vmem>>) semaphore(%run_scoped3A_117 : memref<!tpu.dma_semaphore, #tpu.memory_space<semaphore_mem>>) {add = true}
        %dma_wait3A_124 = arith.constant 0 : i32
        %dma_wait3A_125 = tpu.memref_slice %arg6[%run_scoped3A_113, %run_scoped3A_114, %dma_wait3A_124] : memref<2x5x40xi32, #tpu.memory_space<vmem>> -> memref<1x1x40xi32, #tpu.memory_space<vmem>>
        %dma_wait3A_126 = tpu.memref_squeeze %dma_wait3A_125 : memref<1x1x40xi32, #tpu.memory_space<vmem>> -> memref<40xi32, #tpu.memory_space<vmem>>
        %dma_wait3A_127 = arith.constant 0 : i32
        %dma_wait3A_128 = arith.constant 0 : i32
        %dma_wait3A_129 = tpu.memref_slice %arg8[%dma_wait3A_127, %dma_wait3A_128] : memref<10000x128xf32, #tpu.memory_space<vmem_shared>> -> memref<10000x128xf32, #tpu.memory_space<vmem_shared>>
        tpu.wait_indirect_dma semaphore(%run_scoped3A_117 : memref<!tpu.dma_semaphore, #tpu.memory_space<semaphore_mem>>) src(%arg7 : memref<40x128xf32, #tpu.memory_space<vmem>>) dst(%dma_wait3A_129 : memref<10000x128xf32, #tpu.memory_space<vmem_shared>>)
        tpu.yield
      }) : () -> ()
      %run_scoped3A_115 = arith.constant 1 : i32
      %run_scoped3A_116 = arith.constant 4 : i32
      "tpu.region"() ({
        %run_scoped3A_117 = tpu.sem_alloc : memref<!tpu.dma_semaphore, #tpu.memory_space<semaphore_mem>>
        %dma_start3A_118 = arith.constant 0 : i32
        %dma_start3A_119 = tpu.memref_slice %arg6[%run_scoped3A_115, %run_scoped3A_116, %dma_start3A_118] : memref<2x5x40xi32, #tpu.memory_space<vmem>> -> memref<1x1x40xi32, #tpu.memory_space<vmem>>
        %dma_start3A_120 = tpu.memref_squeeze %dma_start3A_119 : memref<1x1x40xi32, #tpu.memory_space<vmem>> -> memref<40xi32, #tpu.memory_space<vmem>>
        %dma_start3A_121 = arith.constant 0 : i32
        %dma_start3A_122 = arith.constant 0 : i32
        %dma_start3A_123 = tpu.memref_slice %arg8[%dma_start3A_121, %dma_start3A_122] : memref<10000x128xf32, #tpu.memory_space<vmem_shared>> -> memref<10000x128xf32, #tpu.memory_space<vmem_shared>>
        tpu.enqueue_indirect_dma source(%arg7 : memref<40x128xf32, #tpu.memory_space<vmem>>) target(%dma_start3A_123 : memref<10000x128xf32, #tpu.memory_space<vmem_shared>>) offsets(%dma_start3A_120 : memref<40xi32, #tpu.memory_space<vmem>>) semaphore(%run_scoped3A_117 : memref<!tpu.dma_semaphore, #tpu.memory_space<semaphore_mem>>) {add = true}
        %dma_wait3A_124 = arith.constant 0 : i32
        %dma_wait3A_125 = tpu.memref_slice %arg6[%run_scoped3A_115, %run_scoped3A_116, %dma_wait3A_124] : memref<2x5x40xi32, #tpu.memory_space<vmem>> -> memref<1x1x40xi32, #tpu.memory_space<vmem>>
        %dma_wait3A_126 = tpu.memref_squeeze %dma_wait3A_125 : memref<1x1x40xi32, #tpu.memory_space<vmem>> -> memref<40xi32, #tpu.memory_space<vmem>>
        %dma_wait3A_127 = arith.constant 0 : i32
        %dma_wait3A_128 = arith.constant 0 : i32
        %dma_wait3A_129 = tpu.memref_slice %arg8[%dma_wait3A_127, %dma_wait3A_128] : memref<10000x128xf32, #tpu.memory_space<vmem_shared>> -> memref<10000x128xf32, #tpu.memory_space<vmem_shared>>
        tpu.wait_indirect_dma semaphore(%run_scoped3A_117 : memref<!tpu.dma_semaphore, #tpu.memory_space<semaphore_mem>>) src(%arg7 : memref<40x128xf32, #tpu.memory_space<vmem>>) dst(%dma_wait3A_129 : memref<10000x128xf32, #tpu.memory_space<vmem_shared>>)
        tpu.yield
      }) : () -> ()
    }
    %scan3A_30 = arith.constant 25 : i32
    %barrier3A_31 = arith.constant 0 : index
    tpu.barrier barrier_id(%barrier3A_31)
    %lt3A_32 = arith.constant 15 : i32
    %lt3A_33 = arith.cmpi slt, %arg1, %lt3A_32 : i32
    %convert_element_type3A_34 = arith.extui %lt3A_33 : i1 to i32
    %cond3A_35 = arith.constant 0 : i32
    %cond3A_36 = arith.cmpi ne, %convert_element_type3A_34, %cond3A_35 : i32
    scf.if %cond3A_36 {
      "tpu.region"() ({
        %run_scoped3A = tpu.sem_alloc : memref<!tpu.dma_semaphore, #tpu.memory_space<semaphore_mem>>
        %dma_start3A_42 = arith.constant 0 : i32
        %dma_start3A_43 = tpu.memref_slice %arg5[%arg0, %mul3A_2, %dma_start3A_42] : memref<2x10000x128xf32, #tpu.memory_space<hbm>> -> memref<1x624x128xf32, #tpu.memory_space<hbm>>
        %dma_start3A_44 = tpu.memref_squeeze %dma_start3A_43 : memref<1x624x128xf32, #tpu.memory_space<hbm>> -> memref<624x128xf32, #tpu.memory_space<hbm>>
        %dma_start3A_45 = arith.constant 0 : i32
        %dma_start3A_46 = tpu.memref_slice %arg8[%mul3A_2, %dma_start3A_45] : memref<10000x128xf32, #tpu.memory_space<vmem_shared>> -> memref<624x128xf32, #tpu.memory_space<vmem_shared>>
        tpu.enqueue_dma source(%dma_start3A_46 : memref<624x128xf32, #tpu.memory_space<vmem_shared>>) target(%dma_start3A_44 : memref<624x128xf32, #tpu.memory_space<hbm>>) target_semaphore(%run_scoped3A : memref<!tpu.dma_semaphore, #tpu.memory_space<semaphore_mem>>)
        %dma_wait3A = arith.constant 0 : i32
        %dma_wait3A_47 = tpu.memref_slice %arg5[%arg0, %mul3A_2, %dma_wait3A] : memref<2x10000x128xf32, #tpu.memory_space<hbm>> -> memref<1x624x128xf32, #tpu.memory_space<hbm>>
        %dma_wait3A_48 = tpu.memref_squeeze %dma_wait3A_47 : memref<1x624x128xf32, #tpu.memory_space<hbm>> -> memref<624x128xf32, #tpu.memory_space<hbm>>
        %dma_wait3A_49 = arith.constant 0 : i32
        %dma_wait3A_50 = tpu.memref_slice %arg8[%mul3A_2, %dma_wait3A_49] : memref<10000x128xf32, #tpu.memory_space<vmem_shared>> -> memref<624x128xf32, #tpu.memory_space<vmem_shared>>
        tpu.wait_dma2 semaphore(%run_scoped3A : memref<!tpu.dma_semaphore, #tpu.memory_space<semaphore_mem>>) src(%dma_wait3A_50 : memref<624x128xf32, #tpu.memory_space<vmem_shared>>) dst(%dma_wait3A_48 : memref<624x128xf32, #tpu.memory_space<hbm>>)
        tpu.yield
      }) : () -> ()
    } else {
    }
    %eq3A_37 = arith.constant 15 : i32
    %eq3A_38 = arith.cmpi eq, %arg1, %eq3A_37 : i32
    %convert_element_type3A_39 = arith.extui %eq3A_38 : i1 to i32
    %cond3A_40 = arith.constant 0 : i32
    %cond3A_41 = arith.cmpi ne, %convert_element_type3A_39, %cond3A_40 : i32
    scf.if %cond3A_41 {
      "tpu.region"() ({
        %run_scoped3A = tpu.sem_alloc : memref<!tpu.dma_semaphore, #tpu.memory_space<semaphore_mem>>
        %dma_start3A_42 = arith.constant 0 : i32
        %dma_start3A_43 = tpu.memref_slice %arg5[%arg0, %mul3A_2, %dma_start3A_42] : memref<2x10000x128xf32, #tpu.memory_space<hbm>> -> memref<1x640x128xf32, #tpu.memory_space<hbm>>
        %dma_start3A_44 = tpu.memref_squeeze %dma_start3A_43 : memref<1x640x128xf32, #tpu.memory_space<hbm>> -> memref<640x128xf32, #tpu.memory_space<hbm>>
        %dma_start3A_45 = arith.constant 0 : i32
        %dma_start3A_46 = tpu.memref_slice %arg8[%mul3A_2, %dma_start3A_45] : memref<10000x128xf32, #tpu.memory_space<vmem_shared>> -> memref<640x128xf32, #tpu.memory_space<vmem_shared>>
        tpu.enqueue_dma source(%dma_start3A_46 : memref<640x128xf32, #tpu.memory_space<vmem_shared>>) target(%dma_start3A_44 : memref<640x128xf32, #tpu.memory_space<hbm>>) target_semaphore(%run_scoped3A : memref<!tpu.dma_semaphore, #tpu.memory_space<semaphore_mem>>)
        %dma_wait3A = arith.constant 0 : i32
        %dma_wait3A_47 = tpu.memref_slice %arg5[%arg0, %mul3A_2, %dma_wait3A] : memref<2x10000x128xf32, #tpu.memory_space<hbm>> -> memref<1x640x128xf32, #tpu.memory_space<hbm>>
        %dma_wait3A_48 = tpu.memref_squeeze %dma_wait3A_47 : memref<1x640x128xf32, #tpu.memory_space<hbm>> -> memref<640x128xf32, #tpu.memory_space<hbm>>
        %dma_wait3A_49 = arith.constant 0 : i32
        %dma_wait3A_50 = tpu.memref_slice %arg8[%mul3A_2, %dma_wait3A_49] : memref<10000x128xf32, #tpu.memory_space<vmem_shared>> -> memref<640x128xf32, #tpu.memory_space<vmem_shared>>
        tpu.wait_dma2 semaphore(%run_scoped3A : memref<!tpu.dma_semaphore, #tpu.memory_space<semaphore_mem>>) src(%dma_wait3A_50 : memref<640x128xf32, #tpu.memory_space<vmem_shared>>) dst(%dma_wait3A_48 : memref<640x128xf32, #tpu.memory_space<hbm>>)
        tpu.yield
      }) : () -> ()
    } else {
    }
    return
  }
}

#map = affine_map<(d0, d1) -> (0, 0)>
#map1 = affine_map<(d0, d1) -> (0, 0, 0, 0)>
#map2 = affine_map<(d0, d1) -> (0, 0, 0)>
module attributes {stable_mosaic.version = 14 : i64} {
  func.func @_scatter_body(%arg0: i32, %arg1: i32, %arg2: memref<10000x128xf32, #tpu.memory_space<hbm>>, %arg3: memref<32x50x5x40xi32, #tpu.memory_space<hbm>>, %arg4: memref<32x50x5x40xi32, #tpu.memory_space<hbm>>, %arg5: memref<10000x128xf32, #tpu.memory_space<hbm>>, %arg6: memref<2x10000x128xf32, #tpu.memory_space<hbm>>, %arg7: memref<2x5x40xi32, #tpu.memory_space<vmem>>, %arg8: memref<2x5x40xi32, #tpu.memory_space<vmem>>, %arg9: memref<5x40x128xf32, #tpu.memory_space<vmem>>, %arg10: memref<10000x128xf32, #tpu.memory_space<vmem_shared>>, %arg11: memref<!tpu.dma_semaphore, #tpu.memory_space<semaphore_mem>>, %arg12: memref<!tpu.dma_semaphore, #tpu.memory_space<semaphore_mem>>, %arg13: memref<!tpu.dma_semaphore, #tpu.memory_space<semaphore_mem>>) attributes {dimension_semantics = [#tpu.dimension_semantics<core_parallel>, #tpu.dimension_semantics<subcore_parallel>], iteration_bounds = array<i64: 2, 16>, scalar_prefetch = 0 : i64, scratch_operands = 7 : i64, tpu.core_type = #tpu.core_type<sc_vector_subcore>, window_params = [{transform_indices = #map}, {transform_indices = #map1}, {transform_indices = #map1}, {transform_indices = #map}, {transform_indices = #map2}]} {
    %mul3A = arith.constant 16 : i32
    %mul3A_0 = arith.muli %arg0, %mul3A : i32
    %add3A = arith.addi %mul3A_0, %arg1 : i32
    %mul3A_1 = arith.constant 624 : i32
    %mul3A_2 = arith.muli %arg1, %mul3A_1 : i32
    %dma_start3A = arith.constant 0 : i32
    %dma_start3A_3 = arith.constant 0 : i32
    %dma_start3A_4 = arith.constant 0 : i32
    %dma_start3A_5 = arith.constant 0 : i32
    %dma_start3A_6 = tpu.memref_slice %arg7[%dma_start3A_3, %dma_start3A_4, %dma_start3A_5] : memref<2x5x40xi32, #tpu.memory_space<vmem>> -> memref<1x5x40xi32, #tpu.memory_space<vmem>>
    %dma_start3A_7 = tpu.memref_squeeze %dma_start3A_6 : memref<1x5x40xi32, #tpu.memory_space<vmem>> -> memref<5x40xi32, #tpu.memory_space<vmem>>
    %dma_start3A_8 = arith.constant 0 : i32
    %dma_start3A_9 = arith.constant 0 : i32
    %dma_start3A_10 = tpu.memref_slice %arg3[%add3A, %dma_start3A, %dma_start3A_8, %dma_start3A_9] : memref<32x50x5x40xi32, #tpu.memory_space<hbm>> -> memref<1x1x5x40xi32, #tpu.memory_space<hbm>>
    %dma_start3A_11 = tpu.memref_squeeze %dma_start3A_10 : memref<1x1x5x40xi32, #tpu.memory_space<hbm>> -> memref<5x40xi32, #tpu.memory_space<hbm>>
    %dma_start3A_12 = arith.constant 0 : i32
    %dma_start3A_13 = arith.constant 0 : i32
    %dma_start3A_14 = tpu.memref_slice %arg7[%dma_start3A_3, %dma_start3A_12, %dma_start3A_13] : memref<2x5x40xi32, #tpu.memory_space<vmem>> -> memref<1x5x40xi32, #tpu.memory_space<vmem>>
    %dma_start3A_15 = tpu.memref_squeeze %dma_start3A_14 : memref<1x5x40xi32, #tpu.memory_space<vmem>> -> memref<5x40xi32, #tpu.memory_space<vmem>>
    %dma_start3A_16 = arith.constant 0 : i32
    %dma_start3A_17 = arith.constant 0 : i32
    %dma_start3A_18 = tpu.memref_slice %arg3[%add3A, %dma_start3A, %dma_start3A_16, %dma_start3A_17] : memref<32x50x5x40xi32, #tpu.memory_space<hbm>> -> memref<1x1x5x40xi32, #tpu.memory_space<hbm>>
    %dma_start3A_19 = tpu.memref_squeeze %dma_start3A_18 : memref<1x1x5x40xi32, #tpu.memory_space<hbm>> -> memref<5x40xi32, #tpu.memory_space<hbm>>
    tpu.enqueue_dma source(%dma_start3A_19 : memref<5x40xi32, #tpu.memory_space<hbm>>) target(%dma_start3A_15 : memref<5x40xi32, #tpu.memory_space<vmem>>) target_semaphore(%arg11 : memref<!tpu.dma_semaphore, #tpu.memory_space<semaphore_mem>>)
    %dma_start3A_20 = arith.constant 0 : i32
    %dma_start3A_21 = arith.constant 0 : i32
    %dma_start3A_22 = arith.constant 0 : i32
    %dma_start3A_23 = arith.constant 0 : i32
    %dma_start3A_24 = tpu.memref_slice %arg8[%dma_start3A_21, %dma_start3A_22, %dma_start3A_23] : memref<2x5x40xi32, #tpu.memory_space<vmem>> -> memref<1x5x40xi32, #tpu.memory_space<vmem>>
    %dma_start3A_25 = tpu.memref_squeeze %dma_start3A_24 : memref<1x5x40xi32, #tpu.memory_space<vmem>> -> memref<5x40xi32, #tpu.memory_space<vmem>>
    %dma_start3A_26 = arith.constant 0 : i32
    %dma_start3A_27 = arith.constant 0 : i32
    %dma_start3A_28 = tpu.memref_slice %arg4[%add3A, %dma_start3A_20, %dma_start3A_26, %dma_start3A_27] : memref<32x50x5x40xi32, #tpu.memory_space<hbm>> -> memref<1x1x5x40xi32, #tpu.memory_space<hbm>>
    %dma_start3A_29 = tpu.memref_squeeze %dma_start3A_28 : memref<1x1x5x40xi32, #tpu.memory_space<hbm>> -> memref<5x40xi32, #tpu.memory_space<hbm>>
    %dma_start3A_30 = arith.constant 0 : i32
    %dma_start3A_31 = arith.constant 0 : i32
    %dma_start3A_32 = tpu.memref_slice %arg8[%dma_start3A_21, %dma_start3A_30, %dma_start3A_31] : memref<2x5x40xi32, #tpu.memory_space<vmem>> -> memref<1x5x40xi32, #tpu.memory_space<vmem>>
    %dma_start3A_33 = tpu.memref_squeeze %dma_start3A_32 : memref<1x5x40xi32, #tpu.memory_space<vmem>> -> memref<5x40xi32, #tpu.memory_space<vmem>>
    %dma_start3A_34 = arith.constant 0 : i32
    %dma_start3A_35 = arith.constant 0 : i32
    %dma_start3A_36 = tpu.memref_slice %arg4[%add3A, %dma_start3A_20, %dma_start3A_34, %dma_start3A_35] : memref<32x50x5x40xi32, #tpu.memory_space<hbm>> -> memref<1x1x5x40xi32, #tpu.memory_space<hbm>>
    %dma_start3A_37 = tpu.memref_squeeze %dma_start3A_36 : memref<1x1x5x40xi32, #tpu.memory_space<hbm>> -> memref<5x40xi32, #tpu.memory_space<hbm>>
    tpu.enqueue_dma source(%dma_start3A_37 : memref<5x40xi32, #tpu.memory_space<hbm>>) target(%dma_start3A_33 : memref<5x40xi32, #tpu.memory_space<vmem>>) target_semaphore(%arg11 : memref<!tpu.dma_semaphore, #tpu.memory_space<semaphore_mem>>)
    %lt3A = arith.constant 15 : i32
    %lt3A_38 = arith.cmpi slt, %arg1, %lt3A : i32
    %convert_element_type3A = arith.extui %lt3A_38 : i1 to i32
    %cond3A = arith.constant 0 : i32
    %cond3A_39 = arith.cmpi ne, %convert_element_type3A, %cond3A : i32
    scf.if %cond3A_39 {
      "tpu.region"() ({
        %run_scoped3A = tpu.sem_alloc : memref<!tpu.dma_semaphore, #tpu.memory_space<semaphore_mem>>
        %dma_start3A_60 = arith.constant 0 : i32
        %dma_start3A_61 = tpu.memref_slice %arg10[%mul3A_2, %dma_start3A_60] : memref<10000x128xf32, #tpu.memory_space<vmem_shared>> -> memref<624x128xf32, #tpu.memory_space<vmem_shared>>
        %dma_start3A_62 = arith.constant 0 : i32
        %dma_start3A_63 = tpu.memref_slice %arg5[%mul3A_2, %dma_start3A_62] : memref<10000x128xf32, #tpu.memory_space<hbm>> -> memref<624x128xf32, #tpu.memory_space<hbm>>
        tpu.enqueue_dma source(%dma_start3A_63 : memref<624x128xf32, #tpu.memory_space<hbm>>) target(%dma_start3A_61 : memref<624x128xf32, #tpu.memory_space<vmem_shared>>) target_semaphore(%run_scoped3A : memref<!tpu.dma_semaphore, #tpu.memory_space<semaphore_mem>>)
        %dma_wait3A = arith.constant 0 : i32
        %dma_wait3A_64 = tpu.memref_slice %arg10[%mul3A_2, %dma_wait3A] : memref<10000x128xf32, #tpu.memory_space<vmem_shared>> -> memref<624x128xf32, #tpu.memory_space<vmem_shared>>
        %dma_wait3A_65 = arith.constant 0 : i32
        %dma_wait3A_66 = tpu.memref_slice %arg5[%mul3A_2, %dma_wait3A_65] : memref<10000x128xf32, #tpu.memory_space<hbm>> -> memref<624x128xf32, #tpu.memory_space<hbm>>
        tpu.wait_dma2 semaphore(%run_scoped3A : memref<!tpu.dma_semaphore, #tpu.memory_space<semaphore_mem>>) src(%dma_wait3A_66 : memref<624x128xf32, #tpu.memory_space<hbm>>) dst(%dma_wait3A_64 : memref<624x128xf32, #tpu.memory_space<vmem_shared>>)
        tpu.yield
      }) : () -> ()
    } else {
    }
    %eq3A = arith.constant 15 : i32
    %eq3A_40 = arith.cmpi eq, %arg1, %eq3A : i32
    %convert_element_type3A_41 = arith.extui %eq3A_40 : i1 to i32
    %cond3A_42 = arith.constant 0 : i32
    %cond3A_43 = arith.cmpi ne, %convert_element_type3A_41, %cond3A_42 : i32
    scf.if %cond3A_43 {
      "tpu.region"() ({
        %run_scoped3A = tpu.sem_alloc : memref<!tpu.dma_semaphore, #tpu.memory_space<semaphore_mem>>
        %dma_start3A_60 = arith.constant 0 : i32
        %dma_start3A_61 = tpu.memref_slice %arg10[%mul3A_2, %dma_start3A_60] : memref<10000x128xf32, #tpu.memory_space<vmem_shared>> -> memref<640x128xf32, #tpu.memory_space<vmem_shared>>
        %dma_start3A_62 = arith.constant 0 : i32
        %dma_start3A_63 = tpu.memref_slice %arg5[%mul3A_2, %dma_start3A_62] : memref<10000x128xf32, #tpu.memory_space<hbm>> -> memref<640x128xf32, #tpu.memory_space<hbm>>
        tpu.enqueue_dma source(%dma_start3A_63 : memref<640x128xf32, #tpu.memory_space<hbm>>) target(%dma_start3A_61 : memref<640x128xf32, #tpu.memory_space<vmem_shared>>) target_semaphore(%run_scoped3A : memref<!tpu.dma_semaphore, #tpu.memory_space<semaphore_mem>>)
        %dma_wait3A = arith.constant 0 : i32
        %dma_wait3A_64 = tpu.memref_slice %arg10[%mul3A_2, %dma_wait3A] : memref<10000x128xf32, #tpu.memory_space<vmem_shared>> -> memref<640x128xf32, #tpu.memory_space<vmem_shared>>
        %dma_wait3A_65 = arith.constant 0 : i32
        %dma_wait3A_66 = tpu.memref_slice %arg5[%mul3A_2, %dma_wait3A_65] : memref<10000x128xf32, #tpu.memory_space<hbm>> -> memref<640x128xf32, #tpu.memory_space<hbm>>
        tpu.wait_dma2 semaphore(%run_scoped3A : memref<!tpu.dma_semaphore, #tpu.memory_space<semaphore_mem>>) src(%dma_wait3A_66 : memref<640x128xf32, #tpu.memory_space<hbm>>) dst(%dma_wait3A_64 : memref<640x128xf32, #tpu.memory_space<vmem_shared>>)
        tpu.yield
      }) : () -> ()
    } else {
    }
    %barrier3A = arith.constant 0 : index
    tpu.barrier barrier_id(%barrier3A)
    %scan3A = arith.constant 0 : i32
    %scan3A_44 = arith.constant 0 : i32
    %scan3A_45 = arith.constant 25 : i32
    %scan3A_46 = arith.addi %scan3A_44, %scan3A_45 : i32
    %scan3A_47 = arith.constant 1 : i32
    scf.for %scan3A_60 = %scan3A_44 to %scan3A_46 step %scan3A_47  : i32 {
      %mul3A_61 = arith.constant 2 : i32
      %mul3A_62 = arith.muli %scan3A_60, %mul3A_61 : i32
      %add3A_63 = arith.constant 0 : i32
      %add3A_64 = arith.addi %mul3A_62, %add3A_63 : i32
      %dma_wait3A = arith.constant 0 : i32
      %dma_wait3A_65 = arith.constant 0 : i32
      %dma_wait3A_66 = arith.constant 0 : i32
      %dma_wait3A_67 = tpu.memref_slice %arg7[%dma_wait3A, %dma_wait3A_65, %dma_wait3A_66] : memref<2x5x40xi32, #tpu.memory_space<vmem>> -> memref<1x5x40xi32, #tpu.memory_space<vmem>>
      %dma_wait3A_68 = tpu.memref_squeeze %dma_wait3A_67 : memref<1x5x40xi32, #tpu.memory_space<vmem>> -> memref<5x40xi32, #tpu.memory_space<vmem>>
      %dma_wait3A_69 = arith.constant 0 : i32
      %dma_wait3A_70 = arith.constant 0 : i32
      %dma_wait3A_71 = tpu.memref_slice %arg3[%add3A, %add3A_64, %dma_wait3A_69, %dma_wait3A_70] : memref<32x50x5x40xi32, #tpu.memory_space<hbm>> -> memref<1x1x5x40xi32, #tpu.memory_space<hbm>>
      %dma_wait3A_72 = tpu.memref_squeeze %dma_wait3A_71 : memref<1x1x5x40xi32, #tpu.memory_space<hbm>> -> memref<5x40xi32, #tpu.memory_space<hbm>>
      %dma_wait3A_73 = arith.constant 0 : i32
      %dma_wait3A_74 = arith.constant 0 : i32
      %dma_wait3A_75 = tpu.memref_slice %arg7[%dma_wait3A, %dma_wait3A_73, %dma_wait3A_74] : memref<2x5x40xi32, #tpu.memory_space<vmem>> -> memref<1x5x40xi32, #tpu.memory_space<vmem>>
      %dma_wait3A_76 = tpu.memref_squeeze %dma_wait3A_75 : memref<1x5x40xi32, #tpu.memory_space<vmem>> -> memref<5x40xi32, #tpu.memory_space<vmem>>
      %dma_wait3A_77 = arith.constant 0 : i32
      %dma_wait3A_78 = arith.constant 0 : i32
      %dma_wait3A_79 = tpu.memref_slice %arg3[%add3A, %add3A_64, %dma_wait3A_77, %dma_wait3A_78] : memref<32x50x5x40xi32, #tpu.memory_space<hbm>> -> memref<1x1x5x40xi32, #tpu.memory_space<hbm>>
      %dma_wait3A_80 = tpu.memref_squeeze %dma_wait3A_79 : memref<1x1x5x40xi32, #tpu.memory_space<hbm>> -> memref<5x40xi32, #tpu.memory_space<hbm>>
      tpu.wait_dma2 semaphore(%arg11 : memref<!tpu.dma_semaphore, #tpu.memory_space<semaphore_mem>>) src(%dma_wait3A_80 : memref<5x40xi32, #tpu.memory_space<hbm>>) dst(%dma_wait3A_76 : memref<5x40xi32, #tpu.memory_space<vmem>>)
      %dma_wait3A_81 = arith.constant 0 : i32
      %dma_wait3A_82 = arith.constant 0 : i32
      %dma_wait3A_83 = arith.constant 0 : i32
      %dma_wait3A_84 = tpu.memref_slice %arg8[%dma_wait3A_81, %dma_wait3A_82, %dma_wait3A_83] : memref<2x5x40xi32, #tpu.memory_space<vmem>> -> memref<1x5x40xi32, #tpu.memory_space<vmem>>
      %dma_wait3A_85 = tpu.memref_squeeze %dma_wait3A_84 : memref<1x5x40xi32, #tpu.memory_space<vmem>> -> memref<5x40xi32, #tpu.memory_space<vmem>>
      %dma_wait3A_86 = arith.constant 0 : i32
      %dma_wait3A_87 = arith.constant 0 : i32
      %dma_wait3A_88 = tpu.memref_slice %arg4[%add3A, %add3A_64, %dma_wait3A_86, %dma_wait3A_87] : memref<32x50x5x40xi32, #tpu.memory_space<hbm>> -> memref<1x1x5x40xi32, #tpu.memory_space<hbm>>
      %dma_wait3A_89 = tpu.memref_squeeze %dma_wait3A_88 : memref<1x1x5x40xi32, #tpu.memory_space<hbm>> -> memref<5x40xi32, #tpu.memory_space<hbm>>
      %dma_wait3A_90 = arith.constant 0 : i32
      %dma_wait3A_91 = arith.constant 0 : i32
      %dma_wait3A_92 = tpu.memref_slice %arg8[%dma_wait3A_81, %dma_wait3A_90, %dma_wait3A_91] : memref<2x5x40xi32, #tpu.memory_space<vmem>> -> memref<1x5x40xi32, #tpu.memory_space<vmem>>
      %dma_wait3A_93 = tpu.memref_squeeze %dma_wait3A_92 : memref<1x5x40xi32, #tpu.memory_space<vmem>> -> memref<5x40xi32, #tpu.memory_space<vmem>>
      %dma_wait3A_94 = arith.constant 0 : i32
      %dma_wait3A_95 = arith.constant 0 : i32
      %dma_wait3A_96 = tpu.memref_slice %arg4[%add3A, %add3A_64, %dma_wait3A_94, %dma_wait3A_95] : memref<32x50x5x40xi32, #tpu.memory_space<hbm>> -> memref<1x1x5x40xi32, #tpu.memory_space<hbm>>
      %dma_wait3A_97 = tpu.memref_squeeze %dma_wait3A_96 : memref<1x1x5x40xi32, #tpu.memory_space<hbm>> -> memref<5x40xi32, #tpu.memory_space<hbm>>
      tpu.wait_dma2 semaphore(%arg11 : memref<!tpu.dma_semaphore, #tpu.memory_space<semaphore_mem>>) src(%dma_wait3A_97 : memref<5x40xi32, #tpu.memory_space<hbm>>) dst(%dma_wait3A_93 : memref<5x40xi32, #tpu.memory_space<vmem>>)
      %add3A_98 = arith.constant 1 : i32
      %add3A_99 = arith.addi %add3A_64, %add3A_98 : i32
      %lt3A_100 = arith.constant 50 : i32
      %lt3A_101 = arith.cmpi slt, %add3A_99, %lt3A_100 : i32
      %convert_element_type3A_102 = arith.extui %lt3A_101 : i1 to i32
      %cond3A_103 = arith.constant 0 : i32
      %cond3A_104 = arith.cmpi ne, %convert_element_type3A_102, %cond3A_103 : i32
      scf.if %cond3A_104 {
        %add3A_670 = arith.constant 1 : i32
        %add3A_671 = arith.addi %add3A_64, %add3A_670 : i32
        %dma_start3A_672 = arith.constant 1 : i32
        %dma_start3A_673 = arith.constant 0 : i32
        %dma_start3A_674 = arith.constant 0 : i32
        %dma_start3A_675 = tpu.memref_slice %arg7[%dma_start3A_672, %dma_start3A_673, %dma_start3A_674] : memref<2x5x40xi32, #tpu.memory_space<vmem>> -> memref<1x5x40xi32, #tpu.memory_space<vmem>>
        %dma_start3A_676 = tpu.memref_squeeze %dma_start3A_675 : memref<1x5x40xi32, #tpu.memory_space<vmem>> -> memref<5x40xi32, #tpu.memory_space<vmem>>
        %dma_start3A_677 = arith.constant 0 : i32
        %dma_start3A_678 = arith.constant 0 : i32
        %dma_start3A_679 = tpu.memref_slice %arg3[%add3A, %add3A_671, %dma_start3A_677, %dma_start3A_678] : memref<32x50x5x40xi32, #tpu.memory_space<hbm>> -> memref<1x1x5x40xi32, #tpu.memory_space<hbm>>
        %dma_start3A_680 = tpu.memref_squeeze %dma_start3A_679 : memref<1x1x5x40xi32, #tpu.memory_space<hbm>> -> memref<5x40xi32, #tpu.memory_space<hbm>>
        %dma_start3A_681 = arith.constant 0 : i32
        %dma_start3A_682 = arith.constant 0 : i32
        %dma_start3A_683 = tpu.memref_slice %arg7[%dma_start3A_672, %dma_start3A_681, %dma_start3A_682] : memref<2x5x40xi32, #tpu.memory_space<vmem>> -> memref<1x5x40xi32, #tpu.memory_space<vmem>>
        %dma_start3A_684 = tpu.memref_squeeze %dma_start3A_683 : memref<1x5x40xi32, #tpu.memory_space<vmem>> -> memref<5x40xi32, #tpu.memory_space<vmem>>
        %dma_start3A_685 = arith.constant 0 : i32
        %dma_start3A_686 = arith.constant 0 : i32
        %dma_start3A_687 = tpu.memref_slice %arg3[%add3A, %add3A_671, %dma_start3A_685, %dma_start3A_686] : memref<32x50x5x40xi32, #tpu.memory_space<hbm>> -> memref<1x1x5x40xi32, #tpu.memory_space<hbm>>
        %dma_start3A_688 = tpu.memref_squeeze %dma_start3A_687 : memref<1x1x5x40xi32, #tpu.memory_space<hbm>> -> memref<5x40xi32, #tpu.memory_space<hbm>>
        tpu.enqueue_dma source(%dma_start3A_688 : memref<5x40xi32, #tpu.memory_space<hbm>>) target(%dma_start3A_684 : memref<5x40xi32, #tpu.memory_space<vmem>>) target_semaphore(%arg11 : memref<!tpu.dma_semaphore, #tpu.memory_space<semaphore_mem>>)
        %add3A_689 = arith.constant 1 : i32
        %add3A_690 = arith.addi %add3A_64, %add3A_689 : i32
        %dma_start3A_691 = arith.constant 1 : i32
        %dma_start3A_692 = arith.constant 0 : i32
        %dma_start3A_693 = arith.constant 0 : i32
        %dma_start3A_694 = tpu.memref_slice %arg8[%dma_start3A_691, %dma_start3A_692, %dma_start3A_693] : memref<2x5x40xi32, #tpu.memory_space<vmem>> -> memref<1x5x40xi32, #tpu.memory_space<vmem>>
        %dma_start3A_695 = tpu.memref_squeeze %dma_start3A_694 : memref<1x5x40xi32, #tpu.memory_space<vmem>> -> memref<5x40xi32, #tpu.memory_space<vmem>>
        %dma_start3A_696 = arith.constant 0 : i32
        %dma_start3A_697 = arith.constant 0 : i32
        %dma_start3A_698 = tpu.memref_slice %arg4[%add3A, %add3A_690, %dma_start3A_696, %dma_start3A_697] : memref<32x50x5x40xi32, #tpu.memory_space<hbm>> -> memref<1x1x5x40xi32, #tpu.memory_space<hbm>>
        %dma_start3A_699 = tpu.memref_squeeze %dma_start3A_698 : memref<1x1x5x40xi32, #tpu.memory_space<hbm>> -> memref<5x40xi32, #tpu.memory_space<hbm>>
        %dma_start3A_700 = arith.constant 0 : i32
        %dma_start3A_701 = arith.constant 0 : i32
        %dma_start3A_702 = tpu.memref_slice %arg8[%dma_start3A_691, %dma_start3A_700, %dma_start3A_701] : memref<2x5x40xi32, #tpu.memory_space<vmem>> -> memref<1x5x40xi32, #tpu.memory_space<vmem>>
        %dma_start3A_703 = tpu.memref_squeeze %dma_start3A_702 : memref<1x5x40xi32, #tpu.memory_space<vmem>> -> memref<5x40xi32, #tpu.memory_space<vmem>>
        %dma_start3A_704 = arith.constant 0 : i32
        %dma_start3A_705 = arith.constant 0 : i32
        %dma_start3A_706 = tpu.memref_slice %arg4[%add3A, %add3A_690, %dma_start3A_704, %dma_start3A_705] : memref<32x50x5x40xi32, #tpu.memory_space<hbm>> -> memref<1x1x5x40xi32, #tpu.memory_space<hbm>>
        %dma_start3A_707 = tpu.memref_squeeze %dma_start3A_706 : memref<1x1x5x40xi32, #tpu.memory_space<hbm>> -> memref<5x40xi32, #tpu.memory_space<hbm>>
        tpu.enqueue_dma source(%dma_start3A_707 : memref<5x40xi32, #tpu.memory_space<hbm>>) target(%dma_start3A_703 : memref<5x40xi32, #tpu.memory_space<vmem>>) target_semaphore(%arg11 : memref<!tpu.dma_semaphore, #tpu.memory_space<semaphore_mem>>)
      } else {
      }
      %dma_start3A_105 = arith.constant 0 : i32
      %dma_start3A_106 = arith.constant 0 : i32
      %dma_start3A_107 = arith.constant 0 : i32
      %dma_start3A_108 = arith.constant 0 : i32
      %dma_start3A_109 = arith.constant 0 : i32
      %dma_start3A_110 = tpu.memref_slice %arg9[%dma_start3A_107, %dma_start3A_108, %dma_start3A_109] : memref<5x40x128xf32, #tpu.memory_space<vmem>> -> memref<1x40x128xf32, #tpu.memory_space<vmem>>
      %dma_start3A_111 = tpu.memref_squeeze %dma_start3A_110 : memref<1x40x128xf32, #tpu.memory_space<vmem>> -> memref<40x128xf32, #tpu.memory_space<vmem>>
      %dma_start3A_112 = arith.constant 0 : i32
      %dma_start3A_113 = tpu.memref_slice %arg7[%dma_start3A_105, %dma_start3A_106, %dma_start3A_112] : memref<2x5x40xi32, #tpu.memory_space<vmem>> -> memref<1x1x40xi32, #tpu.memory_space<vmem>>
      %dma_start3A_114 = tpu.memref_squeeze %dma_start3A_113 : memref<1x1x40xi32, #tpu.memory_space<vmem>> -> memref<40xi32, #tpu.memory_space<vmem>>
      %dma_start3A_115 = arith.constant 0 : i32
      %dma_start3A_116 = arith.constant 0 : i32
      %dma_start3A_117 = tpu.memref_slice %arg2[%dma_start3A_115, %dma_start3A_116] : memref<10000x128xf32, #tpu.memory_space<hbm>> -> memref<10000x128xf32, #tpu.memory_space<hbm>>
      tpu.enqueue_indirect_dma source(%dma_start3A_117 : memref<10000x128xf32, #tpu.memory_space<hbm>>) target(%dma_start3A_111 : memref<40x128xf32, #tpu.memory_space<vmem>>) offsets(%dma_start3A_114 : memref<40xi32, #tpu.memory_space<vmem>>) semaphore(%arg12 : memref<!tpu.dma_semaphore, #tpu.memory_space<semaphore_mem>>)
      %dma_start3A_118 = arith.constant 0 : i32
      %dma_start3A_119 = arith.constant 1 : i32
      %dma_start3A_120 = arith.constant 1 : i32
      %dma_start3A_121 = arith.constant 0 : i32
      %dma_start3A_122 = arith.constant 0 : i32
      %dma_start3A_123 = tpu.memref_slice %arg9[%dma_start3A_120, %dma_start3A_121, %dma_start3A_122] : memref<5x40x128xf32, #tpu.memory_space<vmem>> -> memref<1x40x128xf32, #tpu.memory_space<vmem>>
      %dma_start3A_124 = tpu.memref_squeeze %dma_start3A_123 : memref<1x40x128xf32, #tpu.memory_space<vmem>> -> memref<40x128xf32, #tpu.memory_space<vmem>>
      %dma_start3A_125 = arith.constant 0 : i32
      %dma_start3A_126 = tpu.memref_slice %arg7[%dma_start3A_118, %dma_start3A_119, %dma_start3A_125] : memref<2x5x40xi32, #tpu.memory_space<vmem>> -> memref<1x1x40xi32, #tpu.memory_space<vmem>>
      %dma_start3A_127 = tpu.memref_squeeze %dma_start3A_126 : memref<1x1x40xi32, #tpu.memory_space<vmem>> -> memref<40xi32, #tpu.memory_space<vmem>>
      %dma_start3A_128 = arith.constant 0 : i32
      %dma_start3A_129 = arith.constant 0 : i32
      %dma_start3A_130 = tpu.memref_slice %arg2[%dma_start3A_128, %dma_start3A_129] : memref<10000x128xf32, #tpu.memory_space<hbm>> -> memref<10000x128xf32, #tpu.memory_space<hbm>>
      tpu.enqueue_indirect_dma source(%dma_start3A_130 : memref<10000x128xf32, #tpu.memory_space<hbm>>) target(%dma_start3A_124 : memref<40x128xf32, #tpu.memory_space<vmem>>) offsets(%dma_start3A_127 : memref<40xi32, #tpu.memory_space<vmem>>) semaphore(%arg12 : memref<!tpu.dma_semaphore, #tpu.memory_space<semaphore_mem>>)
      %dma_start3A_131 = arith.constant 0 : i32
      %dma_start3A_132 = arith.constant 2 : i32
      %dma_start3A_133 = arith.constant 2 : i32
      %dma_start3A_134 = arith.constant 0 : i32
      %dma_start3A_135 = arith.constant 0 : i32
      %dma_start3A_136 = tpu.memref_slice %arg9[%dma_start3A_133, %dma_start3A_134, %dma_start3A_135] : memref<5x40x128xf32, #tpu.memory_space<vmem>> -> memref<1x40x128xf32, #tpu.memory_space<vmem>>
      %dma_start3A_137 = tpu.memref_squeeze %dma_start3A_136 : memref<1x40x128xf32, #tpu.memory_space<vmem>> -> memref<40x128xf32, #tpu.memory_space<vmem>>
      %dma_start3A_138 = arith.constant 0 : i32
      %dma_start3A_139 = tpu.memref_slice %arg7[%dma_start3A_131, %dma_start3A_132, %dma_start3A_138] : memref<2x5x40xi32, #tpu.memory_space<vmem>> -> memref<1x1x40xi32, #tpu.memory_space<vmem>>
      %dma_start3A_140 = tpu.memref_squeeze %dma_start3A_139 : memref<1x1x40xi32, #tpu.memory_space<vmem>> -> memref<40xi32, #tpu.memory_space<vmem>>
      %dma_start3A_141 = arith.constant 0 : i32
      %dma_start3A_142 = arith.constant 0 : i32
      %dma_start3A_143 = tpu.memref_slice %arg2[%dma_start3A_141, %dma_start3A_142] : memref<10000x128xf32, #tpu.memory_space<hbm>> -> memref<10000x128xf32, #tpu.memory_space<hbm>>
      tpu.enqueue_indirect_dma source(%dma_start3A_143 : memref<10000x128xf32, #tpu.memory_space<hbm>>) target(%dma_start3A_137 : memref<40x128xf32, #tpu.memory_space<vmem>>) offsets(%dma_start3A_140 : memref<40xi32, #tpu.memory_space<vmem>>) semaphore(%arg12 : memref<!tpu.dma_semaphore, #tpu.memory_space<semaphore_mem>>)
      %dma_start3A_144 = arith.constant 0 : i32
      %dma_start3A_145 = arith.constant 3 : i32
      %dma_start3A_146 = arith.constant 3 : i32
      %dma_start3A_147 = arith.constant 0 : i32
      %dma_start3A_148 = arith.constant 0 : i32
      %dma_start3A_149 = tpu.memref_slice %arg9[%dma_start3A_146, %dma_start3A_147, %dma_start3A_148] : memref<5x40x128xf32, #tpu.memory_space<vmem>> -> memref<1x40x128xf32, #tpu.memory_space<vmem>>
      %dma_start3A_150 = tpu.memref_squeeze %dma_start3A_149 : memref<1x40x128xf32, #tpu.memory_space<vmem>> -> memref<40x128xf32, #tpu.memory_space<vmem>>
      %dma_start3A_151 = arith.constant 0 : i32
      %dma_start3A_152 = tpu.memref_slice %arg7[%dma_start3A_144, %dma_start3A_145, %dma_start3A_151] : memref<2x5x40xi32, #tpu.memory_space<vmem>> -> memref<1x1x40xi32, #tpu.memory_space<vmem>>
      %dma_start3A_153 = tpu.memref_squeeze %dma_start3A_152 : memref<1x1x40xi32, #tpu.memory_space<vmem>> -> memref<40xi32, #tpu.memory_space<vmem>>
      %dma_start3A_154 = arith.constant 0 : i32
      %dma_start3A_155 = arith.constant 0 : i32
      %dma_start3A_156 = tpu.memref_slice %arg2[%dma_start3A_154, %dma_start3A_155] : memref<10000x128xf32, #tpu.memory_space<hbm>> -> memref<10000x128xf32, #tpu.memory_space<hbm>>
      tpu.enqueue_indirect_dma source(%dma_start3A_156 : memref<10000x128xf32, #tpu.memory_space<hbm>>) target(%dma_start3A_150 : memref<40x128xf32, #tpu.memory_space<vmem>>) offsets(%dma_start3A_153 : memref<40xi32, #tpu.memory_space<vmem>>) semaphore(%arg12 : memref<!tpu.dma_semaphore, #tpu.memory_space<semaphore_mem>>)
      %dma_start3A_157 = arith.constant 0 : i32
      %dma_start3A_158 = arith.constant 4 : i32
      %dma_start3A_159 = arith.constant 4 : i32
      %dma_start3A_160 = arith.constant 0 : i32
      %dma_start3A_161 = arith.constant 0 : i32
      %dma_start3A_162 = tpu.memref_slice %arg9[%dma_start3A_159, %dma_start3A_160, %dma_start3A_161] : memref<5x40x128xf32, #tpu.memory_space<vmem>> -> memref<1x40x128xf32, #tpu.memory_space<vmem>>
      %dma_start3A_163 = tpu.memref_squeeze %dma_start3A_162 : memref<1x40x128xf32, #tpu.memory_space<vmem>> -> memref<40x128xf32, #tpu.memory_space<vmem>>
      %dma_start3A_164 = arith.constant 0 : i32
      %dma_start3A_165 = tpu.memref_slice %arg7[%dma_start3A_157, %dma_start3A_158, %dma_start3A_164] : memref<2x5x40xi32, #tpu.memory_space<vmem>> -> memref<1x1x40xi32, #tpu.memory_space<vmem>>
      %dma_start3A_166 = tpu.memref_squeeze %dma_start3A_165 : memref<1x1x40xi32, #tpu.memory_space<vmem>> -> memref<40xi32, #tpu.memory_space<vmem>>
      %dma_start3A_167 = arith.constant 0 : i32
      %dma_start3A_168 = arith.constant 0 : i32
      %dma_start3A_169 = tpu.memref_slice %arg2[%dma_start3A_167, %dma_start3A_168] : memref<10000x128xf32, #tpu.memory_space<hbm>> -> memref<10000x128xf32, #tpu.memory_space<hbm>>
      tpu.enqueue_indirect_dma source(%dma_start3A_169 : memref<10000x128xf32, #tpu.memory_space<hbm>>) target(%dma_start3A_163 : memref<40x128xf32, #tpu.memory_space<vmem>>) offsets(%dma_start3A_166 : memref<40xi32, #tpu.memory_space<vmem>>) semaphore(%arg12 : memref<!tpu.dma_semaphore, #tpu.memory_space<semaphore_mem>>)
      %dma_wait3A_170 = arith.constant 0 : i32
      %dma_wait3A_171 = arith.constant 0 : i32
      %dma_wait3A_172 = arith.constant 0 : i32
      %dma_wait3A_173 = arith.constant 0 : i32
      %dma_wait3A_174 = arith.constant 0 : i32
      %dma_wait3A_175 = tpu.memref_slice %arg9[%dma_wait3A_172, %dma_wait3A_173, %dma_wait3A_174] : memref<5x40x128xf32, #tpu.memory_space<vmem>> -> memref<1x40x128xf32, #tpu.memory_space<vmem>>
      %dma_wait3A_176 = tpu.memref_squeeze %dma_wait3A_175 : memref<1x40x128xf32, #tpu.memory_space<vmem>> -> memref<40x128xf32, #tpu.memory_space<vmem>>
      %dma_wait3A_177 = arith.constant 0 : i32
      %dma_wait3A_178 = tpu.memref_slice %arg7[%dma_wait3A_170, %dma_wait3A_171, %dma_wait3A_177] : memref<2x5x40xi32, #tpu.memory_space<vmem>> -> memref<1x1x40xi32, #tpu.memory_space<vmem>>
      %dma_wait3A_179 = tpu.memref_squeeze %dma_wait3A_178 : memref<1x1x40xi32, #tpu.memory_space<vmem>> -> memref<40xi32, #tpu.memory_space<vmem>>
      %dma_wait3A_180 = arith.constant 0 : i32
      %dma_wait3A_181 = arith.constant 0 : i32
      %dma_wait3A_182 = tpu.memref_slice %arg2[%dma_wait3A_180, %dma_wait3A_181] : memref<10000x128xf32, #tpu.memory_space<hbm>> -> memref<10000x128xf32, #tpu.memory_space<hbm>>
      tpu.wait_indirect_dma semaphore(%arg12 : memref<!tpu.dma_semaphore, #tpu.memory_space<semaphore_mem>>) src(%dma_wait3A_182 : memref<10000x128xf32, #tpu.memory_space<hbm>>) dst(%dma_wait3A_176 : memref<40x128xf32, #tpu.memory_space<vmem>>)
      %dma_start3A_183 = arith.constant 0 : i32
      %dma_start3A_184 = arith.constant 0 : i32
      %dma_start3A_185 = arith.constant 0 : i32
      %dma_start3A_186 = arith.constant 0 : i32
      %dma_start3A_187 = arith.constant 0 : i32
      %dma_start3A_188 = tpu.memref_slice %arg9[%dma_start3A_183, %dma_start3A_186, %dma_start3A_187] : memref<5x40x128xf32, #tpu.memory_space<vmem>> -> memref<1x40x128xf32, #tpu.memory_space<vmem>>
      %dma_start3A_189 = tpu.memref_squeeze %dma_start3A_188 : memref<1x40x128xf32, #tpu.memory_space<vmem>> -> memref<40x128xf32, #tpu.memory_space<vmem>>
      %dma_start3A_190 = arith.constant 0 : i32
      %dma_start3A_191 = tpu.memref_slice %arg8[%dma_start3A_184, %dma_start3A_185, %dma_start3A_190] : memref<2x5x40xi32, #tpu.memory_space<vmem>> -> memref<1x1x40xi32, #tpu.memory_space<vmem>>
      %dma_start3A_192 = tpu.memref_squeeze %dma_start3A_191 : memref<1x1x40xi32, #tpu.memory_space<vmem>> -> memref<40xi32, #tpu.memory_space<vmem>>
      %dma_start3A_193 = arith.constant 0 : i32
      %dma_start3A_194 = arith.constant 0 : i32
      %dma_start3A_195 = tpu.memref_slice %arg10[%dma_start3A_193, %dma_start3A_194] : memref<10000x128xf32, #tpu.memory_space<vmem_shared>> -> memref<10000x128xf32, #tpu.memory_space<vmem_shared>>
      tpu.enqueue_indirect_dma source(%dma_start3A_189 : memref<40x128xf32, #tpu.memory_space<vmem>>) target(%dma_start3A_195 : memref<10000x128xf32, #tpu.memory_space<vmem_shared>>) offsets(%dma_start3A_192 : memref<40xi32, #tpu.memory_space<vmem>>) semaphore(%arg13 : memref<!tpu.dma_semaphore, #tpu.memory_space<semaphore_mem>>) {add = true}
      %dma_wait3A_196 = arith.constant 0 : i32
      %dma_wait3A_197 = arith.constant 1 : i32
      %dma_wait3A_198 = arith.constant 1 : i32
      %dma_wait3A_199 = arith.constant 0 : i32
      %dma_wait3A_200 = arith.constant 0 : i32
      %dma_wait3A_201 = tpu.memref_slice %arg9[%dma_wait3A_198, %dma_wait3A_199, %dma_wait3A_200] : memref<5x40x128xf32, #tpu.memory_space<vmem>> -> memref<1x40x128xf32, #tpu.memory_space<vmem>>
      %dma_wait3A_202 = tpu.memref_squeeze %dma_wait3A_201 : memref<1x40x128xf32, #tpu.memory_space<vmem>> -> memref<40x128xf32, #tpu.memory_space<vmem>>
      %dma_wait3A_203 = arith.constant 0 : i32
      %dma_wait3A_204 = tpu.memref_slice %arg7[%dma_wait3A_196, %dma_wait3A_197, %dma_wait3A_203] : memref<2x5x40xi32, #tpu.memory_space<vmem>> -> memref<1x1x40xi32, #tpu.memory_space<vmem>>
      %dma_wait3A_205 = tpu.memref_squeeze %dma_wait3A_204 : memref<1x1x40xi32, #tpu.memory_space<vmem>> -> memref<40xi32, #tpu.memory_space<vmem>>
      %dma_wait3A_206 = arith.constant 0 : i32
      %dma_wait3A_207 = arith.constant 0 : i32
      %dma_wait3A_208 = tpu.memref_slice %arg2[%dma_wait3A_206, %dma_wait3A_207] : memref<10000x128xf32, #tpu.memory_space<hbm>> -> memref<10000x128xf32, #tpu.memory_space<hbm>>
      tpu.wait_indirect_dma semaphore(%arg12 : memref<!tpu.dma_semaphore, #tpu.memory_space<semaphore_mem>>) src(%dma_wait3A_208 : memref<10000x128xf32, #tpu.memory_space<hbm>>) dst(%dma_wait3A_202 : memref<40x128xf32, #tpu.memory_space<vmem>>)
      %dma_start3A_209 = arith.constant 1 : i32
      %dma_start3A_210 = arith.constant 0 : i32
      %dma_start3A_211 = arith.constant 1 : i32
      %dma_start3A_212 = arith.constant 0 : i32
      %dma_start3A_213 = arith.constant 0 : i32
      %dma_start3A_214 = tpu.memref_slice %arg9[%dma_start3A_209, %dma_start3A_212, %dma_start3A_213] : memref<5x40x128xf32, #tpu.memory_space<vmem>> -> memref<1x40x128xf32, #tpu.memory_space<vmem>>
      %dma_start3A_215 = tpu.memref_squeeze %dma_start3A_214 : memref<1x40x128xf32, #tpu.memory_space<vmem>> -> memref<40x128xf32, #tpu.memory_space<vmem>>
      %dma_start3A_216 = arith.constant 0 : i32
      %dma_start3A_217 = tpu.memref_slice %arg8[%dma_start3A_210, %dma_start3A_211, %dma_start3A_216] : memref<2x5x40xi32, #tpu.memory_space<vmem>> -> memref<1x1x40xi32, #tpu.memory_space<vmem>>
      %dma_start3A_218 = tpu.memref_squeeze %dma_start3A_217 : memref<1x1x40xi32, #tpu.memory_space<vmem>> -> memref<40xi32, #tpu.memory_space<vmem>>
      %dma_start3A_219 = arith.constant 0 : i32
      %dma_start3A_220 = arith.constant 0 : i32
      %dma_start3A_221 = tpu.memref_slice %arg10[%dma_start3A_219, %dma_start3A_220] : memref<10000x128xf32, #tpu.memory_space<vmem_shared>> -> memref<10000x128xf32, #tpu.memory_space<vmem_shared>>
      tpu.enqueue_indirect_dma source(%dma_start3A_215 : memref<40x128xf32, #tpu.memory_space<vmem>>) target(%dma_start3A_221 : memref<10000x128xf32, #tpu.memory_space<vmem_shared>>) offsets(%dma_start3A_218 : memref<40xi32, #tpu.memory_space<vmem>>) semaphore(%arg13 : memref<!tpu.dma_semaphore, #tpu.memory_space<semaphore_mem>>) {add = true}
      %dma_wait3A_222 = arith.constant 0 : i32
      %dma_wait3A_223 = arith.constant 2 : i32
      %dma_wait3A_224 = arith.constant 2 : i32
      %dma_wait3A_225 = arith.constant 0 : i32
      %dma_wait3A_226 = arith.constant 0 : i32
      %dma_wait3A_227 = tpu.memref_slice %arg9[%dma_wait3A_224, %dma_wait3A_225, %dma_wait3A_226] : memref<5x40x128xf32, #tpu.memory_space<vmem>> -> memref<1x40x128xf32, #tpu.memory_space<vmem>>
      %dma_wait3A_228 = tpu.memref_squeeze %dma_wait3A_227 : memref<1x40x128xf32, #tpu.memory_space<vmem>> -> memref<40x128xf32, #tpu.memory_space<vmem>>
      %dma_wait3A_229 = arith.constant 0 : i32
      %dma_wait3A_230 = tpu.memref_slice %arg7[%dma_wait3A_222, %dma_wait3A_223, %dma_wait3A_229] : memref<2x5x40xi32, #tpu.memory_space<vmem>> -> memref<1x1x40xi32, #tpu.memory_space<vmem>>
      %dma_wait3A_231 = tpu.memref_squeeze %dma_wait3A_230 : memref<1x1x40xi32, #tpu.memory_space<vmem>> -> memref<40xi32, #tpu.memory_space<vmem>>
      %dma_wait3A_232 = arith.constant 0 : i32
      %dma_wait3A_233 = arith.constant 0 : i32
      %dma_wait3A_234 = tpu.memref_slice %arg2[%dma_wait3A_232, %dma_wait3A_233] : memref<10000x128xf32, #tpu.memory_space<hbm>> -> memref<10000x128xf32, #tpu.memory_space<hbm>>
      tpu.wait_indirect_dma semaphore(%arg12 : memref<!tpu.dma_semaphore, #tpu.memory_space<semaphore_mem>>) src(%dma_wait3A_234 : memref<10000x128xf32, #tpu.memory_space<hbm>>) dst(%dma_wait3A_228 : memref<40x128xf32, #tpu.memory_space<vmem>>)
      %dma_start3A_235 = arith.constant 2 : i32
      %dma_start3A_236 = arith.constant 0 : i32
      %dma_start3A_237 = arith.constant 2 : i32
      %dma_start3A_238 = arith.constant 0 : i32
      %dma_start3A_239 = arith.constant 0 : i32
      %dma_start3A_240 = tpu.memref_slice %arg9[%dma_start3A_235, %dma_start3A_238, %dma_start3A_239] : memref<5x40x128xf32, #tpu.memory_space<vmem>> -> memref<1x40x128xf32, #tpu.memory_space<vmem>>
      %dma_start3A_241 = tpu.memref_squeeze %dma_start3A_240 : memref<1x40x128xf32, #tpu.memory_space<vmem>> -> memref<40x128xf32, #tpu.memory_space<vmem>>
      %dma_start3A_242 = arith.constant 0 : i32
      %dma_start3A_243 = tpu.memref_slice %arg8[%dma_start3A_236, %dma_start3A_237, %dma_start3A_242] : memref<2x5x40xi32, #tpu.memory_space<vmem>> -> memref<1x1x40xi32, #tpu.memory_space<vmem>>
      %dma_start3A_244 = tpu.memref_squeeze %dma_start3A_243 : memref<1x1x40xi32, #tpu.memory_space<vmem>> -> memref<40xi32, #tpu.memory_space<vmem>>
      %dma_start3A_245 = arith.constant 0 : i32
      %dma_start3A_246 = arith.constant 0 : i32
      %dma_start3A_247 = tpu.memref_slice %arg10[%dma_start3A_245, %dma_start3A_246] : memref<10000x128xf32, #tpu.memory_space<vmem_shared>> -> memref<10000x128xf32, #tpu.memory_space<vmem_shared>>
      tpu.enqueue_indirect_dma source(%dma_start3A_241 : memref<40x128xf32, #tpu.memory_space<vmem>>) target(%dma_start3A_247 : memref<10000x128xf32, #tpu.memory_space<vmem_shared>>) offsets(%dma_start3A_244 : memref<40xi32, #tpu.memory_space<vmem>>) semaphore(%arg13 : memref<!tpu.dma_semaphore, #tpu.memory_space<semaphore_mem>>) {add = true}
      %dma_wait3A_248 = arith.constant 0 : i32
      %dma_wait3A_249 = arith.constant 3 : i32
      %dma_wait3A_250 = arith.constant 3 : i32
      %dma_wait3A_251 = arith.constant 0 : i32
      %dma_wait3A_252 = arith.constant 0 : i32
      %dma_wait3A_253 = tpu.memref_slice %arg9[%dma_wait3A_250, %dma_wait3A_251, %dma_wait3A_252] : memref<5x40x128xf32, #tpu.memory_space<vmem>> -> memref<1x40x128xf32, #tpu.memory_space<vmem>>
      %dma_wait3A_254 = tpu.memref_squeeze %dma_wait3A_253 : memref<1x40x128xf32, #tpu.memory_space<vmem>> -> memref<40x128xf32, #tpu.memory_space<vmem>>
      %dma_wait3A_255 = arith.constant 0 : i32
      %dma_wait3A_256 = tpu.memref_slice %arg7[%dma_wait3A_248, %dma_wait3A_249, %dma_wait3A_255] : memref<2x5x40xi32, #tpu.memory_space<vmem>> -> memref<1x1x40xi32, #tpu.memory_space<vmem>>
      %dma_wait3A_257 = tpu.memref_squeeze %dma_wait3A_256 : memref<1x1x40xi32, #tpu.memory_space<vmem>> -> memref<40xi32, #tpu.memory_space<vmem>>
      %dma_wait3A_258 = arith.constant 0 : i32
      %dma_wait3A_259 = arith.constant 0 : i32
      %dma_wait3A_260 = tpu.memref_slice %arg2[%dma_wait3A_258, %dma_wait3A_259] : memref<10000x128xf32, #tpu.memory_space<hbm>> -> memref<10000x128xf32, #tpu.memory_space<hbm>>
      tpu.wait_indirect_dma semaphore(%arg12 : memref<!tpu.dma_semaphore, #tpu.memory_space<semaphore_mem>>) src(%dma_wait3A_260 : memref<10000x128xf32, #tpu.memory_space<hbm>>) dst(%dma_wait3A_254 : memref<40x128xf32, #tpu.memory_space<vmem>>)
      %dma_start3A_261 = arith.constant 3 : i32
      %dma_start3A_262 = arith.constant 0 : i32
      %dma_start3A_263 = arith.constant 3 : i32
      %dma_start3A_264 = arith.constant 0 : i32
      %dma_start3A_265 = arith.constant 0 : i32
      %dma_start3A_266 = tpu.memref_slice %arg9[%dma_start3A_261, %dma_start3A_264, %dma_start3A_265] : memref<5x40x128xf32, #tpu.memory_space<vmem>> -> memref<1x40x128xf32, #tpu.memory_space<vmem>>
      %dma_start3A_267 = tpu.memref_squeeze %dma_start3A_266 : memref<1x40x128xf32, #tpu.memory_space<vmem>> -> memref<40x128xf32, #tpu.memory_space<vmem>>
      %dma_start3A_268 = arith.constant 0 : i32
      %dma_start3A_269 = tpu.memref_slice %arg8[%dma_start3A_262, %dma_start3A_263, %dma_start3A_268] : memref<2x5x40xi32, #tpu.memory_space<vmem>> -> memref<1x1x40xi32, #tpu.memory_space<vmem>>
      %dma_start3A_270 = tpu.memref_squeeze %dma_start3A_269 : memref<1x1x40xi32, #tpu.memory_space<vmem>> -> memref<40xi32, #tpu.memory_space<vmem>>
      %dma_start3A_271 = arith.constant 0 : i32
      %dma_start3A_272 = arith.constant 0 : i32
      %dma_start3A_273 = tpu.memref_slice %arg10[%dma_start3A_271, %dma_start3A_272] : memref<10000x128xf32, #tpu.memory_space<vmem_shared>> -> memref<10000x128xf32, #tpu.memory_space<vmem_shared>>
      tpu.enqueue_indirect_dma source(%dma_start3A_267 : memref<40x128xf32, #tpu.memory_space<vmem>>) target(%dma_start3A_273 : memref<10000x128xf32, #tpu.memory_space<vmem_shared>>) offsets(%dma_start3A_270 : memref<40xi32, #tpu.memory_space<vmem>>) semaphore(%arg13 : memref<!tpu.dma_semaphore, #tpu.memory_space<semaphore_mem>>) {add = true}
      %dma_wait3A_274 = arith.constant 0 : i32
      %dma_wait3A_275 = arith.constant 4 : i32
      %dma_wait3A_276 = arith.constant 4 : i32
      %dma_wait3A_277 = arith.constant 0 : i32
      %dma_wait3A_278 = arith.constant 0 : i32
      %dma_wait3A_279 = tpu.memref_slice %arg9[%dma_wait3A_276, %dma_wait3A_277, %dma_wait3A_278] : memref<5x40x128xf32, #tpu.memory_space<vmem>> -> memref<1x40x128xf32, #tpu.memory_space<vmem>>
      %dma_wait3A_280 = tpu.memref_squeeze %dma_wait3A_279 : memref<1x40x128xf32, #tpu.memory_space<vmem>> -> memref<40x128xf32, #tpu.memory_space<vmem>>
      %dma_wait3A_281 = arith.constant 0 : i32
      %dma_wait3A_282 = tpu.memref_slice %arg7[%dma_wait3A_274, %dma_wait3A_275, %dma_wait3A_281] : memref<2x5x40xi32, #tpu.memory_space<vmem>> -> memref<1x1x40xi32, #tpu.memory_space<vmem>>
      %dma_wait3A_283 = tpu.memref_squeeze %dma_wait3A_282 : memref<1x1x40xi32, #tpu.memory_space<vmem>> -> memref<40xi32, #tpu.memory_space<vmem>>
      %dma_wait3A_284 = arith.constant 0 : i32
      %dma_wait3A_285 = arith.constant 0 : i32
      %dma_wait3A_286 = tpu.memref_slice %arg2[%dma_wait3A_284, %dma_wait3A_285] : memref<10000x128xf32, #tpu.memory_space<hbm>> -> memref<10000x128xf32, #tpu.memory_space<hbm>>
      tpu.wait_indirect_dma semaphore(%arg12 : memref<!tpu.dma_semaphore, #tpu.memory_space<semaphore_mem>>) src(%dma_wait3A_286 : memref<10000x128xf32, #tpu.memory_space<hbm>>) dst(%dma_wait3A_280 : memref<40x128xf32, #tpu.memory_space<vmem>>)
      %dma_start3A_287 = arith.constant 4 : i32
      %dma_start3A_288 = arith.constant 0 : i32
      %dma_start3A_289 = arith.constant 4 : i32
      %dma_start3A_290 = arith.constant 0 : i32
      %dma_start3A_291 = arith.constant 0 : i32
      %dma_start3A_292 = tpu.memref_slice %arg9[%dma_start3A_287, %dma_start3A_290, %dma_start3A_291] : memref<5x40x128xf32, #tpu.memory_space<vmem>> -> memref<1x40x128xf32, #tpu.memory_space<vmem>>
      %dma_start3A_293 = tpu.memref_squeeze %dma_start3A_292 : memref<1x40x128xf32, #tpu.memory_space<vmem>> -> memref<40x128xf32, #tpu.memory_space<vmem>>
      %dma_start3A_294 = arith.constant 0 : i32
      %dma_start3A_295 = tpu.memref_slice %arg8[%dma_start3A_288, %dma_start3A_289, %dma_start3A_294] : memref<2x5x40xi32, #tpu.memory_space<vmem>> -> memref<1x1x40xi32, #tpu.memory_space<vmem>>
      %dma_start3A_296 = tpu.memref_squeeze %dma_start3A_295 : memref<1x1x40xi32, #tpu.memory_space<vmem>> -> memref<40xi32, #tpu.memory_space<vmem>>
      %dma_start3A_297 = arith.constant 0 : i32
      %dma_start3A_298 = arith.constant 0 : i32
      %dma_start3A_299 = tpu.memref_slice %arg10[%dma_start3A_297, %dma_start3A_298] : memref<10000x128xf32, #tpu.memory_space<vmem_shared>> -> memref<10000x128xf32, #tpu.memory_space<vmem_shared>>
      tpu.enqueue_indirect_dma source(%dma_start3A_293 : memref<40x128xf32, #tpu.memory_space<vmem>>) target(%dma_start3A_299 : memref<10000x128xf32, #tpu.memory_space<vmem_shared>>) offsets(%dma_start3A_296 : memref<40xi32, #tpu.memory_space<vmem>>) semaphore(%arg13 : memref<!tpu.dma_semaphore, #tpu.memory_space<semaphore_mem>>) {add = true}
      %dma_wait3A_300 = arith.constant 0 : i32
      %dma_wait3A_301 = arith.constant 0 : i32
      %dma_wait3A_302 = arith.constant 0 : i32
      %dma_wait3A_303 = arith.constant 0 : i32
      %dma_wait3A_304 = arith.constant 0 : i32
      %dma_wait3A_305 = tpu.memref_slice %arg9[%dma_wait3A_300, %dma_wait3A_303, %dma_wait3A_304] : memref<5x40x128xf32, #tpu.memory_space<vmem>> -> memref<1x40x128xf32, #tpu.memory_space<vmem>>
      %dma_wait3A_306 = tpu.memref_squeeze %dma_wait3A_305 : memref<1x40x128xf32, #tpu.memory_space<vmem>> -> memref<40x128xf32, #tpu.memory_space<vmem>>
      %dma_wait3A_307 = arith.constant 0 : i32
      %dma_wait3A_308 = tpu.memref_slice %arg8[%dma_wait3A_301, %dma_wait3A_302, %dma_wait3A_307] : memref<2x5x40xi32, #tpu.memory_space<vmem>> -> memref<1x1x40xi32, #tpu.memory_space<vmem>>
      %dma_wait3A_309 = tpu.memref_squeeze %dma_wait3A_308 : memref<1x1x40xi32, #tpu.memory_space<vmem>> -> memref<40xi32, #tpu.memory_space<vmem>>
      %dma_wait3A_310 = arith.constant 0 : i32
      %dma_wait3A_311 = arith.constant 0 : i32
      %dma_wait3A_312 = tpu.memref_slice %arg10[%dma_wait3A_310, %dma_wait3A_311] : memref<10000x128xf32, #tpu.memory_space<vmem_shared>> -> memref<10000x128xf32, #tpu.memory_space<vmem_shared>>
      tpu.wait_indirect_dma semaphore(%arg13 : memref<!tpu.dma_semaphore, #tpu.memory_space<semaphore_mem>>) src(%dma_wait3A_306 : memref<40x128xf32, #tpu.memory_space<vmem>>) dst(%dma_wait3A_312 : memref<10000x128xf32, #tpu.memory_space<vmem_shared>>)
      %dma_wait3A_313 = arith.constant 1 : i32
      %dma_wait3A_314 = arith.constant 0 : i32
      %dma_wait3A_315 = arith.constant 1 : i32
      %dma_wait3A_316 = arith.constant 0 : i32
      %dma_wait3A_317 = arith.constant 0 : i32
      %dma_wait3A_318 = tpu.memref_slice %arg9[%dma_wait3A_313, %dma_wait3A_316, %dma_wait3A_317] : memref<5x40x128xf32, #tpu.memory_space<vmem>> -> memref<1x40x128xf32, #tpu.memory_space<vmem>>
      %dma_wait3A_319 = tpu.memref_squeeze %dma_wait3A_318 : memref<1x40x128xf32, #tpu.memory_space<vmem>> -> memref<40x128xf32, #tpu.memory_space<vmem>>
      %dma_wait3A_320 = arith.constant 0 : i32
      %dma_wait3A_321 = tpu.memref_slice %arg8[%dma_wait3A_314, %dma_wait3A_315, %dma_wait3A_320] : memref<2x5x40xi32, #tpu.memory_space<vmem>> -> memref<1x1x40xi32, #tpu.memory_space<vmem>>
      %dma_wait3A_322 = tpu.memref_squeeze %dma_wait3A_321 : memref<1x1x40xi32, #tpu.memory_space<vmem>> -> memref<40xi32, #tpu.memory_space<vmem>>
      %dma_wait3A_323 = arith.constant 0 : i32
      %dma_wait3A_324 = arith.constant 0 : i32
      %dma_wait3A_325 = tpu.memref_slice %arg10[%dma_wait3A_323, %dma_wait3A_324] : memref<10000x128xf32, #tpu.memory_space<vmem_shared>> -> memref<10000x128xf32, #tpu.memory_space<vmem_shared>>
      tpu.wait_indirect_dma semaphore(%arg13 : memref<!tpu.dma_semaphore, #tpu.memory_space<semaphore_mem>>) src(%dma_wait3A_319 : memref<40x128xf32, #tpu.memory_space<vmem>>) dst(%dma_wait3A_325 : memref<10000x128xf32, #tpu.memory_space<vmem_shared>>)
      %dma_wait3A_326 = arith.constant 2 : i32
      %dma_wait3A_327 = arith.constant 0 : i32
      %dma_wait3A_328 = arith.constant 2 : i32
      %dma_wait3A_329 = arith.constant 0 : i32
      %dma_wait3A_330 = arith.constant 0 : i32
      %dma_wait3A_331 = tpu.memref_slice %arg9[%dma_wait3A_326, %dma_wait3A_329, %dma_wait3A_330] : memref<5x40x128xf32, #tpu.memory_space<vmem>> -> memref<1x40x128xf32, #tpu.memory_space<vmem>>
      %dma_wait3A_332 = tpu.memref_squeeze %dma_wait3A_331 : memref<1x40x128xf32, #tpu.memory_space<vmem>> -> memref<40x128xf32, #tpu.memory_space<vmem>>
      %dma_wait3A_333 = arith.constant 0 : i32
      %dma_wait3A_334 = tpu.memref_slice %arg8[%dma_wait3A_327, %dma_wait3A_328, %dma_wait3A_333] : memref<2x5x40xi32, #tpu.memory_space<vmem>> -> memref<1x1x40xi32, #tpu.memory_space<vmem>>
      %dma_wait3A_335 = tpu.memref_squeeze %dma_wait3A_334 : memref<1x1x40xi32, #tpu.memory_space<vmem>> -> memref<40xi32, #tpu.memory_space<vmem>>
      %dma_wait3A_336 = arith.constant 0 : i32
      %dma_wait3A_337 = arith.constant 0 : i32
      %dma_wait3A_338 = tpu.memref_slice %arg10[%dma_wait3A_336, %dma_wait3A_337] : memref<10000x128xf32, #tpu.memory_space<vmem_shared>> -> memref<10000x128xf32, #tpu.memory_space<vmem_shared>>
      tpu.wait_indirect_dma semaphore(%arg13 : memref<!tpu.dma_semaphore, #tpu.memory_space<semaphore_mem>>) src(%dma_wait3A_332 : memref<40x128xf32, #tpu.memory_space<vmem>>) dst(%dma_wait3A_338 : memref<10000x128xf32, #tpu.memory_space<vmem_shared>>)
      %dma_wait3A_339 = arith.constant 3 : i32
      %dma_wait3A_340 = arith.constant 0 : i32
      %dma_wait3A_341 = arith.constant 3 : i32
      %dma_wait3A_342 = arith.constant 0 : i32
      %dma_wait3A_343 = arith.constant 0 : i32
      %dma_wait3A_344 = tpu.memref_slice %arg9[%dma_wait3A_339, %dma_wait3A_342, %dma_wait3A_343] : memref<5x40x128xf32, #tpu.memory_space<vmem>> -> memref<1x40x128xf32, #tpu.memory_space<vmem>>
      %dma_wait3A_345 = tpu.memref_squeeze %dma_wait3A_344 : memref<1x40x128xf32, #tpu.memory_space<vmem>> -> memref<40x128xf32, #tpu.memory_space<vmem>>
      %dma_wait3A_346 = arith.constant 0 : i32
      %dma_wait3A_347 = tpu.memref_slice %arg8[%dma_wait3A_340, %dma_wait3A_341, %dma_wait3A_346] : memref<2x5x40xi32, #tpu.memory_space<vmem>> -> memref<1x1x40xi32, #tpu.memory_space<vmem>>
      %dma_wait3A_348 = tpu.memref_squeeze %dma_wait3A_347 : memref<1x1x40xi32, #tpu.memory_space<vmem>> -> memref<40xi32, #tpu.memory_space<vmem>>
      %dma_wait3A_349 = arith.constant 0 : i32
      %dma_wait3A_350 = arith.constant 0 : i32
      %dma_wait3A_351 = tpu.memref_slice %arg10[%dma_wait3A_349, %dma_wait3A_350] : memref<10000x128xf32, #tpu.memory_space<vmem_shared>> -> memref<10000x128xf32, #tpu.memory_space<vmem_shared>>
      tpu.wait_indirect_dma semaphore(%arg13 : memref<!tpu.dma_semaphore, #tpu.memory_space<semaphore_mem>>) src(%dma_wait3A_345 : memref<40x128xf32, #tpu.memory_space<vmem>>) dst(%dma_wait3A_351 : memref<10000x128xf32, #tpu.memory_space<vmem_shared>>)
      %dma_wait3A_352 = arith.constant 4 : i32
      %dma_wait3A_353 = arith.constant 0 : i32
      %dma_wait3A_354 = arith.constant 4 : i32
      %dma_wait3A_355 = arith.constant 0 : i32
      %dma_wait3A_356 = arith.constant 0 : i32
      %dma_wait3A_357 = tpu.memref_slice %arg9[%dma_wait3A_352, %dma_wait3A_355, %dma_wait3A_356] : memref<5x40x128xf32, #tpu.memory_space<vmem>> -> memref<1x40x128xf32, #tpu.memory_space<vmem>>
      %dma_wait3A_358 = tpu.memref_squeeze %dma_wait3A_357 : memref<1x40x128xf32, #tpu.memory_space<vmem>> -> memref<40x128xf32, #tpu.memory_space<vmem>>
      %dma_wait3A_359 = arith.constant 0 : i32
      %dma_wait3A_360 = tpu.memref_slice %arg8[%dma_wait3A_353, %dma_wait3A_354, %dma_wait3A_359] : memref<2x5x40xi32, #tpu.memory_space<vmem>> -> memref<1x1x40xi32, #tpu.memory_space<vmem>>
      %dma_wait3A_361 = tpu.memref_squeeze %dma_wait3A_360 : memref<1x1x40xi32, #tpu.memory_space<vmem>> -> memref<40xi32, #tpu.memory_space<vmem>>
      %dma_wait3A_362 = arith.constant 0 : i32
      %dma_wait3A_363 = arith.constant 0 : i32
      %dma_wait3A_364 = tpu.memref_slice %arg10[%dma_wait3A_362, %dma_wait3A_363] : memref<10000x128xf32, #tpu.memory_space<vmem_shared>> -> memref<10000x128xf32, #tpu.memory_space<vmem_shared>>
      tpu.wait_indirect_dma semaphore(%arg13 : memref<!tpu.dma_semaphore, #tpu.memory_space<semaphore_mem>>) src(%dma_wait3A_358 : memref<40x128xf32, #tpu.memory_space<vmem>>) dst(%dma_wait3A_364 : memref<10000x128xf32, #tpu.memory_space<vmem_shared>>)
      %mul3A_365 = arith.constant 2 : i32
      %mul3A_366 = arith.muli %scan3A_60, %mul3A_365 : i32
      %add3A_367 = arith.constant 1 : i32
      %add3A_368 = arith.addi %mul3A_366, %add3A_367 : i32
      %dma_wait3A_369 = arith.constant 1 : i32
      %dma_wait3A_370 = arith.constant 0 : i32
      %dma_wait3A_371 = arith.constant 0 : i32
      %dma_wait3A_372 = tpu.memref_slice %arg7[%dma_wait3A_369, %dma_wait3A_370, %dma_wait3A_371] : memref<2x5x40xi32, #tpu.memory_space<vmem>> -> memref<1x5x40xi32, #tpu.memory_space<vmem>>
      %dma_wait3A_373 = tpu.memref_squeeze %dma_wait3A_372 : memref<1x5x40xi32, #tpu.memory_space<vmem>> -> memref<5x40xi32, #tpu.memory_space<vmem>>
      %dma_wait3A_374 = arith.constant 0 : i32
      %dma_wait3A_375 = arith.constant 0 : i32
      %dma_wait3A_376 = tpu.memref_slice %arg3[%add3A, %add3A_368, %dma_wait3A_374, %dma_wait3A_375] : memref<32x50x5x40xi32, #tpu.memory_space<hbm>> -> memref<1x1x5x40xi32, #tpu.memory_space<hbm>>
      %dma_wait3A_377 = tpu.memref_squeeze %dma_wait3A_376 : memref<1x1x5x40xi32, #tpu.memory_space<hbm>> -> memref<5x40xi32, #tpu.memory_space<hbm>>
      %dma_wait3A_378 = arith.constant 0 : i32
      %dma_wait3A_379 = arith.constant 0 : i32
      %dma_wait3A_380 = tpu.memref_slice %arg7[%dma_wait3A_369, %dma_wait3A_378, %dma_wait3A_379] : memref<2x5x40xi32, #tpu.memory_space<vmem>> -> memref<1x5x40xi32, #tpu.memory_space<vmem>>
      %dma_wait3A_381 = tpu.memref_squeeze %dma_wait3A_380 : memref<1x5x40xi32, #tpu.memory_space<vmem>> -> memref<5x40xi32, #tpu.memory_space<vmem>>
      %dma_wait3A_382 = arith.constant 0 : i32
      %dma_wait3A_383 = arith.constant 0 : i32
      %dma_wait3A_384 = tpu.memref_slice %arg3[%add3A, %add3A_368, %dma_wait3A_382, %dma_wait3A_383] : memref<32x50x5x40xi32, #tpu.memory_space<hbm>> -> memref<1x1x5x40xi32, #tpu.memory_space<hbm>>
      %dma_wait3A_385 = tpu.memref_squeeze %dma_wait3A_384 : memref<1x1x5x40xi32, #tpu.memory_space<hbm>> -> memref<5x40xi32, #tpu.memory_space<hbm>>
      tpu.wait_dma2 semaphore(%arg11 : memref<!tpu.dma_semaphore, #tpu.memory_space<semaphore_mem>>) src(%dma_wait3A_385 : memref<5x40xi32, #tpu.memory_space<hbm>>) dst(%dma_wait3A_381 : memref<5x40xi32, #tpu.memory_space<vmem>>)
      %dma_wait3A_386 = arith.constant 1 : i32
      %dma_wait3A_387 = arith.constant 0 : i32
      %dma_wait3A_388 = arith.constant 0 : i32
      %dma_wait3A_389 = tpu.memref_slice %arg8[%dma_wait3A_386, %dma_wait3A_387, %dma_wait3A_388] : memref<2x5x40xi32, #tpu.memory_space<vmem>> -> memref<1x5x40xi32, #tpu.memory_space<vmem>>
      %dma_wait3A_390 = tpu.memref_squeeze %dma_wait3A_389 : memref<1x5x40xi32, #tpu.memory_space<vmem>> -> memref<5x40xi32, #tpu.memory_space<vmem>>
      %dma_wait3A_391 = arith.constant 0 : i32
      %dma_wait3A_392 = arith.constant 0 : i32
      %dma_wait3A_393 = tpu.memref_slice %arg4[%add3A, %add3A_368, %dma_wait3A_391, %dma_wait3A_392] : memref<32x50x5x40xi32, #tpu.memory_space<hbm>> -> memref<1x1x5x40xi32, #tpu.memory_space<hbm>>
      %dma_wait3A_394 = tpu.memref_squeeze %dma_wait3A_393 : memref<1x1x5x40xi32, #tpu.memory_space<hbm>> -> memref<5x40xi32, #tpu.memory_space<hbm>>
      %dma_wait3A_395 = arith.constant 0 : i32
      %dma_wait3A_396 = arith.constant 0 : i32
      %dma_wait3A_397 = tpu.memref_slice %arg8[%dma_wait3A_386, %dma_wait3A_395, %dma_wait3A_396] : memref<2x5x40xi32, #tpu.memory_space<vmem>> -> memref<1x5x40xi32, #tpu.memory_space<vmem>>
      %dma_wait3A_398 = tpu.memref_squeeze %dma_wait3A_397 : memref<1x5x40xi32, #tpu.memory_space<vmem>> -> memref<5x40xi32, #tpu.memory_space<vmem>>
      %dma_wait3A_399 = arith.constant 0 : i32
      %dma_wait3A_400 = arith.constant 0 : i32
      %dma_wait3A_401 = tpu.memref_slice %arg4[%add3A, %add3A_368, %dma_wait3A_399, %dma_wait3A_400] : memref<32x50x5x40xi32, #tpu.memory_space<hbm>> -> memref<1x1x5x40xi32, #tpu.memory_space<hbm>>
      %dma_wait3A_402 = tpu.memref_squeeze %dma_wait3A_401 : memref<1x1x5x40xi32, #tpu.memory_space<hbm>> -> memref<5x40xi32, #tpu.memory_space<hbm>>
      tpu.wait_dma2 semaphore(%arg11 : memref<!tpu.dma_semaphore, #tpu.memory_space<semaphore_mem>>) src(%dma_wait3A_402 : memref<5x40xi32, #tpu.memory_space<hbm>>) dst(%dma_wait3A_398 : memref<5x40xi32, #tpu.memory_space<vmem>>)
      %add3A_403 = arith.constant 1 : i32
      %add3A_404 = arith.addi %add3A_368, %add3A_403 : i32
      %lt3A_405 = arith.constant 50 : i32
      %lt3A_406 = arith.cmpi slt, %add3A_404, %lt3A_405 : i32
      %convert_element_type3A_407 = arith.extui %lt3A_406 : i1 to i32
      %cond3A_408 = arith.constant 0 : i32
      %cond3A_409 = arith.cmpi ne, %convert_element_type3A_407, %cond3A_408 : i32
      scf.if %cond3A_409 {
        %add3A_670 = arith.constant 1 : i32
        %add3A_671 = arith.addi %add3A_368, %add3A_670 : i32
        %dma_start3A_672 = arith.constant 0 : i32
        %dma_start3A_673 = arith.constant 0 : i32
        %dma_start3A_674 = arith.constant 0 : i32
        %dma_start3A_675 = tpu.memref_slice %arg7[%dma_start3A_672, %dma_start3A_673, %dma_start3A_674] : memref<2x5x40xi32, #tpu.memory_space<vmem>> -> memref<1x5x40xi32, #tpu.memory_space<vmem>>
        %dma_start3A_676 = tpu.memref_squeeze %dma_start3A_675 : memref<1x5x40xi32, #tpu.memory_space<vmem>> -> memref<5x40xi32, #tpu.memory_space<vmem>>
        %dma_start3A_677 = arith.constant 0 : i32
        %dma_start3A_678 = arith.constant 0 : i32
        %dma_start3A_679 = tpu.memref_slice %arg3[%add3A, %add3A_671, %dma_start3A_677, %dma_start3A_678] : memref<32x50x5x40xi32, #tpu.memory_space<hbm>> -> memref<1x1x5x40xi32, #tpu.memory_space<hbm>>
        %dma_start3A_680 = tpu.memref_squeeze %dma_start3A_679 : memref<1x1x5x40xi32, #tpu.memory_space<hbm>> -> memref<5x40xi32, #tpu.memory_space<hbm>>
        %dma_start3A_681 = arith.constant 0 : i32
        %dma_start3A_682 = arith.constant 0 : i32
        %dma_start3A_683 = tpu.memref_slice %arg7[%dma_start3A_672, %dma_start3A_681, %dma_start3A_682] : memref<2x5x40xi32, #tpu.memory_space<vmem>> -> memref<1x5x40xi32, #tpu.memory_space<vmem>>
        %dma_start3A_684 = tpu.memref_squeeze %dma_start3A_683 : memref<1x5x40xi32, #tpu.memory_space<vmem>> -> memref<5x40xi32, #tpu.memory_space<vmem>>
        %dma_start3A_685 = arith.constant 0 : i32
        %dma_start3A_686 = arith.constant 0 : i32
        %dma_start3A_687 = tpu.memref_slice %arg3[%add3A, %add3A_671, %dma_start3A_685, %dma_start3A_686] : memref<32x50x5x40xi32, #tpu.memory_space<hbm>> -> memref<1x1x5x40xi32, #tpu.memory_space<hbm>>
        %dma_start3A_688 = tpu.memref_squeeze %dma_start3A_687 : memref<1x1x5x40xi32, #tpu.memory_space<hbm>> -> memref<5x40xi32, #tpu.memory_space<hbm>>
        tpu.enqueue_dma source(%dma_start3A_688 : memref<5x40xi32, #tpu.memory_space<hbm>>) target(%dma_start3A_684 : memref<5x40xi32, #tpu.memory_space<vmem>>) target_semaphore(%arg11 : memref<!tpu.dma_semaphore, #tpu.memory_space<semaphore_mem>>)
        %add3A_689 = arith.constant 1 : i32
        %add3A_690 = arith.addi %add3A_368, %add3A_689 : i32
        %dma_start3A_691 = arith.constant 0 : i32
        %dma_start3A_692 = arith.constant 0 : i32
        %dma_start3A_693 = arith.constant 0 : i32
        %dma_start3A_694 = tpu.memref_slice %arg8[%dma_start3A_691, %dma_start3A_692, %dma_start3A_693] : memref<2x5x40xi32, #tpu.memory_space<vmem>> -> memref<1x5x40xi32, #tpu.memory_space<vmem>>
        %dma_start3A_695 = tpu.memref_squeeze %dma_start3A_694 : memref<1x5x40xi32, #tpu.memory_space<vmem>> -> memref<5x40xi32, #tpu.memory_space<vmem>>
        %dma_start3A_696 = arith.constant 0 : i32
        %dma_start3A_697 = arith.constant 0 : i32
        %dma_start3A_698 = tpu.memref_slice %arg4[%add3A, %add3A_690, %dma_start3A_696, %dma_start3A_697] : memref<32x50x5x40xi32, #tpu.memory_space<hbm>> -> memref<1x1x5x40xi32, #tpu.memory_space<hbm>>
        %dma_start3A_699 = tpu.memref_squeeze %dma_start3A_698 : memref<1x1x5x40xi32, #tpu.memory_space<hbm>> -> memref<5x40xi32, #tpu.memory_space<hbm>>
        %dma_start3A_700 = arith.constant 0 : i32
        %dma_start3A_701 = arith.constant 0 : i32
        %dma_start3A_702 = tpu.memref_slice %arg8[%dma_start3A_691, %dma_start3A_700, %dma_start3A_701] : memref<2x5x40xi32, #tpu.memory_space<vmem>> -> memref<1x5x40xi32, #tpu.memory_space<vmem>>
        %dma_start3A_703 = tpu.memref_squeeze %dma_start3A_702 : memref<1x5x40xi32, #tpu.memory_space<vmem>> -> memref<5x40xi32, #tpu.memory_space<vmem>>
        %dma_start3A_704 = arith.constant 0 : i32
        %dma_start3A_705 = arith.constant 0 : i32
        %dma_start3A_706 = tpu.memref_slice %arg4[%add3A, %add3A_690, %dma_start3A_704, %dma_start3A_705] : memref<32x50x5x40xi32, #tpu.memory_space<hbm>> -> memref<1x1x5x40xi32, #tpu.memory_space<hbm>>
        %dma_start3A_707 = tpu.memref_squeeze %dma_start3A_706 : memref<1x1x5x40xi32, #tpu.memory_space<hbm>> -> memref<5x40xi32, #tpu.memory_space<hbm>>
        tpu.enqueue_dma source(%dma_start3A_707 : memref<5x40xi32, #tpu.memory_space<hbm>>) target(%dma_start3A_703 : memref<5x40xi32, #tpu.memory_space<vmem>>) target_semaphore(%arg11 : memref<!tpu.dma_semaphore, #tpu.memory_space<semaphore_mem>>)
      } else {
      }
      %dma_start3A_410 = arith.constant 1 : i32
      %dma_start3A_411 = arith.constant 0 : i32
      %dma_start3A_412 = arith.constant 0 : i32
      %dma_start3A_413 = arith.constant 0 : i32
      %dma_start3A_414 = arith.constant 0 : i32
      %dma_start3A_415 = tpu.memref_slice %arg9[%dma_start3A_412, %dma_start3A_413, %dma_start3A_414] : memref<5x40x128xf32, #tpu.memory_space<vmem>> -> memref<1x40x128xf32, #tpu.memory_space<vmem>>
      %dma_start3A_416 = tpu.memref_squeeze %dma_start3A_415 : memref<1x40x128xf32, #tpu.memory_space<vmem>> -> memref<40x128xf32, #tpu.memory_space<vmem>>
      %dma_start3A_417 = arith.constant 0 : i32
      %dma_start3A_418 = tpu.memref_slice %arg7[%dma_start3A_410, %dma_start3A_411, %dma_start3A_417] : memref<2x5x40xi32, #tpu.memory_space<vmem>> -> memref<1x1x40xi32, #tpu.memory_space<vmem>>
      %dma_start3A_419 = tpu.memref_squeeze %dma_start3A_418 : memref<1x1x40xi32, #tpu.memory_space<vmem>> -> memref<40xi32, #tpu.memory_space<vmem>>
      %dma_start3A_420 = arith.constant 0 : i32
      %dma_start3A_421 = arith.constant 0 : i32
      %dma_start3A_422 = tpu.memref_slice %arg2[%dma_start3A_420, %dma_start3A_421] : memref<10000x128xf32, #tpu.memory_space<hbm>> -> memref<10000x128xf32, #tpu.memory_space<hbm>>
      tpu.enqueue_indirect_dma source(%dma_start3A_422 : memref<10000x128xf32, #tpu.memory_space<hbm>>) target(%dma_start3A_416 : memref<40x128xf32, #tpu.memory_space<vmem>>) offsets(%dma_start3A_419 : memref<40xi32, #tpu.memory_space<vmem>>) semaphore(%arg12 : memref<!tpu.dma_semaphore, #tpu.memory_space<semaphore_mem>>)
      %dma_start3A_423 = arith.constant 1 : i32
      %dma_start3A_424 = arith.constant 1 : i32
      %dma_start3A_425 = arith.constant 1 : i32
      %dma_start3A_426 = arith.constant 0 : i32
      %dma_start3A_427 = arith.constant 0 : i32
      %dma_start3A_428 = tpu.memref_slice %arg9[%dma_start3A_425, %dma_start3A_426, %dma_start3A_427] : memref<5x40x128xf32, #tpu.memory_space<vmem>> -> memref<1x40x128xf32, #tpu.memory_space<vmem>>
      %dma_start3A_429 = tpu.memref_squeeze %dma_start3A_428 : memref<1x40x128xf32, #tpu.memory_space<vmem>> -> memref<40x128xf32, #tpu.memory_space<vmem>>
      %dma_start3A_430 = arith.constant 0 : i32
      %dma_start3A_431 = tpu.memref_slice %arg7[%dma_start3A_423, %dma_start3A_424, %dma_start3A_430] : memref<2x5x40xi32, #tpu.memory_space<vmem>> -> memref<1x1x40xi32, #tpu.memory_space<vmem>>
      %dma_start3A_432 = tpu.memref_squeeze %dma_start3A_431 : memref<1x1x40xi32, #tpu.memory_space<vmem>> -> memref<40xi32, #tpu.memory_space<vmem>>
      %dma_start3A_433 = arith.constant 0 : i32
      %dma_start3A_434 = arith.constant 0 : i32
      %dma_start3A_435 = tpu.memref_slice %arg2[%dma_start3A_433, %dma_start3A_434] : memref<10000x128xf32, #tpu.memory_space<hbm>> -> memref<10000x128xf32, #tpu.memory_space<hbm>>
      tpu.enqueue_indirect_dma source(%dma_start3A_435 : memref<10000x128xf32, #tpu.memory_space<hbm>>) target(%dma_start3A_429 : memref<40x128xf32, #tpu.memory_space<vmem>>) offsets(%dma_start3A_432 : memref<40xi32, #tpu.memory_space<vmem>>) semaphore(%arg12 : memref<!tpu.dma_semaphore, #tpu.memory_space<semaphore_mem>>)
      %dma_start3A_436 = arith.constant 1 : i32
      %dma_start3A_437 = arith.constant 2 : i32
      %dma_start3A_438 = arith.constant 2 : i32
      %dma_start3A_439 = arith.constant 0 : i32
      %dma_start3A_440 = arith.constant 0 : i32
      %dma_start3A_441 = tpu.memref_slice %arg9[%dma_start3A_438, %dma_start3A_439, %dma_start3A_440] : memref<5x40x128xf32, #tpu.memory_space<vmem>> -> memref<1x40x128xf32, #tpu.memory_space<vmem>>
      %dma_start3A_442 = tpu.memref_squeeze %dma_start3A_441 : memref<1x40x128xf32, #tpu.memory_space<vmem>> -> memref<40x128xf32, #tpu.memory_space<vmem>>
      %dma_start3A_443 = arith.constant 0 : i32
      %dma_start3A_444 = tpu.memref_slice %arg7[%dma_start3A_436, %dma_start3A_437, %dma_start3A_443] : memref<2x5x40xi32, #tpu.memory_space<vmem>> -> memref<1x1x40xi32, #tpu.memory_space<vmem>>
      %dma_start3A_445 = tpu.memref_squeeze %dma_start3A_444 : memref<1x1x40xi32, #tpu.memory_space<vmem>> -> memref<40xi32, #tpu.memory_space<vmem>>
      %dma_start3A_446 = arith.constant 0 : i32
      %dma_start3A_447 = arith.constant 0 : i32
      %dma_start3A_448 = tpu.memref_slice %arg2[%dma_start3A_446, %dma_start3A_447] : memref<10000x128xf32, #tpu.memory_space<hbm>> -> memref<10000x128xf32, #tpu.memory_space<hbm>>
      tpu.enqueue_indirect_dma source(%dma_start3A_448 : memref<10000x128xf32, #tpu.memory_space<hbm>>) target(%dma_start3A_442 : memref<40x128xf32, #tpu.memory_space<vmem>>) offsets(%dma_start3A_445 : memref<40xi32, #tpu.memory_space<vmem>>) semaphore(%arg12 : memref<!tpu.dma_semaphore, #tpu.memory_space<semaphore_mem>>)
      %dma_start3A_449 = arith.constant 1 : i32
      %dma_start3A_450 = arith.constant 3 : i32
      %dma_start3A_451 = arith.constant 3 : i32
      %dma_start3A_452 = arith.constant 0 : i32
      %dma_start3A_453 = arith.constant 0 : i32
      %dma_start3A_454 = tpu.memref_slice %arg9[%dma_start3A_451, %dma_start3A_452, %dma_start3A_453] : memref<5x40x128xf32, #tpu.memory_space<vmem>> -> memref<1x40x128xf32, #tpu.memory_space<vmem>>
      %dma_start3A_455 = tpu.memref_squeeze %dma_start3A_454 : memref<1x40x128xf32, #tpu.memory_space<vmem>> -> memref<40x128xf32, #tpu.memory_space<vmem>>
      %dma_start3A_456 = arith.constant 0 : i32
      %dma_start3A_457 = tpu.memref_slice %arg7[%dma_start3A_449, %dma_start3A_450, %dma_start3A_456] : memref<2x5x40xi32, #tpu.memory_space<vmem>> -> memref<1x1x40xi32, #tpu.memory_space<vmem>>
      %dma_start3A_458 = tpu.memref_squeeze %dma_start3A_457 : memref<1x1x40xi32, #tpu.memory_space<vmem>> -> memref<40xi32, #tpu.memory_space<vmem>>
      %dma_start3A_459 = arith.constant 0 : i32
      %dma_start3A_460 = arith.constant 0 : i32
      %dma_start3A_461 = tpu.memref_slice %arg2[%dma_start3A_459, %dma_start3A_460] : memref<10000x128xf32, #tpu.memory_space<hbm>> -> memref<10000x128xf32, #tpu.memory_space<hbm>>
      tpu.enqueue_indirect_dma source(%dma_start3A_461 : memref<10000x128xf32, #tpu.memory_space<hbm>>) target(%dma_start3A_455 : memref<40x128xf32, #tpu.memory_space<vmem>>) offsets(%dma_start3A_458 : memref<40xi32, #tpu.memory_space<vmem>>) semaphore(%arg12 : memref<!tpu.dma_semaphore, #tpu.memory_space<semaphore_mem>>)
      %dma_start3A_462 = arith.constant 1 : i32
      %dma_start3A_463 = arith.constant 4 : i32
      %dma_start3A_464 = arith.constant 4 : i32
      %dma_start3A_465 = arith.constant 0 : i32
      %dma_start3A_466 = arith.constant 0 : i32
      %dma_start3A_467 = tpu.memref_slice %arg9[%dma_start3A_464, %dma_start3A_465, %dma_start3A_466] : memref<5x40x128xf32, #tpu.memory_space<vmem>> -> memref<1x40x128xf32, #tpu.memory_space<vmem>>
      %dma_start3A_468 = tpu.memref_squeeze %dma_start3A_467 : memref<1x40x128xf32, #tpu.memory_space<vmem>> -> memref<40x128xf32, #tpu.memory_space<vmem>>
      %dma_start3A_469 = arith.constant 0 : i32
      %dma_start3A_470 = tpu.memref_slice %arg7[%dma_start3A_462, %dma_start3A_463, %dma_start3A_469] : memref<2x5x40xi32, #tpu.memory_space<vmem>> -> memref<1x1x40xi32, #tpu.memory_space<vmem>>
      %dma_start3A_471 = tpu.memref_squeeze %dma_start3A_470 : memref<1x1x40xi32, #tpu.memory_space<vmem>> -> memref<40xi32, #tpu.memory_space<vmem>>
      %dma_start3A_472 = arith.constant 0 : i32
      %dma_start3A_473 = arith.constant 0 : i32
      %dma_start3A_474 = tpu.memref_slice %arg2[%dma_start3A_472, %dma_start3A_473] : memref<10000x128xf32, #tpu.memory_space<hbm>> -> memref<10000x128xf32, #tpu.memory_space<hbm>>
      tpu.enqueue_indirect_dma source(%dma_start3A_474 : memref<10000x128xf32, #tpu.memory_space<hbm>>) target(%dma_start3A_468 : memref<40x128xf32, #tpu.memory_space<vmem>>) offsets(%dma_start3A_471 : memref<40xi32, #tpu.memory_space<vmem>>) semaphore(%arg12 : memref<!tpu.dma_semaphore, #tpu.memory_space<semaphore_mem>>)
      %dma_wait3A_475 = arith.constant 1 : i32
      %dma_wait3A_476 = arith.constant 0 : i32
      %dma_wait3A_477 = arith.constant 0 : i32
      %dma_wait3A_478 = arith.constant 0 : i32
      %dma_wait3A_479 = arith.constant 0 : i32
      %dma_wait3A_480 = tpu.memref_slice %arg9[%dma_wait3A_477, %dma_wait3A_478, %dma_wait3A_479] : memref<5x40x128xf32, #tpu.memory_space<vmem>> -> memref<1x40x128xf32, #tpu.memory_space<vmem>>
      %dma_wait3A_481 = tpu.memref_squeeze %dma_wait3A_480 : memref<1x40x128xf32, #tpu.memory_space<vmem>> -> memref<40x128xf32, #tpu.memory_space<vmem>>
      %dma_wait3A_482 = arith.constant 0 : i32
      %dma_wait3A_483 = tpu.memref_slice %arg7[%dma_wait3A_475, %dma_wait3A_476, %dma_wait3A_482] : memref<2x5x40xi32, #tpu.memory_space<vmem>> -> memref<1x1x40xi32, #tpu.memory_space<vmem>>
      %dma_wait3A_484 = tpu.memref_squeeze %dma_wait3A_483 : memref<1x1x40xi32, #tpu.memory_space<vmem>> -> memref<40xi32, #tpu.memory_space<vmem>>
      %dma_wait3A_485 = arith.constant 0 : i32
      %dma_wait3A_486 = arith.constant 0 : i32
      %dma_wait3A_487 = tpu.memref_slice %arg2[%dma_wait3A_485, %dma_wait3A_486] : memref<10000x128xf32, #tpu.memory_space<hbm>> -> memref<10000x128xf32, #tpu.memory_space<hbm>>
      tpu.wait_indirect_dma semaphore(%arg12 : memref<!tpu.dma_semaphore, #tpu.memory_space<semaphore_mem>>) src(%dma_wait3A_487 : memref<10000x128xf32, #tpu.memory_space<hbm>>) dst(%dma_wait3A_481 : memref<40x128xf32, #tpu.memory_space<vmem>>)
      %dma_start3A_488 = arith.constant 0 : i32
      %dma_start3A_489 = arith.constant 1 : i32
      %dma_start3A_490 = arith.constant 0 : i32
      %dma_start3A_491 = arith.constant 0 : i32
      %dma_start3A_492 = arith.constant 0 : i32
      %dma_start3A_493 = tpu.memref_slice %arg9[%dma_start3A_488, %dma_start3A_491, %dma_start3A_492] : memref<5x40x128xf32, #tpu.memory_space<vmem>> -> memref<1x40x128xf32, #tpu.memory_space<vmem>>
      %dma_start3A_494 = tpu.memref_squeeze %dma_start3A_493 : memref<1x40x128xf32, #tpu.memory_space<vmem>> -> memref<40x128xf32, #tpu.memory_space<vmem>>
      %dma_start3A_495 = arith.constant 0 : i32
      %dma_start3A_496 = tpu.memref_slice %arg8[%dma_start3A_489, %dma_start3A_490, %dma_start3A_495] : memref<2x5x40xi32, #tpu.memory_space<vmem>> -> memref<1x1x40xi32, #tpu.memory_space<vmem>>
      %dma_start3A_497 = tpu.memref_squeeze %dma_start3A_496 : memref<1x1x40xi32, #tpu.memory_space<vmem>> -> memref<40xi32, #tpu.memory_space<vmem>>
      %dma_start3A_498 = arith.constant 0 : i32
      %dma_start3A_499 = arith.constant 0 : i32
      %dma_start3A_500 = tpu.memref_slice %arg10[%dma_start3A_498, %dma_start3A_499] : memref<10000x128xf32, #tpu.memory_space<vmem_shared>> -> memref<10000x128xf32, #tpu.memory_space<vmem_shared>>
      tpu.enqueue_indirect_dma source(%dma_start3A_494 : memref<40x128xf32, #tpu.memory_space<vmem>>) target(%dma_start3A_500 : memref<10000x128xf32, #tpu.memory_space<vmem_shared>>) offsets(%dma_start3A_497 : memref<40xi32, #tpu.memory_space<vmem>>) semaphore(%arg13 : memref<!tpu.dma_semaphore, #tpu.memory_space<semaphore_mem>>) {add = true}
      %dma_wait3A_501 = arith.constant 1 : i32
      %dma_wait3A_502 = arith.constant 1 : i32
      %dma_wait3A_503 = arith.constant 1 : i32
      %dma_wait3A_504 = arith.constant 0 : i32
      %dma_wait3A_505 = arith.constant 0 : i32
      %dma_wait3A_506 = tpu.memref_slice %arg9[%dma_wait3A_503, %dma_wait3A_504, %dma_wait3A_505] : memref<5x40x128xf32, #tpu.memory_space<vmem>> -> memref<1x40x128xf32, #tpu.memory_space<vmem>>
      %dma_wait3A_507 = tpu.memref_squeeze %dma_wait3A_506 : memref<1x40x128xf32, #tpu.memory_space<vmem>> -> memref<40x128xf32, #tpu.memory_space<vmem>>
      %dma_wait3A_508 = arith.constant 0 : i32
      %dma_wait3A_509 = tpu.memref_slice %arg7[%dma_wait3A_501, %dma_wait3A_502, %dma_wait3A_508] : memref<2x5x40xi32, #tpu.memory_space<vmem>> -> memref<1x1x40xi32, #tpu.memory_space<vmem>>
      %dma_wait3A_510 = tpu.memref_squeeze %dma_wait3A_509 : memref<1x1x40xi32, #tpu.memory_space<vmem>> -> memref<40xi32, #tpu.memory_space<vmem>>
      %dma_wait3A_511 = arith.constant 0 : i32
      %dma_wait3A_512 = arith.constant 0 : i32
      %dma_wait3A_513 = tpu.memref_slice %arg2[%dma_wait3A_511, %dma_wait3A_512] : memref<10000x128xf32, #tpu.memory_space<hbm>> -> memref<10000x128xf32, #tpu.memory_space<hbm>>
      tpu.wait_indirect_dma semaphore(%arg12 : memref<!tpu.dma_semaphore, #tpu.memory_space<semaphore_mem>>) src(%dma_wait3A_513 : memref<10000x128xf32, #tpu.memory_space<hbm>>) dst(%dma_wait3A_507 : memref<40x128xf32, #tpu.memory_space<vmem>>)
      %dma_start3A_514 = arith.constant 1 : i32
      %dma_start3A_515 = arith.constant 1 : i32
      %dma_start3A_516 = arith.constant 1 : i32
      %dma_start3A_517 = arith.constant 0 : i32
      %dma_start3A_518 = arith.constant 0 : i32
      %dma_start3A_519 = tpu.memref_slice %arg9[%dma_start3A_514, %dma_start3A_517, %dma_start3A_518] : memref<5x40x128xf32, #tpu.memory_space<vmem>> -> memref<1x40x128xf32, #tpu.memory_space<vmem>>
      %dma_start3A_520 = tpu.memref_squeeze %dma_start3A_519 : memref<1x40x128xf32, #tpu.memory_space<vmem>> -> memref<40x128xf32, #tpu.memory_space<vmem>>
      %dma_start3A_521 = arith.constant 0 : i32
      %dma_start3A_522 = tpu.memref_slice %arg8[%dma_start3A_515, %dma_start3A_516, %dma_start3A_521] : memref<2x5x40xi32, #tpu.memory_space<vmem>> -> memref<1x1x40xi32, #tpu.memory_space<vmem>>
      %dma_start3A_523 = tpu.memref_squeeze %dma_start3A_522 : memref<1x1x40xi32, #tpu.memory_space<vmem>> -> memref<40xi32, #tpu.memory_space<vmem>>
      %dma_start3A_524 = arith.constant 0 : i32
      %dma_start3A_525 = arith.constant 0 : i32
      %dma_start3A_526 = tpu.memref_slice %arg10[%dma_start3A_524, %dma_start3A_525] : memref<10000x128xf32, #tpu.memory_space<vmem_shared>> -> memref<10000x128xf32, #tpu.memory_space<vmem_shared>>
      tpu.enqueue_indirect_dma source(%dma_start3A_520 : memref<40x128xf32, #tpu.memory_space<vmem>>) target(%dma_start3A_526 : memref<10000x128xf32, #tpu.memory_space<vmem_shared>>) offsets(%dma_start3A_523 : memref<40xi32, #tpu.memory_space<vmem>>) semaphore(%arg13 : memref<!tpu.dma_semaphore, #tpu.memory_space<semaphore_mem>>) {add = true}
      %dma_wait3A_527 = arith.constant 1 : i32
      %dma_wait3A_528 = arith.constant 2 : i32
      %dma_wait3A_529 = arith.constant 2 : i32
      %dma_wait3A_530 = arith.constant 0 : i32
      %dma_wait3A_531 = arith.constant 0 : i32
      %dma_wait3A_532 = tpu.memref_slice %arg9[%dma_wait3A_529, %dma_wait3A_530, %dma_wait3A_531] : memref<5x40x128xf32, #tpu.memory_space<vmem>> -> memref<1x40x128xf32, #tpu.memory_space<vmem>>
      %dma_wait3A_533 = tpu.memref_squeeze %dma_wait3A_532 : memref<1x40x128xf32, #tpu.memory_space<vmem>> -> memref<40x128xf32, #tpu.memory_space<vmem>>
      %dma_wait3A_534 = arith.constant 0 : i32
      %dma_wait3A_535 = tpu.memref_slice %arg7[%dma_wait3A_527, %dma_wait3A_528, %dma_wait3A_534] : memref<2x5x40xi32, #tpu.memory_space<vmem>> -> memref<1x1x40xi32, #tpu.memory_space<vmem>>
      %dma_wait3A_536 = tpu.memref_squeeze %dma_wait3A_535 : memref<1x1x40xi32, #tpu.memory_space<vmem>> -> memref<40xi32, #tpu.memory_space<vmem>>
      %dma_wait3A_537 = arith.constant 0 : i32
      %dma_wait3A_538 = arith.constant 0 : i32
      %dma_wait3A_539 = tpu.memref_slice %arg2[%dma_wait3A_537, %dma_wait3A_538] : memref<10000x128xf32, #tpu.memory_space<hbm>> -> memref<10000x128xf32, #tpu.memory_space<hbm>>
      tpu.wait_indirect_dma semaphore(%arg12 : memref<!tpu.dma_semaphore, #tpu.memory_space<semaphore_mem>>) src(%dma_wait3A_539 : memref<10000x128xf32, #tpu.memory_space<hbm>>) dst(%dma_wait3A_533 : memref<40x128xf32, #tpu.memory_space<vmem>>)
      %dma_start3A_540 = arith.constant 2 : i32
      %dma_start3A_541 = arith.constant 1 : i32
      %dma_start3A_542 = arith.constant 2 : i32
      %dma_start3A_543 = arith.constant 0 : i32
      %dma_start3A_544 = arith.constant 0 : i32
      %dma_start3A_545 = tpu.memref_slice %arg9[%dma_start3A_540, %dma_start3A_543, %dma_start3A_544] : memref<5x40x128xf32, #tpu.memory_space<vmem>> -> memref<1x40x128xf32, #tpu.memory_space<vmem>>
      %dma_start3A_546 = tpu.memref_squeeze %dma_start3A_545 : memref<1x40x128xf32, #tpu.memory_space<vmem>> -> memref<40x128xf32, #tpu.memory_space<vmem>>
      %dma_start3A_547 = arith.constant 0 : i32
      %dma_start3A_548 = tpu.memref_slice %arg8[%dma_start3A_541, %dma_start3A_542, %dma_start3A_547] : memref<2x5x40xi32, #tpu.memory_space<vmem>> -> memref<1x1x40xi32, #tpu.memory_space<vmem>>
      %dma_start3A_549 = tpu.memref_squeeze %dma_start3A_548 : memref<1x1x40xi32, #tpu.memory_space<vmem>> -> memref<40xi32, #tpu.memory_space<vmem>>
      %dma_start3A_550 = arith.constant 0 : i32
      %dma_start3A_551 = arith.constant 0 : i32
      %dma_start3A_552 = tpu.memref_slice %arg10[%dma_start3A_550, %dma_start3A_551] : memref<10000x128xf32, #tpu.memory_space<vmem_shared>> -> memref<10000x128xf32, #tpu.memory_space<vmem_shared>>
      tpu.enqueue_indirect_dma source(%dma_start3A_546 : memref<40x128xf32, #tpu.memory_space<vmem>>) target(%dma_start3A_552 : memref<10000x128xf32, #tpu.memory_space<vmem_shared>>) offsets(%dma_start3A_549 : memref<40xi32, #tpu.memory_space<vmem>>) semaphore(%arg13 : memref<!tpu.dma_semaphore, #tpu.memory_space<semaphore_mem>>) {add = true}
      %dma_wait3A_553 = arith.constant 1 : i32
      %dma_wait3A_554 = arith.constant 3 : i32
      %dma_wait3A_555 = arith.constant 3 : i32
      %dma_wait3A_556 = arith.constant 0 : i32
      %dma_wait3A_557 = arith.constant 0 : i32
      %dma_wait3A_558 = tpu.memref_slice %arg9[%dma_wait3A_555, %dma_wait3A_556, %dma_wait3A_557] : memref<5x40x128xf32, #tpu.memory_space<vmem>> -> memref<1x40x128xf32, #tpu.memory_space<vmem>>
      %dma_wait3A_559 = tpu.memref_squeeze %dma_wait3A_558 : memref<1x40x128xf32, #tpu.memory_space<vmem>> -> memref<40x128xf32, #tpu.memory_space<vmem>>
      %dma_wait3A_560 = arith.constant 0 : i32
      %dma_wait3A_561 = tpu.memref_slice %arg7[%dma_wait3A_553, %dma_wait3A_554, %dma_wait3A_560] : memref<2x5x40xi32, #tpu.memory_space<vmem>> -> memref<1x1x40xi32, #tpu.memory_space<vmem>>
      %dma_wait3A_562 = tpu.memref_squeeze %dma_wait3A_561 : memref<1x1x40xi32, #tpu.memory_space<vmem>> -> memref<40xi32, #tpu.memory_space<vmem>>
      %dma_wait3A_563 = arith.constant 0 : i32
      %dma_wait3A_564 = arith.constant 0 : i32
      %dma_wait3A_565 = tpu.memref_slice %arg2[%dma_wait3A_563, %dma_wait3A_564] : memref<10000x128xf32, #tpu.memory_space<hbm>> -> memref<10000x128xf32, #tpu.memory_space<hbm>>
      tpu.wait_indirect_dma semaphore(%arg12 : memref<!tpu.dma_semaphore, #tpu.memory_space<semaphore_mem>>) src(%dma_wait3A_565 : memref<10000x128xf32, #tpu.memory_space<hbm>>) dst(%dma_wait3A_559 : memref<40x128xf32, #tpu.memory_space<vmem>>)
      %dma_start3A_566 = arith.constant 3 : i32
      %dma_start3A_567 = arith.constant 1 : i32
      %dma_start3A_568 = arith.constant 3 : i32
      %dma_start3A_569 = arith.constant 0 : i32
      %dma_start3A_570 = arith.constant 0 : i32
      %dma_start3A_571 = tpu.memref_slice %arg9[%dma_start3A_566, %dma_start3A_569, %dma_start3A_570] : memref<5x40x128xf32, #tpu.memory_space<vmem>> -> memref<1x40x128xf32, #tpu.memory_space<vmem>>
      %dma_start3A_572 = tpu.memref_squeeze %dma_start3A_571 : memref<1x40x128xf32, #tpu.memory_space<vmem>> -> memref<40x128xf32, #tpu.memory_space<vmem>>
      %dma_start3A_573 = arith.constant 0 : i32
      %dma_start3A_574 = tpu.memref_slice %arg8[%dma_start3A_567, %dma_start3A_568, %dma_start3A_573] : memref<2x5x40xi32, #tpu.memory_space<vmem>> -> memref<1x1x40xi32, #tpu.memory_space<vmem>>
      %dma_start3A_575 = tpu.memref_squeeze %dma_start3A_574 : memref<1x1x40xi32, #tpu.memory_space<vmem>> -> memref<40xi32, #tpu.memory_space<vmem>>
      %dma_start3A_576 = arith.constant 0 : i32
      %dma_start3A_577 = arith.constant 0 : i32
      %dma_start3A_578 = tpu.memref_slice %arg10[%dma_start3A_576, %dma_start3A_577] : memref<10000x128xf32, #tpu.memory_space<vmem_shared>> -> memref<10000x128xf32, #tpu.memory_space<vmem_shared>>
      tpu.enqueue_indirect_dma source(%dma_start3A_572 : memref<40x128xf32, #tpu.memory_space<vmem>>) target(%dma_start3A_578 : memref<10000x128xf32, #tpu.memory_space<vmem_shared>>) offsets(%dma_start3A_575 : memref<40xi32, #tpu.memory_space<vmem>>) semaphore(%arg13 : memref<!tpu.dma_semaphore, #tpu.memory_space<semaphore_mem>>) {add = true}
      %dma_wait3A_579 = arith.constant 1 : i32
      %dma_wait3A_580 = arith.constant 4 : i32
      %dma_wait3A_581 = arith.constant 4 : i32
      %dma_wait3A_582 = arith.constant 0 : i32
      %dma_wait3A_583 = arith.constant 0 : i32
      %dma_wait3A_584 = tpu.memref_slice %arg9[%dma_wait3A_581, %dma_wait3A_582, %dma_wait3A_583] : memref<5x40x128xf32, #tpu.memory_space<vmem>> -> memref<1x40x128xf32, #tpu.memory_space<vmem>>
      %dma_wait3A_585 = tpu.memref_squeeze %dma_wait3A_584 : memref<1x40x128xf32, #tpu.memory_space<vmem>> -> memref<40x128xf32, #tpu.memory_space<vmem>>
      %dma_wait3A_586 = arith.constant 0 : i32
      %dma_wait3A_587 = tpu.memref_slice %arg7[%dma_wait3A_579, %dma_wait3A_580, %dma_wait3A_586] : memref<2x5x40xi32, #tpu.memory_space<vmem>> -> memref<1x1x40xi32, #tpu.memory_space<vmem>>
      %dma_wait3A_588 = tpu.memref_squeeze %dma_wait3A_587 : memref<1x1x40xi32, #tpu.memory_space<vmem>> -> memref<40xi32, #tpu.memory_space<vmem>>
      %dma_wait3A_589 = arith.constant 0 : i32
      %dma_wait3A_590 = arith.constant 0 : i32
      %dma_wait3A_591 = tpu.memref_slice %arg2[%dma_wait3A_589, %dma_wait3A_590] : memref<10000x128xf32, #tpu.memory_space<hbm>> -> memref<10000x128xf32, #tpu.memory_space<hbm>>
      tpu.wait_indirect_dma semaphore(%arg12 : memref<!tpu.dma_semaphore, #tpu.memory_space<semaphore_mem>>) src(%dma_wait3A_591 : memref<10000x128xf32, #tpu.memory_space<hbm>>) dst(%dma_wait3A_585 : memref<40x128xf32, #tpu.memory_space<vmem>>)
      %dma_start3A_592 = arith.constant 4 : i32
      %dma_start3A_593 = arith.constant 1 : i32
      %dma_start3A_594 = arith.constant 4 : i32
      %dma_start3A_595 = arith.constant 0 : i32
      %dma_start3A_596 = arith.constant 0 : i32
      %dma_start3A_597 = tpu.memref_slice %arg9[%dma_start3A_592, %dma_start3A_595, %dma_start3A_596] : memref<5x40x128xf32, #tpu.memory_space<vmem>> -> memref<1x40x128xf32, #tpu.memory_space<vmem>>
      %dma_start3A_598 = tpu.memref_squeeze %dma_start3A_597 : memref<1x40x128xf32, #tpu.memory_space<vmem>> -> memref<40x128xf32, #tpu.memory_space<vmem>>
      %dma_start3A_599 = arith.constant 0 : i32
      %dma_start3A_600 = tpu.memref_slice %arg8[%dma_start3A_593, %dma_start3A_594, %dma_start3A_599] : memref<2x5x40xi32, #tpu.memory_space<vmem>> -> memref<1x1x40xi32, #tpu.memory_space<vmem>>
      %dma_start3A_601 = tpu.memref_squeeze %dma_start3A_600 : memref<1x1x40xi32, #tpu.memory_space<vmem>> -> memref<40xi32, #tpu.memory_space<vmem>>
      %dma_start3A_602 = arith.constant 0 : i32
      %dma_start3A_603 = arith.constant 0 : i32
      %dma_start3A_604 = tpu.memref_slice %arg10[%dma_start3A_602, %dma_start3A_603] : memref<10000x128xf32, #tpu.memory_space<vmem_shared>> -> memref<10000x128xf32, #tpu.memory_space<vmem_shared>>
      tpu.enqueue_indirect_dma source(%dma_start3A_598 : memref<40x128xf32, #tpu.memory_space<vmem>>) target(%dma_start3A_604 : memref<10000x128xf32, #tpu.memory_space<vmem_shared>>) offsets(%dma_start3A_601 : memref<40xi32, #tpu.memory_space<vmem>>) semaphore(%arg13 : memref<!tpu.dma_semaphore, #tpu.memory_space<semaphore_mem>>) {add = true}
      %dma_wait3A_605 = arith.constant 0 : i32
      %dma_wait3A_606 = arith.constant 1 : i32
      %dma_wait3A_607 = arith.constant 0 : i32
      %dma_wait3A_608 = arith.constant 0 : i32
      %dma_wait3A_609 = arith.constant 0 : i32
      %dma_wait3A_610 = tpu.memref_slice %arg9[%dma_wait3A_605, %dma_wait3A_608, %dma_wait3A_609] : memref<5x40x128xf32, #tpu.memory_space<vmem>> -> memref<1x40x128xf32, #tpu.memory_space<vmem>>
      %dma_wait3A_611 = tpu.memref_squeeze %dma_wait3A_610 : memref<1x40x128xf32, #tpu.memory_space<vmem>> -> memref<40x128xf32, #tpu.memory_space<vmem>>
      %dma_wait3A_612 = arith.constant 0 : i32
      %dma_wait3A_613 = tpu.memref_slice %arg8[%dma_wait3A_606, %dma_wait3A_607, %dma_wait3A_612] : memref<2x5x40xi32, #tpu.memory_space<vmem>> -> memref<1x1x40xi32, #tpu.memory_space<vmem>>
      %dma_wait3A_614 = tpu.memref_squeeze %dma_wait3A_613 : memref<1x1x40xi32, #tpu.memory_space<vmem>> -> memref<40xi32, #tpu.memory_space<vmem>>
      %dma_wait3A_615 = arith.constant 0 : i32
      %dma_wait3A_616 = arith.constant 0 : i32
      %dma_wait3A_617 = tpu.memref_slice %arg10[%dma_wait3A_615, %dma_wait3A_616] : memref<10000x128xf32, #tpu.memory_space<vmem_shared>> -> memref<10000x128xf32, #tpu.memory_space<vmem_shared>>
      tpu.wait_indirect_dma semaphore(%arg13 : memref<!tpu.dma_semaphore, #tpu.memory_space<semaphore_mem>>) src(%dma_wait3A_611 : memref<40x128xf32, #tpu.memory_space<vmem>>) dst(%dma_wait3A_617 : memref<10000x128xf32, #tpu.memory_space<vmem_shared>>)
      %dma_wait3A_618 = arith.constant 1 : i32
      %dma_wait3A_619 = arith.constant 1 : i32
      %dma_wait3A_620 = arith.constant 1 : i32
      %dma_wait3A_621 = arith.constant 0 : i32
      %dma_wait3A_622 = arith.constant 0 : i32
      %dma_wait3A_623 = tpu.memref_slice %arg9[%dma_wait3A_618, %dma_wait3A_621, %dma_wait3A_622] : memref<5x40x128xf32, #tpu.memory_space<vmem>> -> memref<1x40x128xf32, #tpu.memory_space<vmem>>
      %dma_wait3A_624 = tpu.memref_squeeze %dma_wait3A_623 : memref<1x40x128xf32, #tpu.memory_space<vmem>> -> memref<40x128xf32, #tpu.memory_space<vmem>>
      %dma_wait3A_625 = arith.constant 0 : i32
      %dma_wait3A_626 = tpu.memref_slice %arg8[%dma_wait3A_619, %dma_wait3A_620, %dma_wait3A_625] : memref<2x5x40xi32, #tpu.memory_space<vmem>> -> memref<1x1x40xi32, #tpu.memory_space<vmem>>
      %dma_wait3A_627 = tpu.memref_squeeze %dma_wait3A_626 : memref<1x1x40xi32, #tpu.memory_space<vmem>> -> memref<40xi32, #tpu.memory_space<vmem>>
      %dma_wait3A_628 = arith.constant 0 : i32
      %dma_wait3A_629 = arith.constant 0 : i32
      %dma_wait3A_630 = tpu.memref_slice %arg10[%dma_wait3A_628, %dma_wait3A_629] : memref<10000x128xf32, #tpu.memory_space<vmem_shared>> -> memref<10000x128xf32, #tpu.memory_space<vmem_shared>>
      tpu.wait_indirect_dma semaphore(%arg13 : memref<!tpu.dma_semaphore, #tpu.memory_space<semaphore_mem>>) src(%dma_wait3A_624 : memref<40x128xf32, #tpu.memory_space<vmem>>) dst(%dma_wait3A_630 : memref<10000x128xf32, #tpu.memory_space<vmem_shared>>)
      %dma_wait3A_631 = arith.constant 2 : i32
      %dma_wait3A_632 = arith.constant 1 : i32
      %dma_wait3A_633 = arith.constant 2 : i32
      %dma_wait3A_634 = arith.constant 0 : i32
      %dma_wait3A_635 = arith.constant 0 : i32
      %dma_wait3A_636 = tpu.memref_slice %arg9[%dma_wait3A_631, %dma_wait3A_634, %dma_wait3A_635] : memref<5x40x128xf32, #tpu.memory_space<vmem>> -> memref<1x40x128xf32, #tpu.memory_space<vmem>>
      %dma_wait3A_637 = tpu.memref_squeeze %dma_wait3A_636 : memref<1x40x128xf32, #tpu.memory_space<vmem>> -> memref<40x128xf32, #tpu.memory_space<vmem>>
      %dma_wait3A_638 = arith.constant 0 : i32
      %dma_wait3A_639 = tpu.memref_slice %arg8[%dma_wait3A_632, %dma_wait3A_633, %dma_wait3A_638] : memref<2x5x40xi32, #tpu.memory_space<vmem>> -> memref<1x1x40xi32, #tpu.memory_space<vmem>>
      %dma_wait3A_640 = tpu.memref_squeeze %dma_wait3A_639 : memref<1x1x40xi32, #tpu.memory_space<vmem>> -> memref<40xi32, #tpu.memory_space<vmem>>
      %dma_wait3A_641 = arith.constant 0 : i32
      %dma_wait3A_642 = arith.constant 0 : i32
      %dma_wait3A_643 = tpu.memref_slice %arg10[%dma_wait3A_641, %dma_wait3A_642] : memref<10000x128xf32, #tpu.memory_space<vmem_shared>> -> memref<10000x128xf32, #tpu.memory_space<vmem_shared>>
      tpu.wait_indirect_dma semaphore(%arg13 : memref<!tpu.dma_semaphore, #tpu.memory_space<semaphore_mem>>) src(%dma_wait3A_637 : memref<40x128xf32, #tpu.memory_space<vmem>>) dst(%dma_wait3A_643 : memref<10000x128xf32, #tpu.memory_space<vmem_shared>>)
      %dma_wait3A_644 = arith.constant 3 : i32
      %dma_wait3A_645 = arith.constant 1 : i32
      %dma_wait3A_646 = arith.constant 3 : i32
      %dma_wait3A_647 = arith.constant 0 : i32
      %dma_wait3A_648 = arith.constant 0 : i32
      %dma_wait3A_649 = tpu.memref_slice %arg9[%dma_wait3A_644, %dma_wait3A_647, %dma_wait3A_648] : memref<5x40x128xf32, #tpu.memory_space<vmem>> -> memref<1x40x128xf32, #tpu.memory_space<vmem>>
      %dma_wait3A_650 = tpu.memref_squeeze %dma_wait3A_649 : memref<1x40x128xf32, #tpu.memory_space<vmem>> -> memref<40x128xf32, #tpu.memory_space<vmem>>
      %dma_wait3A_651 = arith.constant 0 : i32
      %dma_wait3A_652 = tpu.memref_slice %arg8[%dma_wait3A_645, %dma_wait3A_646, %dma_wait3A_651] : memref<2x5x40xi32, #tpu.memory_space<vmem>> -> memref<1x1x40xi32, #tpu.memory_space<vmem>>
      %dma_wait3A_653 = tpu.memref_squeeze %dma_wait3A_652 : memref<1x1x40xi32, #tpu.memory_space<vmem>> -> memref<40xi32, #tpu.memory_space<vmem>>
      %dma_wait3A_654 = arith.constant 0 : i32
      %dma_wait3A_655 = arith.constant 0 : i32
      %dma_wait3A_656 = tpu.memref_slice %arg10[%dma_wait3A_654, %dma_wait3A_655] : memref<10000x128xf32, #tpu.memory_space<vmem_shared>> -> memref<10000x128xf32, #tpu.memory_space<vmem_shared>>
      tpu.wait_indirect_dma semaphore(%arg13 : memref<!tpu.dma_semaphore, #tpu.memory_space<semaphore_mem>>) src(%dma_wait3A_650 : memref<40x128xf32, #tpu.memory_space<vmem>>) dst(%dma_wait3A_656 : memref<10000x128xf32, #tpu.memory_space<vmem_shared>>)
      %dma_wait3A_657 = arith.constant 4 : i32
      %dma_wait3A_658 = arith.constant 1 : i32
      %dma_wait3A_659 = arith.constant 4 : i32
      %dma_wait3A_660 = arith.constant 0 : i32
      %dma_wait3A_661 = arith.constant 0 : i32
      %dma_wait3A_662 = tpu.memref_slice %arg9[%dma_wait3A_657, %dma_wait3A_660, %dma_wait3A_661] : memref<5x40x128xf32, #tpu.memory_space<vmem>> -> memref<1x40x128xf32, #tpu.memory_space<vmem>>
      %dma_wait3A_663 = tpu.memref_squeeze %dma_wait3A_662 : memref<1x40x128xf32, #tpu.memory_space<vmem>> -> memref<40x128xf32, #tpu.memory_space<vmem>>
      %dma_wait3A_664 = arith.constant 0 : i32
      %dma_wait3A_665 = tpu.memref_slice %arg8[%dma_wait3A_658, %dma_wait3A_659, %dma_wait3A_664] : memref<2x5x40xi32, #tpu.memory_space<vmem>> -> memref<1x1x40xi32, #tpu.memory_space<vmem>>
      %dma_wait3A_666 = tpu.memref_squeeze %dma_wait3A_665 : memref<1x1x40xi32, #tpu.memory_space<vmem>> -> memref<40xi32, #tpu.memory_space<vmem>>
      %dma_wait3A_667 = arith.constant 0 : i32
      %dma_wait3A_668 = arith.constant 0 : i32
      %dma_wait3A_669 = tpu.memref_slice %arg10[%dma_wait3A_667, %dma_wait3A_668] : memref<10000x128xf32, #tpu.memory_space<vmem_shared>> -> memref<10000x128xf32, #tpu.memory_space<vmem_shared>>
      tpu.wait_indirect_dma semaphore(%arg13 : memref<!tpu.dma_semaphore, #tpu.memory_space<semaphore_mem>>) src(%dma_wait3A_663 : memref<40x128xf32, #tpu.memory_space<vmem>>) dst(%dma_wait3A_669 : memref<10000x128xf32, #tpu.memory_space<vmem_shared>>)
    }
    %scan3A_48 = arith.constant 25 : i32
    %barrier3A_49 = arith.constant 0 : index
    tpu.barrier barrier_id(%barrier3A_49)
    %lt3A_50 = arith.constant 15 : i32
    %lt3A_51 = arith.cmpi slt, %arg1, %lt3A_50 : i32
    %convert_element_type3A_52 = arith.extui %lt3A_51 : i1 to i32
    %cond3A_53 = arith.constant 0 : i32
    %cond3A_54 = arith.cmpi ne, %convert_element_type3A_52, %cond3A_53 : i32
    scf.if %cond3A_54 {
      "tpu.region"() ({
        %run_scoped3A = tpu.sem_alloc : memref<!tpu.dma_semaphore, #tpu.memory_space<semaphore_mem>>
        %dma_start3A_60 = arith.constant 0 : i32
        %dma_start3A_61 = tpu.memref_slice %arg6[%arg0, %mul3A_2, %dma_start3A_60] : memref<2x10000x128xf32, #tpu.memory_space<hbm>> -> memref<1x624x128xf32, #tpu.memory_space<hbm>>
        %dma_start3A_62 = tpu.memref_squeeze %dma_start3A_61 : memref<1x624x128xf32, #tpu.memory_space<hbm>> -> memref<624x128xf32, #tpu.memory_space<hbm>>
        %dma_start3A_63 = arith.constant 0 : i32
        %dma_start3A_64 = tpu.memref_slice %arg10[%mul3A_2, %dma_start3A_63] : memref<10000x128xf32, #tpu.memory_space<vmem_shared>> -> memref<624x128xf32, #tpu.memory_space<vmem_shared>>
        tpu.enqueue_dma source(%dma_start3A_64 : memref<624x128xf32, #tpu.memory_space<vmem_shared>>) target(%dma_start3A_62 : memref<624x128xf32, #tpu.memory_space<hbm>>) target_semaphore(%run_scoped3A : memref<!tpu.dma_semaphore, #tpu.memory_space<semaphore_mem>>)
        %dma_wait3A = arith.constant 0 : i32
        %dma_wait3A_65 = tpu.memref_slice %arg6[%arg0, %mul3A_2, %dma_wait3A] : memref<2x10000x128xf32, #tpu.memory_space<hbm>> -> memref<1x624x128xf32, #tpu.memory_space<hbm>>
        %dma_wait3A_66 = tpu.memref_squeeze %dma_wait3A_65 : memref<1x624x128xf32, #tpu.memory_space<hbm>> -> memref<624x128xf32, #tpu.memory_space<hbm>>
        %dma_wait3A_67 = arith.constant 0 : i32
        %dma_wait3A_68 = tpu.memref_slice %arg10[%mul3A_2, %dma_wait3A_67] : memref<10000x128xf32, #tpu.memory_space<vmem_shared>> -> memref<624x128xf32, #tpu.memory_space<vmem_shared>>
        tpu.wait_dma2 semaphore(%run_scoped3A : memref<!tpu.dma_semaphore, #tpu.memory_space<semaphore_mem>>) src(%dma_wait3A_68 : memref<624x128xf32, #tpu.memory_space<vmem_shared>>) dst(%dma_wait3A_66 : memref<624x128xf32, #tpu.memory_space<hbm>>)
        tpu.yield
      }) : () -> ()
    } else {
    }
    %eq3A_55 = arith.constant 15 : i32
    %eq3A_56 = arith.cmpi eq, %arg1, %eq3A_55 : i32
    %convert_element_type3A_57 = arith.extui %eq3A_56 : i1 to i32
    %cond3A_58 = arith.constant 0 : i32
    %cond3A_59 = arith.cmpi ne, %convert_element_type3A_57, %cond3A_58 : i32
    scf.if %cond3A_59 {
      "tpu.region"() ({
        %run_scoped3A = tpu.sem_alloc : memref<!tpu.dma_semaphore, #tpu.memory_space<semaphore_mem>>
        %dma_start3A_60 = arith.constant 0 : i32
        %dma_start3A_61 = tpu.memref_slice %arg6[%arg0, %mul3A_2, %dma_start3A_60] : memref<2x10000x128xf32, #tpu.memory_space<hbm>> -> memref<1x640x128xf32, #tpu.memory_space<hbm>>
        %dma_start3A_62 = tpu.memref_squeeze %dma_start3A_61 : memref<1x640x128xf32, #tpu.memory_space<hbm>> -> memref<640x128xf32, #tpu.memory_space<hbm>>
        %dma_start3A_63 = arith.constant 0 : i32
        %dma_start3A_64 = tpu.memref_slice %arg10[%mul3A_2, %dma_start3A_63] : memref<10000x128xf32, #tpu.memory_space<vmem_shared>> -> memref<640x128xf32, #tpu.memory_space<vmem_shared>>
        tpu.enqueue_dma source(%dma_start3A_64 : memref<640x128xf32, #tpu.memory_space<vmem_shared>>) target(%dma_start3A_62 : memref<640x128xf32, #tpu.memory_space<hbm>>) target_semaphore(%run_scoped3A : memref<!tpu.dma_semaphore, #tpu.memory_space<semaphore_mem>>)
        %dma_wait3A = arith.constant 0 : i32
        %dma_wait3A_65 = tpu.memref_slice %arg6[%arg0, %mul3A_2, %dma_wait3A] : memref<2x10000x128xf32, #tpu.memory_space<hbm>> -> memref<1x640x128xf32, #tpu.memory_space<hbm>>
        %dma_wait3A_66 = tpu.memref_squeeze %dma_wait3A_65 : memref<1x640x128xf32, #tpu.memory_space<hbm>> -> memref<640x128xf32, #tpu.memory_space<hbm>>
        %dma_wait3A_67 = arith.constant 0 : i32
        %dma_wait3A_68 = tpu.memref_slice %arg10[%mul3A_2, %dma_wait3A_67] : memref<10000x128xf32, #tpu.memory_space<vmem_shared>> -> memref<640x128xf32, #tpu.memory_space<vmem_shared>>
        tpu.wait_dma2 semaphore(%run_scoped3A : memref<!tpu.dma_semaphore, #tpu.memory_space<semaphore_mem>>) src(%dma_wait3A_68 : memref<640x128xf32, #tpu.memory_space<vmem_shared>>) dst(%dma_wait3A_66 : memref<640x128xf32, #tpu.memory_space<hbm>>)
        tpu.yield
      }) : () -> ()
    } else {
    }
    return
  }
}

#map = affine_map<(d0, d1) -> (0, 0)>
#map1 = affine_map<(d0, d1) -> (0, 0, 0, 0)>
#map2 = affine_map<(d0, d1) -> (0, 0, 0)>
module attributes {stable_mosaic.version = 14 : i64} {
  func.func @_scatter_body(%arg0: i32, %arg1: i32, %arg2: memref<10000x128xf32, #tpu.memory_space<hbm>>, %arg3: memref<32x50x5x40xi32, #tpu.memory_space<hbm>>, %arg4: memref<32x50x5x40xi32, #tpu.memory_space<hbm>>, %arg5: memref<10000x128xf32, #tpu.memory_space<hbm>>, %arg6: memref<2x10000x128xf32, #tpu.memory_space<hbm>>, %arg7: memref<2x5x40xi32, #tpu.memory_space<vmem>>, %arg8: memref<2x5x40xi32, #tpu.memory_space<vmem>>, %arg9: memref<5x40x128xf32, #tpu.memory_space<vmem>>, %arg10: memref<10000x128xf32, #tpu.memory_space<vmem_shared>>, %arg11: memref<!tpu.dma_semaphore, #tpu.memory_space<semaphore_mem>>, %arg12: memref<!tpu.dma_semaphore, #tpu.memory_space<semaphore_mem>>, %arg13: memref<!tpu.dma_semaphore, #tpu.memory_space<semaphore_mem>>) attributes {dimension_semantics = [#tpu.dimension_semantics<core_parallel>, #tpu.dimension_semantics<subcore_parallel>], iteration_bounds = array<i64: 2, 16>, scalar_prefetch = 0 : i64, scratch_operands = 7 : i64, tpu.core_type = #tpu.core_type<sc_vector_subcore>, window_params = [{transform_indices = #map}, {transform_indices = #map1}, {transform_indices = #map1}, {transform_indices = #map}, {transform_indices = #map2}]} {
    %mul3A = arith.constant 16 : i32
    %mul3A_0 = arith.muli %arg0, %mul3A : i32
    %add3A = arith.addi %mul3A_0, %arg1 : i32
    %mul3A_1 = arith.constant 624 : i32
    %mul3A_2 = arith.muli %arg1, %mul3A_1 : i32
    %dma_start3A = arith.constant 0 : i32
    %dma_start3A_3 = arith.constant 0 : i32
    %dma_start3A_4 = arith.constant 0 : i32
    %dma_start3A_5 = arith.constant 0 : i32
    %dma_start3A_6 = tpu.memref_slice %arg7[%dma_start3A_3, %dma_start3A_4, %dma_start3A_5] : memref<2x5x40xi32, #tpu.memory_space<vmem>> -> memref<1x5x40xi32, #tpu.memory_space<vmem>>
    %dma_start3A_7 = tpu.memref_squeeze %dma_start3A_6 : memref<1x5x40xi32, #tpu.memory_space<vmem>> -> memref<5x40xi32, #tpu.memory_space<vmem>>
    %dma_start3A_8 = arith.constant 0 : i32
    %dma_start3A_9 = arith.constant 0 : i32
    %dma_start3A_10 = tpu.memref_slice %arg3[%add3A, %dma_start3A, %dma_start3A_8, %dma_start3A_9] : memref<32x50x5x40xi32, #tpu.memory_space<hbm>> -> memref<1x1x5x40xi32, #tpu.memory_space<hbm>>
    %dma_start3A_11 = tpu.memref_squeeze %dma_start3A_10 : memref<1x1x5x40xi32, #tpu.memory_space<hbm>> -> memref<5x40xi32, #tpu.memory_space<hbm>>
    %dma_start3A_12 = arith.constant 0 : i32
    %dma_start3A_13 = arith.constant 0 : i32
    %dma_start3A_14 = tpu.memref_slice %arg7[%dma_start3A_3, %dma_start3A_12, %dma_start3A_13] : memref<2x5x40xi32, #tpu.memory_space<vmem>> -> memref<1x5x40xi32, #tpu.memory_space<vmem>>
    %dma_start3A_15 = tpu.memref_squeeze %dma_start3A_14 : memref<1x5x40xi32, #tpu.memory_space<vmem>> -> memref<5x40xi32, #tpu.memory_space<vmem>>
    %dma_start3A_16 = arith.constant 0 : i32
    %dma_start3A_17 = arith.constant 0 : i32
    %dma_start3A_18 = tpu.memref_slice %arg3[%add3A, %dma_start3A, %dma_start3A_16, %dma_start3A_17] : memref<32x50x5x40xi32, #tpu.memory_space<hbm>> -> memref<1x1x5x40xi32, #tpu.memory_space<hbm>>
    %dma_start3A_19 = tpu.memref_squeeze %dma_start3A_18 : memref<1x1x5x40xi32, #tpu.memory_space<hbm>> -> memref<5x40xi32, #tpu.memory_space<hbm>>
    tpu.enqueue_dma source(%dma_start3A_19 : memref<5x40xi32, #tpu.memory_space<hbm>>) target(%dma_start3A_15 : memref<5x40xi32, #tpu.memory_space<vmem>>) target_semaphore(%arg11 : memref<!tpu.dma_semaphore, #tpu.memory_space<semaphore_mem>>)
    %dma_start3A_20 = arith.constant 0 : i32
    %dma_start3A_21 = arith.constant 0 : i32
    %dma_start3A_22 = arith.constant 0 : i32
    %dma_start3A_23 = arith.constant 0 : i32
    %dma_start3A_24 = tpu.memref_slice %arg8[%dma_start3A_21, %dma_start3A_22, %dma_start3A_23] : memref<2x5x40xi32, #tpu.memory_space<vmem>> -> memref<1x5x40xi32, #tpu.memory_space<vmem>>
    %dma_start3A_25 = tpu.memref_squeeze %dma_start3A_24 : memref<1x5x40xi32, #tpu.memory_space<vmem>> -> memref<5x40xi32, #tpu.memory_space<vmem>>
    %dma_start3A_26 = arith.constant 0 : i32
    %dma_start3A_27 = arith.constant 0 : i32
    %dma_start3A_28 = tpu.memref_slice %arg4[%add3A, %dma_start3A_20, %dma_start3A_26, %dma_start3A_27] : memref<32x50x5x40xi32, #tpu.memory_space<hbm>> -> memref<1x1x5x40xi32, #tpu.memory_space<hbm>>
    %dma_start3A_29 = tpu.memref_squeeze %dma_start3A_28 : memref<1x1x5x40xi32, #tpu.memory_space<hbm>> -> memref<5x40xi32, #tpu.memory_space<hbm>>
    %dma_start3A_30 = arith.constant 0 : i32
    %dma_start3A_31 = arith.constant 0 : i32
    %dma_start3A_32 = tpu.memref_slice %arg8[%dma_start3A_21, %dma_start3A_30, %dma_start3A_31] : memref<2x5x40xi32, #tpu.memory_space<vmem>> -> memref<1x5x40xi32, #tpu.memory_space<vmem>>
    %dma_start3A_33 = tpu.memref_squeeze %dma_start3A_32 : memref<1x5x40xi32, #tpu.memory_space<vmem>> -> memref<5x40xi32, #tpu.memory_space<vmem>>
    %dma_start3A_34 = arith.constant 0 : i32
    %dma_start3A_35 = arith.constant 0 : i32
    %dma_start3A_36 = tpu.memref_slice %arg4[%add3A, %dma_start3A_20, %dma_start3A_34, %dma_start3A_35] : memref<32x50x5x40xi32, #tpu.memory_space<hbm>> -> memref<1x1x5x40xi32, #tpu.memory_space<hbm>>
    %dma_start3A_37 = tpu.memref_squeeze %dma_start3A_36 : memref<1x1x5x40xi32, #tpu.memory_space<hbm>> -> memref<5x40xi32, #tpu.memory_space<hbm>>
    tpu.enqueue_dma source(%dma_start3A_37 : memref<5x40xi32, #tpu.memory_space<hbm>>) target(%dma_start3A_33 : memref<5x40xi32, #tpu.memory_space<vmem>>) target_semaphore(%arg11 : memref<!tpu.dma_semaphore, #tpu.memory_space<semaphore_mem>>)
    %lt3A = arith.constant 15 : i32
    %lt3A_38 = arith.cmpi slt, %arg1, %lt3A : i32
    %convert_element_type3A = arith.extui %lt3A_38 : i1 to i32
    %cond3A = arith.constant 0 : i32
    %cond3A_39 = arith.cmpi ne, %convert_element_type3A, %cond3A : i32
    scf.if %cond3A_39 {
      "tpu.region"() ({
        %run_scoped3A = tpu.sem_alloc : memref<!tpu.dma_semaphore, #tpu.memory_space<semaphore_mem>>
        %dma_start3A_60 = arith.constant 0 : i32
        %dma_start3A_61 = tpu.memref_slice %arg10[%mul3A_2, %dma_start3A_60] : memref<10000x128xf32, #tpu.memory_space<vmem_shared>> -> memref<624x128xf32, #tpu.memory_space<vmem_shared>>
        %dma_start3A_62 = arith.constant 0 : i32
        %dma_start3A_63 = tpu.memref_slice %arg5[%mul3A_2, %dma_start3A_62] : memref<10000x128xf32, #tpu.memory_space<hbm>> -> memref<624x128xf32, #tpu.memory_space<hbm>>
        tpu.enqueue_dma source(%dma_start3A_63 : memref<624x128xf32, #tpu.memory_space<hbm>>) target(%dma_start3A_61 : memref<624x128xf32, #tpu.memory_space<vmem_shared>>) target_semaphore(%run_scoped3A : memref<!tpu.dma_semaphore, #tpu.memory_space<semaphore_mem>>)
        %dma_wait3A = arith.constant 0 : i32
        %dma_wait3A_64 = tpu.memref_slice %arg10[%mul3A_2, %dma_wait3A] : memref<10000x128xf32, #tpu.memory_space<vmem_shared>> -> memref<624x128xf32, #tpu.memory_space<vmem_shared>>
        %dma_wait3A_65 = arith.constant 0 : i32
        %dma_wait3A_66 = tpu.memref_slice %arg5[%mul3A_2, %dma_wait3A_65] : memref<10000x128xf32, #tpu.memory_space<hbm>> -> memref<624x128xf32, #tpu.memory_space<hbm>>
        tpu.wait_dma2 semaphore(%run_scoped3A : memref<!tpu.dma_semaphore, #tpu.memory_space<semaphore_mem>>) src(%dma_wait3A_66 : memref<624x128xf32, #tpu.memory_space<hbm>>) dst(%dma_wait3A_64 : memref<624x128xf32, #tpu.memory_space<vmem_shared>>)
        tpu.yield
      }) : () -> ()
    } else {
    }
    %eq3A = arith.constant 15 : i32
    %eq3A_40 = arith.cmpi eq, %arg1, %eq3A : i32
    %convert_element_type3A_41 = arith.extui %eq3A_40 : i1 to i32
    %cond3A_42 = arith.constant 0 : i32
    %cond3A_43 = arith.cmpi ne, %convert_element_type3A_41, %cond3A_42 : i32
    scf.if %cond3A_43 {
      "tpu.region"() ({
        %run_scoped3A = tpu.sem_alloc : memref<!tpu.dma_semaphore, #tpu.memory_space<semaphore_mem>>
        %dma_start3A_60 = arith.constant 0 : i32
        %dma_start3A_61 = tpu.memref_slice %arg10[%mul3A_2, %dma_start3A_60] : memref<10000x128xf32, #tpu.memory_space<vmem_shared>> -> memref<640x128xf32, #tpu.memory_space<vmem_shared>>
        %dma_start3A_62 = arith.constant 0 : i32
        %dma_start3A_63 = tpu.memref_slice %arg5[%mul3A_2, %dma_start3A_62] : memref<10000x128xf32, #tpu.memory_space<hbm>> -> memref<640x128xf32, #tpu.memory_space<hbm>>
        tpu.enqueue_dma source(%dma_start3A_63 : memref<640x128xf32, #tpu.memory_space<hbm>>) target(%dma_start3A_61 : memref<640x128xf32, #tpu.memory_space<vmem_shared>>) target_semaphore(%run_scoped3A : memref<!tpu.dma_semaphore, #tpu.memory_space<semaphore_mem>>)
        %dma_wait3A = arith.constant 0 : i32
        %dma_wait3A_64 = tpu.memref_slice %arg10[%mul3A_2, %dma_wait3A] : memref<10000x128xf32, #tpu.memory_space<vmem_shared>> -> memref<640x128xf32, #tpu.memory_space<vmem_shared>>
        %dma_wait3A_65 = arith.constant 0 : i32
        %dma_wait3A_66 = tpu.memref_slice %arg5[%mul3A_2, %dma_wait3A_65] : memref<10000x128xf32, #tpu.memory_space<hbm>> -> memref<640x128xf32, #tpu.memory_space<hbm>>
        tpu.wait_dma2 semaphore(%run_scoped3A : memref<!tpu.dma_semaphore, #tpu.memory_space<semaphore_mem>>) src(%dma_wait3A_66 : memref<640x128xf32, #tpu.memory_space<hbm>>) dst(%dma_wait3A_64 : memref<640x128xf32, #tpu.memory_space<vmem_shared>>)
        tpu.yield
      }) : () -> ()
    } else {
    }
    %barrier3A = arith.constant 0 : index
    tpu.barrier barrier_id(%barrier3A)
    %scan3A = arith.constant 0 : i32
    %scan3A_44 = arith.constant 0 : i32
    %scan3A_45 = arith.constant 25 : i32
    %scan3A_46 = arith.addi %scan3A_44, %scan3A_45 : i32
    %scan3A_47 = arith.constant 1 : i32
    scf.for %scan3A_60 = %scan3A_44 to %scan3A_46 step %scan3A_47  : i32 {
      %mul3A_61 = arith.constant 2 : i32
      %mul3A_62 = arith.muli %scan3A_60, %mul3A_61 : i32
      %add3A_63 = arith.constant 0 : i32
      %add3A_64 = arith.addi %mul3A_62, %add3A_63 : i32
      %dma_wait3A = arith.constant 0 : i32
      %dma_wait3A_65 = arith.constant 0 : i32
      %dma_wait3A_66 = arith.constant 0 : i32
      %dma_wait3A_67 = tpu.memref_slice %arg7[%dma_wait3A, %dma_wait3A_65, %dma_wait3A_66] : memref<2x5x40xi32, #tpu.memory_space<vmem>> -> memref<1x5x40xi32, #tpu.memory_space<vmem>>
      %dma_wait3A_68 = tpu.memref_squeeze %dma_wait3A_67 : memref<1x5x40xi32, #tpu.memory_space<vmem>> -> memref<5x40xi32, #tpu.memory_space<vmem>>
      %dma_wait3A_69 = arith.constant 0 : i32
      %dma_wait3A_70 = arith.constant 0 : i32
      %dma_wait3A_71 = tpu.memref_slice %arg3[%add3A, %add3A_64, %dma_wait3A_69, %dma_wait3A_70] : memref<32x50x5x40xi32, #tpu.memory_space<hbm>> -> memref<1x1x5x40xi32, #tpu.memory_space<hbm>>
      %dma_wait3A_72 = tpu.memref_squeeze %dma_wait3A_71 : memref<1x1x5x40xi32, #tpu.memory_space<hbm>> -> memref<5x40xi32, #tpu.memory_space<hbm>>
      %dma_wait3A_73 = arith.constant 0 : i32
      %dma_wait3A_74 = arith.constant 0 : i32
      %dma_wait3A_75 = tpu.memref_slice %arg7[%dma_wait3A, %dma_wait3A_73, %dma_wait3A_74] : memref<2x5x40xi32, #tpu.memory_space<vmem>> -> memref<1x5x40xi32, #tpu.memory_space<vmem>>
      %dma_wait3A_76 = tpu.memref_squeeze %dma_wait3A_75 : memref<1x5x40xi32, #tpu.memory_space<vmem>> -> memref<5x40xi32, #tpu.memory_space<vmem>>
      %dma_wait3A_77 = arith.constant 0 : i32
      %dma_wait3A_78 = arith.constant 0 : i32
      %dma_wait3A_79 = tpu.memref_slice %arg3[%add3A, %add3A_64, %dma_wait3A_77, %dma_wait3A_78] : memref<32x50x5x40xi32, #tpu.memory_space<hbm>> -> memref<1x1x5x40xi32, #tpu.memory_space<hbm>>
      %dma_wait3A_80 = tpu.memref_squeeze %dma_wait3A_79 : memref<1x1x5x40xi32, #tpu.memory_space<hbm>> -> memref<5x40xi32, #tpu.memory_space<hbm>>
      tpu.wait_dma2 semaphore(%arg11 : memref<!tpu.dma_semaphore, #tpu.memory_space<semaphore_mem>>) src(%dma_wait3A_80 : memref<5x40xi32, #tpu.memory_space<hbm>>) dst(%dma_wait3A_76 : memref<5x40xi32, #tpu.memory_space<vmem>>)
      %dma_wait3A_81 = arith.constant 0 : i32
      %dma_wait3A_82 = arith.constant 0 : i32
      %dma_wait3A_83 = arith.constant 0 : i32
      %dma_wait3A_84 = tpu.memref_slice %arg8[%dma_wait3A_81, %dma_wait3A_82, %dma_wait3A_83] : memref<2x5x40xi32, #tpu.memory_space<vmem>> -> memref<1x5x40xi32, #tpu.memory_space<vmem>>
      %dma_wait3A_85 = tpu.memref_squeeze %dma_wait3A_84 : memref<1x5x40xi32, #tpu.memory_space<vmem>> -> memref<5x40xi32, #tpu.memory_space<vmem>>
      %dma_wait3A_86 = arith.constant 0 : i32
      %dma_wait3A_87 = arith.constant 0 : i32
      %dma_wait3A_88 = tpu.memref_slice %arg4[%add3A, %add3A_64, %dma_wait3A_86, %dma_wait3A_87] : memref<32x50x5x40xi32, #tpu.memory_space<hbm>> -> memref<1x1x5x40xi32, #tpu.memory_space<hbm>>
      %dma_wait3A_89 = tpu.memref_squeeze %dma_wait3A_88 : memref<1x1x5x40xi32, #tpu.memory_space<hbm>> -> memref<5x40xi32, #tpu.memory_space<hbm>>
      %dma_wait3A_90 = arith.constant 0 : i32
      %dma_wait3A_91 = arith.constant 0 : i32
      %dma_wait3A_92 = tpu.memref_slice %arg8[%dma_wait3A_81, %dma_wait3A_90, %dma_wait3A_91] : memref<2x5x40xi32, #tpu.memory_space<vmem>> -> memref<1x5x40xi32, #tpu.memory_space<vmem>>
      %dma_wait3A_93 = tpu.memref_squeeze %dma_wait3A_92 : memref<1x5x40xi32, #tpu.memory_space<vmem>> -> memref<5x40xi32, #tpu.memory_space<vmem>>
      %dma_wait3A_94 = arith.constant 0 : i32
      %dma_wait3A_95 = arith.constant 0 : i32
      %dma_wait3A_96 = tpu.memref_slice %arg4[%add3A, %add3A_64, %dma_wait3A_94, %dma_wait3A_95] : memref<32x50x5x40xi32, #tpu.memory_space<hbm>> -> memref<1x1x5x40xi32, #tpu.memory_space<hbm>>
      %dma_wait3A_97 = tpu.memref_squeeze %dma_wait3A_96 : memref<1x1x5x40xi32, #tpu.memory_space<hbm>> -> memref<5x40xi32, #tpu.memory_space<hbm>>
      tpu.wait_dma2 semaphore(%arg11 : memref<!tpu.dma_semaphore, #tpu.memory_space<semaphore_mem>>) src(%dma_wait3A_97 : memref<5x40xi32, #tpu.memory_space<hbm>>) dst(%dma_wait3A_93 : memref<5x40xi32, #tpu.memory_space<vmem>>)
      %add3A_98 = arith.constant 1 : i32
      %add3A_99 = arith.addi %add3A_64, %add3A_98 : i32
      %lt3A_100 = arith.constant 50 : i32
      %lt3A_101 = arith.cmpi slt, %add3A_99, %lt3A_100 : i32
      %convert_element_type3A_102 = arith.extui %lt3A_101 : i1 to i32
      %cond3A_103 = arith.constant 0 : i32
      %cond3A_104 = arith.cmpi ne, %convert_element_type3A_102, %cond3A_103 : i32
      scf.if %cond3A_104 {
        %add3A_670 = arith.constant 1 : i32
        %add3A_671 = arith.addi %add3A_64, %add3A_670 : i32
        %dma_start3A_672 = arith.constant 1 : i32
        %dma_start3A_673 = arith.constant 0 : i32
        %dma_start3A_674 = arith.constant 0 : i32
        %dma_start3A_675 = tpu.memref_slice %arg7[%dma_start3A_672, %dma_start3A_673, %dma_start3A_674] : memref<2x5x40xi32, #tpu.memory_space<vmem>> -> memref<1x5x40xi32, #tpu.memory_space<vmem>>
        %dma_start3A_676 = tpu.memref_squeeze %dma_start3A_675 : memref<1x5x40xi32, #tpu.memory_space<vmem>> -> memref<5x40xi32, #tpu.memory_space<vmem>>
        %dma_start3A_677 = arith.constant 0 : i32
        %dma_start3A_678 = arith.constant 0 : i32
        %dma_start3A_679 = tpu.memref_slice %arg3[%add3A, %add3A_671, %dma_start3A_677, %dma_start3A_678] : memref<32x50x5x40xi32, #tpu.memory_space<hbm>> -> memref<1x1x5x40xi32, #tpu.memory_space<hbm>>
        %dma_start3A_680 = tpu.memref_squeeze %dma_start3A_679 : memref<1x1x5x40xi32, #tpu.memory_space<hbm>> -> memref<5x40xi32, #tpu.memory_space<hbm>>
        %dma_start3A_681 = arith.constant 0 : i32
        %dma_start3A_682 = arith.constant 0 : i32
        %dma_start3A_683 = tpu.memref_slice %arg7[%dma_start3A_672, %dma_start3A_681, %dma_start3A_682] : memref<2x5x40xi32, #tpu.memory_space<vmem>> -> memref<1x5x40xi32, #tpu.memory_space<vmem>>
        %dma_start3A_684 = tpu.memref_squeeze %dma_start3A_683 : memref<1x5x40xi32, #tpu.memory_space<vmem>> -> memref<5x40xi32, #tpu.memory_space<vmem>>
        %dma_start3A_685 = arith.constant 0 : i32
        %dma_start3A_686 = arith.constant 0 : i32
        %dma_start3A_687 = tpu.memref_slice %arg3[%add3A, %add3A_671, %dma_start3A_685, %dma_start3A_686] : memref<32x50x5x40xi32, #tpu.memory_space<hbm>> -> memref<1x1x5x40xi32, #tpu.memory_space<hbm>>
        %dma_start3A_688 = tpu.memref_squeeze %dma_start3A_687 : memref<1x1x5x40xi32, #tpu.memory_space<hbm>> -> memref<5x40xi32, #tpu.memory_space<hbm>>
        tpu.enqueue_dma source(%dma_start3A_688 : memref<5x40xi32, #tpu.memory_space<hbm>>) target(%dma_start3A_684 : memref<5x40xi32, #tpu.memory_space<vmem>>) target_semaphore(%arg11 : memref<!tpu.dma_semaphore, #tpu.memory_space<semaphore_mem>>)
        %add3A_689 = arith.constant 1 : i32
        %add3A_690 = arith.addi %add3A_64, %add3A_689 : i32
        %dma_start3A_691 = arith.constant 1 : i32
        %dma_start3A_692 = arith.constant 0 : i32
        %dma_start3A_693 = arith.constant 0 : i32
        %dma_start3A_694 = tpu.memref_slice %arg8[%dma_start3A_691, %dma_start3A_692, %dma_start3A_693] : memref<2x5x40xi32, #tpu.memory_space<vmem>> -> memref<1x5x40xi32, #tpu.memory_space<vmem>>
        %dma_start3A_695 = tpu.memref_squeeze %dma_start3A_694 : memref<1x5x40xi32, #tpu.memory_space<vmem>> -> memref<5x40xi32, #tpu.memory_space<vmem>>
        %dma_start3A_696 = arith.constant 0 : i32
        %dma_start3A_697 = arith.constant 0 : i32
        %dma_start3A_698 = tpu.memref_slice %arg4[%add3A, %add3A_690, %dma_start3A_696, %dma_start3A_697] : memref<32x50x5x40xi32, #tpu.memory_space<hbm>> -> memref<1x1x5x40xi32, #tpu.memory_space<hbm>>
        %dma_start3A_699 = tpu.memref_squeeze %dma_start3A_698 : memref<1x1x5x40xi32, #tpu.memory_space<hbm>> -> memref<5x40xi32, #tpu.memory_space<hbm>>
        %dma_start3A_700 = arith.constant 0 : i32
        %dma_start3A_701 = arith.constant 0 : i32
        %dma_start3A_702 = tpu.memref_slice %arg8[%dma_start3A_691, %dma_start3A_700, %dma_start3A_701] : memref<2x5x40xi32, #tpu.memory_space<vmem>> -> memref<1x5x40xi32, #tpu.memory_space<vmem>>
        %dma_start3A_703 = tpu.memref_squeeze %dma_start3A_702 : memref<1x5x40xi32, #tpu.memory_space<vmem>> -> memref<5x40xi32, #tpu.memory_space<vmem>>
        %dma_start3A_704 = arith.constant 0 : i32
        %dma_start3A_705 = arith.constant 0 : i32
        %dma_start3A_706 = tpu.memref_slice %arg4[%add3A, %add3A_690, %dma_start3A_704, %dma_start3A_705] : memref<32x50x5x40xi32, #tpu.memory_space<hbm>> -> memref<1x1x5x40xi32, #tpu.memory_space<hbm>>
        %dma_start3A_707 = tpu.memref_squeeze %dma_start3A_706 : memref<1x1x5x40xi32, #tpu.memory_space<hbm>> -> memref<5x40xi32, #tpu.memory_space<hbm>>
        tpu.enqueue_dma source(%dma_start3A_707 : memref<5x40xi32, #tpu.memory_space<hbm>>) target(%dma_start3A_703 : memref<5x40xi32, #tpu.memory_space<vmem>>) target_semaphore(%arg11 : memref<!tpu.dma_semaphore, #tpu.memory_space<semaphore_mem>>)
      } else {
      }
      %dma_start3A_105 = arith.constant 0 : i32
      %dma_start3A_106 = arith.constant 0 : i32
      %dma_start3A_107 = arith.constant 0 : i32
      %dma_start3A_108 = arith.constant 0 : i32
      %dma_start3A_109 = arith.constant 0 : i32
      %dma_start3A_110 = tpu.memref_slice %arg9[%dma_start3A_107, %dma_start3A_108, %dma_start3A_109] : memref<5x40x128xf32, #tpu.memory_space<vmem>> -> memref<1x40x128xf32, #tpu.memory_space<vmem>>
      %dma_start3A_111 = tpu.memref_squeeze %dma_start3A_110 : memref<1x40x128xf32, #tpu.memory_space<vmem>> -> memref<40x128xf32, #tpu.memory_space<vmem>>
      %dma_start3A_112 = arith.constant 0 : i32
      %dma_start3A_113 = tpu.memref_slice %arg7[%dma_start3A_105, %dma_start3A_106, %dma_start3A_112] : memref<2x5x40xi32, #tpu.memory_space<vmem>> -> memref<1x1x40xi32, #tpu.memory_space<vmem>>
      %dma_start3A_114 = tpu.memref_squeeze %dma_start3A_113 : memref<1x1x40xi32, #tpu.memory_space<vmem>> -> memref<40xi32, #tpu.memory_space<vmem>>
      %dma_start3A_115 = arith.constant 0 : i32
      %dma_start3A_116 = arith.constant 0 : i32
      %dma_start3A_117 = tpu.memref_slice %arg2[%dma_start3A_115, %dma_start3A_116] : memref<10000x128xf32, #tpu.memory_space<hbm>> -> memref<10000x128xf32, #tpu.memory_space<hbm>>
      tpu.enqueue_indirect_dma source(%dma_start3A_117 : memref<10000x128xf32, #tpu.memory_space<hbm>>) target(%dma_start3A_111 : memref<40x128xf32, #tpu.memory_space<vmem>>) offsets(%dma_start3A_114 : memref<40xi32, #tpu.memory_space<vmem>>) semaphore(%arg12 : memref<!tpu.dma_semaphore, #tpu.memory_space<semaphore_mem>>)
      %dma_start3A_118 = arith.constant 0 : i32
      %dma_start3A_119 = arith.constant 1 : i32
      %dma_start3A_120 = arith.constant 1 : i32
      %dma_start3A_121 = arith.constant 0 : i32
      %dma_start3A_122 = arith.constant 0 : i32
      %dma_start3A_123 = tpu.memref_slice %arg9[%dma_start3A_120, %dma_start3A_121, %dma_start3A_122] : memref<5x40x128xf32, #tpu.memory_space<vmem>> -> memref<1x40x128xf32, #tpu.memory_space<vmem>>
      %dma_start3A_124 = tpu.memref_squeeze %dma_start3A_123 : memref<1x40x128xf32, #tpu.memory_space<vmem>> -> memref<40x128xf32, #tpu.memory_space<vmem>>
      %dma_start3A_125 = arith.constant 0 : i32
      %dma_start3A_126 = tpu.memref_slice %arg7[%dma_start3A_118, %dma_start3A_119, %dma_start3A_125] : memref<2x5x40xi32, #tpu.memory_space<vmem>> -> memref<1x1x40xi32, #tpu.memory_space<vmem>>
      %dma_start3A_127 = tpu.memref_squeeze %dma_start3A_126 : memref<1x1x40xi32, #tpu.memory_space<vmem>> -> memref<40xi32, #tpu.memory_space<vmem>>
      %dma_start3A_128 = arith.constant 0 : i32
      %dma_start3A_129 = arith.constant 0 : i32
      %dma_start3A_130 = tpu.memref_slice %arg2[%dma_start3A_128, %dma_start3A_129] : memref<10000x128xf32, #tpu.memory_space<hbm>> -> memref<10000x128xf32, #tpu.memory_space<hbm>>
      tpu.enqueue_indirect_dma source(%dma_start3A_130 : memref<10000x128xf32, #tpu.memory_space<hbm>>) target(%dma_start3A_124 : memref<40x128xf32, #tpu.memory_space<vmem>>) offsets(%dma_start3A_127 : memref<40xi32, #tpu.memory_space<vmem>>) semaphore(%arg12 : memref<!tpu.dma_semaphore, #tpu.memory_space<semaphore_mem>>)
      %dma_start3A_131 = arith.constant 0 : i32
      %dma_start3A_132 = arith.constant 2 : i32
      %dma_start3A_133 = arith.constant 2 : i32
      %dma_start3A_134 = arith.constant 0 : i32
      %dma_start3A_135 = arith.constant 0 : i32
      %dma_start3A_136 = tpu.memref_slice %arg9[%dma_start3A_133, %dma_start3A_134, %dma_start3A_135] : memref<5x40x128xf32, #tpu.memory_space<vmem>> -> memref<1x40x128xf32, #tpu.memory_space<vmem>>
      %dma_start3A_137 = tpu.memref_squeeze %dma_start3A_136 : memref<1x40x128xf32, #tpu.memory_space<vmem>> -> memref<40x128xf32, #tpu.memory_space<vmem>>
      %dma_start3A_138 = arith.constant 0 : i32
      %dma_start3A_139 = tpu.memref_slice %arg7[%dma_start3A_131, %dma_start3A_132, %dma_start3A_138] : memref<2x5x40xi32, #tpu.memory_space<vmem>> -> memref<1x1x40xi32, #tpu.memory_space<vmem>>
      %dma_start3A_140 = tpu.memref_squeeze %dma_start3A_139 : memref<1x1x40xi32, #tpu.memory_space<vmem>> -> memref<40xi32, #tpu.memory_space<vmem>>
      %dma_start3A_141 = arith.constant 0 : i32
      %dma_start3A_142 = arith.constant 0 : i32
      %dma_start3A_143 = tpu.memref_slice %arg2[%dma_start3A_141, %dma_start3A_142] : memref<10000x128xf32, #tpu.memory_space<hbm>> -> memref<10000x128xf32, #tpu.memory_space<hbm>>
      tpu.enqueue_indirect_dma source(%dma_start3A_143 : memref<10000x128xf32, #tpu.memory_space<hbm>>) target(%dma_start3A_137 : memref<40x128xf32, #tpu.memory_space<vmem>>) offsets(%dma_start3A_140 : memref<40xi32, #tpu.memory_space<vmem>>) semaphore(%arg12 : memref<!tpu.dma_semaphore, #tpu.memory_space<semaphore_mem>>)
      %dma_start3A_144 = arith.constant 0 : i32
      %dma_start3A_145 = arith.constant 3 : i32
      %dma_start3A_146 = arith.constant 3 : i32
      %dma_start3A_147 = arith.constant 0 : i32
      %dma_start3A_148 = arith.constant 0 : i32
      %dma_start3A_149 = tpu.memref_slice %arg9[%dma_start3A_146, %dma_start3A_147, %dma_start3A_148] : memref<5x40x128xf32, #tpu.memory_space<vmem>> -> memref<1x40x128xf32, #tpu.memory_space<vmem>>
      %dma_start3A_150 = tpu.memref_squeeze %dma_start3A_149 : memref<1x40x128xf32, #tpu.memory_space<vmem>> -> memref<40x128xf32, #tpu.memory_space<vmem>>
      %dma_start3A_151 = arith.constant 0 : i32
      %dma_start3A_152 = tpu.memref_slice %arg7[%dma_start3A_144, %dma_start3A_145, %dma_start3A_151] : memref<2x5x40xi32, #tpu.memory_space<vmem>> -> memref<1x1x40xi32, #tpu.memory_space<vmem>>
      %dma_start3A_153 = tpu.memref_squeeze %dma_start3A_152 : memref<1x1x40xi32, #tpu.memory_space<vmem>> -> memref<40xi32, #tpu.memory_space<vmem>>
      %dma_start3A_154 = arith.constant 0 : i32
      %dma_start3A_155 = arith.constant 0 : i32
      %dma_start3A_156 = tpu.memref_slice %arg2[%dma_start3A_154, %dma_start3A_155] : memref<10000x128xf32, #tpu.memory_space<hbm>> -> memref<10000x128xf32, #tpu.memory_space<hbm>>
      tpu.enqueue_indirect_dma source(%dma_start3A_156 : memref<10000x128xf32, #tpu.memory_space<hbm>>) target(%dma_start3A_150 : memref<40x128xf32, #tpu.memory_space<vmem>>) offsets(%dma_start3A_153 : memref<40xi32, #tpu.memory_space<vmem>>) semaphore(%arg12 : memref<!tpu.dma_semaphore, #tpu.memory_space<semaphore_mem>>)
      %dma_start3A_157 = arith.constant 0 : i32
      %dma_start3A_158 = arith.constant 4 : i32
      %dma_start3A_159 = arith.constant 4 : i32
      %dma_start3A_160 = arith.constant 0 : i32
      %dma_start3A_161 = arith.constant 0 : i32
      %dma_start3A_162 = tpu.memref_slice %arg9[%dma_start3A_159, %dma_start3A_160, %dma_start3A_161] : memref<5x40x128xf32, #tpu.memory_space<vmem>> -> memref<1x40x128xf32, #tpu.memory_space<vmem>>
      %dma_start3A_163 = tpu.memref_squeeze %dma_start3A_162 : memref<1x40x128xf32, #tpu.memory_space<vmem>> -> memref<40x128xf32, #tpu.memory_space<vmem>>
      %dma_start3A_164 = arith.constant 0 : i32
      %dma_start3A_165 = tpu.memref_slice %arg7[%dma_start3A_157, %dma_start3A_158, %dma_start3A_164] : memref<2x5x40xi32, #tpu.memory_space<vmem>> -> memref<1x1x40xi32, #tpu.memory_space<vmem>>
      %dma_start3A_166 = tpu.memref_squeeze %dma_start3A_165 : memref<1x1x40xi32, #tpu.memory_space<vmem>> -> memref<40xi32, #tpu.memory_space<vmem>>
      %dma_start3A_167 = arith.constant 0 : i32
      %dma_start3A_168 = arith.constant 0 : i32
      %dma_start3A_169 = tpu.memref_slice %arg2[%dma_start3A_167, %dma_start3A_168] : memref<10000x128xf32, #tpu.memory_space<hbm>> -> memref<10000x128xf32, #tpu.memory_space<hbm>>
      tpu.enqueue_indirect_dma source(%dma_start3A_169 : memref<10000x128xf32, #tpu.memory_space<hbm>>) target(%dma_start3A_163 : memref<40x128xf32, #tpu.memory_space<vmem>>) offsets(%dma_start3A_166 : memref<40xi32, #tpu.memory_space<vmem>>) semaphore(%arg12 : memref<!tpu.dma_semaphore, #tpu.memory_space<semaphore_mem>>)
      %dma_wait3A_170 = arith.constant 0 : i32
      %dma_wait3A_171 = arith.constant 0 : i32
      %dma_wait3A_172 = arith.constant 0 : i32
      %dma_wait3A_173 = arith.constant 0 : i32
      %dma_wait3A_174 = arith.constant 0 : i32
      %dma_wait3A_175 = tpu.memref_slice %arg9[%dma_wait3A_172, %dma_wait3A_173, %dma_wait3A_174] : memref<5x40x128xf32, #tpu.memory_space<vmem>> -> memref<1x40x128xf32, #tpu.memory_space<vmem>>
      %dma_wait3A_176 = tpu.memref_squeeze %dma_wait3A_175 : memref<1x40x128xf32, #tpu.memory_space<vmem>> -> memref<40x128xf32, #tpu.memory_space<vmem>>
      %dma_wait3A_177 = arith.constant 0 : i32
      %dma_wait3A_178 = tpu.memref_slice %arg7[%dma_wait3A_170, %dma_wait3A_171, %dma_wait3A_177] : memref<2x5x40xi32, #tpu.memory_space<vmem>> -> memref<1x1x40xi32, #tpu.memory_space<vmem>>
      %dma_wait3A_179 = tpu.memref_squeeze %dma_wait3A_178 : memref<1x1x40xi32, #tpu.memory_space<vmem>> -> memref<40xi32, #tpu.memory_space<vmem>>
      %dma_wait3A_180 = arith.constant 0 : i32
      %dma_wait3A_181 = arith.constant 0 : i32
      %dma_wait3A_182 = tpu.memref_slice %arg2[%dma_wait3A_180, %dma_wait3A_181] : memref<10000x128xf32, #tpu.memory_space<hbm>> -> memref<10000x128xf32, #tpu.memory_space<hbm>>
      tpu.wait_indirect_dma semaphore(%arg12 : memref<!tpu.dma_semaphore, #tpu.memory_space<semaphore_mem>>) src(%dma_wait3A_182 : memref<10000x128xf32, #tpu.memory_space<hbm>>) dst(%dma_wait3A_176 : memref<40x128xf32, #tpu.memory_space<vmem>>)
      %dma_start3A_183 = arith.constant 0 : i32
      %dma_start3A_184 = arith.constant 0 : i32
      %dma_start3A_185 = arith.constant 0 : i32
      %dma_start3A_186 = arith.constant 0 : i32
      %dma_start3A_187 = arith.constant 0 : i32
      %dma_start3A_188 = tpu.memref_slice %arg9[%dma_start3A_183, %dma_start3A_186, %dma_start3A_187] : memref<5x40x128xf32, #tpu.memory_space<vmem>> -> memref<1x40x128xf32, #tpu.memory_space<vmem>>
      %dma_start3A_189 = tpu.memref_squeeze %dma_start3A_188 : memref<1x40x128xf32, #tpu.memory_space<vmem>> -> memref<40x128xf32, #tpu.memory_space<vmem>>
      %dma_start3A_190 = arith.constant 0 : i32
      %dma_start3A_191 = tpu.memref_slice %arg8[%dma_start3A_184, %dma_start3A_185, %dma_start3A_190] : memref<2x5x40xi32, #tpu.memory_space<vmem>> -> memref<1x1x40xi32, #tpu.memory_space<vmem>>
      %dma_start3A_192 = tpu.memref_squeeze %dma_start3A_191 : memref<1x1x40xi32, #tpu.memory_space<vmem>> -> memref<40xi32, #tpu.memory_space<vmem>>
      %dma_start3A_193 = arith.constant 0 : i32
      %dma_start3A_194 = arith.constant 0 : i32
      %dma_start3A_195 = tpu.memref_slice %arg10[%dma_start3A_193, %dma_start3A_194] : memref<10000x128xf32, #tpu.memory_space<vmem_shared>> -> memref<10000x128xf32, #tpu.memory_space<vmem_shared>>
      tpu.enqueue_indirect_dma source(%dma_start3A_189 : memref<40x128xf32, #tpu.memory_space<vmem>>) target(%dma_start3A_195 : memref<10000x128xf32, #tpu.memory_space<vmem_shared>>) offsets(%dma_start3A_192 : memref<40xi32, #tpu.memory_space<vmem>>) semaphore(%arg13 : memref<!tpu.dma_semaphore, #tpu.memory_space<semaphore_mem>>) {add = true}
      %dma_wait3A_196 = arith.constant 0 : i32
      %dma_wait3A_197 = arith.constant 1 : i32
      %dma_wait3A_198 = arith.constant 1 : i32
      %dma_wait3A_199 = arith.constant 0 : i32
      %dma_wait3A_200 = arith.constant 0 : i32
      %dma_wait3A_201 = tpu.memref_slice %arg9[%dma_wait3A_198, %dma_wait3A_199, %dma_wait3A_200] : memref<5x40x128xf32, #tpu.memory_space<vmem>> -> memref<1x40x128xf32, #tpu.memory_space<vmem>>
      %dma_wait3A_202 = tpu.memref_squeeze %dma_wait3A_201 : memref<1x40x128xf32, #tpu.memory_space<vmem>> -> memref<40x128xf32, #tpu.memory_space<vmem>>
      %dma_wait3A_203 = arith.constant 0 : i32
      %dma_wait3A_204 = tpu.memref_slice %arg7[%dma_wait3A_196, %dma_wait3A_197, %dma_wait3A_203] : memref<2x5x40xi32, #tpu.memory_space<vmem>> -> memref<1x1x40xi32, #tpu.memory_space<vmem>>
      %dma_wait3A_205 = tpu.memref_squeeze %dma_wait3A_204 : memref<1x1x40xi32, #tpu.memory_space<vmem>> -> memref<40xi32, #tpu.memory_space<vmem>>
      %dma_wait3A_206 = arith.constant 0 : i32
      %dma_wait3A_207 = arith.constant 0 : i32
      %dma_wait3A_208 = tpu.memref_slice %arg2[%dma_wait3A_206, %dma_wait3A_207] : memref<10000x128xf32, #tpu.memory_space<hbm>> -> memref<10000x128xf32, #tpu.memory_space<hbm>>
      tpu.wait_indirect_dma semaphore(%arg12 : memref<!tpu.dma_semaphore, #tpu.memory_space<semaphore_mem>>) src(%dma_wait3A_208 : memref<10000x128xf32, #tpu.memory_space<hbm>>) dst(%dma_wait3A_202 : memref<40x128xf32, #tpu.memory_space<vmem>>)
      %dma_start3A_209 = arith.constant 1 : i32
      %dma_start3A_210 = arith.constant 0 : i32
      %dma_start3A_211 = arith.constant 1 : i32
      %dma_start3A_212 = arith.constant 0 : i32
      %dma_start3A_213 = arith.constant 0 : i32
      %dma_start3A_214 = tpu.memref_slice %arg9[%dma_start3A_209, %dma_start3A_212, %dma_start3A_213] : memref<5x40x128xf32, #tpu.memory_space<vmem>> -> memref<1x40x128xf32, #tpu.memory_space<vmem>>
      %dma_start3A_215 = tpu.memref_squeeze %dma_start3A_214 : memref<1x40x128xf32, #tpu.memory_space<vmem>> -> memref<40x128xf32, #tpu.memory_space<vmem>>
      %dma_start3A_216 = arith.constant 0 : i32
      %dma_start3A_217 = tpu.memref_slice %arg8[%dma_start3A_210, %dma_start3A_211, %dma_start3A_216] : memref<2x5x40xi32, #tpu.memory_space<vmem>> -> memref<1x1x40xi32, #tpu.memory_space<vmem>>
      %dma_start3A_218 = tpu.memref_squeeze %dma_start3A_217 : memref<1x1x40xi32, #tpu.memory_space<vmem>> -> memref<40xi32, #tpu.memory_space<vmem>>
      %dma_start3A_219 = arith.constant 0 : i32
      %dma_start3A_220 = arith.constant 0 : i32
      %dma_start3A_221 = tpu.memref_slice %arg10[%dma_start3A_219, %dma_start3A_220] : memref<10000x128xf32, #tpu.memory_space<vmem_shared>> -> memref<10000x128xf32, #tpu.memory_space<vmem_shared>>
      tpu.enqueue_indirect_dma source(%dma_start3A_215 : memref<40x128xf32, #tpu.memory_space<vmem>>) target(%dma_start3A_221 : memref<10000x128xf32, #tpu.memory_space<vmem_shared>>) offsets(%dma_start3A_218 : memref<40xi32, #tpu.memory_space<vmem>>) semaphore(%arg13 : memref<!tpu.dma_semaphore, #tpu.memory_space<semaphore_mem>>) {add = true}
      %dma_wait3A_222 = arith.constant 0 : i32
      %dma_wait3A_223 = arith.constant 2 : i32
      %dma_wait3A_224 = arith.constant 2 : i32
      %dma_wait3A_225 = arith.constant 0 : i32
      %dma_wait3A_226 = arith.constant 0 : i32
      %dma_wait3A_227 = tpu.memref_slice %arg9[%dma_wait3A_224, %dma_wait3A_225, %dma_wait3A_226] : memref<5x40x128xf32, #tpu.memory_space<vmem>> -> memref<1x40x128xf32, #tpu.memory_space<vmem>>
      %dma_wait3A_228 = tpu.memref_squeeze %dma_wait3A_227 : memref<1x40x128xf32, #tpu.memory_space<vmem>> -> memref<40x128xf32, #tpu.memory_space<vmem>>
      %dma_wait3A_229 = arith.constant 0 : i32
      %dma_wait3A_230 = tpu.memref_slice %arg7[%dma_wait3A_222, %dma_wait3A_223, %dma_wait3A_229] : memref<2x5x40xi32, #tpu.memory_space<vmem>> -> memref<1x1x40xi32, #tpu.memory_space<vmem>>
      %dma_wait3A_231 = tpu.memref_squeeze %dma_wait3A_230 : memref<1x1x40xi32, #tpu.memory_space<vmem>> -> memref<40xi32, #tpu.memory_space<vmem>>
      %dma_wait3A_232 = arith.constant 0 : i32
      %dma_wait3A_233 = arith.constant 0 : i32
      %dma_wait3A_234 = tpu.memref_slice %arg2[%dma_wait3A_232, %dma_wait3A_233] : memref<10000x128xf32, #tpu.memory_space<hbm>> -> memref<10000x128xf32, #tpu.memory_space<hbm>>
      tpu.wait_indirect_dma semaphore(%arg12 : memref<!tpu.dma_semaphore, #tpu.memory_space<semaphore_mem>>) src(%dma_wait3A_234 : memref<10000x128xf32, #tpu.memory_space<hbm>>) dst(%dma_wait3A_228 : memref<40x128xf32, #tpu.memory_space<vmem>>)
      %dma_start3A_235 = arith.constant 2 : i32
      %dma_start3A_236 = arith.constant 0 : i32
      %dma_start3A_237 = arith.constant 2 : i32
      %dma_start3A_238 = arith.constant 0 : i32
      %dma_start3A_239 = arith.constant 0 : i32
      %dma_start3A_240 = tpu.memref_slice %arg9[%dma_start3A_235, %dma_start3A_238, %dma_start3A_239] : memref<5x40x128xf32, #tpu.memory_space<vmem>> -> memref<1x40x128xf32, #tpu.memory_space<vmem>>
      %dma_start3A_241 = tpu.memref_squeeze %dma_start3A_240 : memref<1x40x128xf32, #tpu.memory_space<vmem>> -> memref<40x128xf32, #tpu.memory_space<vmem>>
      %dma_start3A_242 = arith.constant 0 : i32
      %dma_start3A_243 = tpu.memref_slice %arg8[%dma_start3A_236, %dma_start3A_237, %dma_start3A_242] : memref<2x5x40xi32, #tpu.memory_space<vmem>> -> memref<1x1x40xi32, #tpu.memory_space<vmem>>
      %dma_start3A_244 = tpu.memref_squeeze %dma_start3A_243 : memref<1x1x40xi32, #tpu.memory_space<vmem>> -> memref<40xi32, #tpu.memory_space<vmem>>
      %dma_start3A_245 = arith.constant 0 : i32
      %dma_start3A_246 = arith.constant 0 : i32
      %dma_start3A_247 = tpu.memref_slice %arg10[%dma_start3A_245, %dma_start3A_246] : memref<10000x128xf32, #tpu.memory_space<vmem_shared>> -> memref<10000x128xf32, #tpu.memory_space<vmem_shared>>
      tpu.enqueue_indirect_dma source(%dma_start3A_241 : memref<40x128xf32, #tpu.memory_space<vmem>>) target(%dma_start3A_247 : memref<10000x128xf32, #tpu.memory_space<vmem_shared>>) offsets(%dma_start3A_244 : memref<40xi32, #tpu.memory_space<vmem>>) semaphore(%arg13 : memref<!tpu.dma_semaphore, #tpu.memory_space<semaphore_mem>>) {add = true}
      %dma_wait3A_248 = arith.constant 0 : i32
      %dma_wait3A_249 = arith.constant 3 : i32
      %dma_wait3A_250 = arith.constant 3 : i32
      %dma_wait3A_251 = arith.constant 0 : i32
      %dma_wait3A_252 = arith.constant 0 : i32
      %dma_wait3A_253 = tpu.memref_slice %arg9[%dma_wait3A_250, %dma_wait3A_251, %dma_wait3A_252] : memref<5x40x128xf32, #tpu.memory_space<vmem>> -> memref<1x40x128xf32, #tpu.memory_space<vmem>>
      %dma_wait3A_254 = tpu.memref_squeeze %dma_wait3A_253 : memref<1x40x128xf32, #tpu.memory_space<vmem>> -> memref<40x128xf32, #tpu.memory_space<vmem>>
      %dma_wait3A_255 = arith.constant 0 : i32
      %dma_wait3A_256 = tpu.memref_slice %arg7[%dma_wait3A_248, %dma_wait3A_249, %dma_wait3A_255] : memref<2x5x40xi32, #tpu.memory_space<vmem>> -> memref<1x1x40xi32, #tpu.memory_space<vmem>>
      %dma_wait3A_257 = tpu.memref_squeeze %dma_wait3A_256 : memref<1x1x40xi32, #tpu.memory_space<vmem>> -> memref<40xi32, #tpu.memory_space<vmem>>
      %dma_wait3A_258 = arith.constant 0 : i32
      %dma_wait3A_259 = arith.constant 0 : i32
      %dma_wait3A_260 = tpu.memref_slice %arg2[%dma_wait3A_258, %dma_wait3A_259] : memref<10000x128xf32, #tpu.memory_space<hbm>> -> memref<10000x128xf32, #tpu.memory_space<hbm>>
      tpu.wait_indirect_dma semaphore(%arg12 : memref<!tpu.dma_semaphore, #tpu.memory_space<semaphore_mem>>) src(%dma_wait3A_260 : memref<10000x128xf32, #tpu.memory_space<hbm>>) dst(%dma_wait3A_254 : memref<40x128xf32, #tpu.memory_space<vmem>>)
      %dma_start3A_261 = arith.constant 3 : i32
      %dma_start3A_262 = arith.constant 0 : i32
      %dma_start3A_263 = arith.constant 3 : i32
      %dma_start3A_264 = arith.constant 0 : i32
      %dma_start3A_265 = arith.constant 0 : i32
      %dma_start3A_266 = tpu.memref_slice %arg9[%dma_start3A_261, %dma_start3A_264, %dma_start3A_265] : memref<5x40x128xf32, #tpu.memory_space<vmem>> -> memref<1x40x128xf32, #tpu.memory_space<vmem>>
      %dma_start3A_267 = tpu.memref_squeeze %dma_start3A_266 : memref<1x40x128xf32, #tpu.memory_space<vmem>> -> memref<40x128xf32, #tpu.memory_space<vmem>>
      %dma_start3A_268 = arith.constant 0 : i32
      %dma_start3A_269 = tpu.memref_slice %arg8[%dma_start3A_262, %dma_start3A_263, %dma_start3A_268] : memref<2x5x40xi32, #tpu.memory_space<vmem>> -> memref<1x1x40xi32, #tpu.memory_space<vmem>>
      %dma_start3A_270 = tpu.memref_squeeze %dma_start3A_269 : memref<1x1x40xi32, #tpu.memory_space<vmem>> -> memref<40xi32, #tpu.memory_space<vmem>>
      %dma_start3A_271 = arith.constant 0 : i32
      %dma_start3A_272 = arith.constant 0 : i32
      %dma_start3A_273 = tpu.memref_slice %arg10[%dma_start3A_271, %dma_start3A_272] : memref<10000x128xf32, #tpu.memory_space<vmem_shared>> -> memref<10000x128xf32, #tpu.memory_space<vmem_shared>>
      tpu.enqueue_indirect_dma source(%dma_start3A_267 : memref<40x128xf32, #tpu.memory_space<vmem>>) target(%dma_start3A_273 : memref<10000x128xf32, #tpu.memory_space<vmem_shared>>) offsets(%dma_start3A_270 : memref<40xi32, #tpu.memory_space<vmem>>) semaphore(%arg13 : memref<!tpu.dma_semaphore, #tpu.memory_space<semaphore_mem>>) {add = true}
      %dma_wait3A_274 = arith.constant 0 : i32
      %dma_wait3A_275 = arith.constant 4 : i32
      %dma_wait3A_276 = arith.constant 4 : i32
      %dma_wait3A_277 = arith.constant 0 : i32
      %dma_wait3A_278 = arith.constant 0 : i32
      %dma_wait3A_279 = tpu.memref_slice %arg9[%dma_wait3A_276, %dma_wait3A_277, %dma_wait3A_278] : memref<5x40x128xf32, #tpu.memory_space<vmem>> -> memref<1x40x128xf32, #tpu.memory_space<vmem>>
      %dma_wait3A_280 = tpu.memref_squeeze %dma_wait3A_279 : memref<1x40x128xf32, #tpu.memory_space<vmem>> -> memref<40x128xf32, #tpu.memory_space<vmem>>
      %dma_wait3A_281 = arith.constant 0 : i32
      %dma_wait3A_282 = tpu.memref_slice %arg7[%dma_wait3A_274, %dma_wait3A_275, %dma_wait3A_281] : memref<2x5x40xi32, #tpu.memory_space<vmem>> -> memref<1x1x40xi32, #tpu.memory_space<vmem>>
      %dma_wait3A_283 = tpu.memref_squeeze %dma_wait3A_282 : memref<1x1x40xi32, #tpu.memory_space<vmem>> -> memref<40xi32, #tpu.memory_space<vmem>>
      %dma_wait3A_284 = arith.constant 0 : i32
      %dma_wait3A_285 = arith.constant 0 : i32
      %dma_wait3A_286 = tpu.memref_slice %arg2[%dma_wait3A_284, %dma_wait3A_285] : memref<10000x128xf32, #tpu.memory_space<hbm>> -> memref<10000x128xf32, #tpu.memory_space<hbm>>
      tpu.wait_indirect_dma semaphore(%arg12 : memref<!tpu.dma_semaphore, #tpu.memory_space<semaphore_mem>>) src(%dma_wait3A_286 : memref<10000x128xf32, #tpu.memory_space<hbm>>) dst(%dma_wait3A_280 : memref<40x128xf32, #tpu.memory_space<vmem>>)
      %dma_start3A_287 = arith.constant 4 : i32
      %dma_start3A_288 = arith.constant 0 : i32
      %dma_start3A_289 = arith.constant 4 : i32
      %dma_start3A_290 = arith.constant 0 : i32
      %dma_start3A_291 = arith.constant 0 : i32
      %dma_start3A_292 = tpu.memref_slice %arg9[%dma_start3A_287, %dma_start3A_290, %dma_start3A_291] : memref<5x40x128xf32, #tpu.memory_space<vmem>> -> memref<1x40x128xf32, #tpu.memory_space<vmem>>
      %dma_start3A_293 = tpu.memref_squeeze %dma_start3A_292 : memref<1x40x128xf32, #tpu.memory_space<vmem>> -> memref<40x128xf32, #tpu.memory_space<vmem>>
      %dma_start3A_294 = arith.constant 0 : i32
      %dma_start3A_295 = tpu.memref_slice %arg8[%dma_start3A_288, %dma_start3A_289, %dma_start3A_294] : memref<2x5x40xi32, #tpu.memory_space<vmem>> -> memref<1x1x40xi32, #tpu.memory_space<vmem>>
      %dma_start3A_296 = tpu.memref_squeeze %dma_start3A_295 : memref<1x1x40xi32, #tpu.memory_space<vmem>> -> memref<40xi32, #tpu.memory_space<vmem>>
      %dma_start3A_297 = arith.constant 0 : i32
      %dma_start3A_298 = arith.constant 0 : i32
      %dma_start3A_299 = tpu.memref_slice %arg10[%dma_start3A_297, %dma_start3A_298] : memref<10000x128xf32, #tpu.memory_space<vmem_shared>> -> memref<10000x128xf32, #tpu.memory_space<vmem_shared>>
      tpu.enqueue_indirect_dma source(%dma_start3A_293 : memref<40x128xf32, #tpu.memory_space<vmem>>) target(%dma_start3A_299 : memref<10000x128xf32, #tpu.memory_space<vmem_shared>>) offsets(%dma_start3A_296 : memref<40xi32, #tpu.memory_space<vmem>>) semaphore(%arg13 : memref<!tpu.dma_semaphore, #tpu.memory_space<semaphore_mem>>) {add = true}
      %dma_wait3A_300 = arith.constant 0 : i32
      %dma_wait3A_301 = arith.constant 0 : i32
      %dma_wait3A_302 = arith.constant 0 : i32
      %dma_wait3A_303 = arith.constant 0 : i32
      %dma_wait3A_304 = arith.constant 0 : i32
      %dma_wait3A_305 = tpu.memref_slice %arg9[%dma_wait3A_300, %dma_wait3A_303, %dma_wait3A_304] : memref<5x40x128xf32, #tpu.memory_space<vmem>> -> memref<1x40x128xf32, #tpu.memory_space<vmem>>
      %dma_wait3A_306 = tpu.memref_squeeze %dma_wait3A_305 : memref<1x40x128xf32, #tpu.memory_space<vmem>> -> memref<40x128xf32, #tpu.memory_space<vmem>>
      %dma_wait3A_307 = arith.constant 0 : i32
      %dma_wait3A_308 = tpu.memref_slice %arg8[%dma_wait3A_301, %dma_wait3A_302, %dma_wait3A_307] : memref<2x5x40xi32, #tpu.memory_space<vmem>> -> memref<1x1x40xi32, #tpu.memory_space<vmem>>
      %dma_wait3A_309 = tpu.memref_squeeze %dma_wait3A_308 : memref<1x1x40xi32, #tpu.memory_space<vmem>> -> memref<40xi32, #tpu.memory_space<vmem>>
      %dma_wait3A_310 = arith.constant 0 : i32
      %dma_wait3A_311 = arith.constant 0 : i32
      %dma_wait3A_312 = tpu.memref_slice %arg10[%dma_wait3A_310, %dma_wait3A_311] : memref<10000x128xf32, #tpu.memory_space<vmem_shared>> -> memref<10000x128xf32, #tpu.memory_space<vmem_shared>>
      tpu.wait_indirect_dma semaphore(%arg13 : memref<!tpu.dma_semaphore, #tpu.memory_space<semaphore_mem>>) src(%dma_wait3A_306 : memref<40x128xf32, #tpu.memory_space<vmem>>) dst(%dma_wait3A_312 : memref<10000x128xf32, #tpu.memory_space<vmem_shared>>)
      %dma_wait3A_313 = arith.constant 1 : i32
      %dma_wait3A_314 = arith.constant 0 : i32
      %dma_wait3A_315 = arith.constant 1 : i32
      %dma_wait3A_316 = arith.constant 0 : i32
      %dma_wait3A_317 = arith.constant 0 : i32
      %dma_wait3A_318 = tpu.memref_slice %arg9[%dma_wait3A_313, %dma_wait3A_316, %dma_wait3A_317] : memref<5x40x128xf32, #tpu.memory_space<vmem>> -> memref<1x40x128xf32, #tpu.memory_space<vmem>>
      %dma_wait3A_319 = tpu.memref_squeeze %dma_wait3A_318 : memref<1x40x128xf32, #tpu.memory_space<vmem>> -> memref<40x128xf32, #tpu.memory_space<vmem>>
      %dma_wait3A_320 = arith.constant 0 : i32
      %dma_wait3A_321 = tpu.memref_slice %arg8[%dma_wait3A_314, %dma_wait3A_315, %dma_wait3A_320] : memref<2x5x40xi32, #tpu.memory_space<vmem>> -> memref<1x1x40xi32, #tpu.memory_space<vmem>>
      %dma_wait3A_322 = tpu.memref_squeeze %dma_wait3A_321 : memref<1x1x40xi32, #tpu.memory_space<vmem>> -> memref<40xi32, #tpu.memory_space<vmem>>
      %dma_wait3A_323 = arith.constant 0 : i32
      %dma_wait3A_324 = arith.constant 0 : i32
      %dma_wait3A_325 = tpu.memref_slice %arg10[%dma_wait3A_323, %dma_wait3A_324] : memref<10000x128xf32, #tpu.memory_space<vmem_shared>> -> memref<10000x128xf32, #tpu.memory_space<vmem_shared>>
      tpu.wait_indirect_dma semaphore(%arg13 : memref<!tpu.dma_semaphore, #tpu.memory_space<semaphore_mem>>) src(%dma_wait3A_319 : memref<40x128xf32, #tpu.memory_space<vmem>>) dst(%dma_wait3A_325 : memref<10000x128xf32, #tpu.memory_space<vmem_shared>>)
      %dma_wait3A_326 = arith.constant 2 : i32
      %dma_wait3A_327 = arith.constant 0 : i32
      %dma_wait3A_328 = arith.constant 2 : i32
      %dma_wait3A_329 = arith.constant 0 : i32
      %dma_wait3A_330 = arith.constant 0 : i32
      %dma_wait3A_331 = tpu.memref_slice %arg9[%dma_wait3A_326, %dma_wait3A_329, %dma_wait3A_330] : memref<5x40x128xf32, #tpu.memory_space<vmem>> -> memref<1x40x128xf32, #tpu.memory_space<vmem>>
      %dma_wait3A_332 = tpu.memref_squeeze %dma_wait3A_331 : memref<1x40x128xf32, #tpu.memory_space<vmem>> -> memref<40x128xf32, #tpu.memory_space<vmem>>
      %dma_wait3A_333 = arith.constant 0 : i32
      %dma_wait3A_334 = tpu.memref_slice %arg8[%dma_wait3A_327, %dma_wait3A_328, %dma_wait3A_333] : memref<2x5x40xi32, #tpu.memory_space<vmem>> -> memref<1x1x40xi32, #tpu.memory_space<vmem>>
      %dma_wait3A_335 = tpu.memref_squeeze %dma_wait3A_334 : memref<1x1x40xi32, #tpu.memory_space<vmem>> -> memref<40xi32, #tpu.memory_space<vmem>>
      %dma_wait3A_336 = arith.constant 0 : i32
      %dma_wait3A_337 = arith.constant 0 : i32
      %dma_wait3A_338 = tpu.memref_slice %arg10[%dma_wait3A_336, %dma_wait3A_337] : memref<10000x128xf32, #tpu.memory_space<vmem_shared>> -> memref<10000x128xf32, #tpu.memory_space<vmem_shared>>
      tpu.wait_indirect_dma semaphore(%arg13 : memref<!tpu.dma_semaphore, #tpu.memory_space<semaphore_mem>>) src(%dma_wait3A_332 : memref<40x128xf32, #tpu.memory_space<vmem>>) dst(%dma_wait3A_338 : memref<10000x128xf32, #tpu.memory_space<vmem_shared>>)
      %dma_wait3A_339 = arith.constant 3 : i32
      %dma_wait3A_340 = arith.constant 0 : i32
      %dma_wait3A_341 = arith.constant 3 : i32
      %dma_wait3A_342 = arith.constant 0 : i32
      %dma_wait3A_343 = arith.constant 0 : i32
      %dma_wait3A_344 = tpu.memref_slice %arg9[%dma_wait3A_339, %dma_wait3A_342, %dma_wait3A_343] : memref<5x40x128xf32, #tpu.memory_space<vmem>> -> memref<1x40x128xf32, #tpu.memory_space<vmem>>
      %dma_wait3A_345 = tpu.memref_squeeze %dma_wait3A_344 : memref<1x40x128xf32, #tpu.memory_space<vmem>> -> memref<40x128xf32, #tpu.memory_space<vmem>>
      %dma_wait3A_346 = arith.constant 0 : i32
      %dma_wait3A_347 = tpu.memref_slice %arg8[%dma_wait3A_340, %dma_wait3A_341, %dma_wait3A_346] : memref<2x5x40xi32, #tpu.memory_space<vmem>> -> memref<1x1x40xi32, #tpu.memory_space<vmem>>
      %dma_wait3A_348 = tpu.memref_squeeze %dma_wait3A_347 : memref<1x1x40xi32, #tpu.memory_space<vmem>> -> memref<40xi32, #tpu.memory_space<vmem>>
      %dma_wait3A_349 = arith.constant 0 : i32
      %dma_wait3A_350 = arith.constant 0 : i32
      %dma_wait3A_351 = tpu.memref_slice %arg10[%dma_wait3A_349, %dma_wait3A_350] : memref<10000x128xf32, #tpu.memory_space<vmem_shared>> -> memref<10000x128xf32, #tpu.memory_space<vmem_shared>>
      tpu.wait_indirect_dma semaphore(%arg13 : memref<!tpu.dma_semaphore, #tpu.memory_space<semaphore_mem>>) src(%dma_wait3A_345 : memref<40x128xf32, #tpu.memory_space<vmem>>) dst(%dma_wait3A_351 : memref<10000x128xf32, #tpu.memory_space<vmem_shared>>)
      %dma_wait3A_352 = arith.constant 4 : i32
      %dma_wait3A_353 = arith.constant 0 : i32
      %dma_wait3A_354 = arith.constant 4 : i32
      %dma_wait3A_355 = arith.constant 0 : i32
      %dma_wait3A_356 = arith.constant 0 : i32
      %dma_wait3A_357 = tpu.memref_slice %arg9[%dma_wait3A_352, %dma_wait3A_355, %dma_wait3A_356] : memref<5x40x128xf32, #tpu.memory_space<vmem>> -> memref<1x40x128xf32, #tpu.memory_space<vmem>>
      %dma_wait3A_358 = tpu.memref_squeeze %dma_wait3A_357 : memref<1x40x128xf32, #tpu.memory_space<vmem>> -> memref<40x128xf32, #tpu.memory_space<vmem>>
      %dma_wait3A_359 = arith.constant 0 : i32
      %dma_wait3A_360 = tpu.memref_slice %arg8[%dma_wait3A_353, %dma_wait3A_354, %dma_wait3A_359] : memref<2x5x40xi32, #tpu.memory_space<vmem>> -> memref<1x1x40xi32, #tpu.memory_space<vmem>>
      %dma_wait3A_361 = tpu.memref_squeeze %dma_wait3A_360 : memref<1x1x40xi32, #tpu.memory_space<vmem>> -> memref<40xi32, #tpu.memory_space<vmem>>
      %dma_wait3A_362 = arith.constant 0 : i32
      %dma_wait3A_363 = arith.constant 0 : i32
      %dma_wait3A_364 = tpu.memref_slice %arg10[%dma_wait3A_362, %dma_wait3A_363] : memref<10000x128xf32, #tpu.memory_space<vmem_shared>> -> memref<10000x128xf32, #tpu.memory_space<vmem_shared>>
      tpu.wait_indirect_dma semaphore(%arg13 : memref<!tpu.dma_semaphore, #tpu.memory_space<semaphore_mem>>) src(%dma_wait3A_358 : memref<40x128xf32, #tpu.memory_space<vmem>>) dst(%dma_wait3A_364 : memref<10000x128xf32, #tpu.memory_space<vmem_shared>>)
      %mul3A_365 = arith.constant 2 : i32
      %mul3A_366 = arith.muli %scan3A_60, %mul3A_365 : i32
      %add3A_367 = arith.constant 1 : i32
      %add3A_368 = arith.addi %mul3A_366, %add3A_367 : i32
      %dma_wait3A_369 = arith.constant 1 : i32
      %dma_wait3A_370 = arith.constant 0 : i32
      %dma_wait3A_371 = arith.constant 0 : i32
      %dma_wait3A_372 = tpu.memref_slice %arg7[%dma_wait3A_369, %dma_wait3A_370, %dma_wait3A_371] : memref<2x5x40xi32, #tpu.memory_space<vmem>> -> memref<1x5x40xi32, #tpu.memory_space<vmem>>
      %dma_wait3A_373 = tpu.memref_squeeze %dma_wait3A_372 : memref<1x5x40xi32, #tpu.memory_space<vmem>> -> memref<5x40xi32, #tpu.memory_space<vmem>>
      %dma_wait3A_374 = arith.constant 0 : i32
      %dma_wait3A_375 = arith.constant 0 : i32
      %dma_wait3A_376 = tpu.memref_slice %arg3[%add3A, %add3A_368, %dma_wait3A_374, %dma_wait3A_375] : memref<32x50x5x40xi32, #tpu.memory_space<hbm>> -> memref<1x1x5x40xi32, #tpu.memory_space<hbm>>
      %dma_wait3A_377 = tpu.memref_squeeze %dma_wait3A_376 : memref<1x1x5x40xi32, #tpu.memory_space<hbm>> -> memref<5x40xi32, #tpu.memory_space<hbm>>
      %dma_wait3A_378 = arith.constant 0 : i32
      %dma_wait3A_379 = arith.constant 0 : i32
      %dma_wait3A_380 = tpu.memref_slice %arg7[%dma_wait3A_369, %dma_wait3A_378, %dma_wait3A_379] : memref<2x5x40xi32, #tpu.memory_space<vmem>> -> memref<1x5x40xi32, #tpu.memory_space<vmem>>
      %dma_wait3A_381 = tpu.memref_squeeze %dma_wait3A_380 : memref<1x5x40xi32, #tpu.memory_space<vmem>> -> memref<5x40xi32, #tpu.memory_space<vmem>>
      %dma_wait3A_382 = arith.constant 0 : i32
      %dma_wait3A_383 = arith.constant 0 : i32
      %dma_wait3A_384 = tpu.memref_slice %arg3[%add3A, %add3A_368, %dma_wait3A_382, %dma_wait3A_383] : memref<32x50x5x40xi32, #tpu.memory_space<hbm>> -> memref<1x1x5x40xi32, #tpu.memory_space<hbm>>
      %dma_wait3A_385 = tpu.memref_squeeze %dma_wait3A_384 : memref<1x1x5x40xi32, #tpu.memory_space<hbm>> -> memref<5x40xi32, #tpu.memory_space<hbm>>
      tpu.wait_dma2 semaphore(%arg11 : memref<!tpu.dma_semaphore, #tpu.memory_space<semaphore_mem>>) src(%dma_wait3A_385 : memref<5x40xi32, #tpu.memory_space<hbm>>) dst(%dma_wait3A_381 : memref<5x40xi32, #tpu.memory_space<vmem>>)
      %dma_wait3A_386 = arith.constant 1 : i32
      %dma_wait3A_387 = arith.constant 0 : i32
      %dma_wait3A_388 = arith.constant 0 : i32
      %dma_wait3A_389 = tpu.memref_slice %arg8[%dma_wait3A_386, %dma_wait3A_387, %dma_wait3A_388] : memref<2x5x40xi32, #tpu.memory_space<vmem>> -> memref<1x5x40xi32, #tpu.memory_space<vmem>>
      %dma_wait3A_390 = tpu.memref_squeeze %dma_wait3A_389 : memref<1x5x40xi32, #tpu.memory_space<vmem>> -> memref<5x40xi32, #tpu.memory_space<vmem>>
      %dma_wait3A_391 = arith.constant 0 : i32
      %dma_wait3A_392 = arith.constant 0 : i32
      %dma_wait3A_393 = tpu.memref_slice %arg4[%add3A, %add3A_368, %dma_wait3A_391, %dma_wait3A_392] : memref<32x50x5x40xi32, #tpu.memory_space<hbm>> -> memref<1x1x5x40xi32, #tpu.memory_space<hbm>>
      %dma_wait3A_394 = tpu.memref_squeeze %dma_wait3A_393 : memref<1x1x5x40xi32, #tpu.memory_space<hbm>> -> memref<5x40xi32, #tpu.memory_space<hbm>>
      %dma_wait3A_395 = arith.constant 0 : i32
      %dma_wait3A_396 = arith.constant 0 : i32
      %dma_wait3A_397 = tpu.memref_slice %arg8[%dma_wait3A_386, %dma_wait3A_395, %dma_wait3A_396] : memref<2x5x40xi32, #tpu.memory_space<vmem>> -> memref<1x5x40xi32, #tpu.memory_space<vmem>>
      %dma_wait3A_398 = tpu.memref_squeeze %dma_wait3A_397 : memref<1x5x40xi32, #tpu.memory_space<vmem>> -> memref<5x40xi32, #tpu.memory_space<vmem>>
      %dma_wait3A_399 = arith.constant 0 : i32
      %dma_wait3A_400 = arith.constant 0 : i32
      %dma_wait3A_401 = tpu.memref_slice %arg4[%add3A, %add3A_368, %dma_wait3A_399, %dma_wait3A_400] : memref<32x50x5x40xi32, #tpu.memory_space<hbm>> -> memref<1x1x5x40xi32, #tpu.memory_space<hbm>>
      %dma_wait3A_402 = tpu.memref_squeeze %dma_wait3A_401 : memref<1x1x5x40xi32, #tpu.memory_space<hbm>> -> memref<5x40xi32, #tpu.memory_space<hbm>>
      tpu.wait_dma2 semaphore(%arg11 : memref<!tpu.dma_semaphore, #tpu.memory_space<semaphore_mem>>) src(%dma_wait3A_402 : memref<5x40xi32, #tpu.memory_space<hbm>>) dst(%dma_wait3A_398 : memref<5x40xi32, #tpu.memory_space<vmem>>)
      %add3A_403 = arith.constant 1 : i32
      %add3A_404 = arith.addi %add3A_368, %add3A_403 : i32
      %lt3A_405 = arith.constant 50 : i32
      %lt3A_406 = arith.cmpi slt, %add3A_404, %lt3A_405 : i32
      %convert_element_type3A_407 = arith.extui %lt3A_406 : i1 to i32
      %cond3A_408 = arith.constant 0 : i32
      %cond3A_409 = arith.cmpi ne, %convert_element_type3A_407, %cond3A_408 : i32
      scf.if %cond3A_409 {
        %add3A_670 = arith.constant 1 : i32
        %add3A_671 = arith.addi %add3A_368, %add3A_670 : i32
        %dma_start3A_672 = arith.constant 0 : i32
        %dma_start3A_673 = arith.constant 0 : i32
        %dma_start3A_674 = arith.constant 0 : i32
        %dma_start3A_675 = tpu.memref_slice %arg7[%dma_start3A_672, %dma_start3A_673, %dma_start3A_674] : memref<2x5x40xi32, #tpu.memory_space<vmem>> -> memref<1x5x40xi32, #tpu.memory_space<vmem>>
        %dma_start3A_676 = tpu.memref_squeeze %dma_start3A_675 : memref<1x5x40xi32, #tpu.memory_space<vmem>> -> memref<5x40xi32, #tpu.memory_space<vmem>>
        %dma_start3A_677 = arith.constant 0 : i32
        %dma_start3A_678 = arith.constant 0 : i32
        %dma_start3A_679 = tpu.memref_slice %arg3[%add3A, %add3A_671, %dma_start3A_677, %dma_start3A_678] : memref<32x50x5x40xi32, #tpu.memory_space<hbm>> -> memref<1x1x5x40xi32, #tpu.memory_space<hbm>>
        %dma_start3A_680 = tpu.memref_squeeze %dma_start3A_679 : memref<1x1x5x40xi32, #tpu.memory_space<hbm>> -> memref<5x40xi32, #tpu.memory_space<hbm>>
        %dma_start3A_681 = arith.constant 0 : i32
        %dma_start3A_682 = arith.constant 0 : i32
        %dma_start3A_683 = tpu.memref_slice %arg7[%dma_start3A_672, %dma_start3A_681, %dma_start3A_682] : memref<2x5x40xi32, #tpu.memory_space<vmem>> -> memref<1x5x40xi32, #tpu.memory_space<vmem>>
        %dma_start3A_684 = tpu.memref_squeeze %dma_start3A_683 : memref<1x5x40xi32, #tpu.memory_space<vmem>> -> memref<5x40xi32, #tpu.memory_space<vmem>>
        %dma_start3A_685 = arith.constant 0 : i32
        %dma_start3A_686 = arith.constant 0 : i32
        %dma_start3A_687 = tpu.memref_slice %arg3[%add3A, %add3A_671, %dma_start3A_685, %dma_start3A_686] : memref<32x50x5x40xi32, #tpu.memory_space<hbm>> -> memref<1x1x5x40xi32, #tpu.memory_space<hbm>>
        %dma_start3A_688 = tpu.memref_squeeze %dma_start3A_687 : memref<1x1x5x40xi32, #tpu.memory_space<hbm>> -> memref<5x40xi32, #tpu.memory_space<hbm>>
        tpu.enqueue_dma source(%dma_start3A_688 : memref<5x40xi32, #tpu.memory_space<hbm>>) target(%dma_start3A_684 : memref<5x40xi32, #tpu.memory_space<vmem>>) target_semaphore(%arg11 : memref<!tpu.dma_semaphore, #tpu.memory_space<semaphore_mem>>)
        %add3A_689 = arith.constant 1 : i32
        %add3A_690 = arith.addi %add3A_368, %add3A_689 : i32
        %dma_start3A_691 = arith.constant 0 : i32
        %dma_start3A_692 = arith.constant 0 : i32
        %dma_start3A_693 = arith.constant 0 : i32
        %dma_start3A_694 = tpu.memref_slice %arg8[%dma_start3A_691, %dma_start3A_692, %dma_start3A_693] : memref<2x5x40xi32, #tpu.memory_space<vmem>> -> memref<1x5x40xi32, #tpu.memory_space<vmem>>
        %dma_start3A_695 = tpu.memref_squeeze %dma_start3A_694 : memref<1x5x40xi32, #tpu.memory_space<vmem>> -> memref<5x40xi32, #tpu.memory_space<vmem>>
        %dma_start3A_696 = arith.constant 0 : i32
        %dma_start3A_697 = arith.constant 0 : i32
        %dma_start3A_698 = tpu.memref_slice %arg4[%add3A, %add3A_690, %dma_start3A_696, %dma_start3A_697] : memref<32x50x5x40xi32, #tpu.memory_space<hbm>> -> memref<1x1x5x40xi32, #tpu.memory_space<hbm>>
        %dma_start3A_699 = tpu.memref_squeeze %dma_start3A_698 : memref<1x1x5x40xi32, #tpu.memory_space<hbm>> -> memref<5x40xi32, #tpu.memory_space<hbm>>
        %dma_start3A_700 = arith.constant 0 : i32
        %dma_start3A_701 = arith.constant 0 : i32
        %dma_start3A_702 = tpu.memref_slice %arg8[%dma_start3A_691, %dma_start3A_700, %dma_start3A_701] : memref<2x5x40xi32, #tpu.memory_space<vmem>> -> memref<1x5x40xi32, #tpu.memory_space<vmem>>
        %dma_start3A_703 = tpu.memref_squeeze %dma_start3A_702 : memref<1x5x40xi32, #tpu.memory_space<vmem>> -> memref<5x40xi32, #tpu.memory_space<vmem>>
        %dma_start3A_704 = arith.constant 0 : i32
        %dma_start3A_705 = arith.constant 0 : i32
        %dma_start3A_706 = tpu.memref_slice %arg4[%add3A, %add3A_690, %dma_start3A_704, %dma_start3A_705] : memref<32x50x5x40xi32, #tpu.memory_space<hbm>> -> memref<1x1x5x40xi32, #tpu.memory_space<hbm>>
        %dma_start3A_707 = tpu.memref_squeeze %dma_start3A_706 : memref<1x1x5x40xi32, #tpu.memory_space<hbm>> -> memref<5x40xi32, #tpu.memory_space<hbm>>
        tpu.enqueue_dma source(%dma_start3A_707 : memref<5x40xi32, #tpu.memory_space<hbm>>) target(%dma_start3A_703 : memref<5x40xi32, #tpu.memory_space<vmem>>) target_semaphore(%arg11 : memref<!tpu.dma_semaphore, #tpu.memory_space<semaphore_mem>>)
      } else {
      }
      %dma_start3A_410 = arith.constant 1 : i32
      %dma_start3A_411 = arith.constant 0 : i32
      %dma_start3A_412 = arith.constant 0 : i32
      %dma_start3A_413 = arith.constant 0 : i32
      %dma_start3A_414 = arith.constant 0 : i32
      %dma_start3A_415 = tpu.memref_slice %arg9[%dma_start3A_412, %dma_start3A_413, %dma_start3A_414] : memref<5x40x128xf32, #tpu.memory_space<vmem>> -> memref<1x40x128xf32, #tpu.memory_space<vmem>>
      %dma_start3A_416 = tpu.memref_squeeze %dma_start3A_415 : memref<1x40x128xf32, #tpu.memory_space<vmem>> -> memref<40x128xf32, #tpu.memory_space<vmem>>
      %dma_start3A_417 = arith.constant 0 : i32
      %dma_start3A_418 = tpu.memref_slice %arg7[%dma_start3A_410, %dma_start3A_411, %dma_start3A_417] : memref<2x5x40xi32, #tpu.memory_space<vmem>> -> memref<1x1x40xi32, #tpu.memory_space<vmem>>
      %dma_start3A_419 = tpu.memref_squeeze %dma_start3A_418 : memref<1x1x40xi32, #tpu.memory_space<vmem>> -> memref<40xi32, #tpu.memory_space<vmem>>
      %dma_start3A_420 = arith.constant 0 : i32
      %dma_start3A_421 = arith.constant 0 : i32
      %dma_start3A_422 = tpu.memref_slice %arg2[%dma_start3A_420, %dma_start3A_421] : memref<10000x128xf32, #tpu.memory_space<hbm>> -> memref<10000x128xf32, #tpu.memory_space<hbm>>
      tpu.enqueue_indirect_dma source(%dma_start3A_422 : memref<10000x128xf32, #tpu.memory_space<hbm>>) target(%dma_start3A_416 : memref<40x128xf32, #tpu.memory_space<vmem>>) offsets(%dma_start3A_419 : memref<40xi32, #tpu.memory_space<vmem>>) semaphore(%arg12 : memref<!tpu.dma_semaphore, #tpu.memory_space<semaphore_mem>>)
      %dma_start3A_423 = arith.constant 1 : i32
      %dma_start3A_424 = arith.constant 1 : i32
      %dma_start3A_425 = arith.constant 1 : i32
      %dma_start3A_426 = arith.constant 0 : i32
      %dma_start3A_427 = arith.constant 0 : i32
      %dma_start3A_428 = tpu.memref_slice %arg9[%dma_start3A_425, %dma_start3A_426, %dma_start3A_427] : memref<5x40x128xf32, #tpu.memory_space<vmem>> -> memref<1x40x128xf32, #tpu.memory_space<vmem>>
      %dma_start3A_429 = tpu.memref_squeeze %dma_start3A_428 : memref<1x40x128xf32, #tpu.memory_space<vmem>> -> memref<40x128xf32, #tpu.memory_space<vmem>>
      %dma_start3A_430 = arith.constant 0 : i32
      %dma_start3A_431 = tpu.memref_slice %arg7[%dma_start3A_423, %dma_start3A_424, %dma_start3A_430] : memref<2x5x40xi32, #tpu.memory_space<vmem>> -> memref<1x1x40xi32, #tpu.memory_space<vmem>>
      %dma_start3A_432 = tpu.memref_squeeze %dma_start3A_431 : memref<1x1x40xi32, #tpu.memory_space<vmem>> -> memref<40xi32, #tpu.memory_space<vmem>>
      %dma_start3A_433 = arith.constant 0 : i32
      %dma_start3A_434 = arith.constant 0 : i32
      %dma_start3A_435 = tpu.memref_slice %arg2[%dma_start3A_433, %dma_start3A_434] : memref<10000x128xf32, #tpu.memory_space<hbm>> -> memref<10000x128xf32, #tpu.memory_space<hbm>>
      tpu.enqueue_indirect_dma source(%dma_start3A_435 : memref<10000x128xf32, #tpu.memory_space<hbm>>) target(%dma_start3A_429 : memref<40x128xf32, #tpu.memory_space<vmem>>) offsets(%dma_start3A_432 : memref<40xi32, #tpu.memory_space<vmem>>) semaphore(%arg12 : memref<!tpu.dma_semaphore, #tpu.memory_space<semaphore_mem>>)
      %dma_start3A_436 = arith.constant 1 : i32
      %dma_start3A_437 = arith.constant 2 : i32
      %dma_start3A_438 = arith.constant 2 : i32
      %dma_start3A_439 = arith.constant 0 : i32
      %dma_start3A_440 = arith.constant 0 : i32
      %dma_start3A_441 = tpu.memref_slice %arg9[%dma_start3A_438, %dma_start3A_439, %dma_start3A_440] : memref<5x40x128xf32, #tpu.memory_space<vmem>> -> memref<1x40x128xf32, #tpu.memory_space<vmem>>
      %dma_start3A_442 = tpu.memref_squeeze %dma_start3A_441 : memref<1x40x128xf32, #tpu.memory_space<vmem>> -> memref<40x128xf32, #tpu.memory_space<vmem>>
      %dma_start3A_443 = arith.constant 0 : i32
      %dma_start3A_444 = tpu.memref_slice %arg7[%dma_start3A_436, %dma_start3A_437, %dma_start3A_443] : memref<2x5x40xi32, #tpu.memory_space<vmem>> -> memref<1x1x40xi32, #tpu.memory_space<vmem>>
      %dma_start3A_445 = tpu.memref_squeeze %dma_start3A_444 : memref<1x1x40xi32, #tpu.memory_space<vmem>> -> memref<40xi32, #tpu.memory_space<vmem>>
      %dma_start3A_446 = arith.constant 0 : i32
      %dma_start3A_447 = arith.constant 0 : i32
      %dma_start3A_448 = tpu.memref_slice %arg2[%dma_start3A_446, %dma_start3A_447] : memref<10000x128xf32, #tpu.memory_space<hbm>> -> memref<10000x128xf32, #tpu.memory_space<hbm>>
      tpu.enqueue_indirect_dma source(%dma_start3A_448 : memref<10000x128xf32, #tpu.memory_space<hbm>>) target(%dma_start3A_442 : memref<40x128xf32, #tpu.memory_space<vmem>>) offsets(%dma_start3A_445 : memref<40xi32, #tpu.memory_space<vmem>>) semaphore(%arg12 : memref<!tpu.dma_semaphore, #tpu.memory_space<semaphore_mem>>)
      %dma_start3A_449 = arith.constant 1 : i32
      %dma_start3A_450 = arith.constant 3 : i32
      %dma_start3A_451 = arith.constant 3 : i32
      %dma_start3A_452 = arith.constant 0 : i32
      %dma_start3A_453 = arith.constant 0 : i32
      %dma_start3A_454 = tpu.memref_slice %arg9[%dma_start3A_451, %dma_start3A_452, %dma_start3A_453] : memref<5x40x128xf32, #tpu.memory_space<vmem>> -> memref<1x40x128xf32, #tpu.memory_space<vmem>>
      %dma_start3A_455 = tpu.memref_squeeze %dma_start3A_454 : memref<1x40x128xf32, #tpu.memory_space<vmem>> -> memref<40x128xf32, #tpu.memory_space<vmem>>
      %dma_start3A_456 = arith.constant 0 : i32
      %dma_start3A_457 = tpu.memref_slice %arg7[%dma_start3A_449, %dma_start3A_450, %dma_start3A_456] : memref<2x5x40xi32, #tpu.memory_space<vmem>> -> memref<1x1x40xi32, #tpu.memory_space<vmem>>
      %dma_start3A_458 = tpu.memref_squeeze %dma_start3A_457 : memref<1x1x40xi32, #tpu.memory_space<vmem>> -> memref<40xi32, #tpu.memory_space<vmem>>
      %dma_start3A_459 = arith.constant 0 : i32
      %dma_start3A_460 = arith.constant 0 : i32
      %dma_start3A_461 = tpu.memref_slice %arg2[%dma_start3A_459, %dma_start3A_460] : memref<10000x128xf32, #tpu.memory_space<hbm>> -> memref<10000x128xf32, #tpu.memory_space<hbm>>
      tpu.enqueue_indirect_dma source(%dma_start3A_461 : memref<10000x128xf32, #tpu.memory_space<hbm>>) target(%dma_start3A_455 : memref<40x128xf32, #tpu.memory_space<vmem>>) offsets(%dma_start3A_458 : memref<40xi32, #tpu.memory_space<vmem>>) semaphore(%arg12 : memref<!tpu.dma_semaphore, #tpu.memory_space<semaphore_mem>>)
      %dma_start3A_462 = arith.constant 1 : i32
      %dma_start3A_463 = arith.constant 4 : i32
      %dma_start3A_464 = arith.constant 4 : i32
      %dma_start3A_465 = arith.constant 0 : i32
      %dma_start3A_466 = arith.constant 0 : i32
      %dma_start3A_467 = tpu.memref_slice %arg9[%dma_start3A_464, %dma_start3A_465, %dma_start3A_466] : memref<5x40x128xf32, #tpu.memory_space<vmem>> -> memref<1x40x128xf32, #tpu.memory_space<vmem>>
      %dma_start3A_468 = tpu.memref_squeeze %dma_start3A_467 : memref<1x40x128xf32, #tpu.memory_space<vmem>> -> memref<40x128xf32, #tpu.memory_space<vmem>>
      %dma_start3A_469 = arith.constant 0 : i32
      %dma_start3A_470 = tpu.memref_slice %arg7[%dma_start3A_462, %dma_start3A_463, %dma_start3A_469] : memref<2x5x40xi32, #tpu.memory_space<vmem>> -> memref<1x1x40xi32, #tpu.memory_space<vmem>>
      %dma_start3A_471 = tpu.memref_squeeze %dma_start3A_470 : memref<1x1x40xi32, #tpu.memory_space<vmem>> -> memref<40xi32, #tpu.memory_space<vmem>>
      %dma_start3A_472 = arith.constant 0 : i32
      %dma_start3A_473 = arith.constant 0 : i32
      %dma_start3A_474 = tpu.memref_slice %arg2[%dma_start3A_472, %dma_start3A_473] : memref<10000x128xf32, #tpu.memory_space<hbm>> -> memref<10000x128xf32, #tpu.memory_space<hbm>>
      tpu.enqueue_indirect_dma source(%dma_start3A_474 : memref<10000x128xf32, #tpu.memory_space<hbm>>) target(%dma_start3A_468 : memref<40x128xf32, #tpu.memory_space<vmem>>) offsets(%dma_start3A_471 : memref<40xi32, #tpu.memory_space<vmem>>) semaphore(%arg12 : memref<!tpu.dma_semaphore, #tpu.memory_space<semaphore_mem>>)
      %dma_wait3A_475 = arith.constant 1 : i32
      %dma_wait3A_476 = arith.constant 0 : i32
      %dma_wait3A_477 = arith.constant 0 : i32
      %dma_wait3A_478 = arith.constant 0 : i32
      %dma_wait3A_479 = arith.constant 0 : i32
      %dma_wait3A_480 = tpu.memref_slice %arg9[%dma_wait3A_477, %dma_wait3A_478, %dma_wait3A_479] : memref<5x40x128xf32, #tpu.memory_space<vmem>> -> memref<1x40x128xf32, #tpu.memory_space<vmem>>
      %dma_wait3A_481 = tpu.memref_squeeze %dma_wait3A_480 : memref<1x40x128xf32, #tpu.memory_space<vmem>> -> memref<40x128xf32, #tpu.memory_space<vmem>>
      %dma_wait3A_482 = arith.constant 0 : i32
      %dma_wait3A_483 = tpu.memref_slice %arg7[%dma_wait3A_475, %dma_wait3A_476, %dma_wait3A_482] : memref<2x5x40xi32, #tpu.memory_space<vmem>> -> memref<1x1x40xi32, #tpu.memory_space<vmem>>
      %dma_wait3A_484 = tpu.memref_squeeze %dma_wait3A_483 : memref<1x1x40xi32, #tpu.memory_space<vmem>> -> memref<40xi32, #tpu.memory_space<vmem>>
      %dma_wait3A_485 = arith.constant 0 : i32
      %dma_wait3A_486 = arith.constant 0 : i32
      %dma_wait3A_487 = tpu.memref_slice %arg2[%dma_wait3A_485, %dma_wait3A_486] : memref<10000x128xf32, #tpu.memory_space<hbm>> -> memref<10000x128xf32, #tpu.memory_space<hbm>>
      tpu.wait_indirect_dma semaphore(%arg12 : memref<!tpu.dma_semaphore, #tpu.memory_space<semaphore_mem>>) src(%dma_wait3A_487 : memref<10000x128xf32, #tpu.memory_space<hbm>>) dst(%dma_wait3A_481 : memref<40x128xf32, #tpu.memory_space<vmem>>)
      %dma_start3A_488 = arith.constant 0 : i32
      %dma_start3A_489 = arith.constant 1 : i32
      %dma_start3A_490 = arith.constant 0 : i32
      %dma_start3A_491 = arith.constant 0 : i32
      %dma_start3A_492 = arith.constant 0 : i32
      %dma_start3A_493 = tpu.memref_slice %arg9[%dma_start3A_488, %dma_start3A_491, %dma_start3A_492] : memref<5x40x128xf32, #tpu.memory_space<vmem>> -> memref<1x40x128xf32, #tpu.memory_space<vmem>>
      %dma_start3A_494 = tpu.memref_squeeze %dma_start3A_493 : memref<1x40x128xf32, #tpu.memory_space<vmem>> -> memref<40x128xf32, #tpu.memory_space<vmem>>
      %dma_start3A_495 = arith.constant 0 : i32
      %dma_start3A_496 = tpu.memref_slice %arg8[%dma_start3A_489, %dma_start3A_490, %dma_start3A_495] : memref<2x5x40xi32, #tpu.memory_space<vmem>> -> memref<1x1x40xi32, #tpu.memory_space<vmem>>
      %dma_start3A_497 = tpu.memref_squeeze %dma_start3A_496 : memref<1x1x40xi32, #tpu.memory_space<vmem>> -> memref<40xi32, #tpu.memory_space<vmem>>
      %dma_start3A_498 = arith.constant 0 : i32
      %dma_start3A_499 = arith.constant 0 : i32
      %dma_start3A_500 = tpu.memref_slice %arg10[%dma_start3A_498, %dma_start3A_499] : memref<10000x128xf32, #tpu.memory_space<vmem_shared>> -> memref<10000x128xf32, #tpu.memory_space<vmem_shared>>
      tpu.enqueue_indirect_dma source(%dma_start3A_494 : memref<40x128xf32, #tpu.memory_space<vmem>>) target(%dma_start3A_500 : memref<10000x128xf32, #tpu.memory_space<vmem_shared>>) offsets(%dma_start3A_497 : memref<40xi32, #tpu.memory_space<vmem>>) semaphore(%arg13 : memref<!tpu.dma_semaphore, #tpu.memory_space<semaphore_mem>>) {add = true}
      %dma_wait3A_501 = arith.constant 1 : i32
      %dma_wait3A_502 = arith.constant 1 : i32
      %dma_wait3A_503 = arith.constant 1 : i32
      %dma_wait3A_504 = arith.constant 0 : i32
      %dma_wait3A_505 = arith.constant 0 : i32
      %dma_wait3A_506 = tpu.memref_slice %arg9[%dma_wait3A_503, %dma_wait3A_504, %dma_wait3A_505] : memref<5x40x128xf32, #tpu.memory_space<vmem>> -> memref<1x40x128xf32, #tpu.memory_space<vmem>>
      %dma_wait3A_507 = tpu.memref_squeeze %dma_wait3A_506 : memref<1x40x128xf32, #tpu.memory_space<vmem>> -> memref<40x128xf32, #tpu.memory_space<vmem>>
      %dma_wait3A_508 = arith.constant 0 : i32
      %dma_wait3A_509 = tpu.memref_slice %arg7[%dma_wait3A_501, %dma_wait3A_502, %dma_wait3A_508] : memref<2x5x40xi32, #tpu.memory_space<vmem>> -> memref<1x1x40xi32, #tpu.memory_space<vmem>>
      %dma_wait3A_510 = tpu.memref_squeeze %dma_wait3A_509 : memref<1x1x40xi32, #tpu.memory_space<vmem>> -> memref<40xi32, #tpu.memory_space<vmem>>
      %dma_wait3A_511 = arith.constant 0 : i32
      %dma_wait3A_512 = arith.constant 0 : i32
      %dma_wait3A_513 = tpu.memref_slice %arg2[%dma_wait3A_511, %dma_wait3A_512] : memref<10000x128xf32, #tpu.memory_space<hbm>> -> memref<10000x128xf32, #tpu.memory_space<hbm>>
      tpu.wait_indirect_dma semaphore(%arg12 : memref<!tpu.dma_semaphore, #tpu.memory_space<semaphore_mem>>) src(%dma_wait3A_513 : memref<10000x128xf32, #tpu.memory_space<hbm>>) dst(%dma_wait3A_507 : memref<40x128xf32, #tpu.memory_space<vmem>>)
      %dma_start3A_514 = arith.constant 1 : i32
      %dma_start3A_515 = arith.constant 1 : i32
      %dma_start3A_516 = arith.constant 1 : i32
      %dma_start3A_517 = arith.constant 0 : i32
      %dma_start3A_518 = arith.constant 0 : i32
      %dma_start3A_519 = tpu.memref_slice %arg9[%dma_start3A_514, %dma_start3A_517, %dma_start3A_518] : memref<5x40x128xf32, #tpu.memory_space<vmem>> -> memref<1x40x128xf32, #tpu.memory_space<vmem>>
      %dma_start3A_520 = tpu.memref_squeeze %dma_start3A_519 : memref<1x40x128xf32, #tpu.memory_space<vmem>> -> memref<40x128xf32, #tpu.memory_space<vmem>>
      %dma_start3A_521 = arith.constant 0 : i32
      %dma_start3A_522 = tpu.memref_slice %arg8[%dma_start3A_515, %dma_start3A_516, %dma_start3A_521] : memref<2x5x40xi32, #tpu.memory_space<vmem>> -> memref<1x1x40xi32, #tpu.memory_space<vmem>>
      %dma_start3A_523 = tpu.memref_squeeze %dma_start3A_522 : memref<1x1x40xi32, #tpu.memory_space<vmem>> -> memref<40xi32, #tpu.memory_space<vmem>>
      %dma_start3A_524 = arith.constant 0 : i32
      %dma_start3A_525 = arith.constant 0 : i32
      %dma_start3A_526 = tpu.memref_slice %arg10[%dma_start3A_524, %dma_start3A_525] : memref<10000x128xf32, #tpu.memory_space<vmem_shared>> -> memref<10000x128xf32, #tpu.memory_space<vmem_shared>>
      tpu.enqueue_indirect_dma source(%dma_start3A_520 : memref<40x128xf32, #tpu.memory_space<vmem>>) target(%dma_start3A_526 : memref<10000x128xf32, #tpu.memory_space<vmem_shared>>) offsets(%dma_start3A_523 : memref<40xi32, #tpu.memory_space<vmem>>) semaphore(%arg13 : memref<!tpu.dma_semaphore, #tpu.memory_space<semaphore_mem>>) {add = true}
      %dma_wait3A_527 = arith.constant 1 : i32
      %dma_wait3A_528 = arith.constant 2 : i32
      %dma_wait3A_529 = arith.constant 2 : i32
      %dma_wait3A_530 = arith.constant 0 : i32
      %dma_wait3A_531 = arith.constant 0 : i32
      %dma_wait3A_532 = tpu.memref_slice %arg9[%dma_wait3A_529, %dma_wait3A_530, %dma_wait3A_531] : memref<5x40x128xf32, #tpu.memory_space<vmem>> -> memref<1x40x128xf32, #tpu.memory_space<vmem>>
      %dma_wait3A_533 = tpu.memref_squeeze %dma_wait3A_532 : memref<1x40x128xf32, #tpu.memory_space<vmem>> -> memref<40x128xf32, #tpu.memory_space<vmem>>
      %dma_wait3A_534 = arith.constant 0 : i32
      %dma_wait3A_535 = tpu.memref_slice %arg7[%dma_wait3A_527, %dma_wait3A_528, %dma_wait3A_534] : memref<2x5x40xi32, #tpu.memory_space<vmem>> -> memref<1x1x40xi32, #tpu.memory_space<vmem>>
      %dma_wait3A_536 = tpu.memref_squeeze %dma_wait3A_535 : memref<1x1x40xi32, #tpu.memory_space<vmem>> -> memref<40xi32, #tpu.memory_space<vmem>>
      %dma_wait3A_537 = arith.constant 0 : i32
      %dma_wait3A_538 = arith.constant 0 : i32
      %dma_wait3A_539 = tpu.memref_slice %arg2[%dma_wait3A_537, %dma_wait3A_538] : memref<10000x128xf32, #tpu.memory_space<hbm>> -> memref<10000x128xf32, #tpu.memory_space<hbm>>
      tpu.wait_indirect_dma semaphore(%arg12 : memref<!tpu.dma_semaphore, #tpu.memory_space<semaphore_mem>>) src(%dma_wait3A_539 : memref<10000x128xf32, #tpu.memory_space<hbm>>) dst(%dma_wait3A_533 : memref<40x128xf32, #tpu.memory_space<vmem>>)
      %dma_start3A_540 = arith.constant 2 : i32
      %dma_start3A_541 = arith.constant 1 : i32
      %dma_start3A_542 = arith.constant 2 : i32
      %dma_start3A_543 = arith.constant 0 : i32
      %dma_start3A_544 = arith.constant 0 : i32
      %dma_start3A_545 = tpu.memref_slice %arg9[%dma_start3A_540, %dma_start3A_543, %dma_start3A_544] : memref<5x40x128xf32, #tpu.memory_space<vmem>> -> memref<1x40x128xf32, #tpu.memory_space<vmem>>
      %dma_start3A_546 = tpu.memref_squeeze %dma_start3A_545 : memref<1x40x128xf32, #tpu.memory_space<vmem>> -> memref<40x128xf32, #tpu.memory_space<vmem>>
      %dma_start3A_547 = arith.constant 0 : i32
      %dma_start3A_548 = tpu.memref_slice %arg8[%dma_start3A_541, %dma_start3A_542, %dma_start3A_547] : memref<2x5x40xi32, #tpu.memory_space<vmem>> -> memref<1x1x40xi32, #tpu.memory_space<vmem>>
      %dma_start3A_549 = tpu.memref_squeeze %dma_start3A_548 : memref<1x1x40xi32, #tpu.memory_space<vmem>> -> memref<40xi32, #tpu.memory_space<vmem>>
      %dma_start3A_550 = arith.constant 0 : i32
      %dma_start3A_551 = arith.constant 0 : i32
      %dma_start3A_552 = tpu.memref_slice %arg10[%dma_start3A_550, %dma_start3A_551] : memref<10000x128xf32, #tpu.memory_space<vmem_shared>> -> memref<10000x128xf32, #tpu.memory_space<vmem_shared>>
      tpu.enqueue_indirect_dma source(%dma_start3A_546 : memref<40x128xf32, #tpu.memory_space<vmem>>) target(%dma_start3A_552 : memref<10000x128xf32, #tpu.memory_space<vmem_shared>>) offsets(%dma_start3A_549 : memref<40xi32, #tpu.memory_space<vmem>>) semaphore(%arg13 : memref<!tpu.dma_semaphore, #tpu.memory_space<semaphore_mem>>) {add = true}
      %dma_wait3A_553 = arith.constant 1 : i32
      %dma_wait3A_554 = arith.constant 3 : i32
      %dma_wait3A_555 = arith.constant 3 : i32
      %dma_wait3A_556 = arith.constant 0 : i32
      %dma_wait3A_557 = arith.constant 0 : i32
      %dma_wait3A_558 = tpu.memref_slice %arg9[%dma_wait3A_555, %dma_wait3A_556, %dma_wait3A_557] : memref<5x40x128xf32, #tpu.memory_space<vmem>> -> memref<1x40x128xf32, #tpu.memory_space<vmem>>
      %dma_wait3A_559 = tpu.memref_squeeze %dma_wait3A_558 : memref<1x40x128xf32, #tpu.memory_space<vmem>> -> memref<40x128xf32, #tpu.memory_space<vmem>>
      %dma_wait3A_560 = arith.constant 0 : i32
      %dma_wait3A_561 = tpu.memref_slice %arg7[%dma_wait3A_553, %dma_wait3A_554, %dma_wait3A_560] : memref<2x5x40xi32, #tpu.memory_space<vmem>> -> memref<1x1x40xi32, #tpu.memory_space<vmem>>
      %dma_wait3A_562 = tpu.memref_squeeze %dma_wait3A_561 : memref<1x1x40xi32, #tpu.memory_space<vmem>> -> memref<40xi32, #tpu.memory_space<vmem>>
      %dma_wait3A_563 = arith.constant 0 : i32
      %dma_wait3A_564 = arith.constant 0 : i32
      %dma_wait3A_565 = tpu.memref_slice %arg2[%dma_wait3A_563, %dma_wait3A_564] : memref<10000x128xf32, #tpu.memory_space<hbm>> -> memref<10000x128xf32, #tpu.memory_space<hbm>>
      tpu.wait_indirect_dma semaphore(%arg12 : memref<!tpu.dma_semaphore, #tpu.memory_space<semaphore_mem>>) src(%dma_wait3A_565 : memref<10000x128xf32, #tpu.memory_space<hbm>>) dst(%dma_wait3A_559 : memref<40x128xf32, #tpu.memory_space<vmem>>)
      %dma_start3A_566 = arith.constant 3 : i32
      %dma_start3A_567 = arith.constant 1 : i32
      %dma_start3A_568 = arith.constant 3 : i32
      %dma_start3A_569 = arith.constant 0 : i32
      %dma_start3A_570 = arith.constant 0 : i32
      %dma_start3A_571 = tpu.memref_slice %arg9[%dma_start3A_566, %dma_start3A_569, %dma_start3A_570] : memref<5x40x128xf32, #tpu.memory_space<vmem>> -> memref<1x40x128xf32, #tpu.memory_space<vmem>>
      %dma_start3A_572 = tpu.memref_squeeze %dma_start3A_571 : memref<1x40x128xf32, #tpu.memory_space<vmem>> -> memref<40x128xf32, #tpu.memory_space<vmem>>
      %dma_start3A_573 = arith.constant 0 : i32
      %dma_start3A_574 = tpu.memref_slice %arg8[%dma_start3A_567, %dma_start3A_568, %dma_start3A_573] : memref<2x5x40xi32, #tpu.memory_space<vmem>> -> memref<1x1x40xi32, #tpu.memory_space<vmem>>
      %dma_start3A_575 = tpu.memref_squeeze %dma_start3A_574 : memref<1x1x40xi32, #tpu.memory_space<vmem>> -> memref<40xi32, #tpu.memory_space<vmem>>
      %dma_start3A_576 = arith.constant 0 : i32
      %dma_start3A_577 = arith.constant 0 : i32
      %dma_start3A_578 = tpu.memref_slice %arg10[%dma_start3A_576, %dma_start3A_577] : memref<10000x128xf32, #tpu.memory_space<vmem_shared>> -> memref<10000x128xf32, #tpu.memory_space<vmem_shared>>
      tpu.enqueue_indirect_dma source(%dma_start3A_572 : memref<40x128xf32, #tpu.memory_space<vmem>>) target(%dma_start3A_578 : memref<10000x128xf32, #tpu.memory_space<vmem_shared>>) offsets(%dma_start3A_575 : memref<40xi32, #tpu.memory_space<vmem>>) semaphore(%arg13 : memref<!tpu.dma_semaphore, #tpu.memory_space<semaphore_mem>>) {add = true}
      %dma_wait3A_579 = arith.constant 1 : i32
      %dma_wait3A_580 = arith.constant 4 : i32
      %dma_wait3A_581 = arith.constant 4 : i32
      %dma_wait3A_582 = arith.constant 0 : i32
      %dma_wait3A_583 = arith.constant 0 : i32
      %dma_wait3A_584 = tpu.memref_slice %arg9[%dma_wait3A_581, %dma_wait3A_582, %dma_wait3A_583] : memref<5x40x128xf32, #tpu.memory_space<vmem>> -> memref<1x40x128xf32, #tpu.memory_space<vmem>>
      %dma_wait3A_585 = tpu.memref_squeeze %dma_wait3A_584 : memref<1x40x128xf32, #tpu.memory_space<vmem>> -> memref<40x128xf32, #tpu.memory_space<vmem>>
      %dma_wait3A_586 = arith.constant 0 : i32
      %dma_wait3A_587 = tpu.memref_slice %arg7[%dma_wait3A_579, %dma_wait3A_580, %dma_wait3A_586] : memref<2x5x40xi32, #tpu.memory_space<vmem>> -> memref<1x1x40xi32, #tpu.memory_space<vmem>>
      %dma_wait3A_588 = tpu.memref_squeeze %dma_wait3A_587 : memref<1x1x40xi32, #tpu.memory_space<vmem>> -> memref<40xi32, #tpu.memory_space<vmem>>
      %dma_wait3A_589 = arith.constant 0 : i32
      %dma_wait3A_590 = arith.constant 0 : i32
      %dma_wait3A_591 = tpu.memref_slice %arg2[%dma_wait3A_589, %dma_wait3A_590] : memref<10000x128xf32, #tpu.memory_space<hbm>> -> memref<10000x128xf32, #tpu.memory_space<hbm>>
      tpu.wait_indirect_dma semaphore(%arg12 : memref<!tpu.dma_semaphore, #tpu.memory_space<semaphore_mem>>) src(%dma_wait3A_591 : memref<10000x128xf32, #tpu.memory_space<hbm>>) dst(%dma_wait3A_585 : memref<40x128xf32, #tpu.memory_space<vmem>>)
      %dma_start3A_592 = arith.constant 4 : i32
      %dma_start3A_593 = arith.constant 1 : i32
      %dma_start3A_594 = arith.constant 4 : i32
      %dma_start3A_595 = arith.constant 0 : i32
      %dma_start3A_596 = arith.constant 0 : i32
      %dma_start3A_597 = tpu.memref_slice %arg9[%dma_start3A_592, %dma_start3A_595, %dma_start3A_596] : memref<5x40x128xf32, #tpu.memory_space<vmem>> -> memref<1x40x128xf32, #tpu.memory_space<vmem>>
      %dma_start3A_598 = tpu.memref_squeeze %dma_start3A_597 : memref<1x40x128xf32, #tpu.memory_space<vmem>> -> memref<40x128xf32, #tpu.memory_space<vmem>>
      %dma_start3A_599 = arith.constant 0 : i32
      %dma_start3A_600 = tpu.memref_slice %arg8[%dma_start3A_593, %dma_start3A_594, %dma_start3A_599] : memref<2x5x40xi32, #tpu.memory_space<vmem>> -> memref<1x1x40xi32, #tpu.memory_space<vmem>>
      %dma_start3A_601 = tpu.memref_squeeze %dma_start3A_600 : memref<1x1x40xi32, #tpu.memory_space<vmem>> -> memref<40xi32, #tpu.memory_space<vmem>>
      %dma_start3A_602 = arith.constant 0 : i32
      %dma_start3A_603 = arith.constant 0 : i32
      %dma_start3A_604 = tpu.memref_slice %arg10[%dma_start3A_602, %dma_start3A_603] : memref<10000x128xf32, #tpu.memory_space<vmem_shared>> -> memref<10000x128xf32, #tpu.memory_space<vmem_shared>>
      tpu.enqueue_indirect_dma source(%dma_start3A_598 : memref<40x128xf32, #tpu.memory_space<vmem>>) target(%dma_start3A_604 : memref<10000x128xf32, #tpu.memory_space<vmem_shared>>) offsets(%dma_start3A_601 : memref<40xi32, #tpu.memory_space<vmem>>) semaphore(%arg13 : memref<!tpu.dma_semaphore, #tpu.memory_space<semaphore_mem>>) {add = true}
      %dma_wait3A_605 = arith.constant 0 : i32
      %dma_wait3A_606 = arith.constant 1 : i32
      %dma_wait3A_607 = arith.constant 0 : i32
      %dma_wait3A_608 = arith.constant 0 : i32
      %dma_wait3A_609 = arith.constant 0 : i32
      %dma_wait3A_610 = tpu.memref_slice %arg9[%dma_wait3A_605, %dma_wait3A_608, %dma_wait3A_609] : memref<5x40x128xf32, #tpu.memory_space<vmem>> -> memref<1x40x128xf32, #tpu.memory_space<vmem>>
      %dma_wait3A_611 = tpu.memref_squeeze %dma_wait3A_610 : memref<1x40x128xf32, #tpu.memory_space<vmem>> -> memref<40x128xf32, #tpu.memory_space<vmem>>
      %dma_wait3A_612 = arith.constant 0 : i32
      %dma_wait3A_613 = tpu.memref_slice %arg8[%dma_wait3A_606, %dma_wait3A_607, %dma_wait3A_612] : memref<2x5x40xi32, #tpu.memory_space<vmem>> -> memref<1x1x40xi32, #tpu.memory_space<vmem>>
      %dma_wait3A_614 = tpu.memref_squeeze %dma_wait3A_613 : memref<1x1x40xi32, #tpu.memory_space<vmem>> -> memref<40xi32, #tpu.memory_space<vmem>>
      %dma_wait3A_615 = arith.constant 0 : i32
      %dma_wait3A_616 = arith.constant 0 : i32
      %dma_wait3A_617 = tpu.memref_slice %arg10[%dma_wait3A_615, %dma_wait3A_616] : memref<10000x128xf32, #tpu.memory_space<vmem_shared>> -> memref<10000x128xf32, #tpu.memory_space<vmem_shared>>
      tpu.wait_indirect_dma semaphore(%arg13 : memref<!tpu.dma_semaphore, #tpu.memory_space<semaphore_mem>>) src(%dma_wait3A_611 : memref<40x128xf32, #tpu.memory_space<vmem>>) dst(%dma_wait3A_617 : memref<10000x128xf32, #tpu.memory_space<vmem_shared>>)
      %dma_wait3A_618 = arith.constant 1 : i32
      %dma_wait3A_619 = arith.constant 1 : i32
      %dma_wait3A_620 = arith.constant 1 : i32
      %dma_wait3A_621 = arith.constant 0 : i32
      %dma_wait3A_622 = arith.constant 0 : i32
      %dma_wait3A_623 = tpu.memref_slice %arg9[%dma_wait3A_618, %dma_wait3A_621, %dma_wait3A_622] : memref<5x40x128xf32, #tpu.memory_space<vmem>> -> memref<1x40x128xf32, #tpu.memory_space<vmem>>
      %dma_wait3A_624 = tpu.memref_squeeze %dma_wait3A_623 : memref<1x40x128xf32, #tpu.memory_space<vmem>> -> memref<40x128xf32, #tpu.memory_space<vmem>>
      %dma_wait3A_625 = arith.constant 0 : i32
      %dma_wait3A_626 = tpu.memref_slice %arg8[%dma_wait3A_619, %dma_wait3A_620, %dma_wait3A_625] : memref<2x5x40xi32, #tpu.memory_space<vmem>> -> memref<1x1x40xi32, #tpu.memory_space<vmem>>
      %dma_wait3A_627 = tpu.memref_squeeze %dma_wait3A_626 : memref<1x1x40xi32, #tpu.memory_space<vmem>> -> memref<40xi32, #tpu.memory_space<vmem>>
      %dma_wait3A_628 = arith.constant 0 : i32
      %dma_wait3A_629 = arith.constant 0 : i32
      %dma_wait3A_630 = tpu.memref_slice %arg10[%dma_wait3A_628, %dma_wait3A_629] : memref<10000x128xf32, #tpu.memory_space<vmem_shared>> -> memref<10000x128xf32, #tpu.memory_space<vmem_shared>>
      tpu.wait_indirect_dma semaphore(%arg13 : memref<!tpu.dma_semaphore, #tpu.memory_space<semaphore_mem>>) src(%dma_wait3A_624 : memref<40x128xf32, #tpu.memory_space<vmem>>) dst(%dma_wait3A_630 : memref<10000x128xf32, #tpu.memory_space<vmem_shared>>)
      %dma_wait3A_631 = arith.constant 2 : i32
      %dma_wait3A_632 = arith.constant 1 : i32
      %dma_wait3A_633 = arith.constant 2 : i32
      %dma_wait3A_634 = arith.constant 0 : i32
      %dma_wait3A_635 = arith.constant 0 : i32
      %dma_wait3A_636 = tpu.memref_slice %arg9[%dma_wait3A_631, %dma_wait3A_634, %dma_wait3A_635] : memref<5x40x128xf32, #tpu.memory_space<vmem>> -> memref<1x40x128xf32, #tpu.memory_space<vmem>>
      %dma_wait3A_637 = tpu.memref_squeeze %dma_wait3A_636 : memref<1x40x128xf32, #tpu.memory_space<vmem>> -> memref<40x128xf32, #tpu.memory_space<vmem>>
      %dma_wait3A_638 = arith.constant 0 : i32
      %dma_wait3A_639 = tpu.memref_slice %arg8[%dma_wait3A_632, %dma_wait3A_633, %dma_wait3A_638] : memref<2x5x40xi32, #tpu.memory_space<vmem>> -> memref<1x1x40xi32, #tpu.memory_space<vmem>>
      %dma_wait3A_640 = tpu.memref_squeeze %dma_wait3A_639 : memref<1x1x40xi32, #tpu.memory_space<vmem>> -> memref<40xi32, #tpu.memory_space<vmem>>
      %dma_wait3A_641 = arith.constant 0 : i32
      %dma_wait3A_642 = arith.constant 0 : i32
      %dma_wait3A_643 = tpu.memref_slice %arg10[%dma_wait3A_641, %dma_wait3A_642] : memref<10000x128xf32, #tpu.memory_space<vmem_shared>> -> memref<10000x128xf32, #tpu.memory_space<vmem_shared>>
      tpu.wait_indirect_dma semaphore(%arg13 : memref<!tpu.dma_semaphore, #tpu.memory_space<semaphore_mem>>) src(%dma_wait3A_637 : memref<40x128xf32, #tpu.memory_space<vmem>>) dst(%dma_wait3A_643 : memref<10000x128xf32, #tpu.memory_space<vmem_shared>>)
      %dma_wait3A_644 = arith.constant 3 : i32
      %dma_wait3A_645 = arith.constant 1 : i32
      %dma_wait3A_646 = arith.constant 3 : i32
      %dma_wait3A_647 = arith.constant 0 : i32
      %dma_wait3A_648 = arith.constant 0 : i32
      %dma_wait3A_649 = tpu.memref_slice %arg9[%dma_wait3A_644, %dma_wait3A_647, %dma_wait3A_648] : memref<5x40x128xf32, #tpu.memory_space<vmem>> -> memref<1x40x128xf32, #tpu.memory_space<vmem>>
      %dma_wait3A_650 = tpu.memref_squeeze %dma_wait3A_649 : memref<1x40x128xf32, #tpu.memory_space<vmem>> -> memref<40x128xf32, #tpu.memory_space<vmem>>
      %dma_wait3A_651 = arith.constant 0 : i32
      %dma_wait3A_652 = tpu.memref_slice %arg8[%dma_wait3A_645, %dma_wait3A_646, %dma_wait3A_651] : memref<2x5x40xi32, #tpu.memory_space<vmem>> -> memref<1x1x40xi32, #tpu.memory_space<vmem>>
      %dma_wait3A_653 = tpu.memref_squeeze %dma_wait3A_652 : memref<1x1x40xi32, #tpu.memory_space<vmem>> -> memref<40xi32, #tpu.memory_space<vmem>>
      %dma_wait3A_654 = arith.constant 0 : i32
      %dma_wait3A_655 = arith.constant 0 : i32
      %dma_wait3A_656 = tpu.memref_slice %arg10[%dma_wait3A_654, %dma_wait3A_655] : memref<10000x128xf32, #tpu.memory_space<vmem_shared>> -> memref<10000x128xf32, #tpu.memory_space<vmem_shared>>
      tpu.wait_indirect_dma semaphore(%arg13 : memref<!tpu.dma_semaphore, #tpu.memory_space<semaphore_mem>>) src(%dma_wait3A_650 : memref<40x128xf32, #tpu.memory_space<vmem>>) dst(%dma_wait3A_656 : memref<10000x128xf32, #tpu.memory_space<vmem_shared>>)
      %dma_wait3A_657 = arith.constant 4 : i32
      %dma_wait3A_658 = arith.constant 1 : i32
      %dma_wait3A_659 = arith.constant 4 : i32
      %dma_wait3A_660 = arith.constant 0 : i32
      %dma_wait3A_661 = arith.constant 0 : i32
      %dma_wait3A_662 = tpu.memref_slice %arg9[%dma_wait3A_657, %dma_wait3A_660, %dma_wait3A_661] : memref<5x40x128xf32, #tpu.memory_space<vmem>> -> memref<1x40x128xf32, #tpu.memory_space<vmem>>
      %dma_wait3A_663 = tpu.memref_squeeze %dma_wait3A_662 : memref<1x40x128xf32, #tpu.memory_space<vmem>> -> memref<40x128xf32, #tpu.memory_space<vmem>>
      %dma_wait3A_664 = arith.constant 0 : i32
      %dma_wait3A_665 = tpu.memref_slice %arg8[%dma_wait3A_658, %dma_wait3A_659, %dma_wait3A_664] : memref<2x5x40xi32, #tpu.memory_space<vmem>> -> memref<1x1x40xi32, #tpu.memory_space<vmem>>
      %dma_wait3A_666 = tpu.memref_squeeze %dma_wait3A_665 : memref<1x1x40xi32, #tpu.memory_space<vmem>> -> memref<40xi32, #tpu.memory_space<vmem>>
      %dma_wait3A_667 = arith.constant 0 : i32
      %dma_wait3A_668 = arith.constant 0 : i32
      %dma_wait3A_669 = tpu.memref_slice %arg10[%dma_wait3A_667, %dma_wait3A_668] : memref<10000x128xf32, #tpu.memory_space<vmem_shared>> -> memref<10000x128xf32, #tpu.memory_space<vmem_shared>>
      tpu.wait_indirect_dma semaphore(%arg13 : memref<!tpu.dma_semaphore, #tpu.memory_space<semaphore_mem>>) src(%dma_wait3A_663 : memref<40x128xf32, #tpu.memory_space<vmem>>) dst(%dma_wait3A_669 : memref<10000x128xf32, #tpu.memory_space<vmem_shared>>)
    }
    %scan3A_48 = arith.constant 25 : i32
    %barrier3A_49 = arith.constant 0 : index
    tpu.barrier barrier_id(%barrier3A_49)
    %lt3A_50 = arith.constant 15 : i32
    %lt3A_51 = arith.cmpi slt, %arg1, %lt3A_50 : i32
    %convert_element_type3A_52 = arith.extui %lt3A_51 : i1 to i32
    %cond3A_53 = arith.constant 0 : i32
    %cond3A_54 = arith.cmpi ne, %convert_element_type3A_52, %cond3A_53 : i32
    scf.if %cond3A_54 {
      "tpu.region"() ({
        %run_scoped3A = tpu.sem_alloc : memref<!tpu.dma_semaphore, #tpu.memory_space<semaphore_mem>>
        %dma_start3A_60 = arith.constant 0 : i32
        %dma_start3A_61 = tpu.memref_slice %arg6[%arg0, %mul3A_2, %dma_start3A_60] : memref<2x10000x128xf32, #tpu.memory_space<hbm>> -> memref<1x624x128xf32, #tpu.memory_space<hbm>>
        %dma_start3A_62 = tpu.memref_squeeze %dma_start3A_61 : memref<1x624x128xf32, #tpu.memory_space<hbm>> -> memref<624x128xf32, #tpu.memory_space<hbm>>
        %dma_start3A_63 = arith.constant 0 : i32
        %dma_start3A_64 = tpu.memref_slice %arg10[%mul3A_2, %dma_start3A_63] : memref<10000x128xf32, #tpu.memory_space<vmem_shared>> -> memref<624x128xf32, #tpu.memory_space<vmem_shared>>
        tpu.enqueue_dma source(%dma_start3A_64 : memref<624x128xf32, #tpu.memory_space<vmem_shared>>) target(%dma_start3A_62 : memref<624x128xf32, #tpu.memory_space<hbm>>) target_semaphore(%run_scoped3A : memref<!tpu.dma_semaphore, #tpu.memory_space<semaphore_mem>>)
        %dma_wait3A = arith.constant 0 : i32
        %dma_wait3A_65 = tpu.memref_slice %arg6[%arg0, %mul3A_2, %dma_wait3A] : memref<2x10000x128xf32, #tpu.memory_space<hbm>> -> memref<1x624x128xf32, #tpu.memory_space<hbm>>
        %dma_wait3A_66 = tpu.memref_squeeze %dma_wait3A_65 : memref<1x624x128xf32, #tpu.memory_space<hbm>> -> memref<624x128xf32, #tpu.memory_space<hbm>>
        %dma_wait3A_67 = arith.constant 0 : i32
        %dma_wait3A_68 = tpu.memref_slice %arg10[%mul3A_2, %dma_wait3A_67] : memref<10000x128xf32, #tpu.memory_space<vmem_shared>> -> memref<624x128xf32, #tpu.memory_space<vmem_shared>>
        tpu.wait_dma2 semaphore(%run_scoped3A : memref<!tpu.dma_semaphore, #tpu.memory_space<semaphore_mem>>) src(%dma_wait3A_68 : memref<624x128xf32, #tpu.memory_space<vmem_shared>>) dst(%dma_wait3A_66 : memref<624x128xf32, #tpu.memory_space<hbm>>)
        tpu.yield
      }) : () -> ()
    } else {
    }
    %eq3A_55 = arith.constant 15 : i32
    %eq3A_56 = arith.cmpi eq, %arg1, %eq3A_55 : i32
    %convert_element_type3A_57 = arith.extui %eq3A_56 : i1 to i32
    %cond3A_58 = arith.constant 0 : i32
    %cond3A_59 = arith.cmpi ne, %convert_element_type3A_57, %cond3A_58 : i32
    scf.if %cond3A_59 {
      "tpu.region"() ({
        %run_scoped3A = tpu.sem_alloc : memref<!tpu.dma_semaphore, #tpu.memory_space<semaphore_mem>>
        %dma_start3A_60 = arith.constant 0 : i32
        %dma_start3A_61 = tpu.memref_slice %arg6[%arg0, %mul3A_2, %dma_start3A_60] : memref<2x10000x128xf32, #tpu.memory_space<hbm>> -> memref<1x640x128xf32, #tpu.memory_space<hbm>>
        %dma_start3A_62 = tpu.memref_squeeze %dma_start3A_61 : memref<1x640x128xf32, #tpu.memory_space<hbm>> -> memref<640x128xf32, #tpu.memory_space<hbm>>
        %dma_start3A_63 = arith.constant 0 : i32
        %dma_start3A_64 = tpu.memref_slice %arg10[%mul3A_2, %dma_start3A_63] : memref<10000x128xf32, #tpu.memory_space<vmem_shared>> -> memref<640x128xf32, #tpu.memory_space<vmem_shared>>
        tpu.enqueue_dma source(%dma_start3A_64 : memref<640x128xf32, #tpu.memory_space<vmem_shared>>) target(%dma_start3A_62 : memref<640x128xf32, #tpu.memory_space<hbm>>) target_semaphore(%run_scoped3A : memref<!tpu.dma_semaphore, #tpu.memory_space<semaphore_mem>>)
        %dma_wait3A = arith.constant 0 : i32
        %dma_wait3A_65 = tpu.memref_slice %arg6[%arg0, %mul3A_2, %dma_wait3A] : memref<2x10000x128xf32, #tpu.memory_space<hbm>> -> memref<1x640x128xf32, #tpu.memory_space<hbm>>
        %dma_wait3A_66 = tpu.memref_squeeze %dma_wait3A_65 : memref<1x640x128xf32, #tpu.memory_space<hbm>> -> memref<640x128xf32, #tpu.memory_space<hbm>>
        %dma_wait3A_67 = arith.constant 0 : i32
        %dma_wait3A_68 = tpu.memref_slice %arg10[%mul3A_2, %dma_wait3A_67] : memref<10000x128xf32, #tpu.memory_space<vmem_shared>> -> memref<640x128xf32, #tpu.memory_space<vmem_shared>>
        tpu.wait_dma2 semaphore(%run_scoped3A : memref<!tpu.dma_semaphore, #tpu.memory_space<semaphore_mem>>) src(%dma_wait3A_68 : memref<640x128xf32, #tpu.memory_space<vmem_shared>>) dst(%dma_wait3A_66 : memref<640x128xf32, #tpu.memory_space<hbm>>)
        tpu.yield
      }) : () -> ()
    } else {
    }
    return
  }
}

module attributes {stable_mosaic.version = 14 : i64} {
  func.func @_m1_body(%arg0: i32, %arg1: memref<2000x128xf32, #tpu.memory_space<vmem>>, %arg2: memref<128x128xf32, #tpu.memory_space<vmem>>, %arg3: memref<2x2000x128xf32, #tpu.memory_space<vmem>>, %arg4: memref<2000x128xf32, #tpu.memory_space<vmem>>, %arg5: memref<2000x16xf32, #tpu.memory_space<vmem>>) attributes {dimension_semantics = [#tpu.dimension_semantics<arbitrary>], iteration_bounds = array<i64: 5>, scalar_prefetch = 0 : i64, scratch_operands = 0 : i64, tpu.core_type = #tpu.core_type<tc>, window_params = [{transform_indices = @transform_0, window_bounds = array<i64: 2000, 128>}, {pipeline_mode = #tpu.pipeline_mode<synchronous>, transform_indices = @transform_1, window_bounds = array<i64: 128, 128>}, {transform_indices = @transform_2, window_bounds = array<i64: 2, 2000, 128>}, {transform_indices = @transform_3, window_bounds = array<i64: 2000, 128>}, {transform_indices = @transform_4, window_bounds = array<i64: 2000, 16>}]} {
    %get3A = arith.constant 0 : index
    %get3A_0 = arith.constant 0 : index
    %get3A_1 = arith.constant 0 : index
    %get3A_2 = vector.load %arg3[%get3A, %get3A_0, %get3A_1] : memref<2x2000x128xf32, #tpu.memory_space<vmem>>, vector<1x2000x1xf32>
    %get3A_3 = vector.shape_cast %get3A_2 : vector<1x2000x1xf32> to vector<2000x1xf32>
    %get3A_4 = arith.constant 1 : index
    %get3A_5 = arith.constant 0 : index
    %get3A_6 = arith.constant 0 : index
    %get3A_7 = vector.load %arg3[%get3A_4, %get3A_5, %get3A_6] : memref<2x2000x128xf32, #tpu.memory_space<vmem>>, vector<1x2000x1xf32>
    %get3A_8 = vector.shape_cast %get3A_7 : vector<1x2000x1xf32> to vector<2000x1xf32>
    %add3A = arith.addf %get3A_3, %get3A_8 : vector<2000x1xf32>
    %add3A_9 = arith.constant 1.000000e+00 : f32
    %add3A_10 = vector.broadcast %add3A_9 : f32 to vector<2000x1xf32>
    %add3A_11 = arith.addf %add3A, %add3A_10 : vector<2000x1xf32>
    %rsqrt3A = math.rsqrt %add3A_11 : vector<2000x1xf32>
    %get3A_12 = arith.constant 0 : index
    %get3A_13 = arith.constant 0 : index
    %get3A_14 = vector.load %arg1[%get3A_12, %get3A_13] : memref<2000x128xf32, #tpu.memory_space<vmem>>, vector<2000x128xf32>
    %get3A_15 = arith.constant 0 : index
    %get3A_16 = arith.constant 0 : index
    %get3A_17 = vector.load %arg2[%get3A_15, %get3A_16] : memref<128x128xf32, #tpu.memory_space<vmem>>, vector<128x128xf32>
    %dot_general3A = arith.constant dense<0.000000e+00> : vector<2000x128xf32>
    %dot_general3A_18 = tpu.matmul %get3A_14, %get3A_17, %dot_general3A {dimension_numbers = #tpu.dot_dimension_numbers<[1], [0], [0], [1], [0, 0, 1, 1], [], []>, transpose_lhs_hint = false} : vector<2000x128xf32>, vector<128x128xf32>, vector<2000x128xf32> -> vector<2000x128xf32>
    %mul3A = vector.broadcast %rsqrt3A : vector<2000x1xf32> to vector<2000x128xf32>
    %mul3A_19 = arith.mulf %dot_general3A_18, %mul3A : vector<2000x128xf32>
    %swap3A = arith.constant 0 : index
    %swap3A_20 = arith.constant 0 : index
    %swap3A_21 = vector.load %arg4[%swap3A, %swap3A_20] : memref<2000x128xf32, #tpu.memory_space<vmem>>, vector<2000x128xf32>
    tpu.vector_store %arg4[%swap3A, %swap3A_20], %mul3A_19 {strides = array<i32>} : memref<2000x128xf32, #tpu.memory_space<vmem>>, vector<2000x128xf32>,
    %broadcast_in_dim3A = vector.shape_cast %rsqrt3A : vector<2000x1xf32> to vector<2000x1xf32>
    %broadcast_in_dim3A_22 = vector.broadcast %broadcast_in_dim3A : vector<2000x1xf32> to vector<2000x16xf32>
    %swap3A_23 = arith.constant 0 : index
    %swap3A_24 = arith.constant 0 : index
    %swap3A_25 = vector.load %arg5[%swap3A_23, %swap3A_24] : memref<2000x16xf32, #tpu.memory_space<vmem>>, vector<2000x16xf32>
    tpu.vector_store %arg5[%swap3A_23, %swap3A_24], %broadcast_in_dim3A_22 {strides = array<i32>} : memref<2000x16xf32, #tpu.memory_space<vmem>>, vector<2000x16xf32>,
    return
  }
  func.func @transform_0(%arg0: i32) -> (i32, i32) {
    %c0_i32 = arith.constant 0 : i32
    %c0_i32_0 = arith.constant 0 : i32
    return %arg0, %c0_i32 : i32, i32
  }
  func.func @transform_1(%arg0: i32) -> (i32, i32) {
    %c0_i32 = arith.constant 0 : i32
    %c0_i32_0 = arith.constant 0 : i32
    %c0_i32_1 = arith.constant 0 : i32
    return %c0_i32, %c0_i32_0 : i32, i32
  }
  func.func @transform_2(%arg0: i32) -> (i32, i32, i32) {
    %c0_i32 = arith.constant 0 : i32
    %c0_i32_0 = arith.constant 0 : i32
    %c0_i32_1 = arith.constant 0 : i32
    return %c0_i32, %arg0, %c0_i32_0 : i32, i32, i32
  }
  func.func @transform_3(%arg0: i32) -> (i32, i32) {
    %c0_i32 = arith.constant 0 : i32
    %c0_i32_0 = arith.constant 0 : i32
    return %arg0, %c0_i32 : i32, i32
  }
  func.func @transform_4(%arg0: i32) -> (i32, i32) {
    %c0_i32 = arith.constant 0 : i32
    %c0_i32_0 = arith.constant 0 : i32
    return %arg0, %c0_i32 : i32, i32
  }
}

module attributes {stable_mosaic.version = 14 : i64} {
  func.func @_m2_body(%arg0: i32, %arg1: memref<2x2000x128xf32, #tpu.memory_space<vmem>>, %arg2: memref<2000x128xf32, #tpu.memory_space<vmem>>, %arg3: memref<2000x16xf32, #tpu.memory_space<vmem>>, %arg4: memref<1x128xf32, #tpu.memory_space<vmem>>, %arg5: memref<128x128xf32, #tpu.memory_space<vmem>>, %arg6: memref<2000x128xf32, #tpu.memory_space<vmem>>, %arg7: memref<2000x128xf32, #tpu.memory_space<vmem>>) attributes {dimension_semantics = [#tpu.dimension_semantics<arbitrary>], iteration_bounds = array<i64: 5>, scalar_prefetch = 0 : i64, scratch_operands = 0 : i64, tpu.core_type = #tpu.core_type<tc>, window_params = [{transform_indices = @transform_0, window_bounds = array<i64: 2, 2000, 128>}, {transform_indices = @transform_1, window_bounds = array<i64: 2000, 128>}, {transform_indices = @transform_2, window_bounds = array<i64: 2000, 16>}, {pipeline_mode = #tpu.pipeline_mode<synchronous>, transform_indices = @transform_3, window_bounds = array<i64: 1, 128>}, {pipeline_mode = #tpu.pipeline_mode<synchronous>, transform_indices = @transform_4, window_bounds = array<i64: 128, 128>}, {transform_indices = @transform_5, window_bounds = array<i64: 2000, 128>}, {transform_indices = @transform_6, window_bounds = array<i64: 2000, 128>}]} {
    %get3A = arith.constant 0 : index
    %get3A_0 = arith.constant 0 : index
    %get3A_1 = vector.load %arg3[%get3A, %get3A_0] : memref<2000x16xf32, #tpu.memory_space<vmem>>, vector<2000x1xf32>
    %get3A_2 = arith.constant 0 : index
    %get3A_3 = arith.constant 0 : index
    %get3A_4 = arith.constant 0 : index
    %get3A_5 = vector.load %arg1[%get3A_2, %get3A_3, %get3A_4] : memref<2x2000x128xf32, #tpu.memory_space<vmem>>, vector<1x2000x128xf32>
    %get3A_6 = vector.shape_cast %get3A_5 : vector<1x2000x128xf32> to vector<2000x128xf32>
    %get3A_7 = arith.constant 1 : index
    %get3A_8 = arith.constant 0 : index
    %get3A_9 = arith.constant 0 : index
    %get3A_10 = vector.load %arg1[%get3A_7, %get3A_8, %get3A_9] : memref<2x2000x128xf32, #tpu.memory_space<vmem>>, vector<1x2000x128xf32>
    %get3A_11 = vector.shape_cast %get3A_10 : vector<1x2000x128xf32> to vector<2000x128xf32>
    %add3A = arith.addf %get3A_6, %get3A_11 : vector<2000x128xf32>
    %get3A_12 = arith.constant 0 : index
    %get3A_13 = arith.constant 0 : index
    %get3A_14 = vector.load %arg2[%get3A_12, %get3A_13] : memref<2000x128xf32, #tpu.memory_space<vmem>>, vector<2000x128xf32>
    %add3A_15 = arith.addf %add3A, %get3A_14 : vector<2000x128xf32>
    %mul3A = vector.broadcast %get3A_1 : vector<2000x1xf32> to vector<2000x128xf32>
    %mul3A_16 = arith.mulf %add3A_15, %mul3A : vector<2000x128xf32>
    %get3A_17 = arith.constant 0 : index
    %get3A_18 = arith.constant 0 : index
    %get3A_19 = vector.load %arg4[%get3A_17, %get3A_18] : memref<1x128xf32, #tpu.memory_space<vmem>>, vector<1x128xf32>
    %add3A_20 = vector.broadcast %get3A_19 : vector<1x128xf32> to vector<2000x128xf32>
    %add3A_21 = arith.addf %mul3A_16, %add3A_20 : vector<2000x128xf32>
    %max3A = arith.constant 0.000000e+00 : f32
    %max3A_22 = vector.broadcast %max3A : f32 to vector<2000x128xf32>
    %max3A_23 = arith.maximumf %add3A_21, %max3A_22 : vector<2000x128xf32>
    %swap3A = arith.constant 0 : index
    %swap3A_24 = arith.constant 0 : index
    %swap3A_25 = vector.load %arg6[%swap3A, %swap3A_24] : memref<2000x128xf32, #tpu.memory_space<vmem>>, vector<2000x128xf32>
    tpu.vector_store %arg6[%swap3A, %swap3A_24], %max3A_23 {strides = array<i32>} : memref<2000x128xf32, #tpu.memory_space<vmem>>, vector<2000x128xf32>,
    %get3A_26 = arith.constant 0 : index
    %get3A_27 = arith.constant 0 : index
    %get3A_28 = vector.load %arg5[%get3A_26, %get3A_27] : memref<128x128xf32, #tpu.memory_space<vmem>>, vector<128x128xf32>
    %dot_general3A = arith.constant dense<0.000000e+00> : vector<2000x128xf32>
    %dot_general3A_29 = tpu.matmul %max3A_23, %get3A_28, %dot_general3A {dimension_numbers = #tpu.dot_dimension_numbers<[1], [0], [0], [1], [0, 0, 1, 1], [], []>, transpose_lhs_hint = false} : vector<2000x128xf32>, vector<128x128xf32>, vector<2000x128xf32> -> vector<2000x128xf32>
    %mul3A_30 = vector.broadcast %get3A_1 : vector<2000x1xf32> to vector<2000x128xf32>
    %mul3A_31 = arith.mulf %dot_general3A_29, %mul3A_30 : vector<2000x128xf32>
    %swap3A_32 = arith.constant 0 : index
    %swap3A_33 = arith.constant 0 : index
    %swap3A_34 = vector.load %arg7[%swap3A_32, %swap3A_33] : memref<2000x128xf32, #tpu.memory_space<vmem>>, vector<2000x128xf32>
    tpu.vector_store %arg7[%swap3A_32, %swap3A_33], %mul3A_31 {strides = array<i32>} : memref<2000x128xf32, #tpu.memory_space<vmem>>, vector<2000x128xf32>,
    return
  }
  func.func @transform_0(%arg0: i32) -> (i32, i32, i32) {
    %c0_i32 = arith.constant 0 : i32
    %c0_i32_0 = arith.constant 0 : i32
    %c0_i32_1 = arith.constant 0 : i32
    return %c0_i32, %arg0, %c0_i32_0 : i32, i32, i32
  }
  func.func @transform_1(%arg0: i32) -> (i32, i32) {
    %c0_i32 = arith.constant 0 : i32
    %c0_i32_0 = arith.constant 0 : i32
    return %arg0, %c0_i32 : i32, i32
  }
  func.func @transform_2(%arg0: i32) -> (i32, i32) {
    %c0_i32 = arith.constant 0 : i32
    %c0_i32_0 = arith.constant 0 : i32
    return %arg0, %c0_i32 : i32, i32
  }
  func.func @transform_3(%arg0: i32) -> (i32, i32) {
    %c0_i32 = arith.constant 0 : i32
    %c0_i32_0 = arith.constant 0 : i32
    %c0_i32_1 = arith.constant 0 : i32
    return %c0_i32, %c0_i32_0 : i32, i32
  }
  func.func @transform_4(%arg0: i32) -> (i32, i32) {
    %c0_i32 = arith.constant 0 : i32
    %c0_i32_0 = arith.constant 0 : i32
    %c0_i32_1 = arith.constant 0 : i32
    return %c0_i32, %c0_i32_0 : i32, i32
  }
  func.func @transform_5(%arg0: i32) -> (i32, i32) {
    %c0_i32 = arith.constant 0 : i32
    %c0_i32_0 = arith.constant 0 : i32
    return %arg0, %c0_i32 : i32, i32
  }
  func.func @transform_6(%arg0: i32) -> (i32, i32) {
    %c0_i32 = arith.constant 0 : i32
    %c0_i32_0 = arith.constant 0 : i32
    return %arg0, %c0_i32 : i32, i32
  }
}

module attributes {stable_mosaic.version = 14 : i64} {
  func.func @_m3_body(%arg0: i32, %arg1: memref<2x2000x128xf32, #tpu.memory_space<vmem>>, %arg2: memref<2000x128xf32, #tpu.memory_space<vmem>>, %arg3: memref<2000x16xf32, #tpu.memory_space<vmem>>, %arg4: memref<1x128xf32, #tpu.memory_space<vmem>>, %arg5: memref<2000x128xf32, #tpu.memory_space<vmem>>) attributes {dimension_semantics = [#tpu.dimension_semantics<arbitrary>], iteration_bounds = array<i64: 5>, scalar_prefetch = 0 : i64, scratch_operands = 0 : i64, tpu.core_type = #tpu.core_type<tc>, window_params = [{transform_indices = @transform_0, window_bounds = array<i64: 2, 2000, 128>}, {transform_indices = @transform_1, window_bounds = array<i64: 2000, 128>}, {transform_indices = @transform_2, window_bounds = array<i64: 2000, 16>}, {pipeline_mode = #tpu.pipeline_mode<synchronous>, transform_indices = @transform_3, window_bounds = array<i64: 1, 128>}, {transform_indices = @transform_4, window_bounds = array<i64: 2000, 128>}]} {
    %get3A = arith.constant 0 : index
    %get3A_0 = arith.constant 0 : index
    %get3A_1 = vector.load %arg3[%get3A, %get3A_0] : memref<2000x16xf32, #tpu.memory_space<vmem>>, vector<2000x1xf32>
    %get3A_2 = arith.constant 0 : index
    %get3A_3 = arith.constant 0 : index
    %get3A_4 = arith.constant 0 : index
    %get3A_5 = vector.load %arg1[%get3A_2, %get3A_3, %get3A_4] : memref<2x2000x128xf32, #tpu.memory_space<vmem>>, vector<1x2000x128xf32>
    %get3A_6 = vector.shape_cast %get3A_5 : vector<1x2000x128xf32> to vector<2000x128xf32>
    %get3A_7 = arith.constant 1 : index
    %get3A_8 = arith.constant 0 : index
    %get3A_9 = arith.constant 0 : index
    %get3A_10 = vector.load %arg1[%get3A_7, %get3A_8, %get3A_9] : memref<2x2000x128xf32, #tpu.memory_space<vmem>>, vector<1x2000x128xf32>
    %get3A_11 = vector.shape_cast %get3A_10 : vector<1x2000x128xf32> to vector<2000x128xf32>
    %add3A = arith.addf %get3A_6, %get3A_11 : vector<2000x128xf32>
    %get3A_12 = arith.constant 0 : index
    %get3A_13 = arith.constant 0 : index
    %get3A_14 = vector.load %arg2[%get3A_12, %get3A_13] : memref<2000x128xf32, #tpu.memory_space<vmem>>, vector<2000x128xf32>
    %add3A_15 = arith.addf %add3A, %get3A_14 : vector<2000x128xf32>
    %mul3A = vector.broadcast %get3A_1 : vector<2000x1xf32> to vector<2000x128xf32>
    %mul3A_16 = arith.mulf %add3A_15, %mul3A : vector<2000x128xf32>
    %get3A_17 = arith.constant 0 : index
    %get3A_18 = arith.constant 0 : index
    %get3A_19 = vector.load %arg4[%get3A_17, %get3A_18] : memref<1x128xf32, #tpu.memory_space<vmem>>, vector<1x128xf32>
    %add3A_20 = vector.broadcast %get3A_19 : vector<1x128xf32> to vector<2000x128xf32>
    %add3A_21 = arith.addf %mul3A_16, %add3A_20 : vector<2000x128xf32>
    %swap3A = arith.constant 0 : index
    %swap3A_22 = arith.constant 0 : index
    %swap3A_23 = vector.load %arg5[%swap3A, %swap3A_22] : memref<2000x128xf32, #tpu.memory_space<vmem>>, vector<2000x128xf32>
    tpu.vector_store %arg5[%swap3A, %swap3A_22], %add3A_21 {strides = array<i32>} : memref<2000x128xf32, #tpu.memory_space<vmem>>, vector<2000x128xf32>,
    return
  }
  func.func @transform_0(%arg0: i32) -> (i32, i32, i32) {
    %c0_i32 = arith.constant 0 : i32
    %c0_i32_0 = arith.constant 0 : i32
    %c0_i32_1 = arith.constant 0 : i32
    return %c0_i32, %arg0, %c0_i32_0 : i32, i32, i32
  }
  func.func @transform_1(%arg0: i32) -> (i32, i32) {
    %c0_i32 = arith.constant 0 : i32
    %c0_i32_0 = arith.constant 0 : i32
    return %arg0, %c0_i32 : i32, i32
  }
  func.func @transform_2(%arg0: i32) -> (i32, i32) {
    %c0_i32 = arith.constant 0 : i32
    %c0_i32_0 = arith.constant 0 : i32
    return %arg0, %c0_i32 : i32, i32
  }
  func.func @transform_3(%arg0: i32) -> (i32, i32) {
    %c0_i32 = arith.constant 0 : i32
    %c0_i32_0 = arith.constant 0 : i32
    %c0_i32_1 = arith.constant 0 : i32
    return %c0_i32, %c0_i32_0 : i32, i32
  }
  func.func @transform_4(%arg0: i32) -> (i32, i32) {
    %c0_i32 = arith.constant 0 : i32
    %c0_i32_0 = arith.constant 0 : i32
    return %arg0, %c0_i32 : i32, i32
  }
}

</mosaic_0001>

<sc_bundles>
// kernel: kernel.11.cloned.1.call-start
scs
__scs_entry_jumppad:
0x0: {  	(pc) =	sbr.rel $0x88, $3  }
0x1: {  	(tag) =	ssettag $0x0;
	lr =	simm.s32 $0x1  }
0x2: {  	[smem:$0x3F9B] =	sst lr;
	_ =	strace $0xD0000000  }
0x3: {  	_ = 	snop  }
0x4: {  	_ = 	snop  }
0x5: {  	_ = 	snop  }
0x6: {  	_ = 	snop  }
0x7: {  	_ = 	snop  }
__scs_overlays_trampoline_lowered:
0x8: {  	[smem:$0x3FAA] =	sst s0  }
0x9: {  	[smem:$0x3FAB] =	sst s1  }
0xa: {  	[smem:$0x3FAC] =	sst s2  }
0xb: {  	[smem:$0x3FAD] =	sst s3  }
0xc: {  	[smem:$0x3FAE] =	sst s4  }
0xd: {  	[smem:$0x3FAF] =	sst s5  }
0xe: {  	[smem:$0x3FB0] =	sst s6  }
0xf: {  	[smem:$0x3FB1] =	sst s7  }
0x10: {  	[smem:$0x3FB2] =	sst s8  }
0x11: {  	[smem:$0x3FB3] =	sst s9;
	s0 =	simm.s32 @!p0 $0x0  }
0x12: {  	s1 =	sld [smem:$0x3F99];
	s0 =	simm.s32 @p0 $0x1  }
0x13: {  	[smem:$0x3FB4] =	sst s0;
	s0 =	simm.s32 @!p1 $0x0  }
0x14: {  	s2 =	sld [smem:$0x3F98];
	s0 =	simm.s32 @p1 $0x1  }
0x15: {  	[smem:$0x3FB5] =	sst s0;
	s0 =	simm.s32 @!p2 $0x0  }
0x16: {  	s3 =	sld [smem:$0x3FDB];
	s0 =	simm.s32 @p2 $0x1  }
0x17: {  	s4 =	simm.s32 $0x1BF5;
	[smem:$0x3FB7] =	sst s0  }
0x18: {  	s0 =	sld [smem:$0x3F9A];
	_ =	swait.ge [sflag:s4], $0x0  }
0x19: {  	s7 =	sld [smem:$0x3F9B]  }
0x1a: {  	s8 =	sadd.s32 $0xFFFFE003, lr  }
0x1b: {  	s9 =	sadd.s32 $0xFFFFFEF7, lr;
	s5 =	simm.s32 $0xFFFFFFFF;
	p2 =	slt.u32 s8, $0xFFFFF086  }
0x1c: {  	p1 =	slt.u32 s9, $0xF7A;
	s5 =	simm.s32 @!p2 $0x0  }
0x1d: {  	s5 =	simm.s32 @p1 $0x1;
	p0 =	seq.s32 s7, s2  }
0x1e: {  	s7 =	smul.u32 @!p0 $0xF7A, s2;
	p2 =	seq.s32 @!p0 s5, $0x0  }
0x1f: {  	s9 =	smul.u32 $0xF7A, s1;
	s8 =	simm.s32 @!p0 $0x1BF5;
	p2 =	por !p2, p0  }
0x20: {  	[sflag:s8] =	ssyncset.s32 @!p0 $0xFFFFF086;
	s6 =	sadd.s32 @!p0 s3, s7;
	s7 =	simm.s32 @!p0 $0x108  }
0x21: {  	s3 =	sadd.s32 s3, s9;
	s6 =	sadd.s32 @!p0 $0x88, s6;
	s7 =	simm.s32 @p2 $0x1082  }
0x22: {  	[simem:s7], [sflag:s8] =	dma.local @!p0 [hbm:s6], $0xF7A  }
0x23: {  	s9 =	sor.u32 $0xD0000000, s2;
	s6 =	simm.s32 $0x108;
	_ =	swait.ge @!p0 [sflag:s8], $0x0  }
0x24: {  	s3 =	sadd.s32 $0x88, s3;
	s6 =	simm.s32 @!p1 $0x1082;
	[sflag:s4] =	ssyncset.s32 $0xFFFFF086  }
0x25: {  	[simem:s6], [sflag:s4] =	dma.local [hbm:s3], $0xF7A  }
0x26: {  	[smem:$0x3F9B] =	sst s1;
	(tag) =	ssettag s2;
	_ =	strace s9  }
0x27: {  	s1 =	sld [smem:$0x3FAB]  }
0x28: {  	s2 =	sld [smem:$0x3FAC]  }
0x29: {  	s4 =	sld [smem:$0x3FAE]  }
0x2a: {  	p0 =	seq.s32 s5, $0x0;
	s5 =	sld [smem:$0x3FAF]  }
0x2b: {  	s6 =	sld [smem:$0x3FB0]  }
0x2c: {  	s7 =	sld [smem:$0x3FB1]  }
0x2d: {  	s3 =	simm.s32 $0x108;
	s8 =	sld [smem:$0x3FB2]  }
0x2e: {  	s3 =	simm.s32 @!p0 $0x1082;
	s9 =	sld [smem:$0x3FB3]  }
0x2f: {  	lr =	sadd.s32 s0, s3;
	s0 =	sld [smem:$0x3FAA]  }
0x30: {  	s3 =	sld [smem:$0x3FAD]  }
0x31: {  	[smem:$0x3FB6] =	sst s10  }
0x32: {  	s10 =	sld [smem:$0x3FB4];
	_ =	sdelay $0x3  }
0x33: {  	p0 =	seq.s32 s10, $0x1;
	s10 =	sld [smem:$0x3FB6];
	_ =	sdelay $0x3  }
0x34: {  	[smem:$0x3FB6] =	sst s10  }
0x35: {  	s10 =	sld [smem:$0x3FB5];
	_ =	sdelay $0x3  }
0x36: {  	p1 =	seq.s32 s10, $0x1;
	s10 =	sld [smem:$0x3FB6];
	_ =	sdelay $0x3  }
0x37: {  	[smem:$0x3FB6] =	sst s10  }
0x38: {  	s10 =	sld [smem:$0x3FB7]  }
0x39: {  	_ = 	snop;
	(pc) =	sbr.ind lr, $3  }
0x3a: {  	_ = 	snop  }
0x3b: {  	_ = 	snop  }
0x3c: {  	p2 =	seq.s32 s10, $0x1;
	s10 =	sld [smem:$0x3FB6]  }
0x3d: {  	_ =	shalt  }
0x3e: {  	_ =	shalt  }
0x3f: {  	_ =	shalt  }
0x40: {  	_ =	shalt  }
0x41: {  	_ =	shalt  }
0x42: {  	_ =	shalt  }
0x43: {  	_ =	shalt  }
0x44: {  	_ =	shalt  }
0x45: {  	_ =	shalt  }
0x46: {  	_ =	shalt  }
0x47: {  	_ =	shalt  }
0x48: {  	_ =	shalt  }
0x49: {  	_ =	shalt  }
0x4a: {  	_ =	shalt  }
0x4b: {  	_ =	shalt  }
0x4c: {  	_ =	shalt  }
0x4d: {  	_ =	shalt  }
0x4e: {  	_ =	shalt  }
0x4f: {  	_ =	shalt  }
0x50: {  	_ =	shalt  }
0x51: {  	_ =	shalt  }
0x52: {  	_ =	shalt  }
0x53: {  	_ =	shalt  }
0x54: {  	_ =	shalt  }
0x55: {  	_ =	shalt  }
0x56: {  	_ =	shalt  }
0x57: {  	_ =	shalt  }
0x58: {  	_ =	shalt  }
0x59: {  	_ =	shalt  }
0x5a: {  	_ =	shalt  }
0x5b: {  	_ =	shalt  }
0x5c: {  	_ =	shalt  }
0x5d: {  	_ =	shalt  }
0x5e: {  	_ =	shalt  }
0x5f: {  	_ =	shalt  }
0x60: {  	_ =	shalt  }
0x61: {  	_ =	shalt  }
0x62: {  	_ =	shalt  }
0x63: {  	_ =	shalt  }
0x64: {  	_ =	shalt  }
0x65: {  	_ =	shalt  }
0x66: {  	_ =	shalt  }
0x67: {  	_ =	shalt  }
0x68: {  	_ =	shalt  }
0x69: {  	_ =	shalt  }
0x6a: {  	_ =	shalt  }
0x6b: {  	_ =	shalt  }
0x6c: {  	_ =	shalt  }
0x6d: {  	_ =	shalt  }
0x6e: {  	_ =	shalt  }
0x6f: {  	_ =	shalt  }
0x70: {  	_ =	shalt  }
0x71: {  	_ =	shalt  }
0x72: {  	_ =	shalt  }
0x73: {  	_ =	shalt  }
0x74: {  	_ =	shalt  }
0x75: {  	_ =	shalt  }
0x76: {  	_ =	shalt  }
0x77: {  	_ =	shalt  }
0x78: {  	_ =	shalt  }
0x79: {  	_ =	shalt  }
0x7a: {  	_ =	shalt  }
0x7b: {  	_ =	shalt  }
0x7c: {  	_ =	shalt  }
0x7d: {  	_ =	shalt  }
0x7e: {  	_ =	shalt  }
0x7f: {  	_ =	shalt  }
0x80: {  	_ =	shalt  }
0x81: {  	_ =	shalt  }
0x82: {  	_ =	shalt  }
0x83: {  	_ =	shalt  }
0x84: {  	_ =	shalt  }
0x85: {  	_ =	shalt  }
0x86: {  	_ =	shalt  }
0x87: {  	_ =	shalt  }
.Lfunc_end0:
.L_simem_size_0:
called_computation.1_lowered:
.L_overlay_start_0:
0x88: {  	s2 =	sld [smem:$0x3FD9]  }
0x89: {  	s3 =	sld [smem:$0x3FFE];
	_ =	sdelay $0x1  }
0x8a: {  	s1 =	srdreg.scid  }
0x8b: {  	s0 =	sand.u32 $0x1, s1  }
0x8c: {  	s14 =	sshll.u32 s0, $0xA;
	s2 =	sadd.s32 s3, s2  }
0x8d: {  	s2 =	sadd.s32 s2, s14  }
0x8e: {  	[smem:$0x3FC2] =	sst s2  }
0x8f: {  	_ = 	snop  }
0x90: {  	s2 =	sld [smem:$0x3FD0];
	_ =	sdelay $0x2  }
0x91: {  	s15 =	simm.s32 $0xA;
	s4 =	simm.s32 $0x10  }
0x92: {  	[smem:s4], [sflag:s15] =	dma.local [hbm:s2], $0x1  }
0x93: {  	_ =	swait.eq [sflag:s15], $0x1  }
0x94: {  	[sflag:s15] =	ssyncset.done $0x0  }
0x95: {  	s16 =	sld [smem:$0x10];
	[sflag:s15] =	ssyncadd.s32 $0xFFFFFFFF  }
0x96: {  	s17 =	sld [smem:$0x11];
	(tm) =	ssettm $0x1  }
0x97: {  	s18 =	sld [smem:$0x3FFB];
	_ =	sdelay $0x3  }
0x98: {  	_ =	strace s18  }
0x99: {  	s4 =	sld [smem:$0x3FFC];
	_ =	sdelay $0x3  }
0x9a: {  	_ =	strace s4  }
0x9b: {  	s4 =	sld [smem:$0x3FFD];
	_ =	sdelay $0x3  }
0x9c: {  	_ =	strace s4  }
0x9d: {  	_ =	strace $0x8FFFFFFF  }
0x9e: {  	s19 =	sld [smem:$0x3FDB];
	_ =	sdelay $0x1  }
0x9f: {  	s5 =	simm.s32 $_scs_section_size  }
0xa0: {  	s6 =	simm.s32 $_size__tile_overlayer_lowered;
	s7 =	simm.s32 $_tile_overlayer_lowered  }
0xa1: {  	s22 =	simm.s32 $0x1BFF;
	s21 =	sshll.u32 s7, $0x1;
	s4 =	sadd.s32 s5, s19  }
0xa2: {  	s8 =	simm.s32 $0x0;
	s20 =	sshll.u32 s6, $0x1;
	s6 =	sadd.s32 s21, s4  }
0xa3: {  	[timem:s8], [sflag:s22] =	dma.local [hbm:s6], s20  }
0xa4: {  	_ =	swait.ge [sflag:s22], s20  }
0xa5: {  	s5 =	ssub.s32 $0x0, s20;
	[sflag:s22] =	ssyncset.done $0x0  }
0xa6: {  	[sflag:s22] =	ssyncadd.s32 s5;
	_ =	sdelay $0x1  }
0xa7: {  	s23 =	simm.s32 $0x1B8B  }
0xa8: {  	_ =	swait.ge [sflag:s23], $0x1  }
0xa9: {  	[sflag:s23] =	ssyncset.done $0x0  }
0xaa: {  	s25 =	simm.s32 $0x1B8E;
	s24 =	sld [smem:$0x3FFE];
	[sflag:s23] =	ssyncadd.s32 $0xFFFFFFFF  }
0xab: {  	s26 =	simm.s32 $execute0_lowered;
	[smem:$0x3FD2] =	sst s25  }
0xac: {  	s6 =	sshll.u32 s26, $0x1;
	_ =	strace $0x80000049;
	[dreg:$0x1] =	wrdreg $0xFFFFFFFF  }
0xad: {  	s28 =	simm.s32 $_size_execute0_lowered;
	s4 =	sadd.s32 s4, s6;
	[dreg:$0x0] =	wrdreg $0x0  }
0xae: {  	s6 =	sshll.u32 s28, $0x1;
	[dreg:$0x2] =	wrdreg s4  }
0xaf: {  	[dreg:$0x3] =	wrdreg s6  }
0xb0: {  	[dreg:$0x4] =	wrdreg $0xC0  }
0xb1: {  	_ =	task [dreg:s8], $0x5FFFF  }
0xb2: {  	[dreg:$0x1] =	wrdreg $0xFFFFFFFF  }
0xb3: {  	[dreg:$0x0] =	wrdreg $0x60  }
0xb4: {  	[dreg:$0x2] =	wrdreg s17  }
0xb5: {  	[dreg:$0x3] =	wrdreg s24  }
0xb6: {  	[dreg:$0x4] =	wrdreg s16  }
0xb7: {  	[dreg:$0x5] =	wrdreg $0x74000  }
0xb8: {  	[dreg:$0x6] =	wrdreg $0x9  }
0xb9: {  	_ =	task.clear_ibuf [dreg:s8], $0x7FFFF;
	_ =	strace $0x90000049  }
0xba: {  	s29 =	simm.s32 $0x9;
	_ =	strace $0x8000004B  }
0xbb: {  	_ =	swait.ge [sflag:s29], $0x1  }
0xbc: {  	[sflag:s29] =	ssyncadd.s32 $0xFFFFFFFF  }
0xbd: {  	_ =	strace $0x9000004B  }
0xbe: {  	_ =	sfence  }
0xbf: {  	s30 =	sld [smem:$0x0];
	_ =	sdelay $0x2  }
0xc0: {  	s31 =	sshll.u32 s1, $0xD;
	s1 =	sshrl.u32 s1, $0x2  }
0xc1: {  	s3 =	sand.u32 $0x4000, s31;
	s1 =	sadd.s32 s1, s30  }
0xc2: {  	s0 =	sor.u32 s3, s0;
	s1 =	sshll.u32 s1, $0x11  }
0xc3: {  	s0 =	sor.u32 s1, s0  }
0xc4: {  	s0 =	sadd.s32 $0x8F2B, s0  }
0xc5: {  	[sflag:s0] =	ssyncadd.remote.s32 $0x1  }
0xc6: {  	_ =	sfence.sel $0xFFFF  }
0xc7: {  	[dreg:$0x0] =	wrdreg $0xFFFFFFFF;
	(pc) =	sbr.abs _section_cstart, $3  }
0xc8: {  	[dreg:$0x1] =	wrdreg $0xFFFFFFFF  }
0xc9: {  	_ =	task.clear_ibuf [dreg:s8], $0x2FFFF;
	_ =	strace $0x9FFFFFFF  }
0xca: {  	(tm) =	ssettm $0x7FFFFFFF  }
0xcb: {  	_ =	shalt  }
tec
execute0_lowered:
.L_overlay_start_1:
0x0: {  	(tag) =	ssettag $0x1  }
0x1: {  	s0 =	rddreg [dreg:$0x0]  }
0x2: {  	s1 =	rddreg [dreg:$0x1]  }
0x3: {  	s7 =	rddreg [dreg:$0x2]  }
0x4: {  	s2 =	srdreg.scid;
	s3 =	rddreg [dreg:$0x3]  }
0x5: {  	s14 =	stileid.u32;
	s4 =	simm.s32 $0x0;
	s15 =	simm.s32 $0x80  }
0x6: {  	s16 =	simm.s32 $0x100;
	s17 =	simm.s32 $0x180;
	s18 =	simm.s32 $0x200  }
0x7: {  	s28 =	simm.s32 $0x6000;
	s29 =	simm.s32 $0x2;
	s9 =	smul.u32 $0x4E000, s14  }
0x8: {  	s30 =	simm.s32 $0x3;
	s31 =	simm.s32 $0xC80;
	s11 =	smul.u32 $0x2700, s14  }
0x9: {  	s2 =	sand.u32 $0x1, s2;
	[smem:$0x7FF] =	sst s4;
	s20 =	smul.u32 $0xC800, s14  }
0xa: {  	s6 =	sadd.s32 $0x2200, s1;
	s22 =	smul.u32 $0x13800, s14;
	p0 =	seq.s32 s14, $0xF  }
0xb: {  	s5 =	sshll.u32 s2, $0x4;
	_ =	strace $0x8000004A;
	[dreg:$0x7] =	wrdreg s15  }
0xc: {  	s10 =	ssub.s32 $0x2, s2;
	s13 =	smul.u32 $0x138800, s2;
	[dreg:$0x8] =	wrdreg s16  }
0xd: {  	s2 =	smul.u32 $0xC8000, s2;
	s16 =	simm.s32 $0x800;
	[dreg:$0x9] =	wrdreg s17  }
0xe: {  	[dreg:$0xa] =	wrdreg s18;
	s5 =	sor.u32 s14, s5;
	s12 =	sshrl.u32 s10, $0x1  }
0xf: {  	s9 =	sshrl.u32 s9, $0x2;
	s23 =	sadd.s32 s7, s11;
	s7 =	sadd.s32 $0x24900, s7  }
0x10: {  	s8 =	smul.u32 $0xC800, s5;
	s5 =	sadd.s32 $0x82400, s1;
	s1 =	sadd.s32 $0x34200, s1  }
0x11: {  	s10 =	ssub.s32 s10, s12;
	s21 =	sadd.s32 s9, s3;
	[dreg:$0x16] =	wrdreg s23  }
0x12: {  	s9 =	sadd.s32 $0x124800, s3;
	s2 =	sadd.s32 s20, s2;
	[dreg:$0x17] =	wrdreg s7  }
0x13: {  	s24 =	sadd.s32 s22, s13;
	s26 =	sshrl.u32 s13, $0x3;
	s20 =	simm.s32 $0x900  }
0x14: {  	s22 =	simm.s32 $0xA00;
	s23 =	simm.s32 $0x480;
	[dreg:$0x15] =	wrdreg s21  }
0x15: {  	s25 =	sor.u32 $0x400, s2;
	s7 =	sshrl.u32 s24, $0x3;
	[dreg:$0xc] =	wrdreg s20  }
0x16: {  	s13 =	smax.u32 s10, $0x1;
	s17 =	sshrl.u32 @p0 s9, $0x3;
	[dreg:$0xe] =	wrdreg s22  }
0x17: {  	s21 =	simm.s32 $0x980;
	s20 =	simm.s32 $0x400;
	[dreg:$0xf] =	wrdreg s23  }
0x18: {  	s24 =	simm.s32 $0x500;
	s22 =	simm.s32 $0x28;
	[dreg:$0x1a] =	wrdreg s13  }
0x19: {  	s23 =	simm.s32 $0x1000;
	s8 =	sshrl.u32 s8, $0x3;
	[dreg:$0xd] =	wrdreg s21  }
0x1a: {  	s7 =	sadd.s32 s1, s7;
	s1 =	sadd.s32 s1, s26;
	[dreg:$0x10] =	wrdreg s24  }
0x1b: {  	s21 =	simm.s32 $0xC00;
	s26 =	simm.s32 $0x600;
	[dreg:$0x18] =	wrdreg s7  }
0x1c: {  	s24 =	simm.s32 $0x2400;
	s19 =	sadd.s32 s5, s8;
	[dreg:$0x12] =	wrdreg s26  }
0x1d: {  	s8 =	sadd.s32 s6, s8;
	s1 =	sadd.s32 $0x24900, s1;
	[dreg:$0x13] =	wrdreg s19  }
0x1e: {  	s26 =	simm.s32 $0x4C00;
	s7 =	simm.s32 $0xE00;
	[dreg:$0x14] =	wrdreg s8  }
0x1f: {  	s8 =	sshrl.u32 s25, $0x3;
	[dreg:$0x19] =	wrdreg s1;
	s19 =	simm.s32 $0x880  }
0x20: {  	s25 =	simm.s32 $0x580;
	s1 =	simm.s32 $0xD00;
	s11 =	sadd.s32 s8, s6  }
0x21: {  	s12 =	sadd.s32 s8, s5;
	[dreg:$0xb] =	wrdreg s19;
	s19 =	simm.s32 $0x1  }
0x22: {  	[dreg:$0x11] =	wrdreg s25;
	s25 =	simm.s32 $0x3800;
	s8 =	simm.s32 $0x0  }
0x23: {  	[dreg:$0x5] =	wrdreg s11;
	s11 =	sadd.s32 $0x800, s2;
	s2 =	sshll.u32 @!p0 s14, $0x6  }
0x24: {  	[dreg:$0x6] =	wrdreg s12;
	s18 =	sor.u32 @!p0 $0x1C04, s2;
	s2 =	simm.s32 $0xD80  }
.LBB2_1:
0x25: {  	s9 =	rddreg [dreg:$0x13]  }
0x26: {  	s13 =	rddreg [dreg:$0x14]  }
0x27: {  	[tilespmem:s4], [sflag:$0x1] =	stream.linear.gather [hbm4b:s9+s4], $0x280, $0x38;
	[tilespmem:$0x1AC80] =	vst v63  }
0x28: {  	s10 =	rddreg [dreg:$0x17];
	s9 =	simm.s32 @p0 $0x1FC4  }
0x29: {  	[tilespmem:s16], [sflag:$0x1] =	stream.linear.gather [hbm4b:s13+s4], $0x280, $0x38;
	[tilespmem:$0x1AC80] =	vst v63  }
0x2a: {  	[spmem:s17], [sflag:s9] =	dma.local @p0 [hbm:s10], $0x2800  }
0x2b: {  	s9 =	simm.s32 @p0 $0x4  }
0x2c: {  	_ =	swait.ge @p0 [sflag:s9], $0x2800  }
0x2d: {  	[sflag:s9] =	ssyncset.done @p0 $0x0  }
0x2e: {  	[sflag:s9] =	ssyncadd.s32 @p0 $0xFFFFD800;
	s9 =	rddreg [dreg:$0x15]  }
0x2f: {  	s10 =	rddreg [dreg:$0x16];
	s9 =	sshrl.u32 @!p0 s9, $0x3  }
0x30: {  	[spmem:s9], [sflag:s18] =	dma.local @!p0 [hbm:s10], $0x2700  }
0x31: {  	s10 =	simm.s32 @!p0 $0x4  }
0x32: {  	_ =	swait.ge @!p0 [sflag:s10], $0x2700  }
0x33: {  	[sflag:s10] =	ssyncset.done @!p0 $0x0  }
0x34: {  	[sflag:s10] =	ssyncadd.s32 @!p0 $0xFFFFD900  }
0x35: {  	[bflag:$0x0] =	sbarrier.arrive $0xFFFF  }
0x36: {  	_ =	swait.ge [sflag:s19], $0x280  }
0x37: {  	[sflag:s19] =	ssyncset.done $0x0  }
0x38: {  	[sflag:s19] =	ssyncadd.s32 $0xFFFFFD80  }
0x39: {  	_ =	swait.ge [sflag:s19], $0x280  }
0x3a: {  	s14 =	rddreg [dreg:$0x6];
	[sflag:s19] =	ssyncset.done $0x0  }
0x3b: {  	s12 =	rddreg [dreg:$0x5];
	[sflag:s19] =	ssyncadd.s32 $0xFFFFFD80;
	s10 =	sadd.s32 $0x0, s14  }
0x3c: {  	[tilespmem:s20], [sflag:$0x1] =	stream.linear.gather [hbm4b:s10+s4], $0x280, $0x38;
	[tilespmem:$0x1AC80] =	vst v63  }
0x3d: {  	s15 =	sadd.s32 $0x0, s12  }
0x3e: {  	[tilespmem:s21], [sflag:$0x1] =	stream.linear.gather [hbm4b:s15+s4], $0x280, $0x38;
	[tilespmem:$0x1AC80] =	vst v63  }
0x3f: {  	_ = 	snop  }
0x40: {  	[tilespmem:s23], [sflag:$0x2] =	stream.indirect.gather [hbm4b:s0+s22], $0x80, s4, s22, $0xb8;
	[tilespmem:$0x1AC80] =	vst v63  }
0x41: {  	s12 =	rddreg [dreg:$0x7]  }
0x42: {  	[tilespmem:s24], [sflag:$0x2] =	stream.indirect.gather [hbm4b:s0+s22], $0x80, s12, s22, $0xb8;
	[tilespmem:$0x1AC80] =	vst v63  }
0x43: {  	s13 =	rddreg [dreg:$0x8]  }
0x44: {  	[tilespmem:s25], [sflag:$0x2] =	stream.indirect.gather [hbm4b:s0+s22], $0x80, s13, s22, $0xb8;
	[tilespmem:$0x1AC80] =	vst v63  }
0x45: {  	s14 =	rddreg [dreg:$0x9]  }
0x46: {  	[tilespmem:s26], [sflag:$0x2] =	stream.indirect.gather [hbm4b:s0+s22], $0x80, s14, s22, $0xb8;
	[tilespmem:$0x1AC80] =	vst v63  }
0x47: {  	s15 =	rddreg [dreg:$0xa]  }
0x48: {  	[tilespmem:s28], [sflag:$0x2] =	stream.indirect.gather [hbm4b:s0+s22], $0x80, s15, s22, $0xb8;
	[tilespmem:$0x1AC80] =	vst v63  }
0x49: {  	_ =	swait.ge [sflag:s29], $0x1400  }
0x4a: {  	[sflag:s29] =	ssyncset.done $0x0  }
0x4b: {  	[sflag:s29] =	ssyncadd.s32 $0xFFFFEC00  }
0x4c: {  	[spmem:s3] =	stream.indirect.scatter.add.f32 [tilespmem:s23], [sflag:$0x3], $0x80, s16, s22, $0xb8;
	[tilespmem:$0x1AC80] =	vst v63  }
0x4d: {  	_ =	swait.ge [sflag:s29], $0x1400  }
0x4e: {  	[sflag:s29] =	ssyncset.done $0x0  }
0x4f: {  	s12 =	rddreg [dreg:$0xb];
	[sflag:s29] =	ssyncadd.s32 $0xFFFFEC00  }
0x50: {  	[spmem:s3] =	stream.indirect.scatter.add.f32 [tilespmem:s24], [sflag:$0x3], $0x80, s12, s22, $0xb8;
	[tilespmem:$0x1AC80] =	vst v63  }
0x51: {  	_ =	swait.ge [sflag:s29], $0x1400  }
0x52: {  	[sflag:s29] =	ssyncset.done $0x0  }
0x53: {  	s13 =	rddreg [dreg:$0xc];
	[sflag:s29] =	ssyncadd.s32 $0xFFFFEC00  }
0x54: {  	[spmem:s3] =	stream.indirect.scatter.add.f32 [tilespmem:s25], [sflag:$0x3], $0x80, s13, s22, $0xb8;
	[tilespmem:$0x1AC80] =	vst v63  }
0x55: {  	_ =	swait.ge [sflag:s29], $0x1400  }
0x56: {  	[sflag:s29] =	ssyncset.done $0x0  }
0x57: {  	s14 =	rddreg [dreg:$0xd];
	[sflag:s29] =	ssyncadd.s32 $0xFFFFEC00  }
0x58: {  	[spmem:s3] =	stream.indirect.scatter.add.f32 [tilespmem:s26], [sflag:$0x3], $0x80, s14, s22, $0xb8;
	[tilespmem:$0x1AC80] =	vst v63  }
0x59: {  	_ =	swait.ge [sflag:s29], $0x1400  }
0x5a: {  	[sflag:s29] =	ssyncset.done $0x0  }
0x5b: {  	s15 =	rddreg [dreg:$0xe];
	[sflag:s29] =	ssyncadd.s32 $0xFFFFEC00  }
0x5c: {  	[spmem:s3] =	stream.indirect.scatter.add.f32 [tilespmem:s28], [sflag:$0x3], $0x80, s15, s22, $0xb8;
	[tilespmem:$0x1AC80] =	vst v63  }
0x5d: {  	_ =	swait.ge [sflag:s30], $0x1400  }
0x5e: {  	[sflag:s30] =	ssyncset.done $0x0  }
0x5f: {  	[sflag:s30] =	ssyncadd.s32 $0xFFFFEC00  }
0x60: {  	_ =	swait.ge [sflag:s30], $0x1400  }
0x61: {  	[sflag:s30] =	ssyncset.done $0x0  }
0x62: {  	[sflag:s30] =	ssyncadd.s32 $0xFFFFEC00  }
0x63: {  	_ =	swait.ge [sflag:s30], $0x1400  }
0x64: {  	[sflag:s30] =	ssyncset.done $0x0  }
0x65: {  	[sflag:s30] =	ssyncadd.s32 $0xFFFFEC00  }
0x66: {  	_ =	swait.ge [sflag:s30], $0x1400  }
0x67: {  	[sflag:s30] =	ssyncset.done $0x0  }
0x68: {  	[sflag:s30] =	ssyncadd.s32 $0xFFFFEC00  }
0x69: {  	_ =	swait.ge [sflag:s30], $0x1400  }
0x6a: {  	[sflag:s30] =	ssyncset.done $0x0  }
0x6b: {  	[sflag:s30] =	ssyncadd.s32 $0xFFFFEC00  }
0x6c: {  	_ =	swait.ge [sflag:s19], $0x280  }
0x6d: {  	[sflag:s19] =	ssyncset.done $0x0  }
0x6e: {  	[sflag:s19] =	ssyncadd.s32 $0xFFFFFD80  }
0x6f: {  	p1 =	por $0x0, $0x0;
	_ =	swait.ge [sflag:s19], $0x280  }
0x70: {  	s10 =	sshrl.u32 @!p1 s11, $0x3;
	[sflag:s19] =	ssyncset.done $0x0  }
0x71: {  	s12 =	sadd.s32 @!p1 s5, s10;
	s15 =	simm.s32 @!p1 $0x0;
	[sflag:s19] =	ssyncadd.s32 $0xFFFFFD80  }
0x72: {  	[tilespmem:s15], [sflag:$0x1] =	stream.linear.gather @!p1 [hbm4b:s12+s15], $0x280, $0x38;
	[tilespmem:$0x1AC80] =	vst v63  }
0x73: {  	s10 =	sadd.s32 @!p1 s6, s10;
	s12 =	simm.s32 @!p1 $0x800  }
0x74: {  	[tilespmem:s12], [sflag:$0x1] =	stream.linear.gather @!p1 [hbm4b:s10+s15], $0x280, $0x38;
	[tilespmem:$0x1AC80] =	vst v63  }
0x75: {  	_ = 	snop  }
0x76: {  	[tilespmem:s23], [sflag:$0x2] =	stream.indirect.gather [hbm4b:s0+s22], $0x80, s20, s22, $0xb8;
	[tilespmem:$0x1AC80] =	vst v63  }
0x77: {  	s12 =	rddreg [dreg:$0xf]  }
0x78: {  	[tilespmem:s24], [sflag:$0x2] =	stream.indirect.gather [hbm4b:s0+s22], $0x80, s12, s22, $0xb8;
	[tilespmem:$0x1AC80] =	vst v63  }
0x79: {  	s13 =	rddreg [dreg:$0x10]  }
0x7a: {  	[tilespmem:s25], [sflag:$0x2] =	stream.indirect.gather [hbm4b:s0+s22], $0x80, s13, s22, $0xb8;
	[tilespmem:$0x1AC80] =	vst v63  }
0x7b: {  	s14 =	rddreg [dreg:$0x11]  }
0x7c: {  	[tilespmem:s26], [sflag:$0x2] =	stream.indirect.gather [hbm4b:s0+s22], $0x80, s14, s22, $0xb8;
	[tilespmem:$0x1AC80] =	vst v63  }
0x7d: {  	s15 =	rddreg [dreg:$0x12]  }
0x7e: {  	[tilespmem:s28], [sflag:$0x2] =	stream.indirect.gather [hbm4b:s0+s22], $0x80, s15, s22, $0xb8;
	[tilespmem:$0x1AC80] =	vst v63  }
0x7f: {  	_ =	swait.ge [sflag:s29], $0x1400  }
0x80: {  	[sflag:s29] =	ssyncset.done $0x0  }
0x81: {  	[sflag:s29] =	ssyncadd.s32 $0xFFFFEC00  }
0x82: {  	[spmem:s3] =	stream.indirect.scatter.add.f32 [tilespmem:s23], [sflag:$0x3], $0x80, s21, s22, $0xb8;
	[tilespmem:$0x1AC80] =	vst v63  }
0x83: {  	_ =	swait.ge [sflag:s29], $0x1400  }
0x84: {  	[sflag:s29] =	ssyncset.done $0x0  }
0x85: {  	[sflag:s29] =	ssyncadd.s32 $0xFFFFEC00  }
0x86: {  	[spmem:s3] =	stream.indirect.scatter.add.f32 [tilespmem:s24], [sflag:$0x3], $0x80, s31, s22, $0xb8;
	[tilespmem:$0x1AC80] =	vst v63  }
0x87: {  	_ =	swait.ge [sflag:s29], $0x1400  }
0x88: {  	[sflag:s29] =	ssyncset.done $0x0  }
0x89: {  	[sflag:s29] =	ssyncadd.s32 $0xFFFFEC00  }
0x8a: {  	[spmem:s3] =	stream.indirect.scatter.add.f32 [tilespmem:s25], [sflag:$0x3], $0x80, s1, s22, $0xb8;
	[tilespmem:$0x1AC80] =	vst v63  }
0x8b: {  	_ =	swait.ge [sflag:s29], $0x1400  }
0x8c: {  	[sflag:s29] =	ssyncset.done $0x0  }
0x8d: {  	[sflag:s29] =	ssyncadd.s32 $0xFFFFEC00  }
0x8e: {  	[spmem:s3] =	stream.indirect.scatter.add.f32 [tilespmem:s26], [sflag:$0x3], $0x80, s2, s22, $0xb8;
	[tilespmem:$0x1AC80] =	vst v63  }
0x8f: {  	_ =	swait.ge [sflag:s29], $0x1400  }
0x90: {  	[sflag:s29] =	ssyncset.done $0x0  }
0x91: {  	[sflag:s29] =	ssyncadd.s32 $0xFFFFEC00  }
0x92: {  	[spmem:s3] =	stream.indirect.scatter.add.f32 [tilespmem:s28], [sflag:$0x3], $0x80, s7, s22, $0xb8;
	[tilespmem:$0x1AC80] =	vst v63  }
0x93: {  	_ =	swait.ge [sflag:s30], $0x1400  }
0x94: {  	[sflag:s30] =	ssyncset.done $0x0  }
0x95: {  	[sflag:s30] =	ssyncadd.s32 $0xFFFFEC00  }
0x96: {  	_ =	swait.ge [sflag:s30], $0x1400  }
0x97: {  	[sflag:s30] =	ssyncset.done $0x0  }
0x98: {  	[sflag:s30] =	ssyncadd.s32 $0xFFFFEC00  }
0x99: {  	_ =	swait.ge [sflag:s30], $0x1400  }
0x9a: {  	[sflag:s30] =	ssyncset.done $0x0  }
0x9b: {  	[sflag:s30] =	ssyncadd.s32 $0xFFFFEC00  }
0x9c: {  	_ =	swait.ge [sflag:s30], $0x1400  }
0x9d: {  	[sflag:s30] =	ssyncset.done $0x0  }
0x9e: {  	[sflag:s30] =	ssyncadd.s32 $0xFFFFEC00  }
0x9f: {  	_ =	swait.ge [sflag:s30], $0x1400  }
0xa0: {  	s10 =	simm.s32 $0x100;
	s15 =	smov.u32 s11;
	[sflag:s30] =	ssyncset.done $0x0  }
.LBB2_2:
0xa1: {  	[sflag:s30] =	ssyncadd.s32 $0xFFFFEC00  }
0xa2: {  	_ =	swait.ge [sflag:s19], $0x280  }
0xa3: {  	[sflag:s19] =	ssyncset.done $0x0  }
0xa4: {  	[sflag:s19] =	ssyncadd.s32 $0xFFFFFD80  }
0xa5: {  	_ =	swait.ge [sflag:s19], $0x280  }
0xa6: {  	s12 =	smov.u32 s10;
	s13 =	rddreg [dreg:$0x6];
	[sflag:s19] =	ssyncset.done $0x0  }
0xa7: {  	s14 =	rddreg [dreg:$0x5];
	[sflag:s19] =	ssyncadd.s32 $0xFFFFFD80;
	s13 =	sadd.s32 s12, s13  }
0xa8: {  	[tilespmem:s20], [sflag:$0x1] =	stream.linear.gather [hbm4b:s13+s4], $0x280, $0x38;
	[tilespmem:$0x1AC80] =	vst v63  }
0xa9: {  	s14 =	sadd.s32 s12, s14  }
0xaa: {  	[tilespmem:s21], [sflag:$0x1] =	stream.linear.gather [hbm4b:s14+s4], $0x280, $0x38;
	[tilespmem:$0x1AC80] =	vst v63  }
0xab: {  	_ = 	snop  }
0xac: {  	[tilespmem:s23], [sflag:$0x2] =	stream.indirect.gather [hbm4b:s0+s22], $0x80, s4, s22, $0xb8;
	[tilespmem:$0x1AC80] =	vst v63  }
0xad: {  	s13 =	rddreg [dreg:$0x7]  }
0xae: {  	[tilespmem:s24], [sflag:$0x2] =	stream.indirect.gather [hbm4b:s0+s22], $0x80, s13, s22, $0xb8;
	[tilespmem:$0x1AC80] =	vst v63  }
0xaf: {  	s14 =	rddreg [dreg:$0x8]  }
0xb0: {  	[tilespmem:s25], [sflag:$0x2] =	stream.indirect.gather [hbm4b:s0+s22], $0x80, s14, s22, $0xb8;
	[tilespmem:$0x1AC80] =	vst v63  }
0xb1: {  	s13 =	rddreg [dreg:$0x9]  }
0xb2: {  	[tilespmem:s26], [sflag:$0x2] =	stream.indirect.gather [hbm4b:s0+s22], $0x80, s13, s22, $0xb8;
	[tilespmem:$0x1AC80] =	vst v63  }
0xb3: {  	s14 =	rddreg [dreg:$0xa]  }
0xb4: {  	[tilespmem:s28], [sflag:$0x2] =	stream.indirect.gather [hbm4b:s0+s22], $0x80, s14, s22, $0xb8;
	[tilespmem:$0x1AC80] =	vst v63  }
0xb5: {  	_ =	swait.ge [sflag:s29], $0x1400  }
0xb6: {  	[sflag:s29] =	ssyncset.done $0x0  }
0xb7: {  	[sflag:s29] =	ssyncadd.s32 $0xFFFFEC00  }
0xb8: {  	[spmem:s3] =	stream.indirect.scatter.add.f32 [tilespmem:s23], [sflag:$0x3], $0x80, s16, s22, $0xb8;
	[tilespmem:$0x1AC80] =	vst v63  }
0xb9: {  	_ =	swait.ge [sflag:s29], $0x1400  }
0xba: {  	[sflag:s29] =	ssyncset.done $0x0  }
0xbb: {  	s14 =	rddreg [dreg:$0xb];
	[sflag:s29] =	ssyncadd.s32 $0xFFFFEC00  }
0xbc: {  	[spmem:s3] =	stream.indirect.scatter.add.f32 [tilespmem:s24], [sflag:$0x3], $0x80, s14, s22, $0xb8;
	[tilespmem:$0x1AC80] =	vst v63  }
0xbd: {  	_ =	swait.ge [sflag:s29], $0x1400  }
0xbe: {  	[sflag:s29] =	ssyncset.done $0x0  }
0xbf: {  	s14 =	rddreg [dreg:$0xc];
	[sflag:s29] =	ssyncadd.s32 $0xFFFFEC00  }
0xc0: {  	[spmem:s3] =	stream.indirect.scatter.add.f32 [tilespmem:s25], [sflag:$0x3], $0x80, s14, s22, $0xb8;
	[tilespmem:$0x1AC80] =	vst v63  }
0xc1: {  	_ =	swait.ge [sflag:s29], $0x1400  }
0xc2: {  	[sflag:s29] =	ssyncset.done $0x0  }
0xc3: {  	s14 =	rddreg [dreg:$0xd];
	[sflag:s29] =	ssyncadd.s32 $0xFFFFEC00  }
0xc4: {  	[spmem:s3] =	stream.indirect.scatter.add.f32 [tilespmem:s26], [sflag:$0x3], $0x80, s14, s22, $0xb8;
	[tilespmem:$0x1AC80] =	vst v63  }
0xc5: {  	_ =	swait.ge [sflag:s29], $0x1400  }
0xc6: {  	[sflag:s29] =	ssyncset.done $0x0  }
0xc7: {  	s14 =	rddreg [dreg:$0xe];
	[sflag:s29] =	ssyncadd.s32 $0xFFFFEC00  }
0xc8: {  	[spmem:s3] =	stream.indirect.scatter.add.f32 [tilespmem:s28], [sflag:$0x3], $0x80, s14, s22, $0xb8;
	[tilespmem:$0x1AC80] =	vst v63  }
0xc9: {  	_ =	swait.ge [sflag:s30], $0x1400  }
0xca: {  	[sflag:s30] =	ssyncset.done $0x0  }
0xcb: {  	[sflag:s30] =	ssyncadd.s32 $0xFFFFEC00  }
0xcc: {  	_ =	swait.ge [sflag:s30], $0x1400  }
0xcd: {  	[sflag:s30] =	ssyncset.done $0x0  }
0xce: {  	[sflag:s30] =	ssyncadd.s32 $0xFFFFEC00  }
0xcf: {  	_ =	swait.ge [sflag:s30], $0x1400  }
0xd0: {  	[sflag:s30] =	ssyncset.done $0x0  }
0xd1: {  	[sflag:s30] =	ssyncadd.s32 $0xFFFFEC00  }
0xd2: {  	_ =	swait.ge [sflag:s30], $0x1400  }
0xd3: {  	[sflag:s30] =	ssyncset.done $0x0  }
0xd4: {  	[sflag:s30] =	ssyncadd.s32 $0xFFFFEC00  }
0xd5: {  	_ =	swait.ge [sflag:s30], $0x1400  }
0xd6: {  	[sflag:s30] =	ssyncset.done $0x0  }
0xd7: {  	[sflag:s30] =	ssyncadd.s32 $0xFFFFEC00  }
0xd8: {  	_ =	swait.ge [sflag:s19], $0x280  }
0xd9: {  	[sflag:s19] =	ssyncset.done $0x0  }
0xda: {  	[sflag:s19] =	ssyncadd.s32 $0xFFFFFD80  }
0xdb: {  	s15 =	sadd.s32 $0x800, s15;
	p2 =	seq.s32 s12, $0x1800;
	_ =	swait.ge [sflag:s19], $0x280  }
0xdc: {  	s12 =	sshrl.u32 @!p2 s15, $0x3;
	[sflag:s19] =	ssyncset.done $0x0  }
0xdd: {  	s13 =	sadd.s32 @!p2 s5, s12;
	s14 =	simm.s32 @!p2 $0x0;
	[sflag:s19] =	ssyncadd.s32 $0xFFFFFD80  }
0xde: {  	[tilespmem:s14], [sflag:$0x1] =	stream.linear.gather @!p2 [hbm4b:s13+s14], $0x280, $0x38;
	[tilespmem:$0x1AC80] =	vst v63  }
0xdf: {  	s12 =	sadd.s32 @!p2 s6, s12;
	s13 =	simm.s32 @!p2 $0x800  }
0xe0: {  	[tilespmem:s13], [sflag:$0x1] =	stream.linear.gather @!p2 [hbm4b:s12+s14], $0x280, $0x38;
	[tilespmem:$0x1AC80] =	vst v63  }
0xe1: {  	_ = 	snop  }
0xe2: {  	[tilespmem:s23], [sflag:$0x2] =	stream.indirect.gather [hbm4b:s0+s22], $0x80, s20, s22, $0xb8;
	[tilespmem:$0x1AC80] =	vst v63  }
0xe3: {  	s13 =	rddreg [dreg:$0xf]  }
0xe4: {  	[tilespmem:s24], [sflag:$0x2] =	stream.indirect.gather [hbm4b:s0+s22], $0x80, s13, s22, $0xb8;
	[tilespmem:$0x1AC80] =	vst v63  }
0xe5: {  	s14 =	rddreg [dreg:$0x10]  }
0xe6: {  	[tilespmem:s25], [sflag:$0x2] =	stream.indirect.gather [hbm4b:s0+s22], $0x80, s14, s22, $0xb8;
	[tilespmem:$0x1AC80] =	vst v63  }
0xe7: {  	s12 =	rddreg [dreg:$0x11]  }
0xe8: {  	[tilespmem:s26], [sflag:$0x2] =	stream.indirect.gather [hbm4b:s0+s22], $0x80, s12, s22, $0xb8;
	[tilespmem:$0x1AC80] =	vst v63  }
0xe9: {  	s14 =	rddreg [dreg:$0x12]  }
0xea: {  	[tilespmem:s28], [sflag:$0x2] =	stream.indirect.gather [hbm4b:s0+s22], $0x80, s14, s22, $0xb8;
	[tilespmem:$0x1AC80] =	vst v63  }
0xeb: {  	_ =	swait.ge [sflag:s29], $0x1400  }
0xec: {  	[sflag:s29] =	ssyncset.done $0x0  }
0xed: {  	[sflag:s29] =	ssyncadd.s32 $0xFFFFEC00  }
0xee: {  	[spmem:s3] =	stream.indirect.scatter.add.f32 [tilespmem:s23], [sflag:$0x3], $0x80, s21, s22, $0xb8;
	[tilespmem:$0x1AC80] =	vst v63  }
0xef: {  	_ =	swait.ge [sflag:s29], $0x1400  }
0xf0: {  	[sflag:s29] =	ssyncset.done $0x0  }
0xf1: {  	[sflag:s29] =	ssyncadd.s32 $0xFFFFEC00  }
0xf2: {  	[spmem:s3] =	stream.indirect.scatter.add.f32 [tilespmem:s24], [sflag:$0x3], $0x80, s31, s22, $0xb8;
	[tilespmem:$0x1AC80] =	vst v63  }
0xf3: {  	_ =	swait.ge [sflag:s29], $0x1400  }
0xf4: {  	[sflag:s29] =	ssyncset.done $0x0  }
0xf5: {  	[sflag:s29] =	ssyncadd.s32 $0xFFFFEC00  }
0xf6: {  	[spmem:s3] =	stream.indirect.scatter.add.f32 [tilespmem:s25], [sflag:$0x3], $0x80, s1, s22, $0xb8;
	[tilespmem:$0x1AC80] =	vst v63  }
0xf7: {  	_ =	swait.ge [sflag:s29], $0x1400  }
0xf8: {  	[sflag:s29] =	ssyncset.done $0x0  }
0xf9: {  	[sflag:s29] =	ssyncadd.s32 $0xFFFFEC00  }
0xfa: {  	[spmem:s3] =	stream.indirect.scatter.add.f32 [tilespmem:s26], [sflag:$0x3], $0x80, s2, s22, $0xb8;
	[tilespmem:$0x1AC80] =	vst v63  }
0xfb: {  	_ =	swait.ge [sflag:s29], $0x1400  }
0xfc: {  	[sflag:s29] =	ssyncset.done $0x0  }
0xfd: {  	[sflag:s29] =	ssyncadd.s32 $0xFFFFEC00  }
0xfe: {  	[spmem:s3] =	stream.indirect.scatter.add.f32 [tilespmem:s28], [sflag:$0x3], $0x80, s7, s22, $0xb8;
	[tilespmem:$0x1AC80] =	vst v63  }
0xff: {  	_ =	swait.ge [sflag:s30], $0x1400  }
0x100: {  	[sflag:s30] =	ssyncset.done $0x0  }
0x101: {  	[sflag:s30] =	ssyncadd.s32 $0xFFFFEC00  }
0x102: {  	_ =	swait.ge [sflag:s30], $0x1400  }
0x103: {  	[sflag:s30] =	ssyncset.done $0x0  }
0x104: {  	[sflag:s30] =	ssyncadd.s32 $0xFFFFEC00  }
0x105: {  	_ =	swait.ge [sflag:s30], $0x1400  }
0x106: {  	s10 =	sadd.s32 $0x100, s10;
	[sflag:s30] =	ssyncset.done $0x0  }
0x107: {  	p1 =	sne.s32 s10, $0x1900;
	[sflag:s30] =	ssyncadd.s32 $0xFFFFEC00  }
.Ltmp0:
0x108: {  	_ =	swait.ge [sflag:s30], $0x1400;
	(pc) =	sbr.rel @p1 .LBB2_2-.Ltmp0, $4  }
0x109: {  	[sflag:s30] =	ssyncset.done $0x0  }
0x10a: {  	[sflag:s30] =	ssyncadd.s32 $0xFFFFEC00  }
0x10b: {  	_ =	swait.ge [sflag:s30], $0x1400  }
0x10c: {  	[sflag:s30] =	ssyncset.done $0x0  }
0x10d: {  	[sflag:s30] =	ssyncadd.s32 $0xFFFFEC00  }
0x10e: {  	[bflag:$0x0] =	sbarrier.arrive $0xFFFF  }
0x10f: {  	s10 =	simm.s32 @p0 $0x1FC4;
	s12 =	rddreg [dreg:$0x19]  }
0x110: {  	[hbm:s12], [sflag:s10] =	dma.local @p0 [spmem:s17], $0x2800  }
0x111: {  	s10 =	simm.s32 @p0 $0x4  }
0x112: {  	_ =	swait.ge @p0 [sflag:s10], $0x2800  }
0x113: {  	[sflag:s10] =	ssyncset.done @p0 $0x0  }
0x114: {  	[sflag:s10] =	ssyncadd.s32 @p0 $0xFFFFD800;
	s10 =	rddreg [dreg:$0x18]  }
0x115: {  	[hbm:s10], [sflag:s18] =	dma.local @!p0 [spmem:s9], $0x2700  }
0x116: {  	s9 =	simm.s32 @!p0 $0x4  }
0x117: {  	_ =	swait.ge @!p0 [sflag:s9], $0x2700  }
0x118: {  	s8 =	sadd.s32 $0x1, s8;
	s15 =	rddreg [dreg:$0x1a]  }
0x119: {  	p1 =	sne.s32 s8, s15  }
.Ltmp1:
0x11a: {  	_ = 	snop;
	(pc) =	sbr.rel @p1 .LBB2_1-.Ltmp1, $3  }
0x11b: {  	_ =	sdelay $0x1  }
0x11c: {  	[sflag:s9] =	ssyncset.done @!p0 $0x0  }
0x11d: {  	[sflag:s9] =	ssyncadd.s32 @!p0 $0xFFFFD900  }
0x11e: {  	_ =	sfence.sel $0x180000  }
0x11f: {  	[bflag:$0x0] =	sbarrier.arrive $0xFFFF  }
0x120: {  	_ =	strace $0x9000004A  }
0x121: {  	s0 =	stileid.u32;
	[bflag:$0x2] =	sbarrier.arrive $0xFFFF  }
0x122: {  	p0 =	sne.s32 s0, $0x0;
	s0 =	rddreg [dreg:$0x4]  }
0x123: {  	s0 =	sadd.s32 @!p0 $0x100000, s0  }
0x124: {  	[sflag:s0] =	ssyncadd.tile.s32 @!p0 $0x1;
	_ =	shalt  }
.Lfunc_end2:
_tile_overlayer_lowered:
.L_overlay_start_2:
0x125: {  	(tag) =	ssettag $0x2  }
0x126: {  	s0 =	rddreg [dreg:$0x0];
	s2 =	stileid.u32  }
0x127: {  	s1 =	rddreg [dreg:$0x1];
	p0 =	sne.s32 s2, $0x0  }
0x128: {  	s3 =	rddreg [dreg:$0x2];
	[bflag:$0x3] =	sbarrier.arrive $0xFFFF;
	s2 =	simm.s32 @!p0 $0x1C04  }
0x129: {  	[timem:s3], [sflag:s2] =	dma.local @!p0 [hbm:s0], s1  }
0x12a: {  	s0 =	simm.s32 @!p0 $0x4  }
0x12b: {  	_ =	swait.ge @!p0 [sflag:s0], s1  }
0x12c: {  	s1 =	ssub.s32 @!p0 $0x0, s1;
	[sflag:s0] =	ssyncset.done @!p0 $0x0  }
0x12d: {  	[sflag:s0] =	ssyncadd.s32 @!p0 s1  }
0x12e: {  	[bflag:$0x3] =	sbarrier.arrive $0xFFFF  }
0x12f: {  	_ =	shalt  }

// kernel: kernel.14.cloned.1.call-start
scs
__scs_entry_jumppad:
0x0: {  	(pc) =	sbr.rel $0x88, $3  }
0x1: {  	(tag) =	ssettag $0x0;
	lr =	simm.s32 $0x1  }
0x2: {  	[smem:$0x3F9B] =	sst lr;
	_ =	strace $0xD0000000  }
0x3: {  	_ = 	snop  }
0x4: {  	_ = 	snop  }
0x5: {  	_ = 	snop  }
0x6: {  	_ = 	snop  }
0x7: {  	_ = 	snop  }
__scs_overlays_trampoline_lowered:
0x8: {  	[smem:$0x3FAA] =	sst s0  }
0x9: {  	[smem:$0x3FAB] =	sst s1  }
0xa: {  	[smem:$0x3FAC] =	sst s2  }
0xb: {  	[smem:$0x3FAD] =	sst s3  }
0xc: {  	[smem:$0x3FAE] =	sst s4  }
0xd: {  	[smem:$0x3FAF] =	sst s5  }
0xe: {  	[smem:$0x3FB0] =	sst s6  }
0xf: {  	[smem:$0x3FB1] =	sst s7  }
0x10: {  	[smem:$0x3FB2] =	sst s8  }
0x11: {  	[smem:$0x3FB3] =	sst s9;
	s0 =	simm.s32 @!p0 $0x0  }
0x12: {  	s1 =	sld [smem:$0x3F99];
	s0 =	simm.s32 @p0 $0x1  }
0x13: {  	[smem:$0x3FB4] =	sst s0;
	s0 =	simm.s32 @!p1 $0x0  }
0x14: {  	s2 =	sld [smem:$0x3F98];
	s0 =	simm.s32 @p1 $0x1  }
0x15: {  	[smem:$0x3FB5] =	sst s0;
	s0 =	simm.s32 @!p2 $0x0  }
0x16: {  	s3 =	sld [smem:$0x3FDB];
	s0 =	simm.s32 @p2 $0x1  }
0x17: {  	s4 =	simm.s32 $0x1BF5;
	[smem:$0x3FB7] =	sst s0  }
0x18: {  	s0 =	sld [smem:$0x3F9A];
	_ =	swait.ge [sflag:s4], $0x0  }
0x19: {  	s7 =	sld [smem:$0x3F9B]  }
0x1a: {  	s8 =	sadd.s32 $0xFFFFE003, lr  }
0x1b: {  	s9 =	sadd.s32 $0xFFFFFEF7, lr;
	s5 =	simm.s32 $0xFFFFFFFF;
	p2 =	slt.u32 s8, $0xFFFFF086  }
0x1c: {  	p1 =	slt.u32 s9, $0xF7A;
	s5 =	simm.s32 @!p2 $0x0  }
0x1d: {  	s5 =	simm.s32 @p1 $0x1;
	p0 =	seq.s32 s7, s2  }
0x1e: {  	s7 =	smul.u32 @!p0 $0xF7A, s2;
	p2 =	seq.s32 @!p0 s5, $0x0  }
0x1f: {  	s9 =	smul.u32 $0xF7A, s1;
	s8 =	simm.s32 @!p0 $0x1BF5;
	p2 =	por !p2, p0  }
0x20: {  	[sflag:s8] =	ssyncset.s32 @!p0 $0xFFFFF086;
	s6 =	sadd.s32 @!p0 s3, s7;
	s7 =	simm.s32 @!p0 $0x108  }
0x21: {  	s3 =	sadd.s32 s3, s9;
	s6 =	sadd.s32 @!p0 $0x88, s6;
	s7 =	simm.s32 @p2 $0x1082  }
0x22: {  	[simem:s7], [sflag:s8] =	dma.local @!p0 [hbm:s6], $0xF7A  }
0x23: {  	s9 =	sor.u32 $0xD0000000, s2;
	s6 =	simm.s32 $0x108;
	_ =	swait.ge @!p0 [sflag:s8], $0x0  }
0x24: {  	s3 =	sadd.s32 $0x88, s3;
	s6 =	simm.s32 @!p1 $0x1082;
	[sflag:s4] =	ssyncset.s32 $0xFFFFF086  }
0x25: {  	[simem:s6], [sflag:s4] =	dma.local [hbm:s3], $0xF7A  }
0x26: {  	[smem:$0x3F9B] =	sst s1;
	(tag) =	ssettag s2;
	_ =	strace s9  }
0x27: {  	s1 =	sld [smem:$0x3FAB]  }
0x28: {  	s2 =	sld [smem:$0x3FAC]  }
0x29: {  	s4 =	sld [smem:$0x3FAE]  }
0x2a: {  	p0 =	seq.s32 s5, $0x0;
	s5 =	sld [smem:$0x3FAF]  }
0x2b: {  	s6 =	sld [smem:$0x3FB0]  }
0x2c: {  	s7 =	sld [smem:$0x3FB1]  }
0x2d: {  	s3 =	simm.s32 $0x108;
	s8 =	sld [smem:$0x3FB2]  }
0x2e: {  	s3 =	simm.s32 @!p0 $0x1082;
	s9 =	sld [smem:$0x3FB3]  }
0x2f: {  	lr =	sadd.s32 s0, s3;
	s0 =	sld [smem:$0x3FAA]  }
0x30: {  	s3 =	sld [smem:$0x3FAD]  }
0x31: {  	[smem:$0x3FB6] =	sst s10  }
0x32: {  	s10 =	sld [smem:$0x3FB4];
	_ =	sdelay $0x3  }
0x33: {  	p0 =	seq.s32 s10, $0x1;
	s10 =	sld [smem:$0x3FB6];
	_ =	sdelay $0x3  }
0x34: {  	[smem:$0x3FB6] =	sst s10  }
0x35: {  	s10 =	sld [smem:$0x3FB5];
	_ =	sdelay $0x3  }
0x36: {  	p1 =	seq.s32 s10, $0x1;
	s10 =	sld [smem:$0x3FB6];
	_ =	sdelay $0x3  }
0x37: {  	[smem:$0x3FB6] =	sst s10  }
0x38: {  	s10 =	sld [smem:$0x3FB7]  }
0x39: {  	_ = 	snop;
	(pc) =	sbr.ind lr, $3  }
0x3a: {  	_ = 	snop  }
0x3b: {  	_ = 	snop  }
0x3c: {  	p2 =	seq.s32 s10, $0x1;
	s10 =	sld [smem:$0x3FB6]  }
0x3d: {  	_ =	shalt  }
0x3e: {  	_ =	shalt  }
0x3f: {  	_ =	shalt  }
0x40: {  	_ =	shalt  }
0x41: {  	_ =	shalt  }
0x42: {  	_ =	shalt  }
0x43: {  	_ =	shalt  }
0x44: {  	_ =	shalt  }
0x45: {  	_ =	shalt  }
0x46: {  	_ =	shalt  }
0x47: {  	_ =	shalt  }
0x48: {  	_ =	shalt  }
0x49: {  	_ =	shalt  }
0x4a: {  	_ =	shalt  }
0x4b: {  	_ =	shalt  }
0x4c: {  	_ =	shalt  }
0x4d: {  	_ =	shalt  }
0x4e: {  	_ =	shalt  }
0x4f: {  	_ =	shalt  }
0x50: {  	_ =	shalt  }
0x51: {  	_ =	shalt  }
0x52: {  	_ =	shalt  }
0x53: {  	_ =	shalt  }
0x54: {  	_ =	shalt  }
0x55: {  	_ =	shalt  }
0x56: {  	_ =	shalt  }
0x57: {  	_ =	shalt  }
0x58: {  	_ =	shalt  }
0x59: {  	_ =	shalt  }
0x5a: {  	_ =	shalt  }
0x5b: {  	_ =	shalt  }
0x5c: {  	_ =	shalt  }
0x5d: {  	_ =	shalt  }
0x5e: {  	_ =	shalt  }
0x5f: {  	_ =	shalt  }
0x60: {  	_ =	shalt  }
0x61: {  	_ =	shalt  }
0x62: {  	_ =	shalt  }
0x63: {  	_ =	shalt  }
0x64: {  	_ =	shalt  }
0x65: {  	_ =	shalt  }
0x66: {  	_ =	shalt  }
0x67: {  	_ =	shalt  }
0x68: {  	_ =	shalt  }
0x69: {  	_ =	shalt  }
0x6a: {  	_ =	shalt  }
0x6b: {  	_ =	shalt  }
0x6c: {  	_ =	shalt  }
0x6d: {  	_ =	shalt  }
0x6e: {  	_ =	shalt  }
0x6f: {  	_ =	shalt  }
0x70: {  	_ =	shalt  }
0x71: {  	_ =	shalt  }
0x72: {  	_ =	shalt  }
0x73: {  	_ =	shalt  }
0x74: {  	_ =	shalt  }
0x75: {  	_ =	shalt  }
0x76: {  	_ =	shalt  }
0x77: {  	_ =	shalt  }
0x78: {  	_ =	shalt  }
0x79: {  	_ =	shalt  }
0x7a: {  	_ =	shalt  }
0x7b: {  	_ =	shalt  }
0x7c: {  	_ =	shalt  }
0x7d: {  	_ =	shalt  }
0x7e: {  	_ =	shalt  }
0x7f: {  	_ =	shalt  }
0x80: {  	_ =	shalt  }
0x81: {  	_ =	shalt  }
0x82: {  	_ =	shalt  }
0x83: {  	_ =	shalt  }
0x84: {  	_ =	shalt  }
0x85: {  	_ =	shalt  }
0x86: {  	_ =	shalt  }
0x87: {  	_ =	shalt  }
.Lfunc_end0:
.L_simem_size_0:
called_computation.2_lowered:
.L_overlay_start_0:
0x88: {  	s2 =	sld [smem:$0x3FD9]  }
0x89: {  	s3 =	sld [smem:$0x3FFE];
	_ =	sdelay $0x1  }
0x8a: {  	s1 =	srdreg.scid  }
0x8b: {  	s0 =	sand.u32 $0x1, s1  }
0x8c: {  	s14 =	sshll.u32 s0, $0xA;
	s2 =	sadd.s32 s3, s2  }
0x8d: {  	s2 =	sadd.s32 s2, s14  }
0x8e: {  	[smem:$0x3FC2] =	sst s2  }
0x8f: {  	_ = 	snop  }
0x90: {  	s2 =	sld [smem:$0x3FD0];
	_ =	sdelay $0x2  }
0x91: {  	s15 =	simm.s32 $0xA;
	s4 =	simm.s32 $0x10  }
0x92: {  	[smem:s4], [sflag:s15] =	dma.local [hbm:s2], $0x1  }
0x93: {  	_ =	swait.eq [sflag:s15], $0x1  }
0x94: {  	[sflag:s15] =	ssyncset.done $0x0  }
0x95: {  	[sflag:s15] =	ssyncadd.s32 $0xFFFFFFFF  }
0x96: {  	s16 =	sld [smem:$0x10];
	(tm) =	ssettm $0x1  }
0x97: {  	s17 =	sld [smem:$0x3FFB];
	_ =	sdelay $0x3  }
0x98: {  	_ =	strace s17  }
0x99: {  	s3 =	sld [smem:$0x3FFC];
	_ =	sdelay $0x3  }
0x9a: {  	_ =	strace s3  }
0x9b: {  	s3 =	sld [smem:$0x3FFD];
	_ =	sdelay $0x3  }
0x9c: {  	_ =	strace s3  }
0x9d: {  	_ =	strace $0x8FFFFFFF  }
0x9e: {  	s18 =	sld [smem:$0x3FDB];
	_ =	sdelay $0x1  }
0x9f: {  	s19 =	simm.s32 $_scs_section_size  }
0xa0: {  	s5 =	simm.s32 $_size__tile_overlayer_lowered;
	s6 =	simm.s32 $_tile_overlayer_lowered  }
0xa1: {  	s22 =	simm.s32 $0x1BFF;
	s21 =	sshll.u32 s6, $0x1;
	s3 =	sadd.s32 s19, s18  }
0xa2: {  	s7 =	simm.s32 $0x0;
	s20 =	sshll.u32 s5, $0x1;
	s5 =	sadd.s32 s21, s3  }
0xa3: {  	[timem:s7], [sflag:s22] =	dma.local [hbm:s5], s20  }
0xa4: {  	_ =	swait.ge [sflag:s22], s20  }
0xa5: {  	s4 =	ssub.s32 $0x0, s20;
	[sflag:s22] =	ssyncset.done $0x0  }
0xa6: {  	[sflag:s22] =	ssyncadd.s32 s4;
	_ =	sdelay $0x1  }
0xa7: {  	s23 =	simm.s32 $0x1B8B  }
0xa8: {  	_ =	swait.ge [sflag:s23], $0x1  }
0xa9: {  	[sflag:s23] =	ssyncset.done $0x0  }
0xaa: {  	s25 =	simm.s32 $0x1B8E;
	s24 =	sld [smem:$0x3FFE];
	[sflag:s23] =	ssyncadd.s32 $0xFFFFFFFF  }
0xab: {  	s26 =	simm.s32 $execute0_lowered;
	[smem:$0x3FD2] =	sst s25  }
0xac: {  	s5 =	sshll.u32 s26, $0x1;
	_ =	strace $0x8000004C;
	[dreg:$0x1] =	wrdreg $0xFFFFFFFF  }
0xad: {  	s28 =	simm.s32 $_size_execute0_lowered;
	s3 =	sadd.s32 s3, s5;
	[dreg:$0x0] =	wrdreg $0x0  }
0xae: {  	s5 =	sshll.u32 s28, $0x1;
	[dreg:$0x2] =	wrdreg s3  }
0xaf: {  	[dreg:$0x3] =	wrdreg s5  }
0xb0: {  	[dreg:$0x4] =	wrdreg $0xC0  }
0xb1: {  	_ =	task [dreg:s7], $0x5FFFF  }
0xb2: {  	[dreg:$0x1] =	wrdreg $0xFFFFFFFF  }
0xb3: {  	[dreg:$0x0] =	wrdreg $0x60  }
0xb4: {  	[dreg:$0x2] =	wrdreg s24  }
0xb5: {  	[dreg:$0x3] =	wrdreg s16  }
0xb6: {  	[dreg:$0x4] =	wrdreg $0x74000  }
0xb7: {  	[dreg:$0x5] =	wrdreg $0x9  }
0xb8: {  	_ =	task.clear_ibuf [dreg:s7], $0x6FFFF;
	_ =	strace $0x9000004C  }
0xb9: {  	s29 =	simm.s32 $0x9;
	_ =	strace $0x8000004E  }
0xba: {  	_ =	swait.ge [sflag:s29], $0x1  }
0xbb: {  	[sflag:s29] =	ssyncadd.s32 $0xFFFFFFFF  }
0xbc: {  	_ =	strace $0x9000004E  }
0xbd: {  	_ =	sfence  }
0xbe: {  	s30 =	sld [smem:$0x0];
	_ =	sdelay $0x2  }
0xbf: {  	s31 =	sshll.u32 s1, $0xD;
	s1 =	sshrl.u32 s1, $0x2  }
0xc0: {  	s3 =	sand.u32 $0x4000, s31;
	s1 =	sadd.s32 s1, s30  }
0xc1: {  	s0 =	sor.u32 s3, s0;
	s1 =	sshll.u32 s1, $0x11  }
0xc2: {  	s0 =	sor.u32 s1, s0  }
0xc3: {  	s0 =	sadd.s32 $0x8F2B, s0  }
0xc4: {  	[sflag:s0] =	ssyncadd.remote.s32 $0x1  }
0xc5: {  	_ =	sfence.sel $0xFFFF  }
0xc6: {  	[dreg:$0x0] =	wrdreg $0xFFFFFFFF;
	(pc) =	sbr.abs _section_cstart, $3  }
0xc7: {  	[dreg:$0x1] =	wrdreg $0xFFFFFFFF  }
0xc8: {  	_ =	task.clear_ibuf [dreg:s7], $0x2FFFF;
	_ =	strace $0x9FFFFFFF  }
0xc9: {  	(tm) =	ssettm $0x7FFFFFFF  }
tec
execute0_lowered:
.L_overlay_start_1:
0x0: {  	(tag) =	ssettag $0x1  }
0x1: {  	s0 =	rddreg [dreg:$0x0]  }
0x2: {  	s2 =	rddreg [dreg:$0x1]  }
0x3: {  	s1 =	rddreg [dreg:$0x2]  }
0x4: {  	s3 =	srdreg.scid;
	s14 =	stileid.u32  }
0x5: {  	s15 =	simm.s32 $0x80;
	s16 =	simm.s32 $0x100;
	s17 =	simm.s32 $0x180  }
0x6: {  	s18 =	simm.s32 $0x200;
	s28 =	simm.s32 $0x6000;
	s29 =	simm.s32 $0x2  }
0x7: {  	s30 =	simm.s32 $0x3;
	s31 =	simm.s32 $0xC80;
	s9 =	smul.u32 $0x4E000, s14  }
0x8: {  	s7 =	sand.u32 $0x1, s3;
	s3 =	simm.s32 $0x0;
	s11 =	smul.u32 $0x2700, s14  }
0x9: {  	s5 =	sadd.s32 $0x82400, s0;
	s6 =	sadd.s32 $0x2200, s0;
	s20 =	smul.u32 $0xC800, s14  }
0xa: {  	s22 =	smul.u32 $0x13800, s14;
	p0 =	seq.s32 s14, $0xF;
	s4 =	sshll.u32 s7, $0x4  }
0xb: {  	[smem:$0x7FF] =	sst s3;
	s10 =	ssub.s32 $0x2, s7;
	s13 =	smul.u32 $0x138800, s7  }
0xc: {  	s7 =	smul.u32 $0xC8000, s7;
	_ =	strace $0x8000004D;
	[dreg:$0x6] =	wrdreg s15  }
0xd: {  	s4 =	sor.u32 s14, s4;
	s12 =	sshrl.u32 s10, $0x1;
	[dreg:$0x7] =	wrdreg s16  }
0xe: {  	s9 =	sshrl.u32 s9, $0x2;
	s23 =	sadd.s32 s2, s11;
	[dreg:$0x8] =	wrdreg s17  }
0xf: {  	s2 =	sadd.s32 $0x24900, s2;
	s16 =	simm.s32 $0x800;
	[dreg:$0x9] =	wrdreg s18  }
0x10: {  	s8 =	smul.u32 $0xC800, s4;
	s4 =	sadd.s32 $0x34200, s0;
	s0 =	sadd.s32 $0xB4400, s0  }
0x11: {  	s10 =	ssub.s32 s10, s12;
	s21 =	sadd.s32 s9, s1;
	[dreg:$0x15] =	wrdreg s23  }
0x12: {  	s9 =	sadd.s32 $0x124800, s1;
	s7 =	sadd.s32 s20, s7;
	[dreg:$0x16] =	wrdreg s2  }
0x13: {  	s24 =	sadd.s32 s22, s13;
	s26 =	sshrl.u32 s13, $0x3;
	s20 =	simm.s32 $0x900  }
0x14: {  	s22 =	simm.s32 $0xA00;
	s23 =	simm.s32 $0x480;
	[dreg:$0x14] =	wrdreg s21  }
0x15: {  	s25 =	sor.u32 $0x400, s7;
	s2 =	sshrl.u32 s24, $0x3;
	[dreg:$0xb] =	wrdreg s20  }
0x16: {  	s13 =	smax.u32 s10, $0x1;
	s17 =	sshrl.u32 @p0 s9, $0x3;
	[dreg:$0xd] =	wrdreg s22  }
0x17: {  	s21 =	simm.s32 $0x980;
	s20 =	simm.s32 $0x400;
	[dreg:$0xe] =	wrdreg s23  }
0x18: {  	s24 =	simm.s32 $0x500;
	s22 =	simm.s32 $0x28;
	[dreg:$0x19] =	wrdreg s13  }
0x19: {  	s23 =	simm.s32 $0x1000;
	s8 =	sshrl.u32 s8, $0x3;
	[dreg:$0xc] =	wrdreg s21  }
0x1a: {  	s2 =	sadd.s32 s0, s2;
	s0 =	sadd.s32 s0, s26;
	[dreg:$0xf] =	wrdreg s24  }
0x1b: {  	s21 =	simm.s32 $0xC00;
	s26 =	simm.s32 $0x600;
	[dreg:$0x17] =	wrdreg s2  }
0x1c: {  	s24 =	simm.s32 $0x2400;
	s19 =	sadd.s32 s5, s8;
	[dreg:$0x11] =	wrdreg s26  }
0x1d: {  	s8 =	sadd.s32 s6, s8;
	s0 =	sadd.s32 $0x24900, s0;
	[dreg:$0x12] =	wrdreg s19  }
0x1e: {  	s2 =	sshll.u32 @!p0 s14, $0x6;
	s26 =	simm.s32 $0x4C00;
	[dreg:$0x13] =	wrdreg s8  }
0x1f: {  	s8 =	sshrl.u32 s25, $0x3;
	[dreg:$0x18] =	wrdreg s0;
	s19 =	simm.s32 $0x880  }
0x20: {  	s18 =	sor.u32 @!p0 $0x1C04, s2;
	s25 =	simm.s32 $0x580;
	s0 =	simm.s32 $0xD00  }
0x21: {  	s2 =	simm.s32 $0xD80;
	s11 =	sadd.s32 s8, s6;
	[dreg:$0xa] =	wrdreg s19  }
0x22: {  	s12 =	sadd.s32 s8, s5;
	s19 =	simm.s32 $0x1;
	[dreg:$0x10] =	wrdreg s25  }
0x23: {  	s25 =	simm.s32 $0x3800;
	s8 =	simm.s32 $0x0;
	[dreg:$0x4] =	wrdreg s11  }
0x24: {  	[dreg:$0x5] =	wrdreg s12;
	s11 =	sadd.s32 $0x800, s7;
	s7 =	simm.s32 $0xE00  }
.LBB2_1:
0x25: {  	s9 =	rddreg [dreg:$0x12]  }
0x26: {  	s13 =	rddreg [dreg:$0x13]  }
0x27: {  	[tilespmem:s3], [sflag:$0x1] =	stream.linear.gather [hbm4b:s9+s3], $0x280, $0x38;
	[tilespmem:$0x1AC80] =	vst v63  }
0x28: {  	s10 =	rddreg [dreg:$0x16];
	s9 =	simm.s32 @p0 $0x1FC4  }
0x29: {  	[tilespmem:s16], [sflag:$0x1] =	stream.linear.gather [hbm4b:s13+s3], $0x280, $0x38;
	[tilespmem:$0x1AC80] =	vst v63  }
0x2a: {  	[spmem:s17], [sflag:s9] =	dma.local @p0 [hbm:s10], $0x2800  }
0x2b: {  	s9 =	simm.s32 @p0 $0x4  }
0x2c: {  	_ =	swait.ge @p0 [sflag:s9], $0x2800  }
0x2d: {  	[sflag:s9] =	ssyncset.done @p0 $0x0  }
0x2e: {  	[sflag:s9] =	ssyncadd.s32 @p0 $0xFFFFD800;
	s9 =	rddreg [dreg:$0x14]  }
0x2f: {  	s10 =	rddreg [dreg:$0x15];
	s9 =	sshrl.u32 @!p0 s9, $0x3  }
0x30: {  	[spmem:s9], [sflag:s18] =	dma.local @!p0 [hbm:s10], $0x2700  }
0x31: {  	s10 =	simm.s32 @!p0 $0x4  }
0x32: {  	_ =	swait.ge @!p0 [sflag:s10], $0x2700  }
0x33: {  	[sflag:s10] =	ssyncset.done @!p0 $0x0  }
0x34: {  	[sflag:s10] =	ssyncadd.s32 @!p0 $0xFFFFD900  }
0x35: {  	[bflag:$0x0] =	sbarrier.arrive $0xFFFF  }
0x36: {  	_ =	swait.ge [sflag:s19], $0x280  }
0x37: {  	[sflag:s19] =	ssyncset.done $0x0  }
0x38: {  	[sflag:s19] =	ssyncadd.s32 $0xFFFFFD80  }
0x39: {  	_ =	swait.ge [sflag:s19], $0x280  }
0x3a: {  	s14 =	rddreg [dreg:$0x5];
	[sflag:s19] =	ssyncset.done $0x0  }
0x3b: {  	s12 =	rddreg [dreg:$0x4];
	[sflag:s19] =	ssyncadd.s32 $0xFFFFFD80;
	s10 =	sadd.s32 $0x0, s14  }
0x3c: {  	[tilespmem:s20], [sflag:$0x1] =	stream.linear.gather [hbm4b:s10+s3], $0x280, $0x38;
	[tilespmem:$0x1AC80] =	vst v63  }
0x3d: {  	s15 =	sadd.s32 $0x0, s12  }
0x3e: {  	[tilespmem:s21], [sflag:$0x1] =	stream.linear.gather [hbm4b:s15+s3], $0x280, $0x38;
	[tilespmem:$0x1AC80] =	vst v63  }
0x3f: {  	_ = 	snop  }
0x40: {  	[tilespmem:s23], [sflag:$0x2] =	stream.indirect.gather [hbm4b:s4+s22], $0x80, s3, s22, $0xb8;
	[tilespmem:$0x1AC80] =	vst v63  }
0x41: {  	s12 =	rddreg [dreg:$0x6]  }
0x42: {  	[tilespmem:s24], [sflag:$0x2] =	stream.indirect.gather [hbm4b:s4+s22], $0x80, s12, s22, $0xb8;
	[tilespmem:$0x1AC80] =	vst v63  }
0x43: {  	s13 =	rddreg [dreg:$0x7]  }
0x44: {  	[tilespmem:s25], [sflag:$0x2] =	stream.indirect.gather [hbm4b:s4+s22], $0x80, s13, s22, $0xb8;
	[tilespmem:$0x1AC80] =	vst v63  }
0x45: {  	s14 =	rddreg [dreg:$0x8]  }
0x46: {  	[tilespmem:s26], [sflag:$0x2] =	stream.indirect.gather [hbm4b:s4+s22], $0x80, s14, s22, $0xb8;
	[tilespmem:$0x1AC80] =	vst v63  }
0x47: {  	s15 =	rddreg [dreg:$0x9]  }
0x48: {  	[tilespmem:s28], [sflag:$0x2] =	stream.indirect.gather [hbm4b:s4+s22], $0x80, s15, s22, $0xb8;
	[tilespmem:$0x1AC80] =	vst v63  }
0x49: {  	_ =	swait.ge [sflag:s29], $0x1400  }
0x4a: {  	[sflag:s29] =	ssyncset.done $0x0  }
0x4b: {  	[sflag:s29] =	ssyncadd.s32 $0xFFFFEC00  }
0x4c: {  	[spmem:s1] =	stream.indirect.scatter.add.f32 [tilespmem:s23], [sflag:$0x3], $0x80, s16, s22, $0xb8;
	[tilespmem:$0x1AC80] =	vst v63  }
0x4d: {  	_ =	swait.ge [sflag:s29], $0x1400  }
0x4e: {  	[sflag:s29] =	ssyncset.done $0x0  }
0x4f: {  	s12 =	rddreg [dreg:$0xa];
	[sflag:s29] =	ssyncadd.s32 $0xFFFFEC00  }
0x50: {  	[spmem:s1] =	stream.indirect.scatter.add.f32 [tilespmem:s24], [sflag:$0x3], $0x80, s12, s22, $0xb8;
	[tilespmem:$0x1AC80] =	vst v63  }
0x51: {  	_ =	swait.ge [sflag:s29], $0x1400  }
0x52: {  	[sflag:s29] =	ssyncset.done $0x0  }
0x53: {  	s13 =	rddreg [dreg:$0xb];
	[sflag:s29] =	ssyncadd.s32 $0xFFFFEC00  }
0x54: {  	[spmem:s1] =	stream.indirect.scatter.add.f32 [tilespmem:s25], [sflag:$0x3], $0x80, s13, s22, $0xb8;
	[tilespmem:$0x1AC80] =	vst v63  }
0x55: {  	_ =	swait.ge [sflag:s29], $0x1400  }
0x56: {  	[sflag:s29] =	ssyncset.done $0x0  }
0x57: {  	s14 =	rddreg [dreg:$0xc];
	[sflag:s29] =	ssyncadd.s32 $0xFFFFEC00  }
0x58: {  	[spmem:s1] =	stream.indirect.scatter.add.f32 [tilespmem:s26], [sflag:$0x3], $0x80, s14, s22, $0xb8;
	[tilespmem:$0x1AC80] =	vst v63  }
0x59: {  	_ =	swait.ge [sflag:s29], $0x1400  }
0x5a: {  	[sflag:s29] =	ssyncset.done $0x0  }
0x5b: {  	s15 =	rddreg [dreg:$0xd];
	[sflag:s29] =	ssyncadd.s32 $0xFFFFEC00  }
0x5c: {  	[spmem:s1] =	stream.indirect.scatter.add.f32 [tilespmem:s28], [sflag:$0x3], $0x80, s15, s22, $0xb8;
	[tilespmem:$0x1AC80] =	vst v63  }
0x5d: {  	_ =	swait.ge [sflag:s30], $0x1400  }
0x5e: {  	[sflag:s30] =	ssyncset.done $0x0  }
0x5f: {  	[sflag:s30] =	ssyncadd.s32 $0xFFFFEC00  }
0x60: {  	_ =	swait.ge [sflag:s30], $0x1400  }
0x61: {  	[sflag:s30] =	ssyncset.done $0x0  }
0x62: {  	[sflag:s30] =	ssyncadd.s32 $0xFFFFEC00  }
0x63: {  	_ =	swait.ge [sflag:s30], $0x1400  }
0x64: {  	[sflag:s30] =	ssyncset.done $0x0  }
0x65: {  	[sflag:s30] =	ssyncadd.s32 $0xFFFFEC00  }
0x66: {  	_ =	swait.ge [sflag:s30], $0x1400  }
0x67: {  	[sflag:s30] =	ssyncset.done $0x0  }
0x68: {  	[sflag:s30] =	ssyncadd.s32 $0xFFFFEC00  }
0x69: {  	_ =	swait.ge [sflag:s30], $0x1400  }
0x6a: {  	[sflag:s30] =	ssyncset.done $0x0  }
0x6b: {  	[sflag:s30] =	ssyncadd.s32 $0xFFFFEC00  }
0x6c: {  	_ =	swait.ge [sflag:s19], $0x280  }
0x6d: {  	[sflag:s19] =	ssyncset.done $0x0  }
0x6e: {  	[sflag:s19] =	ssyncadd.s32 $0xFFFFFD80  }
0x6f: {  	p1 =	por $0x0, $0x0;
	_ =	swait.ge [sflag:s19], $0x280  }
0x70: {  	s10 =	sshrl.u32 @!p1 s11, $0x3;
	[sflag:s19] =	ssyncset.done $0x0  }
0x71: {  	s12 =	sadd.s32 @!p1 s5, s10;
	s15 =	simm.s32 @!p1 $0x0;
	[sflag:s19] =	ssyncadd.s32 $0xFFFFFD80  }
0x72: {  	[tilespmem:s15], [sflag:$0x1] =	stream.linear.gather @!p1 [hbm4b:s12+s15], $0x280, $0x38;
	[tilespmem:$0x1AC80] =	vst v63  }
0x73: {  	s10 =	sadd.s32 @!p1 s6, s10;
	s12 =	simm.s32 @!p1 $0x800  }
0x74: {  	[tilespmem:s12], [sflag:$0x1] =	stream.linear.gather @!p1 [hbm4b:s10+s15], $0x280, $0x38;
	[tilespmem:$0x1AC80] =	vst v63  }
0x75: {  	_ = 	snop  }
0x76: {  	[tilespmem:s23], [sflag:$0x2] =	stream.indirect.gather [hbm4b:s4+s22], $0x80, s20, s22, $0xb8;
	[tilespmem:$0x1AC80] =	vst v63  }
0x77: {  	s12 =	rddreg [dreg:$0xe]  }
0x78: {  	[tilespmem:s24], [sflag:$0x2] =	stream.indirect.gather [hbm4b:s4+s22], $0x80, s12, s22, $0xb8;
	[tilespmem:$0x1AC80] =	vst v63  }
0x79: {  	s13 =	rddreg [dreg:$0xf]  }
0x7a: {  	[tilespmem:s25], [sflag:$0x2] =	stream.indirect.gather [hbm4b:s4+s22], $0x80, s13, s22, $0xb8;
	[tilespmem:$0x1AC80] =	vst v63  }
0x7b: {  	s14 =	rddreg [dreg:$0x10]  }
0x7c: {  	[tilespmem:s26], [sflag:$0x2] =	stream.indirect.gather [hbm4b:s4+s22], $0x80, s14, s22, $0xb8;
	[tilespmem:$0x1AC80] =	vst v63  }
0x7d: {  	s15 =	rddreg [dreg:$0x11]  }
0x7e: {  	[tilespmem:s28], [sflag:$0x2] =	stream.indirect.gather [hbm4b:s4+s22], $0x80, s15, s22, $0xb8;
	[tilespmem:$0x1AC80] =	vst v63  }
0x7f: {  	_ =	swait.ge [sflag:s29], $0x1400  }
0x80: {  	[sflag:s29] =	ssyncset.done $0x0  }
0x81: {  	[sflag:s29] =	ssyncadd.s32 $0xFFFFEC00  }
0x82: {  	[spmem:s1] =	stream.indirect.scatter.add.f32 [tilespmem:s23], [sflag:$0x3], $0x80, s21, s22, $0xb8;
	[tilespmem:$0x1AC80] =	vst v63  }
0x83: {  	_ =	swait.ge [sflag:s29], $0x1400  }
0x84: {  	[sflag:s29] =	ssyncset.done $0x0  }
0x85: {  	[sflag:s29] =	ssyncadd.s32 $0xFFFFEC00  }
0x86: {  	[spmem:s1] =	stream.indirect.scatter.add.f32 [tilespmem:s24], [sflag:$0x3], $0x80, s31, s22, $0xb8;
	[tilespmem:$0x1AC80] =	vst v63  }
0x87: {  	_ =	swait.ge [sflag:s29], $0x1400  }
0x88: {  	[sflag:s29] =	ssyncset.done $0x0  }
0x89: {  	[sflag:s29] =	ssyncadd.s32 $0xFFFFEC00  }
0x8a: {  	[spmem:s1] =	stream.indirect.scatter.add.f32 [tilespmem:s25], [sflag:$0x3], $0x80, s0, s22, $0xb8;
	[tilespmem:$0x1AC80] =	vst v63  }
0x8b: {  	_ =	swait.ge [sflag:s29], $0x1400  }
0x8c: {  	[sflag:s29] =	ssyncset.done $0x0  }
0x8d: {  	[sflag:s29] =	ssyncadd.s32 $0xFFFFEC00  }
0x8e: {  	[spmem:s1] =	stream.indirect.scatter.add.f32 [tilespmem:s26], [sflag:$0x3], $0x80, s2, s22, $0xb8;
	[tilespmem:$0x1AC80] =	vst v63  }
0x8f: {  	_ =	swait.ge [sflag:s29], $0x1400  }
0x90: {  	[sflag:s29] =	ssyncset.done $0x0  }
0x91: {  	[sflag:s29] =	ssyncadd.s32 $0xFFFFEC00  }
0x92: {  	[spmem:s1] =	stream.indirect.scatter.add.f32 [tilespmem:s28], [sflag:$0x3], $0x80, s7, s22, $0xb8;
	[tilespmem:$0x1AC80] =	vst v63  }
0x93: {  	_ =	swait.ge [sflag:s30], $0x1400  }
0x94: {  	[sflag:s30] =	ssyncset.done $0x0  }
0x95: {  	[sflag:s30] =	ssyncadd.s32 $0xFFFFEC00  }
0x96: {  	_ =	swait.ge [sflag:s30], $0x1400  }
0x97: {  	[sflag:s30] =	ssyncset.done $0x0  }
0x98: {  	[sflag:s30] =	ssyncadd.s32 $0xFFFFEC00  }
0x99: {  	_ =	swait.ge [sflag:s30], $0x1400  }
0x9a: {  	[sflag:s30] =	ssyncset.done $0x0  }
0x9b: {  	[sflag:s30] =	ssyncadd.s32 $0xFFFFEC00  }
0x9c: {  	_ =	swait.ge [sflag:s30], $0x1400  }
0x9d: {  	[sflag:s30] =	ssyncset.done $0x0  }
0x9e: {  	[sflag:s30] =	ssyncadd.s32 $0xFFFFEC00  }
0x9f: {  	_ =	swait.ge [sflag:s30], $0x1400  }
0xa0: {  	s10 =	simm.s32 $0x100;
	s15 =	smov.u32 s11;
	[sflag:s30] =	ssyncset.done $0x0  }
.LBB2_2:
0xa1: {  	[sflag:s30] =	ssyncadd.s32 $0xFFFFEC00  }
0xa2: {  	_ =	swait.ge [sflag:s19], $0x280  }
0xa3: {  	[sflag:s19] =	ssyncset.done $0x0  }
0xa4: {  	[sflag:s19] =	ssyncadd.s32 $0xFFFFFD80  }
0xa5: {  	_ =	swait.ge [sflag:s19], $0x280  }
0xa6: {  	s12 =	smov.u32 s10;
	s13 =	rddreg [dreg:$0x5];
	[sflag:s19] =	ssyncset.done $0x0  }
0xa7: {  	s14 =	rddreg [dreg:$0x4];
	[sflag:s19] =	ssyncadd.s32 $0xFFFFFD80;
	s13 =	sadd.s32 s12, s13  }
0xa8: {  	[tilespmem:s20], [sflag:$0x1] =	stream.linear.gather [hbm4b:s13+s3], $0x280, $0x38;
	[tilespmem:$0x1AC80] =	vst v63  }
0xa9: {  	s14 =	sadd.s32 s12, s14  }
0xaa: {  	[tilespmem:s21], [sflag:$0x1] =	stream.linear.gather [hbm4b:s14+s3], $0x280, $0x38;
	[tilespmem:$0x1AC80] =	vst v63  }
0xab: {  	_ = 	snop  }
0xac: {  	[tilespmem:s23], [sflag:$0x2] =	stream.indirect.gather [hbm4b:s4+s22], $0x80, s3, s22, $0xb8;
	[tilespmem:$0x1AC80] =	vst v63  }
0xad: {  	s13 =	rddreg [dreg:$0x6]  }
0xae: {  	[tilespmem:s24], [sflag:$0x2] =	stream.indirect.gather [hbm4b:s4+s22], $0x80, s13, s22, $0xb8;
	[tilespmem:$0x1AC80] =	vst v63  }
0xaf: {  	s14 =	rddreg [dreg:$0x7]  }
0xb0: {  	[tilespmem:s25], [sflag:$0x2] =	stream.indirect.gather [hbm4b:s4+s22], $0x80, s14, s22, $0xb8;
	[tilespmem:$0x1AC80] =	vst v63  }
0xb1: {  	s13 =	rddreg [dreg:$0x8]  }
0xb2: {  	[tilespmem:s26], [sflag:$0x2] =	stream.indirect.gather [hbm4b:s4+s22], $0x80, s13, s22, $0xb8;
	[tilespmem:$0x1AC80] =	vst v63  }
0xb3: {  	s14 =	rddreg [dreg:$0x9]  }
0xb4: {  	[tilespmem:s28], [sflag:$0x2] =	stream.indirect.gather [hbm4b:s4+s22], $0x80, s14, s22, $0xb8;
	[tilespmem:$0x1AC80] =	vst v63  }
0xb5: {  	_ =	swait.ge [sflag:s29], $0x1400  }
0xb6: {  	[sflag:s29] =	ssyncset.done $0x0  }
0xb7: {  	[sflag:s29] =	ssyncadd.s32 $0xFFFFEC00  }
0xb8: {  	[spmem:s1] =	stream.indirect.scatter.add.f32 [tilespmem:s23], [sflag:$0x3], $0x80, s16, s22, $0xb8;
	[tilespmem:$0x1AC80] =	vst v63  }
0xb9: {  	_ =	swait.ge [sflag:s29], $0x1400  }
0xba: {  	[sflag:s29] =	ssyncset.done $0x0  }
0xbb: {  	s14 =	rddreg [dreg:$0xa];
	[sflag:s29] =	ssyncadd.s32 $0xFFFFEC00  }
0xbc: {  	[spmem:s1] =	stream.indirect.scatter.add.f32 [tilespmem:s24], [sflag:$0x3], $0x80, s14, s22, $0xb8;
	[tilespmem:$0x1AC80] =	vst v63  }
0xbd: {  	_ =	swait.ge [sflag:s29], $0x1400  }
0xbe: {  	[sflag:s29] =	ssyncset.done $0x0  }
0xbf: {  	s14 =	rddreg [dreg:$0xb];
	[sflag:s29] =	ssyncadd.s32 $0xFFFFEC00  }
0xc0: {  	[spmem:s1] =	stream.indirect.scatter.add.f32 [tilespmem:s25], [sflag:$0x3], $0x80, s14, s22, $0xb8;
	[tilespmem:$0x1AC80] =	vst v63  }
0xc1: {  	_ =	swait.ge [sflag:s29], $0x1400  }
0xc2: {  	[sflag:s29] =	ssyncset.done $0x0  }
0xc3: {  	s14 =	rddreg [dreg:$0xc];
	[sflag:s29] =	ssyncadd.s32 $0xFFFFEC00  }
0xc4: {  	[spmem:s1] =	stream.indirect.scatter.add.f32 [tilespmem:s26], [sflag:$0x3], $0x80, s14, s22, $0xb8;
	[tilespmem:$0x1AC80] =	vst v63  }
0xc5: {  	_ =	swait.ge [sflag:s29], $0x1400  }
0xc6: {  	[sflag:s29] =	ssyncset.done $0x0  }
0xc7: {  	s14 =	rddreg [dreg:$0xd];
	[sflag:s29] =	ssyncadd.s32 $0xFFFFEC00  }
0xc8: {  	[spmem:s1] =	stream.indirect.scatter.add.f32 [tilespmem:s28], [sflag:$0x3], $0x80, s14, s22, $0xb8;
	[tilespmem:$0x1AC80] =	vst v63  }
0xc9: {  	_ =	swait.ge [sflag:s30], $0x1400  }
0xca: {  	[sflag:s30] =	ssyncset.done $0x0  }
0xcb: {  	[sflag:s30] =	ssyncadd.s32 $0xFFFFEC00  }
0xcc: {  	_ =	swait.ge [sflag:s30], $0x1400  }
0xcd: {  	[sflag:s30] =	ssyncset.done $0x0  }
0xce: {  	[sflag:s30] =	ssyncadd.s32 $0xFFFFEC00  }
0xcf: {  	_ =	swait.ge [sflag:s30], $0x1400  }
0xd0: {  	[sflag:s30] =	ssyncset.done $0x0  }
0xd1: {  	[sflag:s30] =	ssyncadd.s32 $0xFFFFEC00  }
0xd2: {  	_ =	swait.ge [sflag:s30], $0x1400  }
0xd3: {  	[sflag:s30] =	ssyncset.done $0x0  }
0xd4: {  	[sflag:s30] =	ssyncadd.s32 $0xFFFFEC00  }
0xd5: {  	_ =	swait.ge [sflag:s30], $0x1400  }
0xd6: {  	[sflag:s30] =	ssyncset.done $0x0  }
0xd7: {  	[sflag:s30] =	ssyncadd.s32 $0xFFFFEC00  }
0xd8: {  	_ =	swait.ge [sflag:s19], $0x280  }
0xd9: {  	[sflag:s19] =	ssyncset.done $0x0  }
0xda: {  	[sflag:s19] =	ssyncadd.s32 $0xFFFFFD80  }
0xdb: {  	s15 =	sadd.s32 $0x800, s15;
	p2 =	seq.s32 s12, $0x1800;
	_ =	swait.ge [sflag:s19], $0x280  }
0xdc: {  	s12 =	sshrl.u32 @!p2 s15, $0x3;
	[sflag:s19] =	ssyncset.done $0x0  }
0xdd: {  	s13 =	sadd.s32 @!p2 s5, s12;
	s14 =	simm.s32 @!p2 $0x0;
	[sflag:s19] =	ssyncadd.s32 $0xFFFFFD80  }
0xde: {  	[tilespmem:s14], [sflag:$0x1] =	stream.linear.gather @!p2 [hbm4b:s13+s14], $0x280, $0x38;
	[tilespmem:$0x1AC80] =	vst v63  }
0xdf: {  	s12 =	sadd.s32 @!p2 s6, s12;
	s13 =	simm.s32 @!p2 $0x800  }
0xe0: {  	[tilespmem:s13], [sflag:$0x1] =	stream.linear.gather @!p2 [hbm4b:s12+s14], $0x280, $0x38;
	[tilespmem:$0x1AC80] =	vst v63  }
0xe1: {  	_ = 	snop  }
0xe2: {  	[tilespmem:s23], [sflag:$0x2] =	stream.indirect.gather [hbm4b:s4+s22], $0x80, s20, s22, $0xb8;
	[tilespmem:$0x1AC80] =	vst v63  }
0xe3: {  	s13 =	rddreg [dreg:$0xe]  }
0xe4: {  	[tilespmem:s24], [sflag:$0x2] =	stream.indirect.gather [hbm4b:s4+s22], $0x80, s13, s22, $0xb8;
	[tilespmem:$0x1AC80] =	vst v63  }
0xe5: {  	s14 =	rddreg [dreg:$0xf]  }
0xe6: {  	[tilespmem:s25], [sflag:$0x2] =	stream.indirect.gather [hbm4b:s4+s22], $0x80, s14, s22, $0xb8;
	[tilespmem:$0x1AC80] =	vst v63  }
0xe7: {  	s12 =	rddreg [dreg:$0x10]  }
0xe8: {  	[tilespmem:s26], [sflag:$0x2] =	stream.indirect.gather [hbm4b:s4+s22], $0x80, s12, s22, $0xb8;
	[tilespmem:$0x1AC80] =	vst v63  }
0xe9: {  	s14 =	rddreg [dreg:$0x11]  }
0xea: {  	[tilespmem:s28], [sflag:$0x2] =	stream.indirect.gather [hbm4b:s4+s22], $0x80, s14, s22, $0xb8;
	[tilespmem:$0x1AC80] =	vst v63  }
0xeb: {  	_ =	swait.ge [sflag:s29], $0x1400  }
0xec: {  	[sflag:s29] =	ssyncset.done $0x0  }
0xed: {  	[sflag:s29] =	ssyncadd.s32 $0xFFFFEC00  }
0xee: {  	[spmem:s1] =	stream.indirect.scatter.add.f32 [tilespmem:s23], [sflag:$0x3], $0x80, s21, s22, $0xb8;
	[tilespmem:$0x1AC80] =	vst v63  }
0xef: {  	_ =	swait.ge [sflag:s29], $0x1400  }
0xf0: {  	[sflag:s29] =	ssyncset.done $0x0  }
0xf1: {  	[sflag:s29] =	ssyncadd.s32 $0xFFFFEC00  }
0xf2: {  	[spmem:s1] =	stream.indirect.scatter.add.f32 [tilespmem:s24], [sflag:$0x3], $0x80, s31, s22, $0xb8;
	[tilespmem:$0x1AC80] =	vst v63  }
0xf3: {  	_ =	swait.ge [sflag:s29], $0x1400  }
0xf4: {  	[sflag:s29] =	ssyncset.done $0x0  }
0xf5: {  	[sflag:s29] =	ssyncadd.s32 $0xFFFFEC00  }
0xf6: {  	[spmem:s1] =	stream.indirect.scatter.add.f32 [tilespmem:s25], [sflag:$0x3], $0x80, s0, s22, $0xb8;
	[tilespmem:$0x1AC80] =	vst v63  }
0xf7: {  	_ =	swait.ge [sflag:s29], $0x1400  }
0xf8: {  	[sflag:s29] =	ssyncset.done $0x0  }
0xf9: {  	[sflag:s29] =	ssyncadd.s32 $0xFFFFEC00  }
0xfa: {  	[spmem:s1] =	stream.indirect.scatter.add.f32 [tilespmem:s26], [sflag:$0x3], $0x80, s2, s22, $0xb8;
	[tilespmem:$0x1AC80] =	vst v63  }
0xfb: {  	_ =	swait.ge [sflag:s29], $0x1400  }
0xfc: {  	[sflag:s29] =	ssyncset.done $0x0  }
0xfd: {  	[sflag:s29] =	ssyncadd.s32 $0xFFFFEC00  }
0xfe: {  	[spmem:s1] =	stream.indirect.scatter.add.f32 [tilespmem:s28], [sflag:$0x3], $0x80, s7, s22, $0xb8;
	[tilespmem:$0x1AC80] =	vst v63  }
0xff: {  	_ =	swait.ge [sflag:s30], $0x1400  }
0x100: {  	[sflag:s30] =	ssyncset.done $0x0  }
0x101: {  	[sflag:s30] =	ssyncadd.s32 $0xFFFFEC00  }
0x102: {  	_ =	swait.ge [sflag:s30], $0x1400  }
0x103: {  	[sflag:s30] =	ssyncset.done $0x0  }
0x104: {  	[sflag:s30] =	ssyncadd.s32 $0xFFFFEC00  }
0x105: {  	_ =	swait.ge [sflag:s30], $0x1400  }
0x106: {  	s10 =	sadd.s32 $0x100, s10;
	[sflag:s30] =	ssyncset.done $0x0  }
0x107: {  	p1 =	sne.s32 s10, $0x1900;
	[sflag:s30] =	ssyncadd.s32 $0xFFFFEC00  }
.Ltmp0:
0x108: {  	_ =	swait.ge [sflag:s30], $0x1400;
	(pc) =	sbr.rel @p1 .LBB2_2-.Ltmp0, $4  }
0x109: {  	[sflag:s30] =	ssyncset.done $0x0  }
0x10a: {  	[sflag:s30] =	ssyncadd.s32 $0xFFFFEC00  }
0x10b: {  	_ =	swait.ge [sflag:s30], $0x1400  }
0x10c: {  	[sflag:s30] =	ssyncset.done $0x0  }
0x10d: {  	[sflag:s30] =	ssyncadd.s32 $0xFFFFEC00  }
0x10e: {  	[bflag:$0x0] =	sbarrier.arrive $0xFFFF  }
0x10f: {  	s10 =	simm.s32 @p0 $0x1FC4;
	s12 =	rddreg [dreg:$0x18]  }
0x110: {  	[hbm:s12], [sflag:s10] =	dma.local @p0 [spmem:s17], $0x2800  }
0x111: {  	s10 =	simm.s32 @p0 $0x4  }
0x112: {  	_ =	swait.ge @p0 [sflag:s10], $0x2800  }
0x113: {  	[sflag:s10] =	ssyncset.done @p0 $0x0  }
0x114: {  	[sflag:s10] =	ssyncadd.s32 @p0 $0xFFFFD800;
	s10 =	rddreg [dreg:$0x17]  }
0x115: {  	[hbm:s10], [sflag:s18] =	dma.local @!p0 [spmem:s9], $0x2700  }
0x116: {  	s9 =	simm.s32 @!p0 $0x4  }
0x117: {  	_ =	swait.ge @!p0 [sflag:s9], $0x2700  }
0x118: {  	s8 =	sadd.s32 $0x1, s8;
	s15 =	rddreg [dreg:$0x19]  }
0x119: {  	p1 =	sne.s32 s8, s15  }
.Ltmp1:
0x11a: {  	_ = 	snop;
	(pc) =	sbr.rel @p1 .LBB2_1-.Ltmp1, $3  }
0x11b: {  	_ =	sdelay $0x1  }
0x11c: {  	[sflag:s9] =	ssyncset.done @!p0 $0x0  }
0x11d: {  	[sflag:s9] =	ssyncadd.s32 @!p0 $0xFFFFD900  }
0x11e: {  	_ =	sfence.sel $0x180000  }
0x11f: {  	[bflag:$0x0] =	sbarrier.arrive $0xFFFF  }
0x120: {  	_ =	strace $0x9000004D  }
0x121: {  	s0 =	stileid.u32;
	[bflag:$0x2] =	sbarrier.arrive $0xFFFF  }
0x122: {  	p0 =	sne.s32 s0, $0x0;
	s0 =	rddreg [dreg:$0x3]  }
0x123: {  	s0 =	sadd.s32 @!p0 $0x100000, s0  }
0x124: {  	[sflag:s0] =	ssyncadd.tile.s32 @!p0 $0x1;
	_ =	shalt  }
.Lfunc_end2:
_tile_overlayer_lowered:
.L_overlay_start_2:
0x125: {  	(tag) =	ssettag $0x2  }
0x126: {  	s0 =	rddreg [dreg:$0x0];
	s2 =	stileid.u32  }
0x127: {  	s1 =	rddreg [dreg:$0x1];
	p0 =	sne.s32 s2, $0x0  }
0x128: {  	s3 =	rddreg [dreg:$0x2];
	[bflag:$0x3] =	sbarrier.arrive $0xFFFF;
	s2 =	simm.s32 @!p0 $0x1C04  }
0x129: {  	[timem:s3], [sflag:s2] =	dma.local @!p0 [hbm:s0], s1  }
0x12a: {  	s0 =	simm.s32 @!p0 $0x4  }
0x12b: {  	_ =	swait.ge @!p0 [sflag:s0], s1  }
0x12c: {  	s1 =	ssub.s32 @!p0 $0x0, s1;
	[sflag:s0] =	ssyncset.done @!p0 $0x0  }
0x12d: {  	[sflag:s0] =	ssyncadd.s32 @!p0 s1  }
0x12e: {  	[bflag:$0x3] =	sbarrier.arrive $0xFFFF  }
0x12f: {  	_ =	shalt  }

// kernel: kernel.8.cloned.1.call-start
scs
__scs_entry_jumppad:
0x0: {  	(pc) =	sbr.rel $0x88, $3  }
0x1: {  	(tag) =	ssettag $0x0;
	lr =	simm.s32 $0x1  }
0x2: {  	[smem:$0x3F9B] =	sst lr;
	_ =	strace $0xD0000000  }
0x3: {  	_ = 	snop  }
0x4: {  	_ = 	snop  }
0x5: {  	_ = 	snop  }
0x6: {  	_ = 	snop  }
0x7: {  	_ = 	snop  }
__scs_overlays_trampoline_lowered:
0x8: {  	[smem:$0x3FAA] =	sst s0  }
0x9: {  	[smem:$0x3FAB] =	sst s1  }
0xa: {  	[smem:$0x3FAC] =	sst s2  }
0xb: {  	[smem:$0x3FAD] =	sst s3  }
0xc: {  	[smem:$0x3FAE] =	sst s4  }
0xd: {  	[smem:$0x3FAF] =	sst s5  }
0xe: {  	[smem:$0x3FB0] =	sst s6  }
0xf: {  	[smem:$0x3FB1] =	sst s7  }
0x10: {  	[smem:$0x3FB2] =	sst s8  }
0x11: {  	[smem:$0x3FB3] =	sst s9;
	s0 =	simm.s32 @!p0 $0x0  }
0x12: {  	s1 =	sld [smem:$0x3F99];
	s0 =	simm.s32 @p0 $0x1  }
0x13: {  	[smem:$0x3FB4] =	sst s0;
	s0 =	simm.s32 @!p1 $0x0  }
0x14: {  	s2 =	sld [smem:$0x3F98];
	s0 =	simm.s32 @p1 $0x1  }
0x15: {  	[smem:$0x3FB5] =	sst s0;
	s0 =	simm.s32 @!p2 $0x0  }
0x16: {  	s3 =	sld [smem:$0x3FDB];
	s0 =	simm.s32 @p2 $0x1  }
0x17: {  	s4 =	simm.s32 $0x1BF5;
	[smem:$0x3FB7] =	sst s0  }
0x18: {  	s0 =	sld [smem:$0x3F9A];
	_ =	swait.ge [sflag:s4], $0x0  }
0x19: {  	s7 =	sld [smem:$0x3F9B]  }
0x1a: {  	s8 =	sadd.s32 $0xFFFFE003, lr  }
0x1b: {  	s9 =	sadd.s32 $0xFFFFFEF7, lr;
	s5 =	simm.s32 $0xFFFFFFFF;
	p2 =	slt.u32 s8, $0xFFFFF086  }
0x1c: {  	p1 =	slt.u32 s9, $0xF7A;
	s5 =	simm.s32 @!p2 $0x0  }
0x1d: {  	s5 =	simm.s32 @p1 $0x1;
	p0 =	seq.s32 s7, s2  }
0x1e: {  	s7 =	smul.u32 @!p0 $0xF7A, s2;
	p2 =	seq.s32 @!p0 s5, $0x0  }
0x1f: {  	s9 =	smul.u32 $0xF7A, s1;
	s8 =	simm.s32 @!p0 $0x1BF5;
	p2 =	por !p2, p0  }
0x20: {  	[sflag:s8] =	ssyncset.s32 @!p0 $0xFFFFF086;
	s6 =	sadd.s32 @!p0 s3, s7;
	s7 =	simm.s32 @!p0 $0x108  }
0x21: {  	s3 =	sadd.s32 s3, s9;
	s6 =	sadd.s32 @!p0 $0x88, s6;
	s7 =	simm.s32 @p2 $0x1082  }
0x22: {  	[simem:s7], [sflag:s8] =	dma.local @!p0 [hbm:s6], $0xF7A  }
0x23: {  	s9 =	sor.u32 $0xD0000000, s2;
	s6 =	simm.s32 $0x108;
	_ =	swait.ge @!p0 [sflag:s8], $0x0  }
0x24: {  	s3 =	sadd.s32 $0x88, s3;
	s6 =	simm.s32 @!p1 $0x1082;
	[sflag:s4] =	ssyncset.s32 $0xFFFFF086  }
0x25: {  	[simem:s6], [sflag:s4] =	dma.local [hbm:s3], $0xF7A  }
0x26: {  	[smem:$0x3F9B] =	sst s1;
	(tag) =	ssettag s2;
	_ =	strace s9  }
0x27: {  	s1 =	sld [smem:$0x3FAB]  }
0x28: {  	s2 =	sld [smem:$0x3FAC]  }
0x29: {  	s4 =	sld [smem:$0x3FAE]  }
0x2a: {  	p0 =	seq.s32 s5, $0x0;
	s5 =	sld [smem:$0x3FAF]  }
0x2b: {  	s6 =	sld [smem:$0x3FB0]  }
0x2c: {  	s7 =	sld [smem:$0x3FB1]  }
0x2d: {  	s3 =	simm.s32 $0x108;
	s8 =	sld [smem:$0x3FB2]  }
0x2e: {  	s3 =	simm.s32 @!p0 $0x1082;
	s9 =	sld [smem:$0x3FB3]  }
0x2f: {  	lr =	sadd.s32 s0, s3;
	s0 =	sld [smem:$0x3FAA]  }
0x30: {  	s3 =	sld [smem:$0x3FAD]  }
0x31: {  	[smem:$0x3FB6] =	sst s10  }
0x32: {  	s10 =	sld [smem:$0x3FB4];
	_ =	sdelay $0x3  }
0x33: {  	p0 =	seq.s32 s10, $0x1;
	s10 =	sld [smem:$0x3FB6];
	_ =	sdelay $0x3  }
0x34: {  	[smem:$0x3FB6] =	sst s10  }
0x35: {  	s10 =	sld [smem:$0x3FB5];
	_ =	sdelay $0x3  }
0x36: {  	p1 =	seq.s32 s10, $0x1;
	s10 =	sld [smem:$0x3FB6];
	_ =	sdelay $0x3  }
0x37: {  	[smem:$0x3FB6] =	sst s10  }
0x38: {  	s10 =	sld [smem:$0x3FB7]  }
0x39: {  	_ = 	snop;
	(pc) =	sbr.ind lr, $3  }
0x3a: {  	_ = 	snop  }
0x3b: {  	_ = 	snop  }
0x3c: {  	p2 =	seq.s32 s10, $0x1;
	s10 =	sld [smem:$0x3FB6]  }
0x3d: {  	_ =	shalt  }
0x3e: {  	_ =	shalt  }
0x3f: {  	_ =	shalt  }
0x40: {  	_ =	shalt  }
0x41: {  	_ =	shalt  }
0x42: {  	_ =	shalt  }
0x43: {  	_ =	shalt  }
0x44: {  	_ =	shalt  }
0x45: {  	_ =	shalt  }
0x46: {  	_ =	shalt  }
0x47: {  	_ =	shalt  }
0x48: {  	_ =	shalt  }
0x49: {  	_ =	shalt  }
0x4a: {  	_ =	shalt  }
0x4b: {  	_ =	shalt  }
0x4c: {  	_ =	shalt  }
0x4d: {  	_ =	shalt  }
0x4e: {  	_ =	shalt  }
0x4f: {  	_ =	shalt  }
0x50: {  	_ =	shalt  }
0x51: {  	_ =	shalt  }
0x52: {  	_ =	shalt  }
0x53: {  	_ =	shalt  }
0x54: {  	_ =	shalt  }
0x55: {  	_ =	shalt  }
0x56: {  	_ =	shalt  }
0x57: {  	_ =	shalt  }
0x58: {  	_ =	shalt  }
0x59: {  	_ =	shalt  }
0x5a: {  	_ =	shalt  }
0x5b: {  	_ =	shalt  }
0x5c: {  	_ =	shalt  }
0x5d: {  	_ =	shalt  }
0x5e: {  	_ =	shalt  }
0x5f: {  	_ =	shalt  }
0x60: {  	_ =	shalt  }
0x61: {  	_ =	shalt  }
0x62: {  	_ =	shalt  }
0x63: {  	_ =	shalt  }
0x64: {  	_ =	shalt  }
0x65: {  	_ =	shalt  }
0x66: {  	_ =	shalt  }
0x67: {  	_ =	shalt  }
0x68: {  	_ =	shalt  }
0x69: {  	_ =	shalt  }
0x6a: {  	_ =	shalt  }
0x6b: {  	_ =	shalt  }
0x6c: {  	_ =	shalt  }
0x6d: {  	_ =	shalt  }
0x6e: {  	_ =	shalt  }
0x6f: {  	_ =	shalt  }
0x70: {  	_ =	shalt  }
0x71: {  	_ =	shalt  }
0x72: {  	_ =	shalt  }
0x73: {  	_ =	shalt  }
0x74: {  	_ =	shalt  }
0x75: {  	_ =	shalt  }
0x76: {  	_ =	shalt  }
0x77: {  	_ =	shalt  }
0x78: {  	_ =	shalt  }
0x79: {  	_ =	shalt  }
0x7a: {  	_ =	shalt  }
0x7b: {  	_ =	shalt  }
0x7c: {  	_ =	shalt  }
0x7d: {  	_ =	shalt  }
0x7e: {  	_ =	shalt  }
0x7f: {  	_ =	shalt  }
0x80: {  	_ =	shalt  }
0x81: {  	_ =	shalt  }
0x82: {  	_ =	shalt  }
0x83: {  	_ =	shalt  }
0x84: {  	_ =	shalt  }
0x85: {  	_ =	shalt  }
0x86: {  	_ =	shalt  }
0x87: {  	_ =	shalt  }
.Lfunc_end0:
.L_simem_size_0:
called_computation_lowered:
.L_overlay_start_0:
0x88: {  	s2 =	sld [smem:$0x3FD9]  }
0x89: {  	s3 =	sld [smem:$0x3FFE];
	_ =	sdelay $0x1  }
0x8a: {  	s1 =	srdreg.scid  }
0x8b: {  	s0 =	sand.u32 $0x1, s1  }
0x8c: {  	s14 =	sshll.u32 s0, $0xA;
	s2 =	sadd.s32 s3, s2  }
0x8d: {  	s2 =	sadd.s32 s2, s14  }
0x8e: {  	[smem:$0x3FC2] =	sst s2  }
0x8f: {  	_ = 	snop  }
0x90: {  	s2 =	sld [smem:$0x3FD0];
	_ =	sdelay $0x2  }
0x91: {  	s15 =	simm.s32 $0xA;
	s4 =	simm.s32 $0x10  }
0x92: {  	[smem:s4], [sflag:s15] =	dma.local [hbm:s2], $0x1  }
0x93: {  	_ =	swait.eq [sflag:s15], $0x1  }
0x94: {  	[sflag:s15] =	ssyncset.done $0x0  }
0x95: {  	s16 =	sld [smem:$0x10];
	[sflag:s15] =	ssyncadd.s32 $0xFFFFFFFF  }
0x96: {  	s17 =	sld [smem:$0x11];
	(tm) =	ssettm $0x1  }
0x97: {  	s18 =	sld [smem:$0x3FFB];
	_ =	sdelay $0x3  }
0x98: {  	_ =	strace s18  }
0x99: {  	s4 =	sld [smem:$0x3FFC];
	_ =	sdelay $0x3  }
0x9a: {  	_ =	strace s4  }
0x9b: {  	s4 =	sld [smem:$0x3FFD];
	_ =	sdelay $0x3  }
0x9c: {  	_ =	strace s4  }
0x9d: {  	_ =	strace $0x8FFFFFFF  }
0x9e: {  	s19 =	sld [smem:$0x3FDB];
	_ =	sdelay $0x1  }
0x9f: {  	s5 =	simm.s32 $_scs_section_size  }
0xa0: {  	s6 =	simm.s32 $_size__tile_overlayer_lowered;
	s7 =	simm.s32 $_tile_overlayer_lowered  }
0xa1: {  	s22 =	simm.s32 $0x1BFF;
	s21 =	sshll.u32 s7, $0x1;
	s4 =	sadd.s32 s5, s19  }
0xa2: {  	s8 =	simm.s32 $0x0;
	s20 =	sshll.u32 s6, $0x1;
	s6 =	sadd.s32 s21, s4  }
0xa3: {  	[timem:s8], [sflag:s22] =	dma.local [hbm:s6], s20  }
0xa4: {  	_ =	swait.ge [sflag:s22], s20  }
0xa5: {  	s5 =	ssub.s32 $0x0, s20;
	[sflag:s22] =	ssyncset.done $0x0  }
0xa6: {  	[sflag:s22] =	ssyncadd.s32 s5;
	_ =	sdelay $0x1  }
0xa7: {  	s23 =	simm.s32 $0x1B8B  }
0xa8: {  	_ =	swait.ge [sflag:s23], $0x1  }
0xa9: {  	[sflag:s23] =	ssyncset.done $0x0  }
0xaa: {  	s25 =	simm.s32 $0x1B8E;
	s24 =	sld [smem:$0x3FFE];
	[sflag:s23] =	ssyncadd.s32 $0xFFFFFFFF  }
0xab: {  	s26 =	simm.s32 $execute0_lowered;
	[smem:$0x3FD2] =	sst s25  }
0xac: {  	s6 =	sshll.u32 s26, $0x1;
	_ =	strace $0x80000046;
	[dreg:$0x1] =	wrdreg $0xFFFFFFFF  }
0xad: {  	s28 =	simm.s32 $_size_execute0_lowered;
	s4 =	sadd.s32 s4, s6;
	[dreg:$0x0] =	wrdreg $0x0  }
0xae: {  	s6 =	sshll.u32 s28, $0x1;
	[dreg:$0x2] =	wrdreg s4  }
0xaf: {  	[dreg:$0x3] =	wrdreg s6  }
0xb0: {  	[dreg:$0x4] =	wrdreg $0xC0  }
0xb1: {  	_ =	task [dreg:s8], $0x5FFFF  }
0xb2: {  	[dreg:$0x1] =	wrdreg $0xFFFFFFFF  }
0xb3: {  	[dreg:$0x0] =	wrdreg $0x60  }
0xb4: {  	[dreg:$0x2] =	wrdreg s24  }
0xb5: {  	[dreg:$0x3] =	wrdreg s16  }
0xb6: {  	[dreg:$0x4] =	wrdreg s17  }
0xb7: {  	[dreg:$0x5] =	wrdreg $0x1C000  }
0xb8: {  	[dreg:$0x6] =	wrdreg $0x9  }
0xb9: {  	_ =	task.clear_ibuf [dreg:s8], $0x7FFFF;
	_ =	strace $0x90000046  }
0xba: {  	s29 =	simm.s32 $0x9;
	_ =	strace $0x80000048  }
0xbb: {  	_ =	swait.ge [sflag:s29], $0x1  }
0xbc: {  	[sflag:s29] =	ssyncadd.s32 $0xFFFFFFFF  }
0xbd: {  	_ =	strace $0x90000048  }
0xbe: {  	_ =	sfence  }
0xbf: {  	s30 =	sld [smem:$0x0];
	_ =	sdelay $0x2  }
0xc0: {  	s31 =	sshll.u32 s1, $0xD;
	s1 =	sshrl.u32 s1, $0x2  }
0xc1: {  	s3 =	sand.u32 $0x4000, s31;
	s1 =	sadd.s32 s1, s30  }
0xc2: {  	s0 =	sor.u32 s3, s0;
	s1 =	sshll.u32 s1, $0x11  }
0xc3: {  	s0 =	sor.u32 s1, s0  }
0xc4: {  	s0 =	sadd.s32 $0x8F2B, s0  }
0xc5: {  	[sflag:s0] =	ssyncadd.remote.s32 $0x1  }
0xc6: {  	_ =	sfence.sel $0xFFFF  }
0xc7: {  	[dreg:$0x0] =	wrdreg $0xFFFFFFFF;
	(pc) =	sbr.abs _section_cstart, $3  }
0xc8: {  	[dreg:$0x1] =	wrdreg $0xFFFFFFFF  }
0xc9: {  	_ =	task.clear_ibuf [dreg:s8], $0x2FFFF;
	_ =	strace $0x9FFFFFFF  }
0xca: {  	(tm) =	ssettm $0x7FFFFFFF  }
0xcb: {  	_ =	shalt  }
tec
execute0_lowered:
.L_overlay_start_1:
0x0: {  	(tag) =	ssettag $0x1  }
0x1: {  	s0 =	rddreg [dreg:$0x0]  }
0x2: {  	s1 =	rddreg [dreg:$0x1];
	s2 =	srdreg.scid  }
0x3: {  	s3 =	rddreg [dreg:$0x3];
	s18 =	stileid.u32;
	s4 =	simm.s32 $0x0  }
0x4: {  	s15 =	simm.s32 $0x800;
	s16 =	simm.s32 $0x2;
	s28 =	simm.s32 $0x480  }
0x5: {  	s29 =	simm.s32 $0x500;
	s30 =	simm.s32 $0x580;
	s8 =	smul.u32 $0x4E000, s18  }
0x6: {  	s31 =	simm.s32 $0x600;
	s2 =	sand.u32 $0x1, s2;
	s10 =	smul.u32 $0x2700, s18  }
0x7: {  	[smem:$0x7FF] =	sst s4;
	s12 =	smul.u32 $0x13800, s18;
	s17 =	sadd.s32 $0x124800, s3  }
0x8: {  	s23 =	smul.u32 $0xC800, s18;
	p0 =	seq.s32 s18, $0xF;
	s5 =	sshll.u32 s2, $0x4  }
0x9: {  	_ =	strace $0x80000047;
	s7 =	ssub.s32 $0x2, s2;
	s20 =	smul.u32 $0x138800, s2  }
0xa: {  	s2 =	smul.u32 $0xC8000, s2;
	s17 =	sshrl.u32 @p0 s17, $0x3;
	s5 =	sor.u32 s18, s5  }
0xb: {  	s9 =	sshrl.u32 s7, $0x1;
	s21 =	sshrl.u32 s8, $0x2;
	s22 =	sadd.s32 s1, s10  }
0xc: {  	s8 =	sadd.s32 $0x24900, s1;
	s6 =	smul.u32 $0xC800, s5;
	s5 =	sadd.s32 $0x2200, s0  }
0xd: {  	s0 =	sadd.s32 $0x34200, s0;
	s11 =	ssub.s32 s7, s9;
	s13 =	sadd.s32 s21, s3  }
0xe: {  	[dreg:$0x5] =	wrdreg s22;
	s24 =	sadd.s32 s12, s20;
	s9 =	sshrl.u32 s20, $0x3  }
0xf: {  	s2 =	sadd.s32 s23, s2;
	s20 =	simm.s32 $0x1;
	s21 =	simm.s32 $0x400  }
0x10: {  	s22 =	simm.s32 $0x28;
	s23 =	simm.s32 $0x80;
	s1 =	sshrl.u32 s24, $0x3  }
0x11: {  	s25 =	sadd.s32 s0, s9;
	s26 =	sor.u32 $0x400, s2;
	s11 =	smax.u32 s11, $0x1  }
0x12: {  	s2 =	sadd.s32 $0x800, s2;
	s19 =	sshrl.u32 @!p0 s13, $0x3;
	s24 =	simm.s32 $0x100  }
0x13: {  	s6 =	sshrl.u32 s6, $0x3;
	s9 =	sadd.s32 s0, s1;
	s10 =	sadd.s32 $0x24900, s25  }
0x14: {  	s0 =	sshrl.u32 s26, $0x3;
	s25 =	simm.s32 $0x180;
	s26 =	simm.s32 $0x200  }
0x15: {  	s6 =	sadd.s32 s5, s6;
	s14 =	sadd.s32 s0, s5;
	s0 =	sshll.u32 @!p0 s18, $0x6  }
0x16: {  	s12 =	sadd.s32 $0x1880, s6;
	s18 =	sor.u32 @!p0 $0x1C02, s0;
	s0 =	simm.s32 $0x0  }
.LBB2_1:
0x17: {  	[tilespmem:s4], [sflag:$0x1] =	stream.linear.gather [hbm4b:s6+s4], $0x280, $0x38;
	[tilespmem:$0x15480] =	vst v63  }
0x18: {  	s1 =	rddreg [dreg:$0x2]  }
0x19: {  	[tilespmem:s15], [sflag:$0x2] =	stream.linear.gather [hbm4b:s1+s4], $0x1400, $0x38;
	[tilespmem:$0x15480] =	vst v63  }
0x1a: {  	_ =	swait.ge [sflag:s16], $0x1400  }
0x1b: {  	[sflag:s16] =	ssyncset.done $0x0  }
0x1c: {  	s1 =	simm.s32 @p0 $0x1FC2;
	[sflag:s16] =	ssyncadd.s32 $0xFFFFEC00  }
0x1d: {  	[spmem:s17], [sflag:s1] =	dma.local @p0 [hbm:s8], $0x2800  }
0x1e: {  	s1 =	simm.s32 @p0 $0x2  }
0x1f: {  	_ =	swait.ge @p0 [sflag:s1], $0x2800  }
0x20: {  	[sflag:s1] =	ssyncset.done @p0 $0x0  }
0x21: {  	[sflag:s1] =	ssyncadd.s32 @p0 $0xFFFFD800;
	s1 =	rddreg [dreg:$0x5]  }
0x22: {  	[spmem:s19], [sflag:s18] =	dma.local @!p0 [hbm:s1], $0x2700  }
0x23: {  	s1 =	simm.s32 @!p0 $0x2  }
0x24: {  	_ =	swait.ge @!p0 [sflag:s1], $0x2700  }
0x25: {  	[sflag:s1] =	ssyncset.done @!p0 $0x0  }
0x26: {  	[sflag:s1] =	ssyncadd.s32 @!p0 $0xFFFFD900  }
0x27: {  	[bflag:$0x0] =	sbarrier.arrive $0xFFFF  }
0x28: {  	_ =	swait.ge [sflag:s20], $0x280  }
0x29: {  	[sflag:s20] =	ssyncset.done $0x0  }
0x2a: {  	s7 =	sadd.s32 $0x0, s14;
	[sflag:s20] =	ssyncadd.s32 $0xFFFFFD80  }
0x2b: {  	[tilespmem:s21], [sflag:$0x1] =	stream.linear.gather [hbm4b:s7+s4], $0x280, $0x38;
	[tilespmem:$0x15480] =	vst v63  }
0x2c: {  	_ = 	snop  }
0x2d: {  	[spmem:s3] =	stream.indirect.scatter.add.f32 [tilespmem:s15], [sflag:$0x2], $0x80, s4, s22, $0xb8;
	[tilespmem:$0x15480] =	vst v63  }
0x2e: {  	_ =	swait.ge [sflag:s16], $0x1400  }
0x2f: {  	[sflag:s16] =	ssyncset.done $0x0  }
0x30: {  	[sflag:s16] =	ssyncadd.s32 $0xFFFFEC00  }
0x31: {  	[spmem:s3] =	stream.indirect.scatter.add.f32 [tilespmem:s15], [sflag:$0x2], $0x80, s23, s22, $0xb8;
	[tilespmem:$0x15480] =	vst v63  }
0x32: {  	_ =	swait.ge [sflag:s16], $0x1400  }
0x33: {  	[sflag:s16] =	ssyncset.done $0x0  }
0x34: {  	[sflag:s16] =	ssyncadd.s32 $0xFFFFEC00  }
0x35: {  	[spmem:s3] =	stream.indirect.scatter.add.f32 [tilespmem:s15], [sflag:$0x2], $0x80, s24, s22, $0xb8;
	[tilespmem:$0x15480] =	vst v63  }
0x36: {  	_ =	swait.ge [sflag:s16], $0x1400  }
0x37: {  	[sflag:s16] =	ssyncset.done $0x0  }
0x38: {  	[sflag:s16] =	ssyncadd.s32 $0xFFFFEC00  }
0x39: {  	[spmem:s3] =	stream.indirect.scatter.add.f32 [tilespmem:s15], [sflag:$0x2], $0x80, s25, s22, $0xb8;
	[tilespmem:$0x15480] =	vst v63  }
0x3a: {  	_ =	swait.ge [sflag:s16], $0x1400  }
0x3b: {  	[sflag:s16] =	ssyncset.done $0x0  }
0x3c: {  	[sflag:s16] =	ssyncadd.s32 $0xFFFFEC00  }
0x3d: {  	[spmem:s3] =	stream.indirect.scatter.add.f32 [tilespmem:s15], [sflag:$0x2], $0x80, s26, s22, $0xb8;
	[tilespmem:$0x15480] =	vst v63  }
0x3e: {  	_ =	swait.ge [sflag:s16], $0x1400  }
0x3f: {  	[sflag:s16] =	ssyncset.done $0x0  }
0x40: {  	[sflag:s16] =	ssyncadd.s32 $0xFFFFEC00  }
0x41: {  	_ =	swait.ge [sflag:s20], $0x280  }
0x42: {  	s13 =	sshrl.u32 s2, $0x3;
	[sflag:s20] =	ssyncset.done $0x0  }
0x43: {  	s1 =	sadd.s32 s5, s13;
	[sflag:s20] =	ssyncadd.s32 $0xFFFFFD80  }
0x44: {  	[tilespmem:s4], [sflag:$0x1] =	stream.linear.gather [hbm4b:s1+s4], $0x280, $0x38;
	[tilespmem:$0x15480] =	vst v63  }
0x45: {  	_ = 	snop  }
0x46: {  	[spmem:s3] =	stream.indirect.scatter.add.f32 [tilespmem:s15], [sflag:$0x2], $0x80, s21, s22, $0xb8;
	[tilespmem:$0x15480] =	vst v63  }
0x47: {  	_ =	swait.ge [sflag:s16], $0x1400  }
0x48: {  	[sflag:s16] =	ssyncset.done $0x0  }
0x49: {  	[sflag:s16] =	ssyncadd.s32 $0xFFFFEC00  }
0x4a: {  	[spmem:s3] =	stream.indirect.scatter.add.f32 [tilespmem:s15], [sflag:$0x2], $0x80, s28, s22, $0xb8;
	[tilespmem:$0x15480] =	vst v63  }
0x4b: {  	_ =	swait.ge [sflag:s16], $0x1400  }
0x4c: {  	[sflag:s16] =	ssyncset.done $0x0  }
0x4d: {  	[sflag:s16] =	ssyncadd.s32 $0xFFFFEC00  }
0x4e: {  	[spmem:s3] =	stream.indirect.scatter.add.f32 [tilespmem:s15], [sflag:$0x2], $0x80, s29, s22, $0xb8;
	[tilespmem:$0x15480] =	vst v63  }
0x4f: {  	_ =	swait.ge [sflag:s16], $0x1400  }
0x50: {  	[sflag:s16] =	ssyncset.done $0x0  }
0x51: {  	[sflag:s16] =	ssyncadd.s32 $0xFFFFEC00  }
0x52: {  	[spmem:s3] =	stream.indirect.scatter.add.f32 [tilespmem:s15], [sflag:$0x2], $0x80, s30, s22, $0xb8;
	[tilespmem:$0x15480] =	vst v63  }
0x53: {  	_ =	swait.ge [sflag:s16], $0x1400  }
0x54: {  	[sflag:s16] =	ssyncset.done $0x0  }
0x55: {  	[sflag:s16] =	ssyncadd.s32 $0xFFFFEC00  }
0x56: {  	[spmem:s3] =	stream.indirect.scatter.add.f32 [tilespmem:s15], [sflag:$0x2], $0x80, s31, s22, $0xb8;
	[tilespmem:$0x15480] =	vst v63  }
0x57: {  	_ =	swait.ge [sflag:s16], $0x1400  }
0x58: {  	s13 =	smov.u32 s2;
	s1 =	simm.s32 $0x100;
	[sflag:s16] =	ssyncset.done $0x0  }
.LBB2_2:
0x59: {  	p1 =	sne.s32 s1, $0x1700;
	[sflag:s16] =	ssyncadd.s32 $0xFFFFEC00;
	s13 =	sadd.s32 $0x800, s13  }
0x5a: {  	s7 =	smov.u32 s1;
	s1 =	sadd.s32 $0x100, s1;
	_ =	swait.ge [sflag:s20], $0x280  }
0x5b: {  	[sflag:s20] =	ssyncset.done $0x0  }
0x5c: {  	s7 =	sadd.s32 s7, s14;
	[sflag:s20] =	ssyncadd.s32 $0xFFFFFD80  }
0x5d: {  	[tilespmem:s21], [sflag:$0x1] =	stream.linear.gather [hbm4b:s7+s4], $0x280, $0x38;
	[tilespmem:$0x15480] =	vst v63  }
0x5e: {  	_ = 	snop  }
0x5f: {  	[spmem:s3] =	stream.indirect.scatter.add.f32 [tilespmem:s15], [sflag:$0x2], $0x80, s4, s22, $0xb8;
	[tilespmem:$0x15480] =	vst v63  }
0x60: {  	_ =	swait.ge [sflag:s16], $0x1400  }
0x61: {  	[sflag:s16] =	ssyncset.done $0x0  }
0x62: {  	[sflag:s16] =	ssyncadd.s32 $0xFFFFEC00  }
0x63: {  	[spmem:s3] =	stream.indirect.scatter.add.f32 [tilespmem:s15], [sflag:$0x2], $0x80, s23, s22, $0xb8;
	[tilespmem:$0x15480] =	vst v63  }
0x64: {  	_ =	swait.ge [sflag:s16], $0x1400  }
0x65: {  	[sflag:s16] =	ssyncset.done $0x0  }
0x66: {  	[sflag:s16] =	ssyncadd.s32 $0xFFFFEC00  }
0x67: {  	[spmem:s3] =	stream.indirect.scatter.add.f32 [tilespmem:s15], [sflag:$0x2], $0x80, s24, s22, $0xb8;
	[tilespmem:$0x15480] =	vst v63  }
0x68: {  	_ =	swait.ge [sflag:s16], $0x1400  }
0x69: {  	[sflag:s16] =	ssyncset.done $0x0  }
0x6a: {  	[sflag:s16] =	ssyncadd.s32 $0xFFFFEC00  }
0x6b: {  	[spmem:s3] =	stream.indirect.scatter.add.f32 [tilespmem:s15], [sflag:$0x2], $0x80, s25, s22, $0xb8;
	[tilespmem:$0x15480] =	vst v63  }
0x6c: {  	_ =	swait.ge [sflag:s16], $0x1400  }
0x6d: {  	[sflag:s16] =	ssyncset.done $0x0  }
0x6e: {  	[sflag:s16] =	ssyncadd.s32 $0xFFFFEC00  }
0x6f: {  	[spmem:s3] =	stream.indirect.scatter.add.f32 [tilespmem:s15], [sflag:$0x2], $0x80, s26, s22, $0xb8;
	[tilespmem:$0x15480] =	vst v63  }
0x70: {  	_ =	swait.ge [sflag:s16], $0x1400  }
0x71: {  	[sflag:s16] =	ssyncset.done $0x0  }
0x72: {  	[sflag:s16] =	ssyncadd.s32 $0xFFFFEC00  }
0x73: {  	_ =	swait.ge [sflag:s20], $0x280  }
0x74: {  	s7 =	sshrl.u32 s13, $0x3;
	[sflag:s20] =	ssyncset.done $0x0  }
0x75: {  	s7 =	sadd.s32 s5, s7;
	[sflag:s20] =	ssyncadd.s32 $0xFFFFFD80  }
0x76: {  	[tilespmem:s4], [sflag:$0x1] =	stream.linear.gather [hbm4b:s7+s4], $0x280, $0x38;
	[tilespmem:$0x15480] =	vst v63  }
0x77: {  	_ = 	snop  }
0x78: {  	[spmem:s3] =	stream.indirect.scatter.add.f32 [tilespmem:s15], [sflag:$0x2], $0x80, s21, s22, $0xb8;
	[tilespmem:$0x15480] =	vst v63  }
0x79: {  	_ =	swait.ge [sflag:s16], $0x1400  }
0x7a: {  	[sflag:s16] =	ssyncset.done $0x0  }
0x7b: {  	[sflag:s16] =	ssyncadd.s32 $0xFFFFEC00  }
0x7c: {  	[spmem:s3] =	stream.indirect.scatter.add.f32 [tilespmem:s15], [sflag:$0x2], $0x80, s28, s22, $0xb8;
	[tilespmem:$0x15480] =	vst v63  }
0x7d: {  	_ =	swait.ge [sflag:s16], $0x1400  }
0x7e: {  	[sflag:s16] =	ssyncset.done $0x0  }
0x7f: {  	[sflag:s16] =	ssyncadd.s32 $0xFFFFEC00  }
0x80: {  	[spmem:s3] =	stream.indirect.scatter.add.f32 [tilespmem:s15], [sflag:$0x2], $0x80, s29, s22, $0xb8;
	[tilespmem:$0x15480] =	vst v63  }
0x81: {  	_ =	swait.ge [sflag:s16], $0x1400  }
0x82: {  	[sflag:s16] =	ssyncset.done $0x0  }
0x83: {  	[sflag:s16] =	ssyncadd.s32 $0xFFFFEC00  }
0x84: {  	[spmem:s3] =	stream.indirect.scatter.add.f32 [tilespmem:s15], [sflag:$0x2], $0x80, s30, s22, $0xb8;
	[tilespmem:$0x15480] =	vst v63  }
0x85: {  	_ =	swait.ge [sflag:s16], $0x1400  }
.Ltmp0:
0x86: {  	[sflag:s16] =	ssyncset.done $0x0;
	(pc) =	sbr.rel @p1 .LBB2_2-.Ltmp0, $4  }
0x87: {  	[sflag:s16] =	ssyncadd.s32 $0xFFFFEC00  }
0x88: {  	[spmem:s3] =	stream.indirect.scatter.add.f32 [tilespmem:s15], [sflag:$0x2], $0x80, s31, s22, $0xb8;
	[tilespmem:$0x15480] =	vst v63  }
0x89: {  	_ =	swait.ge [sflag:s16], $0x1400  }
0x8a: {  	[sflag:s16] =	ssyncset.done $0x0  }
0x8b: {  	[sflag:s16] =	ssyncadd.s32 $0xFFFFEC00  }
0x8c: {  	_ =	swait.ge [sflag:s20], $0x280  }
0x8d: {  	[sflag:s20] =	ssyncset.done $0x0  }
0x8e: {  	[sflag:s20] =	ssyncadd.s32 $0xFFFFFD80  }
0x8f: {  	[tilespmem:s21], [sflag:$0x1] =	stream.linear.gather [hbm4b:s12+s4], $0x280, $0x38;
	[tilespmem:$0x15480] =	vst v63  }
0x90: {  	_ = 	snop  }
0x91: {  	[spmem:s3] =	stream.indirect.scatter.add.f32 [tilespmem:s15], [sflag:$0x2], $0x80, s4, s22, $0xb8;
	[tilespmem:$0x15480] =	vst v63  }
0x92: {  	_ =	swait.ge [sflag:s16], $0x1400  }
0x93: {  	[sflag:s16] =	ssyncset.done $0x0  }
0x94: {  	[sflag:s16] =	ssyncadd.s32 $0xFFFFEC00  }
0x95: {  	[spmem:s3] =	stream.indirect.scatter.add.f32 [tilespmem:s15], [sflag:$0x2], $0x80, s23, s22, $0xb8;
	[tilespmem:$0x15480] =	vst v63  }
0x96: {  	_ =	swait.ge [sflag:s16], $0x1400  }
0x97: {  	[sflag:s16] =	ssyncset.done $0x0  }
0x98: {  	[sflag:s16] =	ssyncadd.s32 $0xFFFFEC00  }
0x99: {  	[spmem:s3] =	stream.indirect.scatter.add.f32 [tilespmem:s15], [sflag:$0x2], $0x80, s24, s22, $0xb8;
	[tilespmem:$0x15480] =	vst v63  }
0x9a: {  	_ =	swait.ge [sflag:s16], $0x1400  }
0x9b: {  	[sflag:s16] =	ssyncset.done $0x0  }
0x9c: {  	[sflag:s16] =	ssyncadd.s32 $0xFFFFEC00  }
0x9d: {  	[spmem:s3] =	stream.indirect.scatter.add.f32 [tilespmem:s15], [sflag:$0x2], $0x80, s25, s22, $0xb8;
	[tilespmem:$0x15480] =	vst v63  }
0x9e: {  	_ =	swait.ge [sflag:s16], $0x1400  }
0x9f: {  	[sflag:s16] =	ssyncset.done $0x0  }
0xa0: {  	[sflag:s16] =	ssyncadd.s32 $0xFFFFEC00  }
0xa1: {  	[spmem:s3] =	stream.indirect.scatter.add.f32 [tilespmem:s15], [sflag:$0x2], $0x80, s26, s22, $0xb8;
	[tilespmem:$0x15480] =	vst v63  }
0xa2: {  	_ =	swait.ge [sflag:s16], $0x1400  }
0xa3: {  	[sflag:s16] =	ssyncset.done $0x0  }
0xa4: {  	[sflag:s16] =	ssyncadd.s32 $0xFFFFEC00  }
0xa5: {  	_ =	swait.ge [sflag:s20], $0x280  }
0xa6: {  	[sflag:s20] =	ssyncset.done $0x0  }
0xa7: {  	[sflag:s20] =	ssyncadd.s32 $0xFFFFFD80  }
0xa8: {  	[spmem:s3] =	stream.indirect.scatter.add.f32 [tilespmem:s15], [sflag:$0x2], $0x80, s21, s22, $0xb8;
	[tilespmem:$0x15480] =	vst v63  }
0xa9: {  	_ =	swait.ge [sflag:s16], $0x1400  }
0xaa: {  	[sflag:s16] =	ssyncset.done $0x0  }
0xab: {  	[sflag:s16] =	ssyncadd.s32 $0xFFFFEC00  }
0xac: {  	[spmem:s3] =	stream.indirect.scatter.add.f32 [tilespmem:s15], [sflag:$0x2], $0x80, s28, s22, $0xb8;
	[tilespmem:$0x15480] =	vst v63  }
0xad: {  	_ =	swait.ge [sflag:s16], $0x1400  }
0xae: {  	[sflag:s16] =	ssyncset.done $0x0  }
0xaf: {  	[sflag:s16] =	ssyncadd.s32 $0xFFFFEC00  }
0xb0: {  	[spmem:s3] =	stream.indirect.scatter.add.f32 [tilespmem:s15], [sflag:$0x2], $0x80, s29, s22, $0xb8;
	[tilespmem:$0x15480] =	vst v63  }
0xb1: {  	_ =	swait.ge [sflag:s16], $0x1400  }
0xb2: {  	[sflag:s16] =	ssyncset.done $0x0  }
0xb3: {  	[sflag:s16] =	ssyncadd.s32 $0xFFFFEC00  }
0xb4: {  	[spmem:s3] =	stream.indirect.scatter.add.f32 [tilespmem:s15], [sflag:$0x2], $0x80, s30, s22, $0xb8;
	[tilespmem:$0x15480] =	vst v63  }
0xb5: {  	_ =	swait.ge [sflag:s16], $0x1400  }
0xb6: {  	[sflag:s16] =	ssyncset.done $0x0  }
0xb7: {  	[sflag:s16] =	ssyncadd.s32 $0xFFFFEC00  }
0xb8: {  	[spmem:s3] =	stream.indirect.scatter.add.f32 [tilespmem:s15], [sflag:$0x2], $0x80, s31, s22, $0xb8;
	[tilespmem:$0x15480] =	vst v63  }
0xb9: {  	_ =	swait.ge [sflag:s16], $0x1400  }
0xba: {  	[sflag:s16] =	ssyncset.done $0x0  }
0xbb: {  	[sflag:s16] =	ssyncadd.s32 $0xFFFFEC00  }
0xbc: {  	s1 =	simm.s32 @p0 $0x1FC2;
	[bflag:$0x0] =	sbarrier.arrive $0xFFFF  }
0xbd: {  	[hbm:s10], [sflag:s1] =	dma.local @p0 [spmem:s17], $0x2800  }
0xbe: {  	s1 =	simm.s32 @p0 $0x2  }
0xbf: {  	s0 =	sadd.s32 $0x1, s0;
	_ =	swait.ge @p0 [sflag:s1], $0x2800  }
0xc0: {  	p1 =	sne.s32 s0, s11;
	[sflag:s1] =	ssyncset.done @p0 $0x0  }
.Ltmp1:
0xc1: {  	[sflag:s1] =	ssyncadd.s32 @p0 $0xFFFFD800;
	s1 =	simm.s32 @!p0 $0x2;
	(pc) =	sbr.rel @p1 .LBB2_1-.Ltmp1, $4  }
0xc2: {  	[hbm:s9], [sflag:s18] =	dma.local @!p0 [spmem:s19], $0x2700  }
0xc3: {  	_ =	swait.ge @!p0 [sflag:s1], $0x2700  }
0xc4: {  	[sflag:s1] =	ssyncset.done @!p0 $0x0  }
0xc5: {  	[sflag:s1] =	ssyncadd.s32 @!p0 $0xFFFFD900  }
0xc6: {  	_ =	sfence.sel $0x180000  }
0xc7: {  	[bflag:$0x0] =	sbarrier.arrive $0xFFFF  }
0xc8: {  	_ =	strace $0x90000047  }
0xc9: {  	s0 =	stileid.u32;
	[bflag:$0x2] =	sbarrier.arrive $0xFFFF  }
0xca: {  	p0 =	sne.s32 s0, $0x0;
	s0 =	rddreg [dreg:$0x4]  }
0xcb: {  	s0 =	sadd.s32 @!p0 $0x100000, s0  }
0xcc: {  	[sflag:s0] =	ssyncadd.tile.s32 @!p0 $0x1;
	_ =	shalt  }
.Lfunc_end2:
_tile_overlayer_lowered:
.L_overlay_start_2:
0xcd: {  	(tag) =	ssettag $0x2  }
0xce: {  	s0 =	rddreg [dreg:$0x0];
	s2 =	stileid.u32  }
0xcf: {  	s1 =	rddreg [dreg:$0x1];
	p0 =	sne.s32 s2, $0x0  }
0xd0: {  	s3 =	rddreg [dreg:$0x2];
	[bflag:$0x3] =	sbarrier.arrive $0xFFFF;
	s2 =	simm.s32 @!p0 $0x1C02  }
0xd1: {  	[timem:s3], [sflag:s2] =	dma.local @!p0 [hbm:s0], s1  }
0xd2: {  	s0 =	simm.s32 @!p0 $0x2  }
0xd3: {  	_ =	swait.ge @!p0 [sflag:s0], s1  }
0xd4: {  	s1 =	ssub.s32 @!p0 $0x0, s1;
	[sflag:s0] =	ssyncset.done @!p0 $0x0  }
0xd5: {  	[sflag:s0] =	ssyncadd.s32 @!p0 s1  }
0xd6: {  	[bflag:$0x3] =	sbarrier.arrive $0xFFFF  }
0xd7: {  	_ =	shalt  }

</sc_bundles>
